<compile_context>
chip_gen: v7x
topology: tpu7x:2x2x1
jax: 0.10.2.dev20260603
libtpu: 0.0.44.dev20260713+nightly
codegen_flags: <defaults>
</compile_context>

<pallas_src>
import jax
import jax.numpy as jnp
from jax import lax
from jax.experimental import pallas as pl
from jax.experimental.pallas import tpu as pltpu
from jax.experimental.pallas import tpu_sc as plsc

B = 1024
S = 1001
E = 64
NC = 2
NS = 16
NW = NC * NS
S_PER_W = 32
NBUF = 4


def _emb_body(ut_hbm, dt_hbm, post_hbm, tabt_hbm, out,
              tabt_v, pos_sv, pos_col, idx_v, dsv, b0, b1, b2, b3,
              ss0, ss1, ss2, ss3, stg):
    wid = lax.axis_index("s") * NC + lax.axis_index("c")
    s0 = wid * S_PER_W
    scount = jnp.maximum(0, jnp.minimum(S_PER_W, S - s0))
    bufs = [b0, b1, b2, b3]
    ssems = [ss0, ss1, ss2, ss3]

    pltpu.sync_copy(tabt_hbm, tabt_v)
    pltpu.sync_copy(post_hbm.at[:, pl.ds(s0, S_PER_W)], pos_sv)

    def drain_store(p, s):
        pltpu.make_async_copy(out.at[s].at[p % (E // 8)],
                              bufs[p], ssems[p]).wait()

    ri = lax.iota(jnp.int32, 16)

    def s_body(s_loc, carry):
        s = s0 + s_loc
        c1 = pltpu.async_copy(ut_hbm.at[s], idx_v, stg)
        c2 = pltpu.async_copy(dt_hbm.at[s], dsv, stg)
        c1.wait()
        c2.wait()
        zvec = idx_v[pl.ds(0, 16)] >> 31
        scol = zvec + s_loc
        for t in range(E // 16):
            pos_col[pl.ds(t * 16, 16)] = plsc.load_gather(
                pos_sv, [t * 16 + ri, scol])

        for et in range(E // 8):
            p = et % NBUF
            if et < NBUF:
                @pl.when(s_loc > 0)
                def _():
                    drain_store(p, s)
            else:
                drain_store(p, s)
            bufp = bufs[p]

            def blk_body(blk, c, _et=et, _bufp=bufp):
                ivecs = [idx_v[pl.ds(blk * 128 + j * 16, 16)]
                         for j in range(8)]

                def e_body(e_i, c2):
                    esp = ri * 0 + (jnp.int32(_et * 8) + e_i)
                    psp = plsc.load_gather(pos_col, [esp])
                    for j in range(8):
                        g = plsc.load_gather(tabt_v, [esp, ivecs[j]])
                        _bufp[blk, e_i, pl.ds(j * 16, 16)] = g + psp
                    return c2

                lax.fori_loop(0, 8, e_body, 0)

                if _et == E // 8 - 1:
                    for j in range(8):
                        sl = pl.ds(j * 16, 16)
                        dv = dsv[pl.ds(blk * 128 + j * 16, 16)]
                        _bufp[blk, 7, sl] = _bufp[blk, 7, sl] + dv
                return c

            lax.fori_loop(0, 8, blk_body, 0)

            pltpu.async_copy(bufp, out.at[s].at[et], ssems[p])
        return carry

    lax.fori_loop(0, scount, s_body, 0)

    last = s0 + scount - 1

    @pl.when(scount > 0)
    def _():
        for p in range(NBUF):
            drain_store(p, last)


def kernel(used_symbols, distribution, pos_encoding, symbol_embeddings):
    ut = used_symbols.astype(jnp.int32).T
    dt = distribution.T
    post = jnp.pad(pos_encoding.T, ((0, 0), (0, NW * S_PER_W - S)))
    tabt = jnp.pad(symbol_embeddings, ((0, 0), (0, 1))).T

    mesh = plsc.VectorSubcoreMesh(core_axis_name="c", subcore_axis_name="s")
    run = pl.kernel(
        _emb_body,
        out_type=jax.ShapeDtypeStruct((S, E // 8, B // 128, 8, 128),
                                      jnp.float32),
        mesh=mesh,
        scratch_types=[
            pltpu.VMEM((E, S), jnp.float32),
            pltpu.VMEM((E, S_PER_W), jnp.float32),
            pltpu.VMEM((E,), jnp.float32),
            pltpu.VMEM((B,), jnp.int32),
            pltpu.VMEM((B,), jnp.float32),
            pltpu.VMEM((B // 128, 8, 128), jnp.float32),
            pltpu.VMEM((B // 128, 8, 128), jnp.float32),
            pltpu.VMEM((B // 128, 8, 128), jnp.float32),
            pltpu.VMEM((B // 128, 8, 128), jnp.float32),
            pltpu.SemaphoreType.DMA,
            pltpu.SemaphoreType.DMA,
            pltpu.SemaphoreType.DMA,
            pltpu.SemaphoreType.DMA,
            pltpu.SemaphoreType.DMA,
        ],
        compiler_params=pltpu.CompilerParams(use_tc_tiling_on_sc=False,
                                             needs_layout_passes=False),
    )
    out5 = run(ut, dt, post, tabt)
    return out5.transpose(2, 4, 0, 1, 3).reshape(B, S, E)

# --- scband reference (transcript-rebuilt; emitter-appended) ---
"""Pipeline reference for scband-direct-probability-distribution-embedder-86543591014669 (READ-ONLY COPY).

The authoritative reference and input builder live on the scoring server;
editing this copy changes nothing except your own understanding.
"""

import jax, jax.numpy as jnp
import numpy as np

N_SYMBOLS = 1000
N_EMBED = 64
BATCH = 1024


def setup_inputs(seed: int = 0) -> dict:
    key = jax.random.key(seed)
    k1, k2, k3, k4 = jax.random.split(key, 4)
    used_symbols = jax.random.randint(k1, (BATCH, N_SYMBOLS + 2), 0, N_SYMBOLS + 1, dtype=jnp.int64 if jax.config.jax_enable_x64 else jnp.int32)
    distribution = jax.random.uniform(k2, (BATCH, N_SYMBOLS + 1), dtype=jnp.float32)
    pos_encoding = jax.random.normal(k3, (N_SYMBOLS + 1, N_EMBED), dtype=jnp.float32)
    symbol_embeddings = jax.random.normal(k4, (N_SYMBOLS + 1, N_EMBED - 1), dtype=jnp.float32) * 0.02
    return {
        "used_symbols": used_symbols,
        "distribution": distribution,
        "pos_encoding": pos_encoding,
        "symbol_embeddings": symbol_embeddings,
    }


def reference(used_symbols, distribution, pos_encoding, symbol_embeddings):
    B = used_symbols.shape[0]
    S = distribution.shape[1]  # n_symbols + 1
    E = pos_encoding.shape[1]  # n_embed
    x = jnp.zeros((B, S, E), dtype=jnp.float32)
    # positional_sequence_encoder: adds (stand-in) positional encoding to x
    x = x + pos_encoding[None, :, :]
    # x[:, :, -1] += distribution
    x = x.at[:, :, -1].add(distribution)
    # x[:, :, :-1] += symbol_embeddings[used_symbols[:, :-1]]
    gathered = jnp.take(symbol_embeddings, used_symbols[:, :-1], axis=0)
    x = x.at[:, :, :-1].add(gathered)
    return x

if __name__ == "__main__":
    import jax
    _d = setup_inputs()
    print(jax.jit(kernel)(*tuple(_d.values())))

</pallas_src>

<mosaic_0001>
#map = affine_map<(d0, d1) -> (0, 0)>
#map1 = affine_map<(d0, d1) -> (0, 0, 0, 0, 0)>
module attributes {stable_mosaic.version = 14 : i64} {
  func.func @_emb_body(%arg0: i32, %arg1: i32, %arg2: memref<1002x1024xi32, #tpu.memory_space<hbm>>, %arg3: memref<1001x1024xf32, #tpu.memory_space<hbm>>, %arg4: memref<64x1024xf32, #tpu.memory_space<hbm>>, %arg5: memref<64x1001xf32, #tpu.memory_space<hbm>>, %arg6: memref<1001x8x8x8x128xf32, #tpu.memory_space<hbm>>, %arg7: memref<64x1001xf32, #tpu.memory_space<vmem>>, %arg8: memref<64x32xf32, #tpu.memory_space<vmem>>, %arg9: memref<64xf32, #tpu.memory_space<vmem>>, %arg10: memref<1024xi32, #tpu.memory_space<vmem>>, %arg11: memref<1024xf32, #tpu.memory_space<vmem>>, %arg12: memref<8x8x128xf32, #tpu.memory_space<vmem>>, %arg13: memref<8x8x128xf32, #tpu.memory_space<vmem>>, %arg14: memref<8x8x128xf32, #tpu.memory_space<vmem>>, %arg15: memref<8x8x128xf32, #tpu.memory_space<vmem>>, %arg16: memref<!tpu.dma_semaphore, #tpu.memory_space<semaphore_mem>>, %arg17: memref<!tpu.dma_semaphore, #tpu.memory_space<semaphore_mem>>, %arg18: memref<!tpu.dma_semaphore, #tpu.memory_space<semaphore_mem>>, %arg19: memref<!tpu.dma_semaphore, #tpu.memory_space<semaphore_mem>>, %arg20: memref<!tpu.dma_semaphore, #tpu.memory_space<semaphore_mem>>) attributes {dimension_semantics = [#tpu.dimension_semantics<core_parallel>, #tpu.dimension_semantics<subcore_parallel>], iteration_bounds = array<i64: 2, 16>, scalar_prefetch = 0 : i64, scratch_operands = 14 : i64, tpu.core_type = #tpu.core_type<sc_vector_subcore>, window_params = [{transform_indices = #map}, {transform_indices = #map}, {transform_indices = #map}, {transform_indices = #map}, {transform_indices = #map1}]} {
    %mul3A = arith.constant 2 : i32
    %mul3A_0 = arith.muli %arg1, %mul3A : i32
    %add3A = arith.addi %mul3A_0, %arg0 : i32
    %mul3A_1 = arith.constant 32 : i32
    %mul3A_2 = arith.muli %add3A, %mul3A_1 : i32
    %sub3A = arith.constant 1001 : i32
    %sub3A_3 = arith.subi %sub3A, %mul3A_2 : i32
    %min3A = arith.constant 32 : i32
    %min3A_4 = arith.minsi %min3A, %sub3A_3 : i32
    %max3A = arith.constant 0 : i32
    %max3A_5 = arith.maxsi %max3A, %min3A_4 : i32
    "tpu.region"() ({
      %run_scoped3A = tpu.sem_alloc : memref<!tpu.dma_semaphore, #tpu.memory_space<semaphore_mem>>
      tpu.enqueue_dma source(%arg5 : memref<64x1001xf32, #tpu.memory_space<hbm>>) target(%arg7 : memref<64x1001xf32, #tpu.memory_space<vmem>>) target_semaphore(%run_scoped3A : memref<!tpu.dma_semaphore, #tpu.memory_space<semaphore_mem>>)
      tpu.wait_dma2 semaphore(%run_scoped3A : memref<!tpu.dma_semaphore, #tpu.memory_space<semaphore_mem>>) src(%arg5 : memref<64x1001xf32, #tpu.memory_space<hbm>>) dst(%arg7 : memref<64x1001xf32, #tpu.memory_space<vmem>>)
      tpu.yield
    }) : () -> ()
    "tpu.region"() ({
      %run_scoped3A = tpu.sem_alloc : memref<!tpu.dma_semaphore, #tpu.memory_space<semaphore_mem>>
      %dma_start3A = arith.constant 0 : i32
      %dma_start3A_20 = tpu.memref_slice %arg4[%dma_start3A, %mul3A_2] : memref<64x1024xf32, #tpu.memory_space<hbm>> -> memref<64x32xf32, #tpu.memory_space<hbm>>
      %dma_start3A_21 = arith.constant 0 : i32
      %dma_start3A_22 = tpu.memref_slice %arg4[%dma_start3A_21, %mul3A_2] : memref<64x1024xf32, #tpu.memory_space<hbm>> -> memref<64x32xf32, #tpu.memory_space<hbm>>
      tpu.enqueue_dma source(%dma_start3A_22 : memref<64x32xf32, #tpu.memory_space<hbm>>) target(%arg8 : memref<64x32xf32, #tpu.memory_space<vmem>>) target_semaphore(%run_scoped3A : memref<!tpu.dma_semaphore, #tpu.memory_space<semaphore_mem>>)
      %dma_wait3A = arith.constant 0 : i32
      %dma_wait3A_23 = tpu.memref_slice %arg4[%dma_wait3A, %mul3A_2] : memref<64x1024xf32, #tpu.memory_space<hbm>> -> memref<64x32xf32, #tpu.memory_space<hbm>>
      %dma_wait3A_24 = arith.constant 0 : i32
      %dma_wait3A_25 = tpu.memref_slice %arg4[%dma_wait3A_24, %mul3A_2] : memref<64x1024xf32, #tpu.memory_space<hbm>> -> memref<64x32xf32, #tpu.memory_space<hbm>>
      tpu.wait_dma2 semaphore(%run_scoped3A : memref<!tpu.dma_semaphore, #tpu.memory_space<semaphore_mem>>) src(%dma_wait3A_25 : memref<64x32xf32, #tpu.memory_space<hbm>>) dst(%arg8 : memref<64x32xf32, #tpu.memory_space<vmem>>)
      tpu.yield
    }) : () -> ()
    %iota3A = tpu.iota {dimensions = array<i32: 0>} : vector<16xi32>
    %while3A = arith.constant 0 : i32
    %while3A_6 = arith.constant 0 : i32
    %while3A_7 = arith.subi %max3A_5, %while3A_6 : i32
    %while3A_8 = arith.addi %while3A_6, %while3A_7 : i32
    %while3A_9 = arith.constant 1 : i32
    %while3A_10 = arith.divsi %while3A_7, %while3A_9 : i32
    %while3A_11 = arith.muli %while3A_10, %while3A_9 : i32
    %while3A_12 = arith.addi %while3A_6, %while3A_11 : i32
    %while3A_13 = arith.constant 1 : i32
    scf.for %while3A_20 = %while3A_6 to %while3A_12 step %while3A_13  : i32 {
      %add3A_21 = arith.addi %mul3A_2, %while3A_20 : i32
      %dma_start3A = arith.constant 0 : i32
      %dma_start3A_22 = tpu.memref_slice %arg2[%add3A_21, %dma_start3A] : memref<1002x1024xi32, #tpu.memory_space<hbm>> -> memref<1x1024xi32, #tpu.memory_space<hbm>>
      %dma_start3A_23 = tpu.memref_squeeze %dma_start3A_22 : memref<1x1024xi32, #tpu.memory_space<hbm>> -> memref<1024xi32, #tpu.memory_space<hbm>>
      %dma_start3A_24 = arith.constant 0 : i32
      %dma_start3A_25 = tpu.memref_slice %arg2[%add3A_21, %dma_start3A_24] : memref<1002x1024xi32, #tpu.memory_space<hbm>> -> memref<1x1024xi32, #tpu.memory_space<hbm>>
      %dma_start3A_26 = tpu.memref_squeeze %dma_start3A_25 : memref<1x1024xi32, #tpu.memory_space<hbm>> -> memref<1024xi32, #tpu.memory_space<hbm>>
      tpu.enqueue_dma source(%dma_start3A_26 : memref<1024xi32, #tpu.memory_space<hbm>>) target(%arg10 : memref<1024xi32, #tpu.memory_space<vmem>>) target_semaphore(%arg20 : memref<!tpu.dma_semaphore, #tpu.memory_space<semaphore_mem>>)
      %dma_start3A_27 = arith.constant 0 : i32
      %dma_start3A_28 = tpu.memref_slice %arg3[%add3A_21, %dma_start3A_27] : memref<1001x1024xf32, #tpu.memory_space<hbm>> -> memref<1x1024xf32, #tpu.memory_space<hbm>>
      %dma_start3A_29 = tpu.memref_squeeze %dma_start3A_28 : memref<1x1024xf32, #tpu.memory_space<hbm>> -> memref<1024xf32, #tpu.memory_space<hbm>>
      %dma_start3A_30 = arith.constant 0 : i32
      %dma_start3A_31 = tpu.memref_slice %arg3[%add3A_21, %dma_start3A_30] : memref<1001x1024xf32, #tpu.memory_space<hbm>> -> memref<1x1024xf32, #tpu.memory_space<hbm>>
      %dma_start3A_32 = tpu.memref_squeeze %dma_start3A_31 : memref<1x1024xf32, #tpu.memory_space<hbm>> -> memref<1024xf32, #tpu.memory_space<hbm>>
      tpu.enqueue_dma source(%dma_start3A_32 : memref<1024xf32, #tpu.memory_space<hbm>>) target(%arg11 : memref<1024xf32, #tpu.memory_space<vmem>>) target_semaphore(%arg20 : memref<!tpu.dma_semaphore, #tpu.memory_space<semaphore_mem>>)
      %dma_wait3A = arith.constant 0 : i32
      %dma_wait3A_33 = tpu.memref_slice %arg2[%add3A_21, %dma_wait3A] : memref<1002x1024xi32, #tpu.memory_space<hbm>> -> memref<1x1024xi32, #tpu.memory_space<hbm>>
      %dma_wait3A_34 = tpu.memref_squeeze %dma_wait3A_33 : memref<1x1024xi32, #tpu.memory_space<hbm>> -> memref<1024xi32, #tpu.memory_space<hbm>>
      %dma_wait3A_35 = arith.constant 0 : i32
      %dma_wait3A_36 = tpu.memref_slice %arg2[%add3A_21, %dma_wait3A_35] : memref<1002x1024xi32, #tpu.memory_space<hbm>> -> memref<1x1024xi32, #tpu.memory_space<hbm>>
      %dma_wait3A_37 = tpu.memref_squeeze %dma_wait3A_36 : memref<1x1024xi32, #tpu.memory_space<hbm>> -> memref<1024xi32, #tpu.memory_space<hbm>>
      tpu.wait_dma2 semaphore(%arg20 : memref<!tpu.dma_semaphore, #tpu.memory_space<semaphore_mem>>) src(%dma_wait3A_37 : memref<1024xi32, #tpu.memory_space<hbm>>) dst(%arg10 : memref<1024xi32, #tpu.memory_space<vmem>>)
      %dma_wait3A_38 = arith.constant 0 : i32
      %dma_wait3A_39 = tpu.memref_slice %arg3[%add3A_21, %dma_wait3A_38] : memref<1001x1024xf32, #tpu.memory_space<hbm>> -> memref<1x1024xf32, #tpu.memory_space<hbm>>
      %dma_wait3A_40 = tpu.memref_squeeze %dma_wait3A_39 : memref<1x1024xf32, #tpu.memory_space<hbm>> -> memref<1024xf32, #tpu.memory_space<hbm>>
      %dma_wait3A_41 = arith.constant 0 : i32
      %dma_wait3A_42 = tpu.memref_slice %arg3[%add3A_21, %dma_wait3A_41] : memref<1001x1024xf32, #tpu.memory_space<hbm>> -> memref<1x1024xf32, #tpu.memory_space<hbm>>
      %dma_wait3A_43 = tpu.memref_squeeze %dma_wait3A_42 : memref<1x1024xf32, #tpu.memory_space<hbm>> -> memref<1024xf32, #tpu.memory_space<hbm>>
      tpu.wait_dma2 semaphore(%arg20 : memref<!tpu.dma_semaphore, #tpu.memory_space<semaphore_mem>>) src(%dma_wait3A_43 : memref<1024xf32, #tpu.memory_space<hbm>>) dst(%arg11 : memref<1024xf32, #tpu.memory_space<vmem>>)
      %get3A = arith.constant 0 : index
      %get3A_44 = tpu.vector_load %arg10[%get3A] {strides = array<i32>} : memref<1024xi32, #tpu.memory_space<vmem>>, vector<16xi32>,
      %shift_right_arithmetic3A = arith.constant 31 : i32
      %shift_right_arithmetic3A_45 = vector.broadcast %shift_right_arithmetic3A : i32 to vector<16xi32>
      %shift_right_arithmetic3A_46 = arith.shrsi %get3A_44, %shift_right_arithmetic3A_45 : vector<16xi32>
      %add3A_47 = vector.broadcast %while3A_20 : i32 to vector<16xi32>
      %add3A_48 = arith.addi %shift_right_arithmetic3A_46, %add3A_47 : vector<16xi32>
      %add3A_49 = arith.constant 0 : i32
      %add3A_50 = vector.broadcast %add3A_49 : i32 to vector<16xi32>
      %add3A_51 = arith.addi %add3A_50, %iota3A : vector<16xi32>
      %gather3A = tpu.vector_load_idx %arg8[%add3A_51, %add3A_48] : memref<64x32xf32, #tpu.memory_space<vmem>>[vector<16xi32>, vector<16xi32>], vector<16xf32>,
      %swap3A = arith.constant 0 : index
      %swap3A_52 = tpu.vector_load %arg9[%swap3A] {strides = array<i32>} : memref<64xf32, #tpu.memory_space<vmem>>, vector<16xf32>,
      tpu.vector_store %arg9[%swap3A], %gather3A {strides = array<i32>} : memref<64xf32, #tpu.memory_space<vmem>>, vector<16xf32>,
      %add3A_53 = arith.constant 16 : i32
      %add3A_54 = vector.broadcast %add3A_53 : i32 to vector<16xi32>
      %add3A_55 = arith.addi %add3A_54, %iota3A : vector<16xi32>
      %gather3A_56 = tpu.vector_load_idx %arg8[%add3A_55, %add3A_48] : memref<64x32xf32, #tpu.memory_space<vmem>>[vector<16xi32>, vector<16xi32>], vector<16xf32>,
      %swap3A_57 = arith.constant 16 : index
      %swap3A_58 = tpu.vector_load %arg9[%swap3A_57] {strides = array<i32>} : memref<64xf32, #tpu.memory_space<vmem>>, vector<16xf32>,
      tpu.vector_store %arg9[%swap3A_57], %gather3A_56 {strides = array<i32>} : memref<64xf32, #tpu.memory_space<vmem>>, vector<16xf32>,
      %add3A_59 = arith.constant 32 : i32
      %add3A_60 = vector.broadcast %add3A_59 : i32 to vector<16xi32>
      %add3A_61 = arith.addi %add3A_60, %iota3A : vector<16xi32>
      %gather3A_62 = tpu.vector_load_idx %arg8[%add3A_61, %add3A_48] : memref<64x32xf32, #tpu.memory_space<vmem>>[vector<16xi32>, vector<16xi32>], vector<16xf32>,
      %swap3A_63 = arith.constant 32 : index
      %swap3A_64 = tpu.vector_load %arg9[%swap3A_63] {strides = array<i32>} : memref<64xf32, #tpu.memory_space<vmem>>, vector<16xf32>,
      tpu.vector_store %arg9[%swap3A_63], %gather3A_62 {strides = array<i32>} : memref<64xf32, #tpu.memory_space<vmem>>, vector<16xf32>,
      %add3A_65 = arith.constant 48 : i32
      %add3A_66 = vector.broadcast %add3A_65 : i32 to vector<16xi32>
      %add3A_67 = arith.addi %add3A_66, %iota3A : vector<16xi32>
      %gather3A_68 = tpu.vector_load_idx %arg8[%add3A_67, %add3A_48] : memref<64x32xf32, #tpu.memory_space<vmem>>[vector<16xi32>, vector<16xi32>], vector<16xf32>,
      %swap3A_69 = arith.constant 48 : index
      %swap3A_70 = tpu.vector_load %arg9[%swap3A_69] {strides = array<i32>} : memref<64xf32, #tpu.memory_space<vmem>>, vector<16xf32>,
      tpu.vector_store %arg9[%swap3A_69], %gather3A_68 {strides = array<i32>} : memref<64xf32, #tpu.memory_space<vmem>>, vector<16xf32>,
      %gt3A_71 = arith.constant 0 : i32
      %gt3A_72 = arith.cmpi sgt, %while3A_20, %gt3A_71 : i32
      %convert_element_type3A_73 = arith.extui %gt3A_72 : i1 to i32
      %cond3A_74 = arith.constant 0 : i32
      %cond3A_75 = arith.cmpi ne, %convert_element_type3A_73, %cond3A_74 : i32
      scf.if %cond3A_75 {
        %dma_wait3A_414 = arith.constant 0 : i32
        %dma_wait3A_415 = arith.constant 0 : i32
        %dma_wait3A_416 = arith.constant 0 : i32
        %dma_wait3A_417 = arith.constant 0 : i32
        %dma_wait3A_418 = arith.constant 0 : i32
        %dma_wait3A_419 = tpu.memref_slice %arg6[%add3A_21, %dma_wait3A_415, %dma_wait3A_416, %dma_wait3A_417, %dma_wait3A_418] : memref<1001x8x8x8x128xf32, #tpu.memory_space<hbm>> -> memref<1x8x8x8x128xf32, #tpu.memory_space<hbm>>
        %dma_wait3A_420 = tpu.memref_squeeze %dma_wait3A_419 : memref<1x8x8x8x128xf32, #tpu.memory_space<hbm>> -> memref<8x8x8x128xf32, #tpu.memory_space<hbm>>
        %dma_wait3A_421 = arith.constant 0 : i32
        %dma_wait3A_422 = arith.constant 0 : i32
        %dma_wait3A_423 = arith.constant 0 : i32
        %dma_wait3A_424 = tpu.memref_slice %dma_wait3A_420[%dma_wait3A_414, %dma_wait3A_421, %dma_wait3A_422, %dma_wait3A_423] : memref<8x8x8x128xf32, #tpu.memory_space<hbm>> -> memref<1x8x8x128xf32, #tpu.memory_space<hbm>>
        %dma_wait3A_425 = tpu.memref_squeeze %dma_wait3A_424 : memref<1x8x8x128xf32, #tpu.memory_space<hbm>> -> memref<8x8x128xf32, #tpu.memory_space<hbm>>
        %dma_wait3A_426 = arith.constant 0 : i32
        %dma_wait3A_427 = arith.constant 0 : i32
        %dma_wait3A_428 = arith.constant 0 : i32
        %dma_wait3A_429 = arith.constant 0 : i32
        %dma_wait3A_430 = tpu.memref_slice %arg6[%add3A_21, %dma_wait3A_426, %dma_wait3A_427, %dma_wait3A_428, %dma_wait3A_429] : memref<1001x8x8x8x128xf32, #tpu.memory_space<hbm>> -> memref<1x8x8x8x128xf32, #tpu.memory_space<hbm>>
        %dma_wait3A_431 = tpu.memref_squeeze %dma_wait3A_430 : memref<1x8x8x8x128xf32, #tpu.memory_space<hbm>> -> memref<8x8x8x128xf32, #tpu.memory_space<hbm>>
        %dma_wait3A_432 = arith.constant 0 : i32
        %dma_wait3A_433 = arith.constant 0 : i32
        %dma_wait3A_434 = arith.constant 0 : i32
        %dma_wait3A_435 = tpu.memref_slice %dma_wait3A_431[%dma_wait3A_414, %dma_wait3A_432, %dma_wait3A_433, %dma_wait3A_434] : memref<8x8x8x128xf32, #tpu.memory_space<hbm>> -> memref<1x8x8x128xf32, #tpu.memory_space<hbm>>
        %dma_wait3A_436 = tpu.memref_squeeze %dma_wait3A_435 : memref<1x8x8x128xf32, #tpu.memory_space<hbm>> -> memref<8x8x128xf32, #tpu.memory_space<hbm>>
        tpu.wait_dma2 semaphore(%arg16 : memref<!tpu.dma_semaphore, #tpu.memory_space<semaphore_mem>>) src(%dma_wait3A_436 : memref<8x8x128xf32, #tpu.memory_space<hbm>>) dst(%arg12 : memref<8x8x128xf32, #tpu.memory_space<vmem>>)
      } else {
      }
      %scan3A = arith.constant 0 : i32
      %scan3A_76 = arith.constant 0 : i32
      %scan3A_77 = arith.constant 8 : i32
      %scan3A_78 = arith.addi %scan3A_76, %scan3A_77 : i32
      %scan3A_79 = arith.constant 1 : i32
      scf.for %scan3A_414 = %scan3A_76 to %scan3A_78 step %scan3A_79  : i32 {
        %mul3A_415 = arith.constant 128 : i32
        %mul3A_416 = arith.muli %scan3A_414, %mul3A_415 : i32
        %add3A_417 = arith.constant 0 : i32
        %add3A_418 = arith.addi %mul3A_416, %add3A_417 : i32
        %get3A_419 = arith.index_cast %add3A_418 : i32 to index
        %get3A_420 = tpu.vector_load %arg10[%get3A_419] {strides = array<i32>} : memref<1024xi32, #tpu.memory_space<vmem>>, vector<16xi32>,
        %mul3A_421 = arith.constant 128 : i32
        %mul3A_422 = arith.muli %scan3A_414, %mul3A_421 : i32
        %add3A_423 = arith.constant 16 : i32
        %add3A_424 = arith.addi %mul3A_422, %add3A_423 : i32
        %get3A_425 = arith.index_cast %add3A_424 : i32 to index
        %get3A_426 = tpu.vector_load %arg10[%get3A_425] {strides = array<i32>} : memref<1024xi32, #tpu.memory_space<vmem>>, vector<16xi32>,
        %mul3A_427 = arith.constant 128 : i32
        %mul3A_428 = arith.muli %scan3A_414, %mul3A_427 : i32
        %add3A_429 = arith.constant 32 : i32
        %add3A_430 = arith.addi %mul3A_428, %add3A_429 : i32
        %get3A_431 = arith.index_cast %add3A_430 : i32 to index
        %get3A_432 = tpu.vector_load %arg10[%get3A_431] {strides = array<i32>} : memref<1024xi32, #tpu.memory_space<vmem>>, vector<16xi32>,
        %mul3A_433 = arith.constant 128 : i32
        %mul3A_434 = arith.muli %scan3A_414, %mul3A_433 : i32
        %add3A_435 = arith.constant 48 : i32
        %add3A_436 = arith.addi %mul3A_434, %add3A_435 : i32
        %get3A_437 = arith.index_cast %add3A_436 : i32 to index
        %get3A_438 = tpu.vector_load %arg10[%get3A_437] {strides = array<i32>} : memref<1024xi32, #tpu.memory_space<vmem>>, vector<16xi32>,
        %mul3A_439 = arith.constant 128 : i32
        %mul3A_440 = arith.muli %scan3A_414, %mul3A_439 : i32
        %add3A_441 = arith.constant 64 : i32
        %add3A_442 = arith.addi %mul3A_440, %add3A_441 : i32
        %get3A_443 = arith.index_cast %add3A_442 : i32 to index
        %get3A_444 = tpu.vector_load %arg10[%get3A_443] {strides = array<i32>} : memref<1024xi32, #tpu.memory_space<vmem>>, vector<16xi32>,
        %mul3A_445 = arith.constant 128 : i32
        %mul3A_446 = arith.muli %scan3A_414, %mul3A_445 : i32
        %add3A_447 = arith.constant 80 : i32
        %add3A_448 = arith.addi %mul3A_446, %add3A_447 : i32
        %get3A_449 = arith.index_cast %add3A_448 : i32 to index
        %get3A_450 = tpu.vector_load %arg10[%get3A_449] {strides = array<i32>} : memref<1024xi32, #tpu.memory_space<vmem>>, vector<16xi32>,
        %mul3A_451 = arith.constant 128 : i32
        %mul3A_452 = arith.muli %scan3A_414, %mul3A_451 : i32
        %add3A_453 = arith.constant 96 : i32
        %add3A_454 = arith.addi %mul3A_452, %add3A_453 : i32
        %get3A_455 = arith.index_cast %add3A_454 : i32 to index
        %get3A_456 = tpu.vector_load %arg10[%get3A_455] {strides = array<i32>} : memref<1024xi32, #tpu.memory_space<vmem>>, vector<16xi32>,
        %mul3A_457 = arith.constant 128 : i32
        %mul3A_458 = arith.muli %scan3A_414, %mul3A_457 : i32
        %add3A_459 = arith.constant 112 : i32
        %add3A_460 = arith.addi %mul3A_458, %add3A_459 : i32
        %get3A_461 = arith.index_cast %add3A_460 : i32 to index
        %get3A_462 = tpu.vector_load %arg10[%get3A_461] {strides = array<i32>} : memref<1024xi32, #tpu.memory_space<vmem>>, vector<16xi32>,
        %scan3A_463 = arith.constant 0 : i32
        %scan3A_464 = arith.constant 0 : i32
        %scan3A_465 = arith.constant 8 : i32
        %scan3A_466 = arith.addi %scan3A_464, %scan3A_465 : i32
        %scan3A_467 = arith.constant 1 : i32
        scf.for %scan3A_469 = %scan3A_464 to %scan3A_466 step %scan3A_467  : i32 {
          %mul3A_470 = arith.constant 0 : i32
          %mul3A_471 = vector.broadcast %mul3A_470 : i32 to vector<16xi32>
          %mul3A_472 = arith.muli %iota3A, %mul3A_471 : vector<16xi32>
          %add3A_473 = arith.constant 0 : i32
          %add3A_474 = arith.addi %add3A_473, %scan3A_469 : i32
          %add3A_475 = vector.broadcast %add3A_474 : i32 to vector<16xi32>
          %add3A_476 = arith.addi %mul3A_472, %add3A_475 : vector<16xi32>
          %gather3A_477 = tpu.vector_load_idx %arg9[%add3A_476] : memref<64xf32, #tpu.memory_space<vmem>>[vector<16xi32>], vector<16xf32>,
          %gather3A_478 = tpu.vector_load_idx %arg7[%add3A_476, %get3A_420] : memref<64x1001xf32, #tpu.memory_space<vmem>>[vector<16xi32>, vector<16xi32>], vector<16xf32>,
          %add3A_479 = arith.addf %gather3A_478, %gather3A_477 : vector<16xf32>
          %swap3A_480 = arith.index_cast %scan3A_414 : i32 to index
          %swap3A_481 = arith.index_cast %scan3A_469 : i32 to index
          %swap3A_482 = arith.constant 0 : index
          %swap3A_483 = tpu.vector_load %arg12[%swap3A_480, %swap3A_481, %swap3A_482] {strides = array<i32>} : memref<8x8x128xf32, #tpu.memory_space<vmem>>, vector<16xf32>,
          tpu.vector_store %arg12[%swap3A_480, %swap3A_481, %swap3A_482], %add3A_479 {strides = array<i32>} : memref<8x8x128xf32, #tpu.memory_space<vmem>>, vector<16xf32>,
          %gather3A_484 = tpu.vector_load_idx %arg7[%add3A_476, %get3A_426] : memref<64x1001xf32, #tpu.memory_space<vmem>>[vector<16xi32>, vector<16xi32>], vector<16xf32>,
          %add3A_485 = arith.addf %gather3A_484, %gather3A_477 : vector<16xf32>
          %swap3A_486 = arith.index_cast %scan3A_414 : i32 to index
          %swap3A_487 = arith.index_cast %scan3A_469 : i32 to index
          %swap3A_488 = arith.constant 16 : index
          %swap3A_489 = tpu.vector_load %arg12[%swap3A_486, %swap3A_487, %swap3A_488] {strides = array<i32>} : memref<8x8x128xf32, #tpu.memory_space<vmem>>, vector<16xf32>,
          tpu.vector_store %arg12[%swap3A_486, %swap3A_487, %swap3A_488], %add3A_485 {strides = array<i32>} : memref<8x8x128xf32, #tpu.memory_space<vmem>>, vector<16xf32>,
          %gather3A_490 = tpu.vector_load_idx %arg7[%add3A_476, %get3A_432] : memref<64x1001xf32, #tpu.memory_space<vmem>>[vector<16xi32>, vector<16xi32>], vector<16xf32>,
          %add3A_491 = arith.addf %gather3A_490, %gather3A_477 : vector<16xf32>
          %swap3A_492 = arith.index_cast %scan3A_414 : i32 to index
          %swap3A_493 = arith.index_cast %scan3A_469 : i32 to index
          %swap3A_494 = arith.constant 32 : index
          %swap3A_495 = tpu.vector_load %arg12[%swap3A_492, %swap3A_493, %swap3A_494] {strides = array<i32>} : memref<8x8x128xf32, #tpu.memory_space<vmem>>, vector<16xf32>,
          tpu.vector_store %arg12[%swap3A_492, %swap3A_493, %swap3A_494], %add3A_491 {strides = array<i32>} : memref<8x8x128xf32, #tpu.memory_space<vmem>>, vector<16xf32>,
          %gather3A_496 = tpu.vector_load_idx %arg7[%add3A_476, %get3A_438] : memref<64x1001xf32, #tpu.memory_space<vmem>>[vector<16xi32>, vector<16xi32>], vector<16xf32>,
          %add3A_497 = arith.addf %gather3A_496, %gather3A_477 : vector<16xf32>
          %swap3A_498 = arith.index_cast %scan3A_414 : i32 to index
          %swap3A_499 = arith.index_cast %scan3A_469 : i32 to index
          %swap3A_500 = arith.constant 48 : index
          %swap3A_501 = tpu.vector_load %arg12[%swap3A_498, %swap3A_499, %swap3A_500] {strides = array<i32>} : memref<8x8x128xf32, #tpu.memory_space<vmem>>, vector<16xf32>,
          tpu.vector_store %arg12[%swap3A_498, %swap3A_499, %swap3A_500], %add3A_497 {strides = array<i32>} : memref<8x8x128xf32, #tpu.memory_space<vmem>>, vector<16xf32>,
          %gather3A_502 = tpu.vector_load_idx %arg7[%add3A_476, %get3A_444] : memref<64x1001xf32, #tpu.memory_space<vmem>>[vector<16xi32>, vector<16xi32>], vector<16xf32>,
          %add3A_503 = arith.addf %gather3A_502, %gather3A_477 : vector<16xf32>
          %swap3A_504 = arith.index_cast %scan3A_414 : i32 to index
          %swap3A_505 = arith.index_cast %scan3A_469 : i32 to index
          %swap3A_506 = arith.constant 64 : index
          %swap3A_507 = tpu.vector_load %arg12[%swap3A_504, %swap3A_505, %swap3A_506] {strides = array<i32>} : memref<8x8x128xf32, #tpu.memory_space<vmem>>, vector<16xf32>,
          tpu.vector_store %arg12[%swap3A_504, %swap3A_505, %swap3A_506], %add3A_503 {strides = array<i32>} : memref<8x8x128xf32, #tpu.memory_space<vmem>>, vector<16xf32>,
          %gather3A_508 = tpu.vector_load_idx %arg7[%add3A_476, %get3A_450] : memref<64x1001xf32, #tpu.memory_space<vmem>>[vector<16xi32>, vector<16xi32>], vector<16xf32>,
          %add3A_509 = arith.addf %gather3A_508, %gather3A_477 : vector<16xf32>
          %swap3A_510 = arith.index_cast %scan3A_414 : i32 to index
          %swap3A_511 = arith.index_cast %scan3A_469 : i32 to index
          %swap3A_512 = arith.constant 80 : index
          %swap3A_513 = tpu.vector_load %arg12[%swap3A_510, %swap3A_511, %swap3A_512] {strides = array<i32>} : memref<8x8x128xf32, #tpu.memory_space<vmem>>, vector<16xf32>,
          tpu.vector_store %arg12[%swap3A_510, %swap3A_511, %swap3A_512], %add3A_509 {strides = array<i32>} : memref<8x8x128xf32, #tpu.memory_space<vmem>>, vector<16xf32>,
          %gather3A_514 = tpu.vector_load_idx %arg7[%add3A_476, %get3A_456] : memref<64x1001xf32, #tpu.memory_space<vmem>>[vector<16xi32>, vector<16xi32>], vector<16xf32>,
          %add3A_515 = arith.addf %gather3A_514, %gather3A_477 : vector<16xf32>
          %swap3A_516 = arith.index_cast %scan3A_414 : i32 to index
          %swap3A_517 = arith.index_cast %scan3A_469 : i32 to index
          %swap3A_518 = arith.constant 96 : index
          %swap3A_519 = tpu.vector_load %arg12[%swap3A_516, %swap3A_517, %swap3A_518] {strides = array<i32>} : memref<8x8x128xf32, #tpu.memory_space<vmem>>, vector<16xf32>,
          tpu.vector_store %arg12[%swap3A_516, %swap3A_517, %swap3A_518], %add3A_515 {strides = array<i32>} : memref<8x8x128xf32, #tpu.memory_space<vmem>>, vector<16xf32>,
          %gather3A_520 = tpu.vector_load_idx %arg7[%add3A_476, %get3A_462] : memref<64x1001xf32, #tpu.memory_space<vmem>>[vector<16xi32>, vector<16xi32>], vector<16xf32>,
          %add3A_521 = arith.addf %gather3A_520, %gather3A_477 : vector<16xf32>
          %swap3A_522 = arith.index_cast %scan3A_414 : i32 to index
          %swap3A_523 = arith.index_cast %scan3A_469 : i32 to index
          %swap3A_524 = arith.constant 112 : index
          %swap3A_525 = tpu.vector_load %arg12[%swap3A_522, %swap3A_523, %swap3A_524] {strides = array<i32>} : memref<8x8x128xf32, #tpu.memory_space<vmem>>, vector<16xf32>,
          tpu.vector_store %arg12[%swap3A_522, %swap3A_523, %swap3A_524], %add3A_521 {strides = array<i32>} : memref<8x8x128xf32, #tpu.memory_space<vmem>>, vector<16xf32>,
        }
        %scan3A_468 = arith.constant 8 : i32
      }
      %scan3A_80 = arith.constant 8 : i32
      %dma_start3A_81 = arith.constant 0 : i32
      %dma_start3A_82 = arith.constant 0 : i32
      %dma_start3A_83 = arith.constant 0 : i32
      %dma_start3A_84 = arith.constant 0 : i32
      %dma_start3A_85 = arith.constant 0 : i32
      %dma_start3A_86 = tpu.memref_slice %arg6[%add3A_21, %dma_start3A_82, %dma_start3A_83, %dma_start3A_84, %dma_start3A_85] : memref<1001x8x8x8x128xf32, #tpu.memory_space<hbm>> -> memref<1x8x8x8x128xf32, #tpu.memory_space<hbm>>
      %dma_start3A_87 = tpu.memref_squeeze %dma_start3A_86 : memref<1x8x8x8x128xf32, #tpu.memory_space<hbm>> -> memref<8x8x8x128xf32, #tpu.memory_space<hbm>>
      %dma_start3A_88 = arith.constant 0 : i32
      %dma_start3A_89 = arith.constant 0 : i32
      %dma_start3A_90 = arith.constant 0 : i32
      %dma_start3A_91 = tpu.memref_slice %dma_start3A_87[%dma_start3A_81, %dma_start3A_88, %dma_start3A_89, %dma_start3A_90] : memref<8x8x8x128xf32, #tpu.memory_space<hbm>> -> memref<1x8x8x128xf32, #tpu.memory_space<hbm>>
      %dma_start3A_92 = tpu.memref_squeeze %dma_start3A_91 : memref<1x8x8x128xf32, #tpu.memory_space<hbm>> -> memref<8x8x128xf32, #tpu.memory_space<hbm>>
      %dma_start3A_93 = arith.constant 0 : i32
      %dma_start3A_94 = arith.constant 0 : i32
      %dma_start3A_95 = arith.constant 0 : i32
      %dma_start3A_96 = arith.constant 0 : i32
      %dma_start3A_97 = tpu.memref_slice %arg6[%add3A_21, %dma_start3A_93, %dma_start3A_94, %dma_start3A_95, %dma_start3A_96] : memref<1001x8x8x8x128xf32, #tpu.memory_space<hbm>> -> memref<1x8x8x8x128xf32, #tpu.memory_space<hbm>>
      %dma_start3A_98 = tpu.memref_squeeze %dma_start3A_97 : memref<1x8x8x8x128xf32, #tpu.memory_space<hbm>> -> memref<8x8x8x128xf32, #tpu.memory_space<hbm>>
      %dma_start3A_99 = arith.constant 0 : i32
      %dma_start3A_100 = arith.constant 0 : i32
      %dma_start3A_101 = arith.constant 0 : i32
      %dma_start3A_102 = tpu.memref_slice %dma_start3A_98[%dma_start3A_81, %dma_start3A_99, %dma_start3A_100, %dma_start3A_101] : memref<8x8x8x128xf32, #tpu.memory_space<hbm>> -> memref<1x8x8x128xf32, #tpu.memory_space<hbm>>
      %dma_start3A_103 = tpu.memref_squeeze %dma_start3A_102 : memref<1x8x8x128xf32, #tpu.memory_space<hbm>> -> memref<8x8x128xf32, #tpu.memory_space<hbm>>
      tpu.enqueue_dma source(%arg12 : memref<8x8x128xf32, #tpu.memory_space<vmem>>) target(%dma_start3A_103 : memref<8x8x128xf32, #tpu.memory_space<hbm>>) target_semaphore(%arg16 : memref<!tpu.dma_semaphore, #tpu.memory_space<semaphore_mem>>)
      %gt3A_104 = arith.constant 0 : i32
      %gt3A_105 = arith.cmpi sgt, %while3A_20, %gt3A_104 : i32
      %convert_element_type3A_106 = arith.extui %gt3A_105 : i1 to i32
      %cond3A_107 = arith.constant 0 : i32
      %cond3A_108 = arith.cmpi ne, %convert_element_type3A_106, %cond3A_107 : i32
      scf.if %cond3A_108 {
        %dma_wait3A_414 = arith.constant 1 : i32
        %dma_wait3A_415 = arith.constant 0 : i32
        %dma_wait3A_416 = arith.constant 0 : i32
        %dma_wait3A_417 = arith.constant 0 : i32
        %dma_wait3A_418 = arith.constant 0 : i32
        %dma_wait3A_419 = tpu.memref_slice %arg6[%add3A_21, %dma_wait3A_415, %dma_wait3A_416, %dma_wait3A_417, %dma_wait3A_418] : memref<1001x8x8x8x128xf32, #tpu.memory_space<hbm>> -> memref<1x8x8x8x128xf32, #tpu.memory_space<hbm>>
        %dma_wait3A_420 = tpu.memref_squeeze %dma_wait3A_419 : memref<1x8x8x8x128xf32, #tpu.memory_space<hbm>> -> memref<8x8x8x128xf32, #tpu.memory_space<hbm>>
        %dma_wait3A_421 = arith.constant 0 : i32
        %dma_wait3A_422 = arith.constant 0 : i32
        %dma_wait3A_423 = arith.constant 0 : i32
        %dma_wait3A_424 = tpu.memref_slice %dma_wait3A_420[%dma_wait3A_414, %dma_wait3A_421, %dma_wait3A_422, %dma_wait3A_423] : memref<8x8x8x128xf32, #tpu.memory_space<hbm>> -> memref<1x8x8x128xf32, #tpu.memory_space<hbm>>
        %dma_wait3A_425 = tpu.memref_squeeze %dma_wait3A_424 : memref<1x8x8x128xf32, #tpu.memory_space<hbm>> -> memref<8x8x128xf32, #tpu.memory_space<hbm>>
        %dma_wait3A_426 = arith.constant 0 : i32
        %dma_wait3A_427 = arith.constant 0 : i32
        %dma_wait3A_428 = arith.constant 0 : i32
        %dma_wait3A_429 = arith.constant 0 : i32
        %dma_wait3A_430 = tpu.memref_slice %arg6[%add3A_21, %dma_wait3A_426, %dma_wait3A_427, %dma_wait3A_428, %dma_wait3A_429] : memref<1001x8x8x8x128xf32, #tpu.memory_space<hbm>> -> memref<1x8x8x8x128xf32, #tpu.memory_space<hbm>>
        %dma_wait3A_431 = tpu.memref_squeeze %dma_wait3A_430 : memref<1x8x8x8x128xf32, #tpu.memory_space<hbm>> -> memref<8x8x8x128xf32, #tpu.memory_space<hbm>>
        %dma_wait3A_432 = arith.constant 0 : i32
        %dma_wait3A_433 = arith.constant 0 : i32
        %dma_wait3A_434 = arith.constant 0 : i32
        %dma_wait3A_435 = tpu.memref_slice %dma_wait3A_431[%dma_wait3A_414, %dma_wait3A_432, %dma_wait3A_433, %dma_wait3A_434] : memref<8x8x8x128xf32, #tpu.memory_space<hbm>> -> memref<1x8x8x128xf32, #tpu.memory_space<hbm>>
        %dma_wait3A_436 = tpu.memref_squeeze %dma_wait3A_435 : memref<1x8x8x128xf32, #tpu.memory_space<hbm>> -> memref<8x8x128xf32, #tpu.memory_space<hbm>>
        tpu.wait_dma2 semaphore(%arg17 : memref<!tpu.dma_semaphore, #tpu.memory_space<semaphore_mem>>) src(%dma_wait3A_436 : memref<8x8x128xf32, #tpu.memory_space<hbm>>) dst(%arg13 : memref<8x8x128xf32, #tpu.memory_space<vmem>>)
      } else {
      }
      %scan3A_109 = arith.constant 0 : i32
      %scan3A_110 = arith.constant 0 : i32
      %scan3A_111 = arith.constant 8 : i32
      %scan3A_112 = arith.addi %scan3A_110, %scan3A_111 : i32
      %scan3A_113 = arith.constant 1 : i32
      scf.for %scan3A_414 = %scan3A_110 to %scan3A_112 step %scan3A_113  : i32 {
        %mul3A_415 = arith.constant 128 : i32
        %mul3A_416 = arith.muli %scan3A_414, %mul3A_415 : i32
        %add3A_417 = arith.constant 0 : i32
        %add3A_418 = arith.addi %mul3A_416, %add3A_417 : i32
        %get3A_419 = arith.index_cast %add3A_418 : i32 to index
        %get3A_420 = tpu.vector_load %arg10[%get3A_419] {strides = array<i32>} : memref<1024xi32, #tpu.memory_space<vmem>>, vector<16xi32>,
        %mul3A_421 = arith.constant 128 : i32
        %mul3A_422 = arith.muli %scan3A_414, %mul3A_421 : i32
        %add3A_423 = arith.constant 16 : i32
        %add3A_424 = arith.addi %mul3A_422, %add3A_423 : i32
        %get3A_425 = arith.index_cast %add3A_424 : i32 to index
        %get3A_426 = tpu.vector_load %arg10[%get3A_425] {strides = array<i32>} : memref<1024xi32, #tpu.memory_space<vmem>>, vector<16xi32>,
        %mul3A_427 = arith.constant 128 : i32
        %mul3A_428 = arith.muli %scan3A_414, %mul3A_427 : i32
        %add3A_429 = arith.constant 32 : i32
        %add3A_430 = arith.addi %mul3A_428, %add3A_429 : i32
        %get3A_431 = arith.index_cast %add3A_430 : i32 to index
        %get3A_432 = tpu.vector_load %arg10[%get3A_431] {strides = array<i32>} : memref<1024xi32, #tpu.memory_space<vmem>>, vector<16xi32>,
        %mul3A_433 = arith.constant 128 : i32
        %mul3A_434 = arith.muli %scan3A_414, %mul3A_433 : i32
        %add3A_435 = arith.constant 48 : i32
        %add3A_436 = arith.addi %mul3A_434, %add3A_435 : i32
        %get3A_437 = arith.index_cast %add3A_436 : i32 to index
        %get3A_438 = tpu.vector_load %arg10[%get3A_437] {strides = array<i32>} : memref<1024xi32, #tpu.memory_space<vmem>>, vector<16xi32>,
        %mul3A_439 = arith.constant 128 : i32
        %mul3A_440 = arith.muli %scan3A_414, %mul3A_439 : i32
        %add3A_441 = arith.constant 64 : i32
        %add3A_442 = arith.addi %mul3A_440, %add3A_441 : i32
        %get3A_443 = arith.index_cast %add3A_442 : i32 to index
        %get3A_444 = tpu.vector_load %arg10[%get3A_443] {strides = array<i32>} : memref<1024xi32, #tpu.memory_space<vmem>>, vector<16xi32>,
        %mul3A_445 = arith.constant 128 : i32
        %mul3A_446 = arith.muli %scan3A_414, %mul3A_445 : i32
        %add3A_447 = arith.constant 80 : i32
        %add3A_448 = arith.addi %mul3A_446, %add3A_447 : i32
        %get3A_449 = arith.index_cast %add3A_448 : i32 to index
        %get3A_450 = tpu.vector_load %arg10[%get3A_449] {strides = array<i32>} : memref<1024xi32, #tpu.memory_space<vmem>>, vector<16xi32>,
        %mul3A_451 = arith.constant 128 : i32
        %mul3A_452 = arith.muli %scan3A_414, %mul3A_451 : i32
        %add3A_453 = arith.constant 96 : i32
        %add3A_454 = arith.addi %mul3A_452, %add3A_453 : i32
        %get3A_455 = arith.index_cast %add3A_454 : i32 to index
        %get3A_456 = tpu.vector_load %arg10[%get3A_455] {strides = array<i32>} : memref<1024xi32, #tpu.memory_space<vmem>>, vector<16xi32>,
        %mul3A_457 = arith.constant 128 : i32
        %mul3A_458 = arith.muli %scan3A_414, %mul3A_457 : i32
        %add3A_459 = arith.constant 112 : i32
        %add3A_460 = arith.addi %mul3A_458, %add3A_459 : i32
        %get3A_461 = arith.index_cast %add3A_460 : i32 to index
        %get3A_462 = tpu.vector_load %arg10[%get3A_461] {strides = array<i32>} : memref<1024xi32, #tpu.memory_space<vmem>>, vector<16xi32>,
        %scan3A_463 = arith.constant 0 : i32
        %scan3A_464 = arith.constant 0 : i32
        %scan3A_465 = arith.constant 8 : i32
        %scan3A_466 = arith.addi %scan3A_464, %scan3A_465 : i32
        %scan3A_467 = arith.constant 1 : i32
        scf.for %scan3A_469 = %scan3A_464 to %scan3A_466 step %scan3A_467  : i32 {
          %mul3A_470 = arith.constant 0 : i32
          %mul3A_471 = vector.broadcast %mul3A_470 : i32 to vector<16xi32>
          %mul3A_472 = arith.muli %iota3A, %mul3A_471 : vector<16xi32>
          %add3A_473 = arith.constant 8 : i32
          %add3A_474 = arith.addi %add3A_473, %scan3A_469 : i32
          %add3A_475 = vector.broadcast %add3A_474 : i32 to vector<16xi32>
          %add3A_476 = arith.addi %mul3A_472, %add3A_475 : vector<16xi32>
          %gather3A_477 = tpu.vector_load_idx %arg9[%add3A_476] : memref<64xf32, #tpu.memory_space<vmem>>[vector<16xi32>], vector<16xf32>,
          %gather3A_478 = tpu.vector_load_idx %arg7[%add3A_476, %get3A_420] : memref<64x1001xf32, #tpu.memory_space<vmem>>[vector<16xi32>, vector<16xi32>], vector<16xf32>,
          %add3A_479 = arith.addf %gather3A_478, %gather3A_477 : vector<16xf32>
          %swap3A_480 = arith.index_cast %scan3A_414 : i32 to index
          %swap3A_481 = arith.index_cast %scan3A_469 : i32 to index
          %swap3A_482 = arith.constant 0 : index
          %swap3A_483 = tpu.vector_load %arg13[%swap3A_480, %swap3A_481, %swap3A_482] {strides = array<i32>} : memref<8x8x128xf32, #tpu.memory_space<vmem>>, vector<16xf32>,
          tpu.vector_store %arg13[%swap3A_480, %swap3A_481, %swap3A_482], %add3A_479 {strides = array<i32>} : memref<8x8x128xf32, #tpu.memory_space<vmem>>, vector<16xf32>,
          %gather3A_484 = tpu.vector_load_idx %arg7[%add3A_476, %get3A_426] : memref<64x1001xf32, #tpu.memory_space<vmem>>[vector<16xi32>, vector<16xi32>], vector<16xf32>,
          %add3A_485 = arith.addf %gather3A_484, %gather3A_477 : vector<16xf32>
          %swap3A_486 = arith.index_cast %scan3A_414 : i32 to index
          %swap3A_487 = arith.index_cast %scan3A_469 : i32 to index
          %swap3A_488 = arith.constant 16 : index
          %swap3A_489 = tpu.vector_load %arg13[%swap3A_486, %swap3A_487, %swap3A_488] {strides = array<i32>} : memref<8x8x128xf32, #tpu.memory_space<vmem>>, vector<16xf32>,
          tpu.vector_store %arg13[%swap3A_486, %swap3A_487, %swap3A_488], %add3A_485 {strides = array<i32>} : memref<8x8x128xf32, #tpu.memory_space<vmem>>, vector<16xf32>,
          %gather3A_490 = tpu.vector_load_idx %arg7[%add3A_476, %get3A_432] : memref<64x1001xf32, #tpu.memory_space<vmem>>[vector<16xi32>, vector<16xi32>], vector<16xf32>,
          %add3A_491 = arith.addf %gather3A_490, %gather3A_477 : vector<16xf32>
          %swap3A_492 = arith.index_cast %scan3A_414 : i32 to index
          %swap3A_493 = arith.index_cast %scan3A_469 : i32 to index
          %swap3A_494 = arith.constant 32 : index
          %swap3A_495 = tpu.vector_load %arg13[%swap3A_492, %swap3A_493, %swap3A_494] {strides = array<i32>} : memref<8x8x128xf32, #tpu.memory_space<vmem>>, vector<16xf32>,
          tpu.vector_store %arg13[%swap3A_492, %swap3A_493, %swap3A_494], %add3A_491 {strides = array<i32>} : memref<8x8x128xf32, #tpu.memory_space<vmem>>, vector<16xf32>,
          %gather3A_496 = tpu.vector_load_idx %arg7[%add3A_476, %get3A_438] : memref<64x1001xf32, #tpu.memory_space<vmem>>[vector<16xi32>, vector<16xi32>], vector<16xf32>,
          %add3A_497 = arith.addf %gather3A_496, %gather3A_477 : vector<16xf32>
          %swap3A_498 = arith.index_cast %scan3A_414 : i32 to index
          %swap3A_499 = arith.index_cast %scan3A_469 : i32 to index
          %swap3A_500 = arith.constant 48 : index
          %swap3A_501 = tpu.vector_load %arg13[%swap3A_498, %swap3A_499, %swap3A_500] {strides = array<i32>} : memref<8x8x128xf32, #tpu.memory_space<vmem>>, vector<16xf32>,
          tpu.vector_store %arg13[%swap3A_498, %swap3A_499, %swap3A_500], %add3A_497 {strides = array<i32>} : memref<8x8x128xf32, #tpu.memory_space<vmem>>, vector<16xf32>,
          %gather3A_502 = tpu.vector_load_idx %arg7[%add3A_476, %get3A_444] : memref<64x1001xf32, #tpu.memory_space<vmem>>[vector<16xi32>, vector<16xi32>], vector<16xf32>,
          %add3A_503 = arith.addf %gather3A_502, %gather3A_477 : vector<16xf32>
          %swap3A_504 = arith.index_cast %scan3A_414 : i32 to index
          %swap3A_505 = arith.index_cast %scan3A_469 : i32 to index
          %swap3A_506 = arith.constant 64 : index
          %swap3A_507 = tpu.vector_load %arg13[%swap3A_504, %swap3A_505, %swap3A_506] {strides = array<i32>} : memref<8x8x128xf32, #tpu.memory_space<vmem>>, vector<16xf32>,
          tpu.vector_store %arg13[%swap3A_504, %swap3A_505, %swap3A_506], %add3A_503 {strides = array<i32>} : memref<8x8x128xf32, #tpu.memory_space<vmem>>, vector<16xf32>,
          %gather3A_508 = tpu.vector_load_idx %arg7[%add3A_476, %get3A_450] : memref<64x1001xf32, #tpu.memory_space<vmem>>[vector<16xi32>, vector<16xi32>], vector<16xf32>,
          %add3A_509 = arith.addf %gather3A_508, %gather3A_477 : vector<16xf32>
          %swap3A_510 = arith.index_cast %scan3A_414 : i32 to index
          %swap3A_511 = arith.index_cast %scan3A_469 : i32 to index
          %swap3A_512 = arith.constant 80 : index
          %swap3A_513 = tpu.vector_load %arg13[%swap3A_510, %swap3A_511, %swap3A_512] {strides = array<i32>} : memref<8x8x128xf32, #tpu.memory_space<vmem>>, vector<16xf32>,
          tpu.vector_store %arg13[%swap3A_510, %swap3A_511, %swap3A_512], %add3A_509 {strides = array<i32>} : memref<8x8x128xf32, #tpu.memory_space<vmem>>, vector<16xf32>,
          %gather3A_514 = tpu.vector_load_idx %arg7[%add3A_476, %get3A_456] : memref<64x1001xf32, #tpu.memory_space<vmem>>[vector<16xi32>, vector<16xi32>], vector<16xf32>,
          %add3A_515 = arith.addf %gather3A_514, %gather3A_477 : vector<16xf32>
          %swap3A_516 = arith.index_cast %scan3A_414 : i32 to index
          %swap3A_517 = arith.index_cast %scan3A_469 : i32 to index
          %swap3A_518 = arith.constant 96 : index
          %swap3A_519 = tpu.vector_load %arg13[%swap3A_516, %swap3A_517, %swap3A_518] {strides = array<i32>} : memref<8x8x128xf32, #tpu.memory_space<vmem>>, vector<16xf32>,
          tpu.vector_store %arg13[%swap3A_516, %swap3A_517, %swap3A_518], %add3A_515 {strides = array<i32>} : memref<8x8x128xf32, #tpu.memory_space<vmem>>, vector<16xf32>,
          %gather3A_520 = tpu.vector_load_idx %arg7[%add3A_476, %get3A_462] : memref<64x1001xf32, #tpu.memory_space<vmem>>[vector<16xi32>, vector<16xi32>], vector<16xf32>,
          %add3A_521 = arith.addf %gather3A_520, %gather3A_477 : vector<16xf32>
          %swap3A_522 = arith.index_cast %scan3A_414 : i32 to index
          %swap3A_523 = arith.index_cast %scan3A_469 : i32 to index
          %swap3A_524 = arith.constant 112 : index
          %swap3A_525 = tpu.vector_load %arg13[%swap3A_522, %swap3A_523, %swap3A_524] {strides = array<i32>} : memref<8x8x128xf32, #tpu.memory_space<vmem>>, vector<16xf32>,
          tpu.vector_store %arg13[%swap3A_522, %swap3A_523, %swap3A_524], %add3A_521 {strides = array<i32>} : memref<8x8x128xf32, #tpu.memory_space<vmem>>, vector<16xf32>,
        }
        %scan3A_468 = arith.constant 8 : i32
      }
      %scan3A_114 = arith.constant 8 : i32
      %dma_start3A_115 = arith.constant 1 : i32
      %dma_start3A_116 = arith.constant 0 : i32
      %dma_start3A_117 = arith.constant 0 : i32
      %dma_start3A_118 = arith.constant 0 : i32
      %dma_start3A_119 = arith.constant 0 : i32
      %dma_start3A_120 = tpu.memref_slice %arg6[%add3A_21, %dma_start3A_116, %dma_start3A_117, %dma_start3A_118, %dma_start3A_119] : memref<1001x8x8x8x128xf32, #tpu.memory_space<hbm>> -> memref<1x8x8x8x128xf32, #tpu.memory_space<hbm>>
      %dma_start3A_121 = tpu.memref_squeeze %dma_start3A_120 : memref<1x8x8x8x128xf32, #tpu.memory_space<hbm>> -> memref<8x8x8x128xf32, #tpu.memory_space<hbm>>
      %dma_start3A_122 = arith.constant 0 : i32
      %dma_start3A_123 = arith.constant 0 : i32
      %dma_start3A_124 = arith.constant 0 : i32
      %dma_start3A_125 = tpu.memref_slice %dma_start3A_121[%dma_start3A_115, %dma_start3A_122, %dma_start3A_123, %dma_start3A_124] : memref<8x8x8x128xf32, #tpu.memory_space<hbm>> -> memref<1x8x8x128xf32, #tpu.memory_space<hbm>>
      %dma_start3A_126 = tpu.memref_squeeze %dma_start3A_125 : memref<1x8x8x128xf32, #tpu.memory_space<hbm>> -> memref<8x8x128xf32, #tpu.memory_space<hbm>>
      %dma_start3A_127 = arith.constant 0 : i32
      %dma_start3A_128 = arith.constant 0 : i32
      %dma_start3A_129 = arith.constant 0 : i32
      %dma_start3A_130 = arith.constant 0 : i32
      %dma_start3A_131 = tpu.memref_slice %arg6[%add3A_21, %dma_start3A_127, %dma_start3A_128, %dma_start3A_129, %dma_start3A_130] : memref<1001x8x8x8x128xf32, #tpu.memory_space<hbm>> -> memref<1x8x8x8x128xf32, #tpu.memory_space<hbm>>
      %dma_start3A_132 = tpu.memref_squeeze %dma_start3A_131 : memref<1x8x8x8x128xf32, #tpu.memory_space<hbm>> -> memref<8x8x8x128xf32, #tpu.memory_space<hbm>>
      %dma_start3A_133 = arith.constant 0 : i32
      %dma_start3A_134 = arith.constant 0 : i32
      %dma_start3A_135 = arith.constant 0 : i32
      %dma_start3A_136 = tpu.memref_slice %dma_start3A_132[%dma_start3A_115, %dma_start3A_133, %dma_start3A_134, %dma_start3A_135] : memref<8x8x8x128xf32, #tpu.memory_space<hbm>> -> memref<1x8x8x128xf32, #tpu.memory_space<hbm>>
      %dma_start3A_137 = tpu.memref_squeeze %dma_start3A_136 : memref<1x8x8x128xf32, #tpu.memory_space<hbm>> -> memref<8x8x128xf32, #tpu.memory_space<hbm>>
      tpu.enqueue_dma source(%arg13 : memref<8x8x128xf32, #tpu.memory_space<vmem>>) target(%dma_start3A_137 : memref<8x8x128xf32, #tpu.memory_space<hbm>>) target_semaphore(%arg17 : memref<!tpu.dma_semaphore, #tpu.memory_space<semaphore_mem>>)
      %gt3A_138 = arith.constant 0 : i32
      %gt3A_139 = arith.cmpi sgt, %while3A_20, %gt3A_138 : i32
      %convert_element_type3A_140 = arith.extui %gt3A_139 : i1 to i32
      %cond3A_141 = arith.constant 0 : i32
      %cond3A_142 = arith.cmpi ne, %convert_element_type3A_140, %cond3A_141 : i32
      scf.if %cond3A_142 {
        %dma_wait3A_414 = arith.constant 2 : i32
        %dma_wait3A_415 = arith.constant 0 : i32
        %dma_wait3A_416 = arith.constant 0 : i32
        %dma_wait3A_417 = arith.constant 0 : i32
        %dma_wait3A_418 = arith.constant 0 : i32
        %dma_wait3A_419 = tpu.memref_slice %arg6[%add3A_21, %dma_wait3A_415, %dma_wait3A_416, %dma_wait3A_417, %dma_wait3A_418] : memref<1001x8x8x8x128xf32, #tpu.memory_space<hbm>> -> memref<1x8x8x8x128xf32, #tpu.memory_space<hbm>>
        %dma_wait3A_420 = tpu.memref_squeeze %dma_wait3A_419 : memref<1x8x8x8x128xf32, #tpu.memory_space<hbm>> -> memref<8x8x8x128xf32, #tpu.memory_space<hbm>>
        %dma_wait3A_421 = arith.constant 0 : i32
        %dma_wait3A_422 = arith.constant 0 : i32
        %dma_wait3A_423 = arith.constant 0 : i32
        %dma_wait3A_424 = tpu.memref_slice %dma_wait3A_420[%dma_wait3A_414, %dma_wait3A_421, %dma_wait3A_422, %dma_wait3A_423] : memref<8x8x8x128xf32, #tpu.memory_space<hbm>> -> memref<1x8x8x128xf32, #tpu.memory_space<hbm>>
        %dma_wait3A_425 = tpu.memref_squeeze %dma_wait3A_424 : memref<1x8x8x128xf32, #tpu.memory_space<hbm>> -> memref<8x8x128xf32, #tpu.memory_space<hbm>>
        %dma_wait3A_426 = arith.constant 0 : i32
        %dma_wait3A_427 = arith.constant 0 : i32
        %dma_wait3A_428 = arith.constant 0 : i32
        %dma_wait3A_429 = arith.constant 0 : i32
        %dma_wait3A_430 = tpu.memref_slice %arg6[%add3A_21, %dma_wait3A_426, %dma_wait3A_427, %dma_wait3A_428, %dma_wait3A_429] : memref<1001x8x8x8x128xf32, #tpu.memory_space<hbm>> -> memref<1x8x8x8x128xf32, #tpu.memory_space<hbm>>
        %dma_wait3A_431 = tpu.memref_squeeze %dma_wait3A_430 : memref<1x8x8x8x128xf32, #tpu.memory_space<hbm>> -> memref<8x8x8x128xf32, #tpu.memory_space<hbm>>
        %dma_wait3A_432 = arith.constant 0 : i32
        %dma_wait3A_433 = arith.constant 0 : i32
        %dma_wait3A_434 = arith.constant 0 : i32
        %dma_wait3A_435 = tpu.memref_slice %dma_wait3A_431[%dma_wait3A_414, %dma_wait3A_432, %dma_wait3A_433, %dma_wait3A_434] : memref<8x8x8x128xf32, #tpu.memory_space<hbm>> -> memref<1x8x8x128xf32, #tpu.memory_space<hbm>>
        %dma_wait3A_436 = tpu.memref_squeeze %dma_wait3A_435 : memref<1x8x8x128xf32, #tpu.memory_space<hbm>> -> memref<8x8x128xf32, #tpu.memory_space<hbm>>
        tpu.wait_dma2 semaphore(%arg18 : memref<!tpu.dma_semaphore, #tpu.memory_space<semaphore_mem>>) src(%dma_wait3A_436 : memref<8x8x128xf32, #tpu.memory_space<hbm>>) dst(%arg14 : memref<8x8x128xf32, #tpu.memory_space<vmem>>)
      } else {
      }
      %scan3A_143 = arith.constant 0 : i32
      %scan3A_144 = arith.constant 0 : i32
      %scan3A_145 = arith.constant 8 : i32
      %scan3A_146 = arith.addi %scan3A_144, %scan3A_145 : i32
      %scan3A_147 = arith.constant 1 : i32
      scf.for %scan3A_414 = %scan3A_144 to %scan3A_146 step %scan3A_147  : i32 {
        %mul3A_415 = arith.constant 128 : i32
        %mul3A_416 = arith.muli %scan3A_414, %mul3A_415 : i32
        %add3A_417 = arith.constant 0 : i32
        %add3A_418 = arith.addi %mul3A_416, %add3A_417 : i32
        %get3A_419 = arith.index_cast %add3A_418 : i32 to index
        %get3A_420 = tpu.vector_load %arg10[%get3A_419] {strides = array<i32>} : memref<1024xi32, #tpu.memory_space<vmem>>, vector<16xi32>,
        %mul3A_421 = arith.constant 128 : i32
        %mul3A_422 = arith.muli %scan3A_414, %mul3A_421 : i32
        %add3A_423 = arith.constant 16 : i32
        %add3A_424 = arith.addi %mul3A_422, %add3A_423 : i32
        %get3A_425 = arith.index_cast %add3A_424 : i32 to index
        %get3A_426 = tpu.vector_load %arg10[%get3A_425] {strides = array<i32>} : memref<1024xi32, #tpu.memory_space<vmem>>, vector<16xi32>,
        %mul3A_427 = arith.constant 128 : i32
        %mul3A_428 = arith.muli %scan3A_414, %mul3A_427 : i32
        %add3A_429 = arith.constant 32 : i32
        %add3A_430 = arith.addi %mul3A_428, %add3A_429 : i32
        %get3A_431 = arith.index_cast %add3A_430 : i32 to index
        %get3A_432 = tpu.vector_load %arg10[%get3A_431] {strides = array<i32>} : memref<1024xi32, #tpu.memory_space<vmem>>, vector<16xi32>,
        %mul3A_433 = arith.constant 128 : i32
        %mul3A_434 = arith.muli %scan3A_414, %mul3A_433 : i32
        %add3A_435 = arith.constant 48 : i32
        %add3A_436 = arith.addi %mul3A_434, %add3A_435 : i32
        %get3A_437 = arith.index_cast %add3A_436 : i32 to index
        %get3A_438 = tpu.vector_load %arg10[%get3A_437] {strides = array<i32>} : memref<1024xi32, #tpu.memory_space<vmem>>, vector<16xi32>,
        %mul3A_439 = arith.constant 128 : i32
        %mul3A_440 = arith.muli %scan3A_414, %mul3A_439 : i32
        %add3A_441 = arith.constant 64 : i32
        %add3A_442 = arith.addi %mul3A_440, %add3A_441 : i32
        %get3A_443 = arith.index_cast %add3A_442 : i32 to index
        %get3A_444 = tpu.vector_load %arg10[%get3A_443] {strides = array<i32>} : memref<1024xi32, #tpu.memory_space<vmem>>, vector<16xi32>,
        %mul3A_445 = arith.constant 128 : i32
        %mul3A_446 = arith.muli %scan3A_414, %mul3A_445 : i32
        %add3A_447 = arith.constant 80 : i32
        %add3A_448 = arith.addi %mul3A_446, %add3A_447 : i32
        %get3A_449 = arith.index_cast %add3A_448 : i32 to index
        %get3A_450 = tpu.vector_load %arg10[%get3A_449] {strides = array<i32>} : memref<1024xi32, #tpu.memory_space<vmem>>, vector<16xi32>,
        %mul3A_451 = arith.constant 128 : i32
        %mul3A_452 = arith.muli %scan3A_414, %mul3A_451 : i32
        %add3A_453 = arith.constant 96 : i32
        %add3A_454 = arith.addi %mul3A_452, %add3A_453 : i32
        %get3A_455 = arith.index_cast %add3A_454 : i32 to index
        %get3A_456 = tpu.vector_load %arg10[%get3A_455] {strides = array<i32>} : memref<1024xi32, #tpu.memory_space<vmem>>, vector<16xi32>,
        %mul3A_457 = arith.constant 128 : i32
        %mul3A_458 = arith.muli %scan3A_414, %mul3A_457 : i32
        %add3A_459 = arith.constant 112 : i32
        %add3A_460 = arith.addi %mul3A_458, %add3A_459 : i32
        %get3A_461 = arith.index_cast %add3A_460 : i32 to index
        %get3A_462 = tpu.vector_load %arg10[%get3A_461] {strides = array<i32>} : memref<1024xi32, #tpu.memory_space<vmem>>, vector<16xi32>,
        %scan3A_463 = arith.constant 0 : i32
        %scan3A_464 = arith.constant 0 : i32
        %scan3A_465 = arith.constant 8 : i32
        %scan3A_466 = arith.addi %scan3A_464, %scan3A_465 : i32
        %scan3A_467 = arith.constant 1 : i32
        scf.for %scan3A_469 = %scan3A_464 to %scan3A_466 step %scan3A_467  : i32 {
          %mul3A_470 = arith.constant 0 : i32
          %mul3A_471 = vector.broadcast %mul3A_470 : i32 to vector<16xi32>
          %mul3A_472 = arith.muli %iota3A, %mul3A_471 : vector<16xi32>
          %add3A_473 = arith.constant 16 : i32
          %add3A_474 = arith.addi %add3A_473, %scan3A_469 : i32
          %add3A_475 = vector.broadcast %add3A_474 : i32 to vector<16xi32>
          %add3A_476 = arith.addi %mul3A_472, %add3A_475 : vector<16xi32>
          %gather3A_477 = tpu.vector_load_idx %arg9[%add3A_476] : memref<64xf32, #tpu.memory_space<vmem>>[vector<16xi32>], vector<16xf32>,
          %gather3A_478 = tpu.vector_load_idx %arg7[%add3A_476, %get3A_420] : memref<64x1001xf32, #tpu.memory_space<vmem>>[vector<16xi32>, vector<16xi32>], vector<16xf32>,
          %add3A_479 = arith.addf %gather3A_478, %gather3A_477 : vector<16xf32>
          %swap3A_480 = arith.index_cast %scan3A_414 : i32 to index
          %swap3A_481 = arith.index_cast %scan3A_469 : i32 to index
          %swap3A_482 = arith.constant 0 : index
          %swap3A_483 = tpu.vector_load %arg14[%swap3A_480, %swap3A_481, %swap3A_482] {strides = array<i32>} : memref<8x8x128xf32, #tpu.memory_space<vmem>>, vector<16xf32>,
          tpu.vector_store %arg14[%swap3A_480, %swap3A_481, %swap3A_482], %add3A_479 {strides = array<i32>} : memref<8x8x128xf32, #tpu.memory_space<vmem>>, vector<16xf32>,
          %gather3A_484 = tpu.vector_load_idx %arg7[%add3A_476, %get3A_426] : memref<64x1001xf32, #tpu.memory_space<vmem>>[vector<16xi32>, vector<16xi32>], vector<16xf32>,
          %add3A_485 = arith.addf %gather3A_484, %gather3A_477 : vector<16xf32>
          %swap3A_486 = arith.index_cast %scan3A_414 : i32 to index
          %swap3A_487 = arith.index_cast %scan3A_469 : i32 to index
          %swap3A_488 = arith.constant 16 : index
          %swap3A_489 = tpu.vector_load %arg14[%swap3A_486, %swap3A_487, %swap3A_488] {strides = array<i32>} : memref<8x8x128xf32, #tpu.memory_space<vmem>>, vector<16xf32>,
          tpu.vector_store %arg14[%swap3A_486, %swap3A_487, %swap3A_488], %add3A_485 {strides = array<i32>} : memref<8x8x128xf32, #tpu.memory_space<vmem>>, vector<16xf32>,
          %gather3A_490 = tpu.vector_load_idx %arg7[%add3A_476, %get3A_432] : memref<64x1001xf32, #tpu.memory_space<vmem>>[vector<16xi32>, vector<16xi32>], vector<16xf32>,
          %add3A_491 = arith.addf %gather3A_490, %gather3A_477 : vector<16xf32>
          %swap3A_492 = arith.index_cast %scan3A_414 : i32 to index
          %swap3A_493 = arith.index_cast %scan3A_469 : i32 to index
          %swap3A_494 = arith.constant 32 : index
          %swap3A_495 = tpu.vector_load %arg14[%swap3A_492, %swap3A_493, %swap3A_494] {strides = array<i32>} : memref<8x8x128xf32, #tpu.memory_space<vmem>>, vector<16xf32>,
          tpu.vector_store %arg14[%swap3A_492, %swap3A_493, %swap3A_494], %add3A_491 {strides = array<i32>} : memref<8x8x128xf32, #tpu.memory_space<vmem>>, vector<16xf32>,
          %gather3A_496 = tpu.vector_load_idx %arg7[%add3A_476, %get3A_438] : memref<64x1001xf32, #tpu.memory_space<vmem>>[vector<16xi32>, vector<16xi32>], vector<16xf32>,
          %add3A_497 = arith.addf %gather3A_496, %gather3A_477 : vector<16xf32>
          %swap3A_498 = arith.index_cast %scan3A_414 : i32 to index
          %swap3A_499 = arith.index_cast %scan3A_469 : i32 to index
          %swap3A_500 = arith.constant 48 : index
          %swap3A_501 = tpu.vector_load %arg14[%swap3A_498, %swap3A_499, %swap3A_500] {strides = array<i32>} : memref<8x8x128xf32, #tpu.memory_space<vmem>>, vector<16xf32>,
          tpu.vector_store %arg14[%swap3A_498, %swap3A_499, %swap3A_500], %add3A_497 {strides = array<i32>} : memref<8x8x128xf32, #tpu.memory_space<vmem>>, vector<16xf32>,
          %gather3A_502 = tpu.vector_load_idx %arg7[%add3A_476, %get3A_444] : memref<64x1001xf32, #tpu.memory_space<vmem>>[vector<16xi32>, vector<16xi32>], vector<16xf32>,
          %add3A_503 = arith.addf %gather3A_502, %gather3A_477 : vector<16xf32>
          %swap3A_504 = arith.index_cast %scan3A_414 : i32 to index
          %swap3A_505 = arith.index_cast %scan3A_469 : i32 to index
          %swap3A_506 = arith.constant 64 : index
          %swap3A_507 = tpu.vector_load %arg14[%swap3A_504, %swap3A_505, %swap3A_506] {strides = array<i32>} : memref<8x8x128xf32, #tpu.memory_space<vmem>>, vector<16xf32>,
          tpu.vector_store %arg14[%swap3A_504, %swap3A_505, %swap3A_506], %add3A_503 {strides = array<i32>} : memref<8x8x128xf32, #tpu.memory_space<vmem>>, vector<16xf32>,
          %gather3A_508 = tpu.vector_load_idx %arg7[%add3A_476, %get3A_450] : memref<64x1001xf32, #tpu.memory_space<vmem>>[vector<16xi32>, vector<16xi32>], vector<16xf32>,
          %add3A_509 = arith.addf %gather3A_508, %gather3A_477 : vector<16xf32>
          %swap3A_510 = arith.index_cast %scan3A_414 : i32 to index
          %swap3A_511 = arith.index_cast %scan3A_469 : i32 to index
          %swap3A_512 = arith.constant 80 : index
          %swap3A_513 = tpu.vector_load %arg14[%swap3A_510, %swap3A_511, %swap3A_512] {strides = array<i32>} : memref<8x8x128xf32, #tpu.memory_space<vmem>>, vector<16xf32>,
          tpu.vector_store %arg14[%swap3A_510, %swap3A_511, %swap3A_512], %add3A_509 {strides = array<i32>} : memref<8x8x128xf32, #tpu.memory_space<vmem>>, vector<16xf32>,
          %gather3A_514 = tpu.vector_load_idx %arg7[%add3A_476, %get3A_456] : memref<64x1001xf32, #tpu.memory_space<vmem>>[vector<16xi32>, vector<16xi32>], vector<16xf32>,
          %add3A_515 = arith.addf %gather3A_514, %gather3A_477 : vector<16xf32>
          %swap3A_516 = arith.index_cast %scan3A_414 : i32 to index
          %swap3A_517 = arith.index_cast %scan3A_469 : i32 to index
          %swap3A_518 = arith.constant 96 : index
          %swap3A_519 = tpu.vector_load %arg14[%swap3A_516, %swap3A_517, %swap3A_518] {strides = array<i32>} : memref<8x8x128xf32, #tpu.memory_space<vmem>>, vector<16xf32>,
          tpu.vector_store %arg14[%swap3A_516, %swap3A_517, %swap3A_518], %add3A_515 {strides = array<i32>} : memref<8x8x128xf32, #tpu.memory_space<vmem>>, vector<16xf32>,
          %gather3A_520 = tpu.vector_load_idx %arg7[%add3A_476, %get3A_462] : memref<64x1001xf32, #tpu.memory_space<vmem>>[vector<16xi32>, vector<16xi32>], vector<16xf32>,
          %add3A_521 = arith.addf %gather3A_520, %gather3A_477 : vector<16xf32>
          %swap3A_522 = arith.index_cast %scan3A_414 : i32 to index
          %swap3A_523 = arith.index_cast %scan3A_469 : i32 to index
          %swap3A_524 = arith.constant 112 : index
          %swap3A_525 = tpu.vector_load %arg14[%swap3A_522, %swap3A_523, %swap3A_524] {strides = array<i32>} : memref<8x8x128xf32, #tpu.memory_space<vmem>>, vector<16xf32>,
          tpu.vector_store %arg14[%swap3A_522, %swap3A_523, %swap3A_524], %add3A_521 {strides = array<i32>} : memref<8x8x128xf32, #tpu.memory_space<vmem>>, vector<16xf32>,
        }
        %scan3A_468 = arith.constant 8 : i32
      }
      %scan3A_148 = arith.constant 8 : i32
      %dma_start3A_149 = arith.constant 2 : i32
      %dma_start3A_150 = arith.constant 0 : i32
      %dma_start3A_151 = arith.constant 0 : i32
      %dma_start3A_152 = arith.constant 0 : i32
      %dma_start3A_153 = arith.constant 0 : i32
      %dma_start3A_154 = tpu.memref_slice %arg6[%add3A_21, %dma_start3A_150, %dma_start3A_151, %dma_start3A_152, %dma_start3A_153] : memref<1001x8x8x8x128xf32, #tpu.memory_space<hbm>> -> memref<1x8x8x8x128xf32, #tpu.memory_space<hbm>>
      %dma_start3A_155 = tpu.memref_squeeze %dma_start3A_154 : memref<1x8x8x8x128xf32, #tpu.memory_space<hbm>> -> memref<8x8x8x128xf32, #tpu.memory_space<hbm>>
      %dma_start3A_156 = arith.constant 0 : i32
      %dma_start3A_157 = arith.constant 0 : i32
      %dma_start3A_158 = arith.constant 0 : i32
      %dma_start3A_159 = tpu.memref_slice %dma_start3A_155[%dma_start3A_149, %dma_start3A_156, %dma_start3A_157, %dma_start3A_158] : memref<8x8x8x128xf32, #tpu.memory_space<hbm>> -> memref<1x8x8x128xf32, #tpu.memory_space<hbm>>
      %dma_start3A_160 = tpu.memref_squeeze %dma_start3A_159 : memref<1x8x8x128xf32, #tpu.memory_space<hbm>> -> memref<8x8x128xf32, #tpu.memory_space<hbm>>
      %dma_start3A_161 = arith.constant 0 : i32
      %dma_start3A_162 = arith.constant 0 : i32
      %dma_start3A_163 = arith.constant 0 : i32
      %dma_start3A_164 = arith.constant 0 : i32
      %dma_start3A_165 = tpu.memref_slice %arg6[%add3A_21, %dma_start3A_161, %dma_start3A_162, %dma_start3A_163, %dma_start3A_164] : memref<1001x8x8x8x128xf32, #tpu.memory_space<hbm>> -> memref<1x8x8x8x128xf32, #tpu.memory_space<hbm>>
      %dma_start3A_166 = tpu.memref_squeeze %dma_start3A_165 : memref<1x8x8x8x128xf32, #tpu.memory_space<hbm>> -> memref<8x8x8x128xf32, #tpu.memory_space<hbm>>
      %dma_start3A_167 = arith.constant 0 : i32
      %dma_start3A_168 = arith.constant 0 : i32
      %dma_start3A_169 = arith.constant 0 : i32
      %dma_start3A_170 = tpu.memref_slice %dma_start3A_166[%dma_start3A_149, %dma_start3A_167, %dma_start3A_168, %dma_start3A_169] : memref<8x8x8x128xf32, #tpu.memory_space<hbm>> -> memref<1x8x8x128xf32, #tpu.memory_space<hbm>>
      %dma_start3A_171 = tpu.memref_squeeze %dma_start3A_170 : memref<1x8x8x128xf32, #tpu.memory_space<hbm>> -> memref<8x8x128xf32, #tpu.memory_space<hbm>>
      tpu.enqueue_dma source(%arg14 : memref<8x8x128xf32, #tpu.memory_space<vmem>>) target(%dma_start3A_171 : memref<8x8x128xf32, #tpu.memory_space<hbm>>) target_semaphore(%arg18 : memref<!tpu.dma_semaphore, #tpu.memory_space<semaphore_mem>>)
      %gt3A_172 = arith.constant 0 : i32
      %gt3A_173 = arith.cmpi sgt, %while3A_20, %gt3A_172 : i32
      %convert_element_type3A_174 = arith.extui %gt3A_173 : i1 to i32
      %cond3A_175 = arith.constant 0 : i32
      %cond3A_176 = arith.cmpi ne, %convert_element_type3A_174, %cond3A_175 : i32
      scf.if %cond3A_176 {
        %dma_wait3A_414 = arith.constant 3 : i32
        %dma_wait3A_415 = arith.constant 0 : i32
        %dma_wait3A_416 = arith.constant 0 : i32
        %dma_wait3A_417 = arith.constant 0 : i32
        %dma_wait3A_418 = arith.constant 0 : i32
        %dma_wait3A_419 = tpu.memref_slice %arg6[%add3A_21, %dma_wait3A_415, %dma_wait3A_416, %dma_wait3A_417, %dma_wait3A_418] : memref<1001x8x8x8x128xf32, #tpu.memory_space<hbm>> -> memref<1x8x8x8x128xf32, #tpu.memory_space<hbm>>
        %dma_wait3A_420 = tpu.memref_squeeze %dma_wait3A_419 : memref<1x8x8x8x128xf32, #tpu.memory_space<hbm>> -> memref<8x8x8x128xf32, #tpu.memory_space<hbm>>
        %dma_wait3A_421 = arith.constant 0 : i32
        %dma_wait3A_422 = arith.constant 0 : i32
        %dma_wait3A_423 = arith.constant 0 : i32
        %dma_wait3A_424 = tpu.memref_slice %dma_wait3A_420[%dma_wait3A_414, %dma_wait3A_421, %dma_wait3A_422, %dma_wait3A_423] : memref<8x8x8x128xf32, #tpu.memory_space<hbm>> -> memref<1x8x8x128xf32, #tpu.memory_space<hbm>>
        %dma_wait3A_425 = tpu.memref_squeeze %dma_wait3A_424 : memref<1x8x8x128xf32, #tpu.memory_space<hbm>> -> memref<8x8x128xf32, #tpu.memory_space<hbm>>
        %dma_wait3A_426 = arith.constant 0 : i32
        %dma_wait3A_427 = arith.constant 0 : i32
        %dma_wait3A_428 = arith.constant 0 : i32
        %dma_wait3A_429 = arith.constant 0 : i32
        %dma_wait3A_430 = tpu.memref_slice %arg6[%add3A_21, %dma_wait3A_426, %dma_wait3A_427, %dma_wait3A_428, %dma_wait3A_429] : memref<1001x8x8x8x128xf32, #tpu.memory_space<hbm>> -> memref<1x8x8x8x128xf32, #tpu.memory_space<hbm>>
        %dma_wait3A_431 = tpu.memref_squeeze %dma_wait3A_430 : memref<1x8x8x8x128xf32, #tpu.memory_space<hbm>> -> memref<8x8x8x128xf32, #tpu.memory_space<hbm>>
        %dma_wait3A_432 = arith.constant 0 : i32
        %dma_wait3A_433 = arith.constant 0 : i32
        %dma_wait3A_434 = arith.constant 0 : i32
        %dma_wait3A_435 = tpu.memref_slice %dma_wait3A_431[%dma_wait3A_414, %dma_wait3A_432, %dma_wait3A_433, %dma_wait3A_434] : memref<8x8x8x128xf32, #tpu.memory_space<hbm>> -> memref<1x8x8x128xf32, #tpu.memory_space<hbm>>
        %dma_wait3A_436 = tpu.memref_squeeze %dma_wait3A_435 : memref<1x8x8x128xf32, #tpu.memory_space<hbm>> -> memref<8x8x128xf32, #tpu.memory_space<hbm>>
        tpu.wait_dma2 semaphore(%arg19 : memref<!tpu.dma_semaphore, #tpu.memory_space<semaphore_mem>>) src(%dma_wait3A_436 : memref<8x8x128xf32, #tpu.memory_space<hbm>>) dst(%arg15 : memref<8x8x128xf32, #tpu.memory_space<vmem>>)
      } else {
      }
      %scan3A_177 = arith.constant 0 : i32
      %scan3A_178 = arith.constant 0 : i32
      %scan3A_179 = arith.constant 8 : i32
      %scan3A_180 = arith.addi %scan3A_178, %scan3A_179 : i32
      %scan3A_181 = arith.constant 1 : i32
      scf.for %scan3A_414 = %scan3A_178 to %scan3A_180 step %scan3A_181  : i32 {
        %mul3A_415 = arith.constant 128 : i32
        %mul3A_416 = arith.muli %scan3A_414, %mul3A_415 : i32
        %add3A_417 = arith.constant 0 : i32
        %add3A_418 = arith.addi %mul3A_416, %add3A_417 : i32
        %get3A_419 = arith.index_cast %add3A_418 : i32 to index
        %get3A_420 = tpu.vector_load %arg10[%get3A_419] {strides = array<i32>} : memref<1024xi32, #tpu.memory_space<vmem>>, vector<16xi32>,
        %mul3A_421 = arith.constant 128 : i32
        %mul3A_422 = arith.muli %scan3A_414, %mul3A_421 : i32
        %add3A_423 = arith.constant 16 : i32
        %add3A_424 = arith.addi %mul3A_422, %add3A_423 : i32
        %get3A_425 = arith.index_cast %add3A_424 : i32 to index
        %get3A_426 = tpu.vector_load %arg10[%get3A_425] {strides = array<i32>} : memref<1024xi32, #tpu.memory_space<vmem>>, vector<16xi32>,
        %mul3A_427 = arith.constant 128 : i32
        %mul3A_428 = arith.muli %scan3A_414, %mul3A_427 : i32
        %add3A_429 = arith.constant 32 : i32
        %add3A_430 = arith.addi %mul3A_428, %add3A_429 : i32
        %get3A_431 = arith.index_cast %add3A_430 : i32 to index
        %get3A_432 = tpu.vector_load %arg10[%get3A_431] {strides = array<i32>} : memref<1024xi32, #tpu.memory_space<vmem>>, vector<16xi32>,
        %mul3A_433 = arith.constant 128 : i32
        %mul3A_434 = arith.muli %scan3A_414, %mul3A_433 : i32
        %add3A_435 = arith.constant 48 : i32
        %add3A_436 = arith.addi %mul3A_434, %add3A_435 : i32
        %get3A_437 = arith.index_cast %add3A_436 : i32 to index
        %get3A_438 = tpu.vector_load %arg10[%get3A_437] {strides = array<i32>} : memref<1024xi32, #tpu.memory_space<vmem>>, vector<16xi32>,
        %mul3A_439 = arith.constant 128 : i32
        %mul3A_440 = arith.muli %scan3A_414, %mul3A_439 : i32
        %add3A_441 = arith.constant 64 : i32
        %add3A_442 = arith.addi %mul3A_440, %add3A_441 : i32
        %get3A_443 = arith.index_cast %add3A_442 : i32 to index
        %get3A_444 = tpu.vector_load %arg10[%get3A_443] {strides = array<i32>} : memref<1024xi32, #tpu.memory_space<vmem>>, vector<16xi32>,
        %mul3A_445 = arith.constant 128 : i32
        %mul3A_446 = arith.muli %scan3A_414, %mul3A_445 : i32
        %add3A_447 = arith.constant 80 : i32
        %add3A_448 = arith.addi %mul3A_446, %add3A_447 : i32
        %get3A_449 = arith.index_cast %add3A_448 : i32 to index
        %get3A_450 = tpu.vector_load %arg10[%get3A_449] {strides = array<i32>} : memref<1024xi32, #tpu.memory_space<vmem>>, vector<16xi32>,
        %mul3A_451 = arith.constant 128 : i32
        %mul3A_452 = arith.muli %scan3A_414, %mul3A_451 : i32
        %add3A_453 = arith.constant 96 : i32
        %add3A_454 = arith.addi %mul3A_452, %add3A_453 : i32
        %get3A_455 = arith.index_cast %add3A_454 : i32 to index
        %get3A_456 = tpu.vector_load %arg10[%get3A_455] {strides = array<i32>} : memref<1024xi32, #tpu.memory_space<vmem>>, vector<16xi32>,
        %mul3A_457 = arith.constant 128 : i32
        %mul3A_458 = arith.muli %scan3A_414, %mul3A_457 : i32
        %add3A_459 = arith.constant 112 : i32
        %add3A_460 = arith.addi %mul3A_458, %add3A_459 : i32
        %get3A_461 = arith.index_cast %add3A_460 : i32 to index
        %get3A_462 = tpu.vector_load %arg10[%get3A_461] {strides = array<i32>} : memref<1024xi32, #tpu.memory_space<vmem>>, vector<16xi32>,
        %scan3A_463 = arith.constant 0 : i32
        %scan3A_464 = arith.constant 0 : i32
        %scan3A_465 = arith.constant 8 : i32
        %scan3A_466 = arith.addi %scan3A_464, %scan3A_465 : i32
        %scan3A_467 = arith.constant 1 : i32
        scf.for %scan3A_469 = %scan3A_464 to %scan3A_466 step %scan3A_467  : i32 {
          %mul3A_470 = arith.constant 0 : i32
          %mul3A_471 = vector.broadcast %mul3A_470 : i32 to vector<16xi32>
          %mul3A_472 = arith.muli %iota3A, %mul3A_471 : vector<16xi32>
          %add3A_473 = arith.constant 24 : i32
          %add3A_474 = arith.addi %add3A_473, %scan3A_469 : i32
          %add3A_475 = vector.broadcast %add3A_474 : i32 to vector<16xi32>
          %add3A_476 = arith.addi %mul3A_472, %add3A_475 : vector<16xi32>
          %gather3A_477 = tpu.vector_load_idx %arg9[%add3A_476] : memref<64xf32, #tpu.memory_space<vmem>>[vector<16xi32>], vector<16xf32>,
          %gather3A_478 = tpu.vector_load_idx %arg7[%add3A_476, %get3A_420] : memref<64x1001xf32, #tpu.memory_space<vmem>>[vector<16xi32>, vector<16xi32>], vector<16xf32>,
          %add3A_479 = arith.addf %gather3A_478, %gather3A_477 : vector<16xf32>
          %swap3A_480 = arith.index_cast %scan3A_414 : i32 to index
          %swap3A_481 = arith.index_cast %scan3A_469 : i32 to index
          %swap3A_482 = arith.constant 0 : index
          %swap3A_483 = tpu.vector_load %arg15[%swap3A_480, %swap3A_481, %swap3A_482] {strides = array<i32>} : memref<8x8x128xf32, #tpu.memory_space<vmem>>, vector<16xf32>,
          tpu.vector_store %arg15[%swap3A_480, %swap3A_481, %swap3A_482], %add3A_479 {strides = array<i32>} : memref<8x8x128xf32, #tpu.memory_space<vmem>>, vector<16xf32>,
          %gather3A_484 = tpu.vector_load_idx %arg7[%add3A_476, %get3A_426] : memref<64x1001xf32, #tpu.memory_space<vmem>>[vector<16xi32>, vector<16xi32>], vector<16xf32>,
          %add3A_485 = arith.addf %gather3A_484, %gather3A_477 : vector<16xf32>
          %swap3A_486 = arith.index_cast %scan3A_414 : i32 to index
          %swap3A_487 = arith.index_cast %scan3A_469 : i32 to index
          %swap3A_488 = arith.constant 16 : index
          %swap3A_489 = tpu.vector_load %arg15[%swap3A_486, %swap3A_487, %swap3A_488] {strides = array<i32>} : memref<8x8x128xf32, #tpu.memory_space<vmem>>, vector<16xf32>,
          tpu.vector_store %arg15[%swap3A_486, %swap3A_487, %swap3A_488], %add3A_485 {strides = array<i32>} : memref<8x8x128xf32, #tpu.memory_space<vmem>>, vector<16xf32>,
          %gather3A_490 = tpu.vector_load_idx %arg7[%add3A_476, %get3A_432] : memref<64x1001xf32, #tpu.memory_space<vmem>>[vector<16xi32>, vector<16xi32>], vector<16xf32>,
          %add3A_491 = arith.addf %gather3A_490, %gather3A_477 : vector<16xf32>
          %swap3A_492 = arith.index_cast %scan3A_414 : i32 to index
          %swap3A_493 = arith.index_cast %scan3A_469 : i32 to index
          %swap3A_494 = arith.constant 32 : index
          %swap3A_495 = tpu.vector_load %arg15[%swap3A_492, %swap3A_493, %swap3A_494] {strides = array<i32>} : memref<8x8x128xf32, #tpu.memory_space<vmem>>, vector<16xf32>,
          tpu.vector_store %arg15[%swap3A_492, %swap3A_493, %swap3A_494], %add3A_491 {strides = array<i32>} : memref<8x8x128xf32, #tpu.memory_space<vmem>>, vector<16xf32>,
          %gather3A_496 = tpu.vector_load_idx %arg7[%add3A_476, %get3A_438] : memref<64x1001xf32, #tpu.memory_space<vmem>>[vector<16xi32>, vector<16xi32>], vector<16xf32>,
          %add3A_497 = arith.addf %gather3A_496, %gather3A_477 : vector<16xf32>
          %swap3A_498 = arith.index_cast %scan3A_414 : i32 to index
          %swap3A_499 = arith.index_cast %scan3A_469 : i32 to index
          %swap3A_500 = arith.constant 48 : index
          %swap3A_501 = tpu.vector_load %arg15[%swap3A_498, %swap3A_499, %swap3A_500] {strides = array<i32>} : memref<8x8x128xf32, #tpu.memory_space<vmem>>, vector<16xf32>,
          tpu.vector_store %arg15[%swap3A_498, %swap3A_499, %swap3A_500], %add3A_497 {strides = array<i32>} : memref<8x8x128xf32, #tpu.memory_space<vmem>>, vector<16xf32>,
          %gather3A_502 = tpu.vector_load_idx %arg7[%add3A_476, %get3A_444] : memref<64x1001xf32, #tpu.memory_space<vmem>>[vector<16xi32>, vector<16xi32>], vector<16xf32>,
          %add3A_503 = arith.addf %gather3A_502, %gather3A_477 : vector<16xf32>
          %swap3A_504 = arith.index_cast %scan3A_414 : i32 to index
          %swap3A_505 = arith.index_cast %scan3A_469 : i32 to index
          %swap3A_506 = arith.constant 64 : index
          %swap3A_507 = tpu.vector_load %arg15[%swap3A_504, %swap3A_505, %swap3A_506] {strides = array<i32>} : memref<8x8x128xf32, #tpu.memory_space<vmem>>, vector<16xf32>,
          tpu.vector_store %arg15[%swap3A_504, %swap3A_505, %swap3A_506], %add3A_503 {strides = array<i32>} : memref<8x8x128xf32, #tpu.memory_space<vmem>>, vector<16xf32>,
          %gather3A_508 = tpu.vector_load_idx %arg7[%add3A_476, %get3A_450] : memref<64x1001xf32, #tpu.memory_space<vmem>>[vector<16xi32>, vector<16xi32>], vector<16xf32>,
          %add3A_509 = arith.addf %gather3A_508, %gather3A_477 : vector<16xf32>
          %swap3A_510 = arith.index_cast %scan3A_414 : i32 to index
          %swap3A_511 = arith.index_cast %scan3A_469 : i32 to index
          %swap3A_512 = arith.constant 80 : index
          %swap3A_513 = tpu.vector_load %arg15[%swap3A_510, %swap3A_511, %swap3A_512] {strides = array<i32>} : memref<8x8x128xf32, #tpu.memory_space<vmem>>, vector<16xf32>,
          tpu.vector_store %arg15[%swap3A_510, %swap3A_511, %swap3A_512], %add3A_509 {strides = array<i32>} : memref<8x8x128xf32, #tpu.memory_space<vmem>>, vector<16xf32>,
          %gather3A_514 = tpu.vector_load_idx %arg7[%add3A_476, %get3A_456] : memref<64x1001xf32, #tpu.memory_space<vmem>>[vector<16xi32>, vector<16xi32>], vector<16xf32>,
          %add3A_515 = arith.addf %gather3A_514, %gather3A_477 : vector<16xf32>
          %swap3A_516 = arith.index_cast %scan3A_414 : i32 to index
          %swap3A_517 = arith.index_cast %scan3A_469 : i32 to index
          %swap3A_518 = arith.constant 96 : index
          %swap3A_519 = tpu.vector_load %arg15[%swap3A_516, %swap3A_517, %swap3A_518] {strides = array<i32>} : memref<8x8x128xf32, #tpu.memory_space<vmem>>, vector<16xf32>,
          tpu.vector_store %arg15[%swap3A_516, %swap3A_517, %swap3A_518], %add3A_515 {strides = array<i32>} : memref<8x8x128xf32, #tpu.memory_space<vmem>>, vector<16xf32>,
          %gather3A_520 = tpu.vector_load_idx %arg7[%add3A_476, %get3A_462] : memref<64x1001xf32, #tpu.memory_space<vmem>>[vector<16xi32>, vector<16xi32>], vector<16xf32>,
          %add3A_521 = arith.addf %gather3A_520, %gather3A_477 : vector<16xf32>
          %swap3A_522 = arith.index_cast %scan3A_414 : i32 to index
          %swap3A_523 = arith.index_cast %scan3A_469 : i32 to index
          %swap3A_524 = arith.constant 112 : index
          %swap3A_525 = tpu.vector_load %arg15[%swap3A_522, %swap3A_523, %swap3A_524] {strides = array<i32>} : memref<8x8x128xf32, #tpu.memory_space<vmem>>, vector<16xf32>,
          tpu.vector_store %arg15[%swap3A_522, %swap3A_523, %swap3A_524], %add3A_521 {strides = array<i32>} : memref<8x8x128xf32, #tpu.memory_space<vmem>>, vector<16xf32>,
        }
        %scan3A_468 = arith.constant 8 : i32
      }
      %scan3A_182 = arith.constant 8 : i32
      %dma_start3A_183 = arith.constant 3 : i32
      %dma_start3A_184 = arith.constant 0 : i32
      %dma_start3A_185 = arith.constant 0 : i32
      %dma_start3A_186 = arith.constant 0 : i32
      %dma_start3A_187 = arith.constant 0 : i32
      %dma_start3A_188 = tpu.memref_slice %arg6[%add3A_21, %dma_start3A_184, %dma_start3A_185, %dma_start3A_186, %dma_start3A_187] : memref<1001x8x8x8x128xf32, #tpu.memory_space<hbm>> -> memref<1x8x8x8x128xf32, #tpu.memory_space<hbm>>
      %dma_start3A_189 = tpu.memref_squeeze %dma_start3A_188 : memref<1x8x8x8x128xf32, #tpu.memory_space<hbm>> -> memref<8x8x8x128xf32, #tpu.memory_space<hbm>>
      %dma_start3A_190 = arith.constant 0 : i32
      %dma_start3A_191 = arith.constant 0 : i32
      %dma_start3A_192 = arith.constant 0 : i32
      %dma_start3A_193 = tpu.memref_slice %dma_start3A_189[%dma_start3A_183, %dma_start3A_190, %dma_start3A_191, %dma_start3A_192] : memref<8x8x8x128xf32, #tpu.memory_space<hbm>> -> memref<1x8x8x128xf32, #tpu.memory_space<hbm>>
      %dma_start3A_194 = tpu.memref_squeeze %dma_start3A_193 : memref<1x8x8x128xf32, #tpu.memory_space<hbm>> -> memref<8x8x128xf32, #tpu.memory_space<hbm>>
      %dma_start3A_195 = arith.constant 0 : i32
      %dma_start3A_196 = arith.constant 0 : i32
      %dma_start3A_197 = arith.constant 0 : i32
      %dma_start3A_198 = arith.constant 0 : i32
      %dma_start3A_199 = tpu.memref_slice %arg6[%add3A_21, %dma_start3A_195, %dma_start3A_196, %dma_start3A_197, %dma_start3A_198] : memref<1001x8x8x8x128xf32, #tpu.memory_space<hbm>> -> memref<1x8x8x8x128xf32, #tpu.memory_space<hbm>>
      %dma_start3A_200 = tpu.memref_squeeze %dma_start3A_199 : memref<1x8x8x8x128xf32, #tpu.memory_space<hbm>> -> memref<8x8x8x128xf32, #tpu.memory_space<hbm>>
      %dma_start3A_201 = arith.constant 0 : i32
      %dma_start3A_202 = arith.constant 0 : i32
      %dma_start3A_203 = arith.constant 0 : i32
      %dma_start3A_204 = tpu.memref_slice %dma_start3A_200[%dma_start3A_183, %dma_start3A_201, %dma_start3A_202, %dma_start3A_203] : memref<8x8x8x128xf32, #tpu.memory_space<hbm>> -> memref<1x8x8x128xf32, #tpu.memory_space<hbm>>
      %dma_start3A_205 = tpu.memref_squeeze %dma_start3A_204 : memref<1x8x8x128xf32, #tpu.memory_space<hbm>> -> memref<8x8x128xf32, #tpu.memory_space<hbm>>
      tpu.enqueue_dma source(%arg15 : memref<8x8x128xf32, #tpu.memory_space<vmem>>) target(%dma_start3A_205 : memref<8x8x128xf32, #tpu.memory_space<hbm>>) target_semaphore(%arg19 : memref<!tpu.dma_semaphore, #tpu.memory_space<semaphore_mem>>)
      %dma_wait3A_206 = arith.constant 0 : i32
      %dma_wait3A_207 = arith.constant 0 : i32
      %dma_wait3A_208 = arith.constant 0 : i32
      %dma_wait3A_209 = arith.constant 0 : i32
      %dma_wait3A_210 = arith.constant 0 : i32
      %dma_wait3A_211 = tpu.memref_slice %arg6[%add3A_21, %dma_wait3A_207, %dma_wait3A_208, %dma_wait3A_209, %dma_wait3A_210] : memref<1001x8x8x8x128xf32, #tpu.memory_space<hbm>> -> memref<1x8x8x8x128xf32, #tpu.memory_space<hbm>>
      %dma_wait3A_212 = tpu.memref_squeeze %dma_wait3A_211 : memref<1x8x8x8x128xf32, #tpu.memory_space<hbm>> -> memref<8x8x8x128xf32, #tpu.memory_space<hbm>>
      %dma_wait3A_213 = arith.constant 0 : i32
      %dma_wait3A_214 = arith.constant 0 : i32
      %dma_wait3A_215 = arith.constant 0 : i32
      %dma_wait3A_216 = tpu.memref_slice %dma_wait3A_212[%dma_wait3A_206, %dma_wait3A_213, %dma_wait3A_214, %dma_wait3A_215] : memref<8x8x8x128xf32, #tpu.memory_space<hbm>> -> memref<1x8x8x128xf32, #tpu.memory_space<hbm>>
      %dma_wait3A_217 = tpu.memref_squeeze %dma_wait3A_216 : memref<1x8x8x128xf32, #tpu.memory_space<hbm>> -> memref<8x8x128xf32, #tpu.memory_space<hbm>>
      %dma_wait3A_218 = arith.constant 0 : i32
      %dma_wait3A_219 = arith.constant 0 : i32
      %dma_wait3A_220 = arith.constant 0 : i32
      %dma_wait3A_221 = arith.constant 0 : i32
      %dma_wait3A_222 = tpu.memref_slice %arg6[%add3A_21, %dma_wait3A_218, %dma_wait3A_219, %dma_wait3A_220, %dma_wait3A_221] : memref<1001x8x8x8x128xf32, #tpu.memory_space<hbm>> -> memref<1x8x8x8x128xf32, #tpu.memory_space<hbm>>
      %dma_wait3A_223 = tpu.memref_squeeze %dma_wait3A_222 : memref<1x8x8x8x128xf32, #tpu.memory_space<hbm>> -> memref<8x8x8x128xf32, #tpu.memory_space<hbm>>
      %dma_wait3A_224 = arith.constant 0 : i32
      %dma_wait3A_225 = arith.constant 0 : i32
      %dma_wait3A_226 = arith.constant 0 : i32
      %dma_wait3A_227 = tpu.memref_slice %dma_wait3A_223[%dma_wait3A_206, %dma_wait3A_224, %dma_wait3A_225, %dma_wait3A_226] : memref<8x8x8x128xf32, #tpu.memory_space<hbm>> -> memref<1x8x8x128xf32, #tpu.memory_space<hbm>>
      %dma_wait3A_228 = tpu.memref_squeeze %dma_wait3A_227 : memref<1x8x8x128xf32, #tpu.memory_space<hbm>> -> memref<8x8x128xf32, #tpu.memory_space<hbm>>
      tpu.wait_dma2 semaphore(%arg16 : memref<!tpu.dma_semaphore, #tpu.memory_space<semaphore_mem>>) src(%dma_wait3A_228 : memref<8x8x128xf32, #tpu.memory_space<hbm>>) dst(%arg12 : memref<8x8x128xf32, #tpu.memory_space<vmem>>)
      %scan3A_229 = arith.constant 0 : i32
      %scan3A_230 = arith.constant 0 : i32
      %scan3A_231 = arith.constant 8 : i32
      %scan3A_232 = arith.addi %scan3A_230, %scan3A_231 : i32
      %scan3A_233 = arith.constant 1 : i32
      scf.for %scan3A_414 = %scan3A_230 to %scan3A_232 step %scan3A_233  : i32 {
        %mul3A_415 = arith.constant 128 : i32
        %mul3A_416 = arith.muli %scan3A_414, %mul3A_415 : i32
        %add3A_417 = arith.constant 0 : i32
        %add3A_418 = arith.addi %mul3A_416, %add3A_417 : i32
        %get3A_419 = arith.index_cast %add3A_418 : i32 to index
        %get3A_420 = tpu.vector_load %arg10[%get3A_419] {strides = array<i32>} : memref<1024xi32, #tpu.memory_space<vmem>>, vector<16xi32>,
        %mul3A_421 = arith.constant 128 : i32
        %mul3A_422 = arith.muli %scan3A_414, %mul3A_421 : i32
        %add3A_423 = arith.constant 16 : i32
        %add3A_424 = arith.addi %mul3A_422, %add3A_423 : i32
        %get3A_425 = arith.index_cast %add3A_424 : i32 to index
        %get3A_426 = tpu.vector_load %arg10[%get3A_425] {strides = array<i32>} : memref<1024xi32, #tpu.memory_space<vmem>>, vector<16xi32>,
        %mul3A_427 = arith.constant 128 : i32
        %mul3A_428 = arith.muli %scan3A_414, %mul3A_427 : i32
        %add3A_429 = arith.constant 32 : i32
        %add3A_430 = arith.addi %mul3A_428, %add3A_429 : i32
        %get3A_431 = arith.index_cast %add3A_430 : i32 to index
        %get3A_432 = tpu.vector_load %arg10[%get3A_431] {strides = array<i32>} : memref<1024xi32, #tpu.memory_space<vmem>>, vector<16xi32>,
        %mul3A_433 = arith.constant 128 : i32
        %mul3A_434 = arith.muli %scan3A_414, %mul3A_433 : i32
        %add3A_435 = arith.constant 48 : i32
        %add3A_436 = arith.addi %mul3A_434, %add3A_435 : i32
        %get3A_437 = arith.index_cast %add3A_436 : i32 to index
        %get3A_438 = tpu.vector_load %arg10[%get3A_437] {strides = array<i32>} : memref<1024xi32, #tpu.memory_space<vmem>>, vector<16xi32>,
        %mul3A_439 = arith.constant 128 : i32
        %mul3A_440 = arith.muli %scan3A_414, %mul3A_439 : i32
        %add3A_441 = arith.constant 64 : i32
        %add3A_442 = arith.addi %mul3A_440, %add3A_441 : i32
        %get3A_443 = arith.index_cast %add3A_442 : i32 to index
        %get3A_444 = tpu.vector_load %arg10[%get3A_443] {strides = array<i32>} : memref<1024xi32, #tpu.memory_space<vmem>>, vector<16xi32>,
        %mul3A_445 = arith.constant 128 : i32
        %mul3A_446 = arith.muli %scan3A_414, %mul3A_445 : i32
        %add3A_447 = arith.constant 80 : i32
        %add3A_448 = arith.addi %mul3A_446, %add3A_447 : i32
        %get3A_449 = arith.index_cast %add3A_448 : i32 to index
        %get3A_450 = tpu.vector_load %arg10[%get3A_449] {strides = array<i32>} : memref<1024xi32, #tpu.memory_space<vmem>>, vector<16xi32>,
        %mul3A_451 = arith.constant 128 : i32
        %mul3A_452 = arith.muli %scan3A_414, %mul3A_451 : i32
        %add3A_453 = arith.constant 96 : i32
        %add3A_454 = arith.addi %mul3A_452, %add3A_453 : i32
        %get3A_455 = arith.index_cast %add3A_454 : i32 to index
        %get3A_456 = tpu.vector_load %arg10[%get3A_455] {strides = array<i32>} : memref<1024xi32, #tpu.memory_space<vmem>>, vector<16xi32>,
        %mul3A_457 = arith.constant 128 : i32
        %mul3A_458 = arith.muli %scan3A_414, %mul3A_457 : i32
        %add3A_459 = arith.constant 112 : i32
        %add3A_460 = arith.addi %mul3A_458, %add3A_459 : i32
        %get3A_461 = arith.index_cast %add3A_460 : i32 to index
        %get3A_462 = tpu.vector_load %arg10[%get3A_461] {strides = array<i32>} : memref<1024xi32, #tpu.memory_space<vmem>>, vector<16xi32>,
        %scan3A_463 = arith.constant 0 : i32
        %scan3A_464 = arith.constant 0 : i32
        %scan3A_465 = arith.constant 8 : i32
        %scan3A_466 = arith.addi %scan3A_464, %scan3A_465 : i32
        %scan3A_467 = arith.constant 1 : i32
        scf.for %scan3A_469 = %scan3A_464 to %scan3A_466 step %scan3A_467  : i32 {
          %mul3A_470 = arith.constant 0 : i32
          %mul3A_471 = vector.broadcast %mul3A_470 : i32 to vector<16xi32>
          %mul3A_472 = arith.muli %iota3A, %mul3A_471 : vector<16xi32>
          %add3A_473 = arith.constant 32 : i32
          %add3A_474 = arith.addi %add3A_473, %scan3A_469 : i32
          %add3A_475 = vector.broadcast %add3A_474 : i32 to vector<16xi32>
          %add3A_476 = arith.addi %mul3A_472, %add3A_475 : vector<16xi32>
          %gather3A_477 = tpu.vector_load_idx %arg9[%add3A_476] : memref<64xf32, #tpu.memory_space<vmem>>[vector<16xi32>], vector<16xf32>,
          %gather3A_478 = tpu.vector_load_idx %arg7[%add3A_476, %get3A_420] : memref<64x1001xf32, #tpu.memory_space<vmem>>[vector<16xi32>, vector<16xi32>], vector<16xf32>,
          %add3A_479 = arith.addf %gather3A_478, %gather3A_477 : vector<16xf32>
          %swap3A_480 = arith.index_cast %scan3A_414 : i32 to index
          %swap3A_481 = arith.index_cast %scan3A_469 : i32 to index
          %swap3A_482 = arith.constant 0 : index
          %swap3A_483 = tpu.vector_load %arg12[%swap3A_480, %swap3A_481, %swap3A_482] {strides = array<i32>} : memref<8x8x128xf32, #tpu.memory_space<vmem>>, vector<16xf32>,
          tpu.vector_store %arg12[%swap3A_480, %swap3A_481, %swap3A_482], %add3A_479 {strides = array<i32>} : memref<8x8x128xf32, #tpu.memory_space<vmem>>, vector<16xf32>,
          %gather3A_484 = tpu.vector_load_idx %arg7[%add3A_476, %get3A_426] : memref<64x1001xf32, #tpu.memory_space<vmem>>[vector<16xi32>, vector<16xi32>], vector<16xf32>,
          %add3A_485 = arith.addf %gather3A_484, %gather3A_477 : vector<16xf32>
          %swap3A_486 = arith.index_cast %scan3A_414 : i32 to index
          %swap3A_487 = arith.index_cast %scan3A_469 : i32 to index
          %swap3A_488 = arith.constant 16 : index
          %swap3A_489 = tpu.vector_load %arg12[%swap3A_486, %swap3A_487, %swap3A_488] {strides = array<i32>} : memref<8x8x128xf32, #tpu.memory_space<vmem>>, vector<16xf32>,
          tpu.vector_store %arg12[%swap3A_486, %swap3A_487, %swap3A_488], %add3A_485 {strides = array<i32>} : memref<8x8x128xf32, #tpu.memory_space<vmem>>, vector<16xf32>,
          %gather3A_490 = tpu.vector_load_idx %arg7[%add3A_476, %get3A_432] : memref<64x1001xf32, #tpu.memory_space<vmem>>[vector<16xi32>, vector<16xi32>], vector<16xf32>,
          %add3A_491 = arith.addf %gather3A_490, %gather3A_477 : vector<16xf32>
          %swap3A_492 = arith.index_cast %scan3A_414 : i32 to index
          %swap3A_493 = arith.index_cast %scan3A_469 : i32 to index
          %swap3A_494 = arith.constant 32 : index
          %swap3A_495 = tpu.vector_load %arg12[%swap3A_492, %swap3A_493, %swap3A_494] {strides = array<i32>} : memref<8x8x128xf32, #tpu.memory_space<vmem>>, vector<16xf32>,
          tpu.vector_store %arg12[%swap3A_492, %swap3A_493, %swap3A_494], %add3A_491 {strides = array<i32>} : memref<8x8x128xf32, #tpu.memory_space<vmem>>, vector<16xf32>,
          %gather3A_496 = tpu.vector_load_idx %arg7[%add3A_476, %get3A_438] : memref<64x1001xf32, #tpu.memory_space<vmem>>[vector<16xi32>, vector<16xi32>], vector<16xf32>,
          %add3A_497 = arith.addf %gather3A_496, %gather3A_477 : vector<16xf32>
          %swap3A_498 = arith.index_cast %scan3A_414 : i32 to index
          %swap3A_499 = arith.index_cast %scan3A_469 : i32 to index
          %swap3A_500 = arith.constant 48 : index
          %swap3A_501 = tpu.vector_load %arg12[%swap3A_498, %swap3A_499, %swap3A_500] {strides = array<i32>} : memref<8x8x128xf32, #tpu.memory_space<vmem>>, vector<16xf32>,
          tpu.vector_store %arg12[%swap3A_498, %swap3A_499, %swap3A_500], %add3A_497 {strides = array<i32>} : memref<8x8x128xf32, #tpu.memory_space<vmem>>, vector<16xf32>,
          %gather3A_502 = tpu.vector_load_idx %arg7[%add3A_476, %get3A_444] : memref<64x1001xf32, #tpu.memory_space<vmem>>[vector<16xi32>, vector<16xi32>], vector<16xf32>,
          %add3A_503 = arith.addf %gather3A_502, %gather3A_477 : vector<16xf32>
          %swap3A_504 = arith.index_cast %scan3A_414 : i32 to index
          %swap3A_505 = arith.index_cast %scan3A_469 : i32 to index
          %swap3A_506 = arith.constant 64 : index
          %swap3A_507 = tpu.vector_load %arg12[%swap3A_504, %swap3A_505, %swap3A_506] {strides = array<i32>} : memref<8x8x128xf32, #tpu.memory_space<vmem>>, vector<16xf32>,
          tpu.vector_store %arg12[%swap3A_504, %swap3A_505, %swap3A_506], %add3A_503 {strides = array<i32>} : memref<8x8x128xf32, #tpu.memory_space<vmem>>, vector<16xf32>,
          %gather3A_508 = tpu.vector_load_idx %arg7[%add3A_476, %get3A_450] : memref<64x1001xf32, #tpu.memory_space<vmem>>[vector<16xi32>, vector<16xi32>], vector<16xf32>,
          %add3A_509 = arith.addf %gather3A_508, %gather3A_477 : vector<16xf32>
          %swap3A_510 = arith.index_cast %scan3A_414 : i32 to index
          %swap3A_511 = arith.index_cast %scan3A_469 : i32 to index
          %swap3A_512 = arith.constant 80 : index
          %swap3A_513 = tpu.vector_load %arg12[%swap3A_510, %swap3A_511, %swap3A_512] {strides = array<i32>} : memref<8x8x128xf32, #tpu.memory_space<vmem>>, vector<16xf32>,
          tpu.vector_store %arg12[%swap3A_510, %swap3A_511, %swap3A_512], %add3A_509 {strides = array<i32>} : memref<8x8x128xf32, #tpu.memory_space<vmem>>, vector<16xf32>,
          %gather3A_514 = tpu.vector_load_idx %arg7[%add3A_476, %get3A_456] : memref<64x1001xf32, #tpu.memory_space<vmem>>[vector<16xi32>, vector<16xi32>], vector<16xf32>,
          %add3A_515 = arith.addf %gather3A_514, %gather3A_477 : vector<16xf32>
          %swap3A_516 = arith.index_cast %scan3A_414 : i32 to index
          %swap3A_517 = arith.index_cast %scan3A_469 : i32 to index
          %swap3A_518 = arith.constant 96 : index
          %swap3A_519 = tpu.vector_load %arg12[%swap3A_516, %swap3A_517, %swap3A_518] {strides = array<i32>} : memref<8x8x128xf32, #tpu.memory_space<vmem>>, vector<16xf32>,
          tpu.vector_store %arg12[%swap3A_516, %swap3A_517, %swap3A_518], %add3A_515 {strides = array<i32>} : memref<8x8x128xf32, #tpu.memory_space<vmem>>, vector<16xf32>,
          %gather3A_520 = tpu.vector_load_idx %arg7[%add3A_476, %get3A_462] : memref<64x1001xf32, #tpu.memory_space<vmem>>[vector<16xi32>, vector<16xi32>], vector<16xf32>,
          %add3A_521 = arith.addf %gather3A_520, %gather3A_477 : vector<16xf32>
          %swap3A_522 = arith.index_cast %scan3A_414 : i32 to index
          %swap3A_523 = arith.index_cast %scan3A_469 : i32 to index
          %swap3A_524 = arith.constant 112 : index
          %swap3A_525 = tpu.vector_load %arg12[%swap3A_522, %swap3A_523, %swap3A_524] {strides = array<i32>} : memref<8x8x128xf32, #tpu.memory_space<vmem>>, vector<16xf32>,
          tpu.vector_store %arg12[%swap3A_522, %swap3A_523, %swap3A_524], %add3A_521 {strides = array<i32>} : memref<8x8x128xf32, #tpu.memory_space<vmem>>, vector<16xf32>,
        }
        %scan3A_468 = arith.constant 8 : i32
      }
      %scan3A_234 = arith.constant 8 : i32
      %dma_start3A_235 = arith.constant 4 : i32
      %dma_start3A_236 = arith.constant 0 : i32
      %dma_start3A_237 = arith.constant 0 : i32
      %dma_start3A_238 = arith.constant 0 : i32
      %dma_start3A_239 = arith.constant 0 : i32
      %dma_start3A_240 = tpu.memref_slice %arg6[%add3A_21, %dma_start3A_236, %dma_start3A_237, %dma_start3A_238, %dma_start3A_239] : memref<1001x8x8x8x128xf32, #tpu.memory_space<hbm>> -> memref<1x8x8x8x128xf32, #tpu.memory_space<hbm>>
      %dma_start3A_241 = tpu.memref_squeeze %dma_start3A_240 : memref<1x8x8x8x128xf32, #tpu.memory_space<hbm>> -> memref<8x8x8x128xf32, #tpu.memory_space<hbm>>
      %dma_start3A_242 = arith.constant 0 : i32
      %dma_start3A_243 = arith.constant 0 : i32
      %dma_start3A_244 = arith.constant 0 : i32
      %dma_start3A_245 = tpu.memref_slice %dma_start3A_241[%dma_start3A_235, %dma_start3A_242, %dma_start3A_243, %dma_start3A_244] : memref<8x8x8x128xf32, #tpu.memory_space<hbm>> -> memref<1x8x8x128xf32, #tpu.memory_space<hbm>>
      %dma_start3A_246 = tpu.memref_squeeze %dma_start3A_245 : memref<1x8x8x128xf32, #tpu.memory_space<hbm>> -> memref<8x8x128xf32, #tpu.memory_space<hbm>>
      %dma_start3A_247 = arith.constant 0 : i32
      %dma_start3A_248 = arith.constant 0 : i32
      %dma_start3A_249 = arith.constant 0 : i32
      %dma_start3A_250 = arith.constant 0 : i32
      %dma_start3A_251 = tpu.memref_slice %arg6[%add3A_21, %dma_start3A_247, %dma_start3A_248, %dma_start3A_249, %dma_start3A_250] : memref<1001x8x8x8x128xf32, #tpu.memory_space<hbm>> -> memref<1x8x8x8x128xf32, #tpu.memory_space<hbm>>
      %dma_start3A_252 = tpu.memref_squeeze %dma_start3A_251 : memref<1x8x8x8x128xf32, #tpu.memory_space<hbm>> -> memref<8x8x8x128xf32, #tpu.memory_space<hbm>>
      %dma_start3A_253 = arith.constant 0 : i32
      %dma_start3A_254 = arith.constant 0 : i32
      %dma_start3A_255 = arith.constant 0 : i32
      %dma_start3A_256 = tpu.memref_slice %dma_start3A_252[%dma_start3A_235, %dma_start3A_253, %dma_start3A_254, %dma_start3A_255] : memref<8x8x8x128xf32, #tpu.memory_space<hbm>> -> memref<1x8x8x128xf32, #tpu.memory_space<hbm>>
      %dma_start3A_257 = tpu.memref_squeeze %dma_start3A_256 : memref<1x8x8x128xf32, #tpu.memory_space<hbm>> -> memref<8x8x128xf32, #tpu.memory_space<hbm>>
      tpu.enqueue_dma source(%arg12 : memref<8x8x128xf32, #tpu.memory_space<vmem>>) target(%dma_start3A_257 : memref<8x8x128xf32, #tpu.memory_space<hbm>>) target_semaphore(%arg16 : memref<!tpu.dma_semaphore, #tpu.memory_space<semaphore_mem>>)
      %dma_wait3A_258 = arith.constant 1 : i32
      %dma_wait3A_259 = arith.constant 0 : i32
      %dma_wait3A_260 = arith.constant 0 : i32
      %dma_wait3A_261 = arith.constant 0 : i32
      %dma_wait3A_262 = arith.constant 0 : i32
      %dma_wait3A_263 = tpu.memref_slice %arg6[%add3A_21, %dma_wait3A_259, %dma_wait3A_260, %dma_wait3A_261, %dma_wait3A_262] : memref<1001x8x8x8x128xf32, #tpu.memory_space<hbm>> -> memref<1x8x8x8x128xf32, #tpu.memory_space<hbm>>
      %dma_wait3A_264 = tpu.memref_squeeze %dma_wait3A_263 : memref<1x8x8x8x128xf32, #tpu.memory_space<hbm>> -> memref<8x8x8x128xf32, #tpu.memory_space<hbm>>
      %dma_wait3A_265 = arith.constant 0 : i32
      %dma_wait3A_266 = arith.constant 0 : i32
      %dma_wait3A_267 = arith.constant 0 : i32
      %dma_wait3A_268 = tpu.memref_slice %dma_wait3A_264[%dma_wait3A_258, %dma_wait3A_265, %dma_wait3A_266, %dma_wait3A_267] : memref<8x8x8x128xf32, #tpu.memory_space<hbm>> -> memref<1x8x8x128xf32, #tpu.memory_space<hbm>>
      %dma_wait3A_269 = tpu.memref_squeeze %dma_wait3A_268 : memref<1x8x8x128xf32, #tpu.memory_space<hbm>> -> memref<8x8x128xf32, #tpu.memory_space<hbm>>
      %dma_wait3A_270 = arith.constant 0 : i32
      %dma_wait3A_271 = arith.constant 0 : i32
      %dma_wait3A_272 = arith.constant 0 : i32
      %dma_wait3A_273 = arith.constant 0 : i32
      %dma_wait3A_274 = tpu.memref_slice %arg6[%add3A_21, %dma_wait3A_270, %dma_wait3A_271, %dma_wait3A_272, %dma_wait3A_273] : memref<1001x8x8x8x128xf32, #tpu.memory_space<hbm>> -> memref<1x8x8x8x128xf32, #tpu.memory_space<hbm>>
      %dma_wait3A_275 = tpu.memref_squeeze %dma_wait3A_274 : memref<1x8x8x8x128xf32, #tpu.memory_space<hbm>> -> memref<8x8x8x128xf32, #tpu.memory_space<hbm>>
      %dma_wait3A_276 = arith.constant 0 : i32
      %dma_wait3A_277 = arith.constant 0 : i32
      %dma_wait3A_278 = arith.constant 0 : i32
      %dma_wait3A_279 = tpu.memref_slice %dma_wait3A_275[%dma_wait3A_258, %dma_wait3A_276, %dma_wait3A_277, %dma_wait3A_278] : memref<8x8x8x128xf32, #tpu.memory_space<hbm>> -> memref<1x8x8x128xf32, #tpu.memory_space<hbm>>
      %dma_wait3A_280 = tpu.memref_squeeze %dma_wait3A_279 : memref<1x8x8x128xf32, #tpu.memory_space<hbm>> -> memref<8x8x128xf32, #tpu.memory_space<hbm>>
      tpu.wait_dma2 semaphore(%arg17 : memref<!tpu.dma_semaphore, #tpu.memory_space<semaphore_mem>>) src(%dma_wait3A_280 : memref<8x8x128xf32, #tpu.memory_space<hbm>>) dst(%arg13 : memref<8x8x128xf32, #tpu.memory_space<vmem>>)
      %scan3A_281 = arith.constant 0 : i32
      %scan3A_282 = arith.constant 0 : i32
      %scan3A_283 = arith.constant 8 : i32
      %scan3A_284 = arith.addi %scan3A_282, %scan3A_283 : i32
      %scan3A_285 = arith.constant 1 : i32
      scf.for %scan3A_414 = %scan3A_282 to %scan3A_284 step %scan3A_285  : i32 {
        %mul3A_415 = arith.constant 128 : i32
        %mul3A_416 = arith.muli %scan3A_414, %mul3A_415 : i32
        %add3A_417 = arith.constant 0 : i32
        %add3A_418 = arith.addi %mul3A_416, %add3A_417 : i32
        %get3A_419 = arith.index_cast %add3A_418 : i32 to index
        %get3A_420 = tpu.vector_load %arg10[%get3A_419] {strides = array<i32>} : memref<1024xi32, #tpu.memory_space<vmem>>, vector<16xi32>,
        %mul3A_421 = arith.constant 128 : i32
        %mul3A_422 = arith.muli %scan3A_414, %mul3A_421 : i32
        %add3A_423 = arith.constant 16 : i32
        %add3A_424 = arith.addi %mul3A_422, %add3A_423 : i32
        %get3A_425 = arith.index_cast %add3A_424 : i32 to index
        %get3A_426 = tpu.vector_load %arg10[%get3A_425] {strides = array<i32>} : memref<1024xi32, #tpu.memory_space<vmem>>, vector<16xi32>,
        %mul3A_427 = arith.constant 128 : i32
        %mul3A_428 = arith.muli %scan3A_414, %mul3A_427 : i32
        %add3A_429 = arith.constant 32 : i32
        %add3A_430 = arith.addi %mul3A_428, %add3A_429 : i32
        %get3A_431 = arith.index_cast %add3A_430 : i32 to index
        %get3A_432 = tpu.vector_load %arg10[%get3A_431] {strides = array<i32>} : memref<1024xi32, #tpu.memory_space<vmem>>, vector<16xi32>,
        %mul3A_433 = arith.constant 128 : i32
        %mul3A_434 = arith.muli %scan3A_414, %mul3A_433 : i32
        %add3A_435 = arith.constant 48 : i32
        %add3A_436 = arith.addi %mul3A_434, %add3A_435 : i32
        %get3A_437 = arith.index_cast %add3A_436 : i32 to index
        %get3A_438 = tpu.vector_load %arg10[%get3A_437] {strides = array<i32>} : memref<1024xi32, #tpu.memory_space<vmem>>, vector<16xi32>,
        %mul3A_439 = arith.constant 128 : i32
        %mul3A_440 = arith.muli %scan3A_414, %mul3A_439 : i32
        %add3A_441 = arith.constant 64 : i32
        %add3A_442 = arith.addi %mul3A_440, %add3A_441 : i32
        %get3A_443 = arith.index_cast %add3A_442 : i32 to index
        %get3A_444 = tpu.vector_load %arg10[%get3A_443] {strides = array<i32>} : memref<1024xi32, #tpu.memory_space<vmem>>, vector<16xi32>,
        %mul3A_445 = arith.constant 128 : i32
        %mul3A_446 = arith.muli %scan3A_414, %mul3A_445 : i32
        %add3A_447 = arith.constant 80 : i32
        %add3A_448 = arith.addi %mul3A_446, %add3A_447 : i32
        %get3A_449 = arith.index_cast %add3A_448 : i32 to index
        %get3A_450 = tpu.vector_load %arg10[%get3A_449] {strides = array<i32>} : memref<1024xi32, #tpu.memory_space<vmem>>, vector<16xi32>,
        %mul3A_451 = arith.constant 128 : i32
        %mul3A_452 = arith.muli %scan3A_414, %mul3A_451 : i32
        %add3A_453 = arith.constant 96 : i32
        %add3A_454 = arith.addi %mul3A_452, %add3A_453 : i32
        %get3A_455 = arith.index_cast %add3A_454 : i32 to index
        %get3A_456 = tpu.vector_load %arg10[%get3A_455] {strides = array<i32>} : memref<1024xi32, #tpu.memory_space<vmem>>, vector<16xi32>,
        %mul3A_457 = arith.constant 128 : i32
        %mul3A_458 = arith.muli %scan3A_414, %mul3A_457 : i32
        %add3A_459 = arith.constant 112 : i32
        %add3A_460 = arith.addi %mul3A_458, %add3A_459 : i32
        %get3A_461 = arith.index_cast %add3A_460 : i32 to index
        %get3A_462 = tpu.vector_load %arg10[%get3A_461] {strides = array<i32>} : memref<1024xi32, #tpu.memory_space<vmem>>, vector<16xi32>,
        %scan3A_463 = arith.constant 0 : i32
        %scan3A_464 = arith.constant 0 : i32
        %scan3A_465 = arith.constant 8 : i32
        %scan3A_466 = arith.addi %scan3A_464, %scan3A_465 : i32
        %scan3A_467 = arith.constant 1 : i32
        scf.for %scan3A_469 = %scan3A_464 to %scan3A_466 step %scan3A_467  : i32 {
          %mul3A_470 = arith.constant 0 : i32
          %mul3A_471 = vector.broadcast %mul3A_470 : i32 to vector<16xi32>
          %mul3A_472 = arith.muli %iota3A, %mul3A_471 : vector<16xi32>
          %add3A_473 = arith.constant 40 : i32
          %add3A_474 = arith.addi %add3A_473, %scan3A_469 : i32
          %add3A_475 = vector.broadcast %add3A_474 : i32 to vector<16xi32>
          %add3A_476 = arith.addi %mul3A_472, %add3A_475 : vector<16xi32>
          %gather3A_477 = tpu.vector_load_idx %arg9[%add3A_476] : memref<64xf32, #tpu.memory_space<vmem>>[vector<16xi32>], vector<16xf32>,
          %gather3A_478 = tpu.vector_load_idx %arg7[%add3A_476, %get3A_420] : memref<64x1001xf32, #tpu.memory_space<vmem>>[vector<16xi32>, vector<16xi32>], vector<16xf32>,
          %add3A_479 = arith.addf %gather3A_478, %gather3A_477 : vector<16xf32>
          %swap3A_480 = arith.index_cast %scan3A_414 : i32 to index
          %swap3A_481 = arith.index_cast %scan3A_469 : i32 to index
          %swap3A_482 = arith.constant 0 : index
          %swap3A_483 = tpu.vector_load %arg13[%swap3A_480, %swap3A_481, %swap3A_482] {strides = array<i32>} : memref<8x8x128xf32, #tpu.memory_space<vmem>>, vector<16xf32>,
          tpu.vector_store %arg13[%swap3A_480, %swap3A_481, %swap3A_482], %add3A_479 {strides = array<i32>} : memref<8x8x128xf32, #tpu.memory_space<vmem>>, vector<16xf32>,
          %gather3A_484 = tpu.vector_load_idx %arg7[%add3A_476, %get3A_426] : memref<64x1001xf32, #tpu.memory_space<vmem>>[vector<16xi32>, vector<16xi32>], vector<16xf32>,
          %add3A_485 = arith.addf %gather3A_484, %gather3A_477 : vector<16xf32>
          %swap3A_486 = arith.index_cast %scan3A_414 : i32 to index
          %swap3A_487 = arith.index_cast %scan3A_469 : i32 to index
          %swap3A_488 = arith.constant 16 : index
          %swap3A_489 = tpu.vector_load %arg13[%swap3A_486, %swap3A_487, %swap3A_488] {strides = array<i32>} : memref<8x8x128xf32, #tpu.memory_space<vmem>>, vector<16xf32>,
          tpu.vector_store %arg13[%swap3A_486, %swap3A_487, %swap3A_488], %add3A_485 {strides = array<i32>} : memref<8x8x128xf32, #tpu.memory_space<vmem>>, vector<16xf32>,
          %gather3A_490 = tpu.vector_load_idx %arg7[%add3A_476, %get3A_432] : memref<64x1001xf32, #tpu.memory_space<vmem>>[vector<16xi32>, vector<16xi32>], vector<16xf32>,
          %add3A_491 = arith.addf %gather3A_490, %gather3A_477 : vector<16xf32>
          %swap3A_492 = arith.index_cast %scan3A_414 : i32 to index
          %swap3A_493 = arith.index_cast %scan3A_469 : i32 to index
          %swap3A_494 = arith.constant 32 : index
          %swap3A_495 = tpu.vector_load %arg13[%swap3A_492, %swap3A_493, %swap3A_494] {strides = array<i32>} : memref<8x8x128xf32, #tpu.memory_space<vmem>>, vector<16xf32>,
          tpu.vector_store %arg13[%swap3A_492, %swap3A_493, %swap3A_494], %add3A_491 {strides = array<i32>} : memref<8x8x128xf32, #tpu.memory_space<vmem>>, vector<16xf32>,
          %gather3A_496 = tpu.vector_load_idx %arg7[%add3A_476, %get3A_438] : memref<64x1001xf32, #tpu.memory_space<vmem>>[vector<16xi32>, vector<16xi32>], vector<16xf32>,
          %add3A_497 = arith.addf %gather3A_496, %gather3A_477 : vector<16xf32>
          %swap3A_498 = arith.index_cast %scan3A_414 : i32 to index
          %swap3A_499 = arith.index_cast %scan3A_469 : i32 to index
          %swap3A_500 = arith.constant 48 : index
          %swap3A_501 = tpu.vector_load %arg13[%swap3A_498, %swap3A_499, %swap3A_500] {strides = array<i32>} : memref<8x8x128xf32, #tpu.memory_space<vmem>>, vector<16xf32>,
          tpu.vector_store %arg13[%swap3A_498, %swap3A_499, %swap3A_500], %add3A_497 {strides = array<i32>} : memref<8x8x128xf32, #tpu.memory_space<vmem>>, vector<16xf32>,
          %gather3A_502 = tpu.vector_load_idx %arg7[%add3A_476, %get3A_444] : memref<64x1001xf32, #tpu.memory_space<vmem>>[vector<16xi32>, vector<16xi32>], vector<16xf32>,
          %add3A_503 = arith.addf %gather3A_502, %gather3A_477 : vector<16xf32>
          %swap3A_504 = arith.index_cast %scan3A_414 : i32 to index
          %swap3A_505 = arith.index_cast %scan3A_469 : i32 to index
          %swap3A_506 = arith.constant 64 : index
          %swap3A_507 = tpu.vector_load %arg13[%swap3A_504, %swap3A_505, %swap3A_506] {strides = array<i32>} : memref<8x8x128xf32, #tpu.memory_space<vmem>>, vector<16xf32>,
          tpu.vector_store %arg13[%swap3A_504, %swap3A_505, %swap3A_506], %add3A_503 {strides = array<i32>} : memref<8x8x128xf32, #tpu.memory_space<vmem>>, vector<16xf32>,
          %gather3A_508 = tpu.vector_load_idx %arg7[%add3A_476, %get3A_450] : memref<64x1001xf32, #tpu.memory_space<vmem>>[vector<16xi32>, vector<16xi32>], vector<16xf32>,
          %add3A_509 = arith.addf %gather3A_508, %gather3A_477 : vector<16xf32>
          %swap3A_510 = arith.index_cast %scan3A_414 : i32 to index
          %swap3A_511 = arith.index_cast %scan3A_469 : i32 to index
          %swap3A_512 = arith.constant 80 : index
          %swap3A_513 = tpu.vector_load %arg13[%swap3A_510, %swap3A_511, %swap3A_512] {strides = array<i32>} : memref<8x8x128xf32, #tpu.memory_space<vmem>>, vector<16xf32>,
          tpu.vector_store %arg13[%swap3A_510, %swap3A_511, %swap3A_512], %add3A_509 {strides = array<i32>} : memref<8x8x128xf32, #tpu.memory_space<vmem>>, vector<16xf32>,
          %gather3A_514 = tpu.vector_load_idx %arg7[%add3A_476, %get3A_456] : memref<64x1001xf32, #tpu.memory_space<vmem>>[vector<16xi32>, vector<16xi32>], vector<16xf32>,
          %add3A_515 = arith.addf %gather3A_514, %gather3A_477 : vector<16xf32>
          %swap3A_516 = arith.index_cast %scan3A_414 : i32 to index
          %swap3A_517 = arith.index_cast %scan3A_469 : i32 to index
          %swap3A_518 = arith.constant 96 : index
          %swap3A_519 = tpu.vector_load %arg13[%swap3A_516, %swap3A_517, %swap3A_518] {strides = array<i32>} : memref<8x8x128xf32, #tpu.memory_space<vmem>>, vector<16xf32>,
          tpu.vector_store %arg13[%swap3A_516, %swap3A_517, %swap3A_518], %add3A_515 {strides = array<i32>} : memref<8x8x128xf32, #tpu.memory_space<vmem>>, vector<16xf32>,
          %gather3A_520 = tpu.vector_load_idx %arg7[%add3A_476, %get3A_462] : memref<64x1001xf32, #tpu.memory_space<vmem>>[vector<16xi32>, vector<16xi32>], vector<16xf32>,
          %add3A_521 = arith.addf %gather3A_520, %gather3A_477 : vector<16xf32>
          %swap3A_522 = arith.index_cast %scan3A_414 : i32 to index
          %swap3A_523 = arith.index_cast %scan3A_469 : i32 to index
          %swap3A_524 = arith.constant 112 : index
          %swap3A_525 = tpu.vector_load %arg13[%swap3A_522, %swap3A_523, %swap3A_524] {strides = array<i32>} : memref<8x8x128xf32, #tpu.memory_space<vmem>>, vector<16xf32>,
          tpu.vector_store %arg13[%swap3A_522, %swap3A_523, %swap3A_524], %add3A_521 {strides = array<i32>} : memref<8x8x128xf32, #tpu.memory_space<vmem>>, vector<16xf32>,
        }
        %scan3A_468 = arith.constant 8 : i32
      }
      %scan3A_286 = arith.constant 8 : i32
      %dma_start3A_287 = arith.constant 5 : i32
      %dma_start3A_288 = arith.constant 0 : i32
      %dma_start3A_289 = arith.constant 0 : i32
      %dma_start3A_290 = arith.constant 0 : i32
      %dma_start3A_291 = arith.constant 0 : i32
      %dma_start3A_292 = tpu.memref_slice %arg6[%add3A_21, %dma_start3A_288, %dma_start3A_289, %dma_start3A_290, %dma_start3A_291] : memref<1001x8x8x8x128xf32, #tpu.memory_space<hbm>> -> memref<1x8x8x8x128xf32, #tpu.memory_space<hbm>>
      %dma_start3A_293 = tpu.memref_squeeze %dma_start3A_292 : memref<1x8x8x8x128xf32, #tpu.memory_space<hbm>> -> memref<8x8x8x128xf32, #tpu.memory_space<hbm>>
      %dma_start3A_294 = arith.constant 0 : i32
      %dma_start3A_295 = arith.constant 0 : i32
      %dma_start3A_296 = arith.constant 0 : i32
      %dma_start3A_297 = tpu.memref_slice %dma_start3A_293[%dma_start3A_287, %dma_start3A_294, %dma_start3A_295, %dma_start3A_296] : memref<8x8x8x128xf32, #tpu.memory_space<hbm>> -> memref<1x8x8x128xf32, #tpu.memory_space<hbm>>
      %dma_start3A_298 = tpu.memref_squeeze %dma_start3A_297 : memref<1x8x8x128xf32, #tpu.memory_space<hbm>> -> memref<8x8x128xf32, #tpu.memory_space<hbm>>
      %dma_start3A_299 = arith.constant 0 : i32
      %dma_start3A_300 = arith.constant 0 : i32
      %dma_start3A_301 = arith.constant 0 : i32
      %dma_start3A_302 = arith.constant 0 : i32
      %dma_start3A_303 = tpu.memref_slice %arg6[%add3A_21, %dma_start3A_299, %dma_start3A_300, %dma_start3A_301, %dma_start3A_302] : memref<1001x8x8x8x128xf32, #tpu.memory_space<hbm>> -> memref<1x8x8x8x128xf32, #tpu.memory_space<hbm>>
      %dma_start3A_304 = tpu.memref_squeeze %dma_start3A_303 : memref<1x8x8x8x128xf32, #tpu.memory_space<hbm>> -> memref<8x8x8x128xf32, #tpu.memory_space<hbm>>
      %dma_start3A_305 = arith.constant 0 : i32
      %dma_start3A_306 = arith.constant 0 : i32
      %dma_start3A_307 = arith.constant 0 : i32
      %dma_start3A_308 = tpu.memref_slice %dma_start3A_304[%dma_start3A_287, %dma_start3A_305, %dma_start3A_306, %dma_start3A_307] : memref<8x8x8x128xf32, #tpu.memory_space<hbm>> -> memref<1x8x8x128xf32, #tpu.memory_space<hbm>>
      %dma_start3A_309 = tpu.memref_squeeze %dma_start3A_308 : memref<1x8x8x128xf32, #tpu.memory_space<hbm>> -> memref<8x8x128xf32, #tpu.memory_space<hbm>>
      tpu.enqueue_dma source(%arg13 : memref<8x8x128xf32, #tpu.memory_space<vmem>>) target(%dma_start3A_309 : memref<8x8x128xf32, #tpu.memory_space<hbm>>) target_semaphore(%arg17 : memref<!tpu.dma_semaphore, #tpu.memory_space<semaphore_mem>>)
      %dma_wait3A_310 = arith.constant 2 : i32
      %dma_wait3A_311 = arith.constant 0 : i32
      %dma_wait3A_312 = arith.constant 0 : i32
      %dma_wait3A_313 = arith.constant 0 : i32
      %dma_wait3A_314 = arith.constant 0 : i32
      %dma_wait3A_315 = tpu.memref_slice %arg6[%add3A_21, %dma_wait3A_311, %dma_wait3A_312, %dma_wait3A_313, %dma_wait3A_314] : memref<1001x8x8x8x128xf32, #tpu.memory_space<hbm>> -> memref<1x8x8x8x128xf32, #tpu.memory_space<hbm>>
      %dma_wait3A_316 = tpu.memref_squeeze %dma_wait3A_315 : memref<1x8x8x8x128xf32, #tpu.memory_space<hbm>> -> memref<8x8x8x128xf32, #tpu.memory_space<hbm>>
      %dma_wait3A_317 = arith.constant 0 : i32
      %dma_wait3A_318 = arith.constant 0 : i32
      %dma_wait3A_319 = arith.constant 0 : i32
      %dma_wait3A_320 = tpu.memref_slice %dma_wait3A_316[%dma_wait3A_310, %dma_wait3A_317, %dma_wait3A_318, %dma_wait3A_319] : memref<8x8x8x128xf32, #tpu.memory_space<hbm>> -> memref<1x8x8x128xf32, #tpu.memory_space<hbm>>
      %dma_wait3A_321 = tpu.memref_squeeze %dma_wait3A_320 : memref<1x8x8x128xf32, #tpu.memory_space<hbm>> -> memref<8x8x128xf32, #tpu.memory_space<hbm>>
      %dma_wait3A_322 = arith.constant 0 : i32
      %dma_wait3A_323 = arith.constant 0 : i32
      %dma_wait3A_324 = arith.constant 0 : i32
      %dma_wait3A_325 = arith.constant 0 : i32
      %dma_wait3A_326 = tpu.memref_slice %arg6[%add3A_21, %dma_wait3A_322, %dma_wait3A_323, %dma_wait3A_324, %dma_wait3A_325] : memref<1001x8x8x8x128xf32, #tpu.memory_space<hbm>> -> memref<1x8x8x8x128xf32, #tpu.memory_space<hbm>>
      %dma_wait3A_327 = tpu.memref_squeeze %dma_wait3A_326 : memref<1x8x8x8x128xf32, #tpu.memory_space<hbm>> -> memref<8x8x8x128xf32, #tpu.memory_space<hbm>>
      %dma_wait3A_328 = arith.constant 0 : i32
      %dma_wait3A_329 = arith.constant 0 : i32
      %dma_wait3A_330 = arith.constant 0 : i32
      %dma_wait3A_331 = tpu.memref_slice %dma_wait3A_327[%dma_wait3A_310, %dma_wait3A_328, %dma_wait3A_329, %dma_wait3A_330] : memref<8x8x8x128xf32, #tpu.memory_space<hbm>> -> memref<1x8x8x128xf32, #tpu.memory_space<hbm>>
      %dma_wait3A_332 = tpu.memref_squeeze %dma_wait3A_331 : memref<1x8x8x128xf32, #tpu.memory_space<hbm>> -> memref<8x8x128xf32, #tpu.memory_space<hbm>>
      tpu.wait_dma2 semaphore(%arg18 : memref<!tpu.dma_semaphore, #tpu.memory_space<semaphore_mem>>) src(%dma_wait3A_332 : memref<8x8x128xf32, #tpu.memory_space<hbm>>) dst(%arg14 : memref<8x8x128xf32, #tpu.memory_space<vmem>>)
      %scan3A_333 = arith.constant 0 : i32
      %scan3A_334 = arith.constant 0 : i32
      %scan3A_335 = arith.constant 8 : i32
      %scan3A_336 = arith.addi %scan3A_334, %scan3A_335 : i32
      %scan3A_337 = arith.constant 1 : i32
      scf.for %scan3A_414 = %scan3A_334 to %scan3A_336 step %scan3A_337  : i32 {
        %mul3A_415 = arith.constant 128 : i32
        %mul3A_416 = arith.muli %scan3A_414, %mul3A_415 : i32
        %add3A_417 = arith.constant 0 : i32
        %add3A_418 = arith.addi %mul3A_416, %add3A_417 : i32
        %get3A_419 = arith.index_cast %add3A_418 : i32 to index
        %get3A_420 = tpu.vector_load %arg10[%get3A_419] {strides = array<i32>} : memref<1024xi32, #tpu.memory_space<vmem>>, vector<16xi32>,
        %mul3A_421 = arith.constant 128 : i32
        %mul3A_422 = arith.muli %scan3A_414, %mul3A_421 : i32
        %add3A_423 = arith.constant 16 : i32
        %add3A_424 = arith.addi %mul3A_422, %add3A_423 : i32
        %get3A_425 = arith.index_cast %add3A_424 : i32 to index
        %get3A_426 = tpu.vector_load %arg10[%get3A_425] {strides = array<i32>} : memref<1024xi32, #tpu.memory_space<vmem>>, vector<16xi32>,
        %mul3A_427 = arith.constant 128 : i32
        %mul3A_428 = arith.muli %scan3A_414, %mul3A_427 : i32
        %add3A_429 = arith.constant 32 : i32
        %add3A_430 = arith.addi %mul3A_428, %add3A_429 : i32
        %get3A_431 = arith.index_cast %add3A_430 : i32 to index
        %get3A_432 = tpu.vector_load %arg10[%get3A_431] {strides = array<i32>} : memref<1024xi32, #tpu.memory_space<vmem>>, vector<16xi32>,
        %mul3A_433 = arith.constant 128 : i32
        %mul3A_434 = arith.muli %scan3A_414, %mul3A_433 : i32
        %add3A_435 = arith.constant 48 : i32
        %add3A_436 = arith.addi %mul3A_434, %add3A_435 : i32
        %get3A_437 = arith.index_cast %add3A_436 : i32 to index
        %get3A_438 = tpu.vector_load %arg10[%get3A_437] {strides = array<i32>} : memref<1024xi32, #tpu.memory_space<vmem>>, vector<16xi32>,
        %mul3A_439 = arith.constant 128 : i32
        %mul3A_440 = arith.muli %scan3A_414, %mul3A_439 : i32
        %add3A_441 = arith.constant 64 : i32
        %add3A_442 = arith.addi %mul3A_440, %add3A_441 : i32
        %get3A_443 = arith.index_cast %add3A_442 : i32 to index
        %get3A_444 = tpu.vector_load %arg10[%get3A_443] {strides = array<i32>} : memref<1024xi32, #tpu.memory_space<vmem>>, vector<16xi32>,
        %mul3A_445 = arith.constant 128 : i32
        %mul3A_446 = arith.muli %scan3A_414, %mul3A_445 : i32
        %add3A_447 = arith.constant 80 : i32
        %add3A_448 = arith.addi %mul3A_446, %add3A_447 : i32
        %get3A_449 = arith.index_cast %add3A_448 : i32 to index
        %get3A_450 = tpu.vector_load %arg10[%get3A_449] {strides = array<i32>} : memref<1024xi32, #tpu.memory_space<vmem>>, vector<16xi32>,
        %mul3A_451 = arith.constant 128 : i32
        %mul3A_452 = arith.muli %scan3A_414, %mul3A_451 : i32
        %add3A_453 = arith.constant 96 : i32
        %add3A_454 = arith.addi %mul3A_452, %add3A_453 : i32
        %get3A_455 = arith.index_cast %add3A_454 : i32 to index
        %get3A_456 = tpu.vector_load %arg10[%get3A_455] {strides = array<i32>} : memref<1024xi32, #tpu.memory_space<vmem>>, vector<16xi32>,
        %mul3A_457 = arith.constant 128 : i32
        %mul3A_458 = arith.muli %scan3A_414, %mul3A_457 : i32
        %add3A_459 = arith.constant 112 : i32
        %add3A_460 = arith.addi %mul3A_458, %add3A_459 : i32
        %get3A_461 = arith.index_cast %add3A_460 : i32 to index
        %get3A_462 = tpu.vector_load %arg10[%get3A_461] {strides = array<i32>} : memref<1024xi32, #tpu.memory_space<vmem>>, vector<16xi32>,
        %scan3A_463 = arith.constant 0 : i32
        %scan3A_464 = arith.constant 0 : i32
        %scan3A_465 = arith.constant 8 : i32
        %scan3A_466 = arith.addi %scan3A_464, %scan3A_465 : i32
        %scan3A_467 = arith.constant 1 : i32
        scf.for %scan3A_469 = %scan3A_464 to %scan3A_466 step %scan3A_467  : i32 {
          %mul3A_470 = arith.constant 0 : i32
          %mul3A_471 = vector.broadcast %mul3A_470 : i32 to vector<16xi32>
          %mul3A_472 = arith.muli %iota3A, %mul3A_471 : vector<16xi32>
          %add3A_473 = arith.constant 48 : i32
          %add3A_474 = arith.addi %add3A_473, %scan3A_469 : i32
          %add3A_475 = vector.broadcast %add3A_474 : i32 to vector<16xi32>
          %add3A_476 = arith.addi %mul3A_472, %add3A_475 : vector<16xi32>
          %gather3A_477 = tpu.vector_load_idx %arg9[%add3A_476] : memref<64xf32, #tpu.memory_space<vmem>>[vector<16xi32>], vector<16xf32>,
          %gather3A_478 = tpu.vector_load_idx %arg7[%add3A_476, %get3A_420] : memref<64x1001xf32, #tpu.memory_space<vmem>>[vector<16xi32>, vector<16xi32>], vector<16xf32>,
          %add3A_479 = arith.addf %gather3A_478, %gather3A_477 : vector<16xf32>
          %swap3A_480 = arith.index_cast %scan3A_414 : i32 to index
          %swap3A_481 = arith.index_cast %scan3A_469 : i32 to index
          %swap3A_482 = arith.constant 0 : index
          %swap3A_483 = tpu.vector_load %arg14[%swap3A_480, %swap3A_481, %swap3A_482] {strides = array<i32>} : memref<8x8x128xf32, #tpu.memory_space<vmem>>, vector<16xf32>,
          tpu.vector_store %arg14[%swap3A_480, %swap3A_481, %swap3A_482], %add3A_479 {strides = array<i32>} : memref<8x8x128xf32, #tpu.memory_space<vmem>>, vector<16xf32>,
          %gather3A_484 = tpu.vector_load_idx %arg7[%add3A_476, %get3A_426] : memref<64x1001xf32, #tpu.memory_space<vmem>>[vector<16xi32>, vector<16xi32>], vector<16xf32>,
          %add3A_485 = arith.addf %gather3A_484, %gather3A_477 : vector<16xf32>
          %swap3A_486 = arith.index_cast %scan3A_414 : i32 to index
          %swap3A_487 = arith.index_cast %scan3A_469 : i32 to index
          %swap3A_488 = arith.constant 16 : index
          %swap3A_489 = tpu.vector_load %arg14[%swap3A_486, %swap3A_487, %swap3A_488] {strides = array<i32>} : memref<8x8x128xf32, #tpu.memory_space<vmem>>, vector<16xf32>,
          tpu.vector_store %arg14[%swap3A_486, %swap3A_487, %swap3A_488], %add3A_485 {strides = array<i32>} : memref<8x8x128xf32, #tpu.memory_space<vmem>>, vector<16xf32>,
          %gather3A_490 = tpu.vector_load_idx %arg7[%add3A_476, %get3A_432] : memref<64x1001xf32, #tpu.memory_space<vmem>>[vector<16xi32>, vector<16xi32>], vector<16xf32>,
          %add3A_491 = arith.addf %gather3A_490, %gather3A_477 : vector<16xf32>
          %swap3A_492 = arith.index_cast %scan3A_414 : i32 to index
          %swap3A_493 = arith.index_cast %scan3A_469 : i32 to index
          %swap3A_494 = arith.constant 32 : index
          %swap3A_495 = tpu.vector_load %arg14[%swap3A_492, %swap3A_493, %swap3A_494] {strides = array<i32>} : memref<8x8x128xf32, #tpu.memory_space<vmem>>, vector<16xf32>,
          tpu.vector_store %arg14[%swap3A_492, %swap3A_493, %swap3A_494], %add3A_491 {strides = array<i32>} : memref<8x8x128xf32, #tpu.memory_space<vmem>>, vector<16xf32>,
          %gather3A_496 = tpu.vector_load_idx %arg7[%add3A_476, %get3A_438] : memref<64x1001xf32, #tpu.memory_space<vmem>>[vector<16xi32>, vector<16xi32>], vector<16xf32>,
          %add3A_497 = arith.addf %gather3A_496, %gather3A_477 : vector<16xf32>
          %swap3A_498 = arith.index_cast %scan3A_414 : i32 to index
          %swap3A_499 = arith.index_cast %scan3A_469 : i32 to index
          %swap3A_500 = arith.constant 48 : index
          %swap3A_501 = tpu.vector_load %arg14[%swap3A_498, %swap3A_499, %swap3A_500] {strides = array<i32>} : memref<8x8x128xf32, #tpu.memory_space<vmem>>, vector<16xf32>,
          tpu.vector_store %arg14[%swap3A_498, %swap3A_499, %swap3A_500], %add3A_497 {strides = array<i32>} : memref<8x8x128xf32, #tpu.memory_space<vmem>>, vector<16xf32>,
          %gather3A_502 = tpu.vector_load_idx %arg7[%add3A_476, %get3A_444] : memref<64x1001xf32, #tpu.memory_space<vmem>>[vector<16xi32>, vector<16xi32>], vector<16xf32>,
          %add3A_503 = arith.addf %gather3A_502, %gather3A_477 : vector<16xf32>
          %swap3A_504 = arith.index_cast %scan3A_414 : i32 to index
          %swap3A_505 = arith.index_cast %scan3A_469 : i32 to index
          %swap3A_506 = arith.constant 64 : index
          %swap3A_507 = tpu.vector_load %arg14[%swap3A_504, %swap3A_505, %swap3A_506] {strides = array<i32>} : memref<8x8x128xf32, #tpu.memory_space<vmem>>, vector<16xf32>,
          tpu.vector_store %arg14[%swap3A_504, %swap3A_505, %swap3A_506], %add3A_503 {strides = array<i32>} : memref<8x8x128xf32, #tpu.memory_space<vmem>>, vector<16xf32>,
          %gather3A_508 = tpu.vector_load_idx %arg7[%add3A_476, %get3A_450] : memref<64x1001xf32, #tpu.memory_space<vmem>>[vector<16xi32>, vector<16xi32>], vector<16xf32>,
          %add3A_509 = arith.addf %gather3A_508, %gather3A_477 : vector<16xf32>
          %swap3A_510 = arith.index_cast %scan3A_414 : i32 to index
          %swap3A_511 = arith.index_cast %scan3A_469 : i32 to index
          %swap3A_512 = arith.constant 80 : index
          %swap3A_513 = tpu.vector_load %arg14[%swap3A_510, %swap3A_511, %swap3A_512] {strides = array<i32>} : memref<8x8x128xf32, #tpu.memory_space<vmem>>, vector<16xf32>,
          tpu.vector_store %arg14[%swap3A_510, %swap3A_511, %swap3A_512], %add3A_509 {strides = array<i32>} : memref<8x8x128xf32, #tpu.memory_space<vmem>>, vector<16xf32>,
          %gather3A_514 = tpu.vector_load_idx %arg7[%add3A_476, %get3A_456] : memref<64x1001xf32, #tpu.memory_space<vmem>>[vector<16xi32>, vector<16xi32>], vector<16xf32>,
          %add3A_515 = arith.addf %gather3A_514, %gather3A_477 : vector<16xf32>
          %swap3A_516 = arith.index_cast %scan3A_414 : i32 to index
          %swap3A_517 = arith.index_cast %scan3A_469 : i32 to index
          %swap3A_518 = arith.constant 96 : index
          %swap3A_519 = tpu.vector_load %arg14[%swap3A_516, %swap3A_517, %swap3A_518] {strides = array<i32>} : memref<8x8x128xf32, #tpu.memory_space<vmem>>, vector<16xf32>,
          tpu.vector_store %arg14[%swap3A_516, %swap3A_517, %swap3A_518], %add3A_515 {strides = array<i32>} : memref<8x8x128xf32, #tpu.memory_space<vmem>>, vector<16xf32>,
          %gather3A_520 = tpu.vector_load_idx %arg7[%add3A_476, %get3A_462] : memref<64x1001xf32, #tpu.memory_space<vmem>>[vector<16xi32>, vector<16xi32>], vector<16xf32>,
          %add3A_521 = arith.addf %gather3A_520, %gather3A_477 : vector<16xf32>
          %swap3A_522 = arith.index_cast %scan3A_414 : i32 to index
          %swap3A_523 = arith.index_cast %scan3A_469 : i32 to index
          %swap3A_524 = arith.constant 112 : index
          %swap3A_525 = tpu.vector_load %arg14[%swap3A_522, %swap3A_523, %swap3A_524] {strides = array<i32>} : memref<8x8x128xf32, #tpu.memory_space<vmem>>, vector<16xf32>,
          tpu.vector_store %arg14[%swap3A_522, %swap3A_523, %swap3A_524], %add3A_521 {strides = array<i32>} : memref<8x8x128xf32, #tpu.memory_space<vmem>>, vector<16xf32>,
        }
        %scan3A_468 = arith.constant 8 : i32
      }
      %scan3A_338 = arith.constant 8 : i32
      %dma_start3A_339 = arith.constant 6 : i32
      %dma_start3A_340 = arith.constant 0 : i32
      %dma_start3A_341 = arith.constant 0 : i32
      %dma_start3A_342 = arith.constant 0 : i32
      %dma_start3A_343 = arith.constant 0 : i32
      %dma_start3A_344 = tpu.memref_slice %arg6[%add3A_21, %dma_start3A_340, %dma_start3A_341, %dma_start3A_342, %dma_start3A_343] : memref<1001x8x8x8x128xf32, #tpu.memory_space<hbm>> -> memref<1x8x8x8x128xf32, #tpu.memory_space<hbm>>
      %dma_start3A_345 = tpu.memref_squeeze %dma_start3A_344 : memref<1x8x8x8x128xf32, #tpu.memory_space<hbm>> -> memref<8x8x8x128xf32, #tpu.memory_space<hbm>>
      %dma_start3A_346 = arith.constant 0 : i32
      %dma_start3A_347 = arith.constant 0 : i32
      %dma_start3A_348 = arith.constant 0 : i32
      %dma_start3A_349 = tpu.memref_slice %dma_start3A_345[%dma_start3A_339, %dma_start3A_346, %dma_start3A_347, %dma_start3A_348] : memref<8x8x8x128xf32, #tpu.memory_space<hbm>> -> memref<1x8x8x128xf32, #tpu.memory_space<hbm>>
      %dma_start3A_350 = tpu.memref_squeeze %dma_start3A_349 : memref<1x8x8x128xf32, #tpu.memory_space<hbm>> -> memref<8x8x128xf32, #tpu.memory_space<hbm>>
      %dma_start3A_351 = arith.constant 0 : i32
      %dma_start3A_352 = arith.constant 0 : i32
      %dma_start3A_353 = arith.constant 0 : i32
      %dma_start3A_354 = arith.constant 0 : i32
      %dma_start3A_355 = tpu.memref_slice %arg6[%add3A_21, %dma_start3A_351, %dma_start3A_352, %dma_start3A_353, %dma_start3A_354] : memref<1001x8x8x8x128xf32, #tpu.memory_space<hbm>> -> memref<1x8x8x8x128xf32, #tpu.memory_space<hbm>>
      %dma_start3A_356 = tpu.memref_squeeze %dma_start3A_355 : memref<1x8x8x8x128xf32, #tpu.memory_space<hbm>> -> memref<8x8x8x128xf32, #tpu.memory_space<hbm>>
      %dma_start3A_357 = arith.constant 0 : i32
      %dma_start3A_358 = arith.constant 0 : i32
      %dma_start3A_359 = arith.constant 0 : i32
      %dma_start3A_360 = tpu.memref_slice %dma_start3A_356[%dma_start3A_339, %dma_start3A_357, %dma_start3A_358, %dma_start3A_359] : memref<8x8x8x128xf32, #tpu.memory_space<hbm>> -> memref<1x8x8x128xf32, #tpu.memory_space<hbm>>
      %dma_start3A_361 = tpu.memref_squeeze %dma_start3A_360 : memref<1x8x8x128xf32, #tpu.memory_space<hbm>> -> memref<8x8x128xf32, #tpu.memory_space<hbm>>
      tpu.enqueue_dma source(%arg14 : memref<8x8x128xf32, #tpu.memory_space<vmem>>) target(%dma_start3A_361 : memref<8x8x128xf32, #tpu.memory_space<hbm>>) target_semaphore(%arg18 : memref<!tpu.dma_semaphore, #tpu.memory_space<semaphore_mem>>)
      %dma_wait3A_362 = arith.constant 3 : i32
      %dma_wait3A_363 = arith.constant 0 : i32
      %dma_wait3A_364 = arith.constant 0 : i32
      %dma_wait3A_365 = arith.constant 0 : i32
      %dma_wait3A_366 = arith.constant 0 : i32
      %dma_wait3A_367 = tpu.memref_slice %arg6[%add3A_21, %dma_wait3A_363, %dma_wait3A_364, %dma_wait3A_365, %dma_wait3A_366] : memref<1001x8x8x8x128xf32, #tpu.memory_space<hbm>> -> memref<1x8x8x8x128xf32, #tpu.memory_space<hbm>>
      %dma_wait3A_368 = tpu.memref_squeeze %dma_wait3A_367 : memref<1x8x8x8x128xf32, #tpu.memory_space<hbm>> -> memref<8x8x8x128xf32, #tpu.memory_space<hbm>>
      %dma_wait3A_369 = arith.constant 0 : i32
      %dma_wait3A_370 = arith.constant 0 : i32
      %dma_wait3A_371 = arith.constant 0 : i32
      %dma_wait3A_372 = tpu.memref_slice %dma_wait3A_368[%dma_wait3A_362, %dma_wait3A_369, %dma_wait3A_370, %dma_wait3A_371] : memref<8x8x8x128xf32, #tpu.memory_space<hbm>> -> memref<1x8x8x128xf32, #tpu.memory_space<hbm>>
      %dma_wait3A_373 = tpu.memref_squeeze %dma_wait3A_372 : memref<1x8x8x128xf32, #tpu.memory_space<hbm>> -> memref<8x8x128xf32, #tpu.memory_space<hbm>>
      %dma_wait3A_374 = arith.constant 0 : i32
      %dma_wait3A_375 = arith.constant 0 : i32
      %dma_wait3A_376 = arith.constant 0 : i32
      %dma_wait3A_377 = arith.constant 0 : i32
      %dma_wait3A_378 = tpu.memref_slice %arg6[%add3A_21, %dma_wait3A_374, %dma_wait3A_375, %dma_wait3A_376, %dma_wait3A_377] : memref<1001x8x8x8x128xf32, #tpu.memory_space<hbm>> -> memref<1x8x8x8x128xf32, #tpu.memory_space<hbm>>
      %dma_wait3A_379 = tpu.memref_squeeze %dma_wait3A_378 : memref<1x8x8x8x128xf32, #tpu.memory_space<hbm>> -> memref<8x8x8x128xf32, #tpu.memory_space<hbm>>
      %dma_wait3A_380 = arith.constant 0 : i32
      %dma_wait3A_381 = arith.constant 0 : i32
      %dma_wait3A_382 = arith.constant 0 : i32
      %dma_wait3A_383 = tpu.memref_slice %dma_wait3A_379[%dma_wait3A_362, %dma_wait3A_380, %dma_wait3A_381, %dma_wait3A_382] : memref<8x8x8x128xf32, #tpu.memory_space<hbm>> -> memref<1x8x8x128xf32, #tpu.memory_space<hbm>>
      %dma_wait3A_384 = tpu.memref_squeeze %dma_wait3A_383 : memref<1x8x8x128xf32, #tpu.memory_space<hbm>> -> memref<8x8x128xf32, #tpu.memory_space<hbm>>
      tpu.wait_dma2 semaphore(%arg19 : memref<!tpu.dma_semaphore, #tpu.memory_space<semaphore_mem>>) src(%dma_wait3A_384 : memref<8x8x128xf32, #tpu.memory_space<hbm>>) dst(%arg15 : memref<8x8x128xf32, #tpu.memory_space<vmem>>)
      %scan3A_385 = arith.constant 0 : i32
      %scan3A_386 = arith.constant 0 : i32
      %scan3A_387 = arith.constant 8 : i32
      %scan3A_388 = arith.addi %scan3A_386, %scan3A_387 : i32
      %scan3A_389 = arith.constant 1 : i32
      scf.for %scan3A_414 = %scan3A_386 to %scan3A_388 step %scan3A_389  : i32 {
        %mul3A_415 = arith.constant 128 : i32
        %mul3A_416 = arith.muli %scan3A_414, %mul3A_415 : i32
        %add3A_417 = arith.constant 0 : i32
        %add3A_418 = arith.addi %mul3A_416, %add3A_417 : i32
        %get3A_419 = arith.index_cast %add3A_418 : i32 to index
        %get3A_420 = tpu.vector_load %arg10[%get3A_419] {strides = array<i32>} : memref<1024xi32, #tpu.memory_space<vmem>>, vector<16xi32>,
        %mul3A_421 = arith.constant 128 : i32
        %mul3A_422 = arith.muli %scan3A_414, %mul3A_421 : i32
        %add3A_423 = arith.constant 16 : i32
        %add3A_424 = arith.addi %mul3A_422, %add3A_423 : i32
        %get3A_425 = arith.index_cast %add3A_424 : i32 to index
        %get3A_426 = tpu.vector_load %arg10[%get3A_425] {strides = array<i32>} : memref<1024xi32, #tpu.memory_space<vmem>>, vector<16xi32>,
        %mul3A_427 = arith.constant 128 : i32
        %mul3A_428 = arith.muli %scan3A_414, %mul3A_427 : i32
        %add3A_429 = arith.constant 32 : i32
        %add3A_430 = arith.addi %mul3A_428, %add3A_429 : i32
        %get3A_431 = arith.index_cast %add3A_430 : i32 to index
        %get3A_432 = tpu.vector_load %arg10[%get3A_431] {strides = array<i32>} : memref<1024xi32, #tpu.memory_space<vmem>>, vector<16xi32>,
        %mul3A_433 = arith.constant 128 : i32
        %mul3A_434 = arith.muli %scan3A_414, %mul3A_433 : i32
        %add3A_435 = arith.constant 48 : i32
        %add3A_436 = arith.addi %mul3A_434, %add3A_435 : i32
        %get3A_437 = arith.index_cast %add3A_436 : i32 to index
        %get3A_438 = tpu.vector_load %arg10[%get3A_437] {strides = array<i32>} : memref<1024xi32, #tpu.memory_space<vmem>>, vector<16xi32>,
        %mul3A_439 = arith.constant 128 : i32
        %mul3A_440 = arith.muli %scan3A_414, %mul3A_439 : i32
        %add3A_441 = arith.constant 64 : i32
        %add3A_442 = arith.addi %mul3A_440, %add3A_441 : i32
        %get3A_443 = arith.index_cast %add3A_442 : i32 to index
        %get3A_444 = tpu.vector_load %arg10[%get3A_443] {strides = array<i32>} : memref<1024xi32, #tpu.memory_space<vmem>>, vector<16xi32>,
        %mul3A_445 = arith.constant 128 : i32
        %mul3A_446 = arith.muli %scan3A_414, %mul3A_445 : i32
        %add3A_447 = arith.constant 80 : i32
        %add3A_448 = arith.addi %mul3A_446, %add3A_447 : i32
        %get3A_449 = arith.index_cast %add3A_448 : i32 to index
        %get3A_450 = tpu.vector_load %arg10[%get3A_449] {strides = array<i32>} : memref<1024xi32, #tpu.memory_space<vmem>>, vector<16xi32>,
        %mul3A_451 = arith.constant 128 : i32
        %mul3A_452 = arith.muli %scan3A_414, %mul3A_451 : i32
        %add3A_453 = arith.constant 96 : i32
        %add3A_454 = arith.addi %mul3A_452, %add3A_453 : i32
        %get3A_455 = arith.index_cast %add3A_454 : i32 to index
        %get3A_456 = tpu.vector_load %arg10[%get3A_455] {strides = array<i32>} : memref<1024xi32, #tpu.memory_space<vmem>>, vector<16xi32>,
        %mul3A_457 = arith.constant 128 : i32
        %mul3A_458 = arith.muli %scan3A_414, %mul3A_457 : i32
        %add3A_459 = arith.constant 112 : i32
        %add3A_460 = arith.addi %mul3A_458, %add3A_459 : i32
        %get3A_461 = arith.index_cast %add3A_460 : i32 to index
        %get3A_462 = tpu.vector_load %arg10[%get3A_461] {strides = array<i32>} : memref<1024xi32, #tpu.memory_space<vmem>>, vector<16xi32>,
        %scan3A_463 = arith.constant 0 : i32
        %scan3A_464 = arith.constant 0 : i32
        %scan3A_465 = arith.constant 8 : i32
        %scan3A_466 = arith.addi %scan3A_464, %scan3A_465 : i32
        %scan3A_467 = arith.constant 1 : i32
        scf.for %scan3A_605 = %scan3A_464 to %scan3A_466 step %scan3A_467  : i32 {
          %mul3A_606 = arith.constant 0 : i32
          %mul3A_607 = vector.broadcast %mul3A_606 : i32 to vector<16xi32>
          %mul3A_608 = arith.muli %iota3A, %mul3A_607 : vector<16xi32>
          %add3A_609 = arith.constant 56 : i32
          %add3A_610 = arith.addi %add3A_609, %scan3A_605 : i32
          %add3A_611 = vector.broadcast %add3A_610 : i32 to vector<16xi32>
          %add3A_612 = arith.addi %mul3A_608, %add3A_611 : vector<16xi32>
          %gather3A_613 = tpu.vector_load_idx %arg9[%add3A_612] : memref<64xf32, #tpu.memory_space<vmem>>[vector<16xi32>], vector<16xf32>,
          %gather3A_614 = tpu.vector_load_idx %arg7[%add3A_612, %get3A_420] : memref<64x1001xf32, #tpu.memory_space<vmem>>[vector<16xi32>, vector<16xi32>], vector<16xf32>,
          %add3A_615 = arith.addf %gather3A_614, %gather3A_613 : vector<16xf32>
          %swap3A_616 = arith.index_cast %scan3A_414 : i32 to index
          %swap3A_617 = arith.index_cast %scan3A_605 : i32 to index
          %swap3A_618 = arith.constant 0 : index
          %swap3A_619 = tpu.vector_load %arg15[%swap3A_616, %swap3A_617, %swap3A_618] {strides = array<i32>} : memref<8x8x128xf32, #tpu.memory_space<vmem>>, vector<16xf32>,
          tpu.vector_store %arg15[%swap3A_616, %swap3A_617, %swap3A_618], %add3A_615 {strides = array<i32>} : memref<8x8x128xf32, #tpu.memory_space<vmem>>, vector<16xf32>,
          %gather3A_620 = tpu.vector_load_idx %arg7[%add3A_612, %get3A_426] : memref<64x1001xf32, #tpu.memory_space<vmem>>[vector<16xi32>, vector<16xi32>], vector<16xf32>,
          %add3A_621 = arith.addf %gather3A_620, %gather3A_613 : vector<16xf32>
          %swap3A_622 = arith.index_cast %scan3A_414 : i32 to index
          %swap3A_623 = arith.index_cast %scan3A_605 : i32 to index
          %swap3A_624 = arith.constant 16 : index
          %swap3A_625 = tpu.vector_load %arg15[%swap3A_622, %swap3A_623, %swap3A_624] {strides = array<i32>} : memref<8x8x128xf32, #tpu.memory_space<vmem>>, vector<16xf32>,
          tpu.vector_store %arg15[%swap3A_622, %swap3A_623, %swap3A_624], %add3A_621 {strides = array<i32>} : memref<8x8x128xf32, #tpu.memory_space<vmem>>, vector<16xf32>,
          %gather3A_626 = tpu.vector_load_idx %arg7[%add3A_612, %get3A_432] : memref<64x1001xf32, #tpu.memory_space<vmem>>[vector<16xi32>, vector<16xi32>], vector<16xf32>,
          %add3A_627 = arith.addf %gather3A_626, %gather3A_613 : vector<16xf32>
          %swap3A_628 = arith.index_cast %scan3A_414 : i32 to index
          %swap3A_629 = arith.index_cast %scan3A_605 : i32 to index
          %swap3A_630 = arith.constant 32 : index
          %swap3A_631 = tpu.vector_load %arg15[%swap3A_628, %swap3A_629, %swap3A_630] {strides = array<i32>} : memref<8x8x128xf32, #tpu.memory_space<vmem>>, vector<16xf32>,
          tpu.vector_store %arg15[%swap3A_628, %swap3A_629, %swap3A_630], %add3A_627 {strides = array<i32>} : memref<8x8x128xf32, #tpu.memory_space<vmem>>, vector<16xf32>,
          %gather3A_632 = tpu.vector_load_idx %arg7[%add3A_612, %get3A_438] : memref<64x1001xf32, #tpu.memory_space<vmem>>[vector<16xi32>, vector<16xi32>], vector<16xf32>,
          %add3A_633 = arith.addf %gather3A_632, %gather3A_613 : vector<16xf32>
          %swap3A_634 = arith.index_cast %scan3A_414 : i32 to index
          %swap3A_635 = arith.index_cast %scan3A_605 : i32 to index
          %swap3A_636 = arith.constant 48 : index
          %swap3A_637 = tpu.vector_load %arg15[%swap3A_634, %swap3A_635, %swap3A_636] {strides = array<i32>} : memref<8x8x128xf32, #tpu.memory_space<vmem>>, vector<16xf32>,
          tpu.vector_store %arg15[%swap3A_634, %swap3A_635, %swap3A_636], %add3A_633 {strides = array<i32>} : memref<8x8x128xf32, #tpu.memory_space<vmem>>, vector<16xf32>,
          %gather3A_638 = tpu.vector_load_idx %arg7[%add3A_612, %get3A_444] : memref<64x1001xf32, #tpu.memory_space<vmem>>[vector<16xi32>, vector<16xi32>], vector<16xf32>,
          %add3A_639 = arith.addf %gather3A_638, %gather3A_613 : vector<16xf32>
          %swap3A_640 = arith.index_cast %scan3A_414 : i32 to index
          %swap3A_641 = arith.index_cast %scan3A_605 : i32 to index
          %swap3A_642 = arith.constant 64 : index
          %swap3A_643 = tpu.vector_load %arg15[%swap3A_640, %swap3A_641, %swap3A_642] {strides = array<i32>} : memref<8x8x128xf32, #tpu.memory_space<vmem>>, vector<16xf32>,
          tpu.vector_store %arg15[%swap3A_640, %swap3A_641, %swap3A_642], %add3A_639 {strides = array<i32>} : memref<8x8x128xf32, #tpu.memory_space<vmem>>, vector<16xf32>,
          %gather3A_644 = tpu.vector_load_idx %arg7[%add3A_612, %get3A_450] : memref<64x1001xf32, #tpu.memory_space<vmem>>[vector<16xi32>, vector<16xi32>], vector<16xf32>,
          %add3A_645 = arith.addf %gather3A_644, %gather3A_613 : vector<16xf32>
          %swap3A_646 = arith.index_cast %scan3A_414 : i32 to index
          %swap3A_647 = arith.index_cast %scan3A_605 : i32 to index
          %swap3A_648 = arith.constant 80 : index
          %swap3A_649 = tpu.vector_load %arg15[%swap3A_646, %swap3A_647, %swap3A_648] {strides = array<i32>} : memref<8x8x128xf32, #tpu.memory_space<vmem>>, vector<16xf32>,
          tpu.vector_store %arg15[%swap3A_646, %swap3A_647, %swap3A_648], %add3A_645 {strides = array<i32>} : memref<8x8x128xf32, #tpu.memory_space<vmem>>, vector<16xf32>,
          %gather3A_650 = tpu.vector_load_idx %arg7[%add3A_612, %get3A_456] : memref<64x1001xf32, #tpu.memory_space<vmem>>[vector<16xi32>, vector<16xi32>], vector<16xf32>,
          %add3A_651 = arith.addf %gather3A_650, %gather3A_613 : vector<16xf32>
          %swap3A_652 = arith.index_cast %scan3A_414 : i32 to index
          %swap3A_653 = arith.index_cast %scan3A_605 : i32 to index
          %swap3A_654 = arith.constant 96 : index
          %swap3A_655 = tpu.vector_load %arg15[%swap3A_652, %swap3A_653, %swap3A_654] {strides = array<i32>} : memref<8x8x128xf32, #tpu.memory_space<vmem>>, vector<16xf32>,
          tpu.vector_store %arg15[%swap3A_652, %swap3A_653, %swap3A_654], %add3A_651 {strides = array<i32>} : memref<8x8x128xf32, #tpu.memory_space<vmem>>, vector<16xf32>,
          %gather3A_656 = tpu.vector_load_idx %arg7[%add3A_612, %get3A_462] : memref<64x1001xf32, #tpu.memory_space<vmem>>[vector<16xi32>, vector<16xi32>], vector<16xf32>,
          %add3A_657 = arith.addf %gather3A_656, %gather3A_613 : vector<16xf32>
          %swap3A_658 = arith.index_cast %scan3A_414 : i32 to index
          %swap3A_659 = arith.index_cast %scan3A_605 : i32 to index
          %swap3A_660 = arith.constant 112 : index
          %swap3A_661 = tpu.vector_load %arg15[%swap3A_658, %swap3A_659, %swap3A_660] {strides = array<i32>} : memref<8x8x128xf32, #tpu.memory_space<vmem>>, vector<16xf32>,
          tpu.vector_store %arg15[%swap3A_658, %swap3A_659, %swap3A_660], %add3A_657 {strides = array<i32>} : memref<8x8x128xf32, #tpu.memory_space<vmem>>, vector<16xf32>,
        }
        %scan3A_468 = arith.constant 8 : i32
        %mul3A_469 = arith.constant 128 : i32
        %mul3A_470 = arith.muli %scan3A_414, %mul3A_469 : i32
        %add3A_471 = arith.constant 0 : i32
        %add3A_472 = arith.addi %mul3A_470, %add3A_471 : i32
        %get3A_473 = arith.index_cast %add3A_472 : i32 to index
        %get3A_474 = tpu.vector_load %arg11[%get3A_473] {strides = array<i32>} : memref<1024xf32, #tpu.memory_space<vmem>>, vector<16xf32>,
        %get3A_475 = arith.constant 7 : i32
        %get3A_476 = arith.index_cast %scan3A_414 : i32 to index
        %get3A_477 = arith.index_cast %get3A_475 : i32 to index
        %get3A_478 = arith.constant 0 : index
        %get3A_479 = tpu.vector_load %arg15[%get3A_476, %get3A_477, %get3A_478] {strides = array<i32>} : memref<8x8x128xf32, #tpu.memory_space<vmem>>, vector<16xf32>,
        %add3A_480 = arith.addf %get3A_479, %get3A_474 : vector<16xf32>
        %swap3A_481 = arith.constant 7 : i32
        %swap3A_482 = arith.index_cast %scan3A_414 : i32 to index
        %swap3A_483 = arith.index_cast %swap3A_481 : i32 to index
        %swap3A_484 = arith.constant 0 : index
        %swap3A_485 = tpu.vector_load %arg15[%swap3A_482, %swap3A_483, %swap3A_484] {strides = array<i32>} : memref<8x8x128xf32, #tpu.memory_space<vmem>>, vector<16xf32>,
        tpu.vector_store %arg15[%swap3A_482, %swap3A_483, %swap3A_484], %add3A_480 {strides = array<i32>} : memref<8x8x128xf32, #tpu.memory_space<vmem>>, vector<16xf32>,
        %mul3A_486 = arith.constant 128 : i32
        %mul3A_487 = arith.muli %scan3A_414, %mul3A_486 : i32
        %add3A_488 = arith.constant 16 : i32
        %add3A_489 = arith.addi %mul3A_487, %add3A_488 : i32
        %get3A_490 = arith.index_cast %add3A_489 : i32 to index
        %get3A_491 = tpu.vector_load %arg11[%get3A_490] {strides = array<i32>} : memref<1024xf32, #tpu.memory_space<vmem>>, vector<16xf32>,
        %get3A_492 = arith.constant 7 : i32
        %get3A_493 = arith.index_cast %scan3A_414 : i32 to index
        %get3A_494 = arith.index_cast %get3A_492 : i32 to index
        %get3A_495 = arith.constant 16 : index
        %get3A_496 = tpu.vector_load %arg15[%get3A_493, %get3A_494, %get3A_495] {strides = array<i32>} : memref<8x8x128xf32, #tpu.memory_space<vmem>>, vector<16xf32>,
        %add3A_497 = arith.addf %get3A_496, %get3A_491 : vector<16xf32>
        %swap3A_498 = arith.constant 7 : i32
        %swap3A_499 = arith.index_cast %scan3A_414 : i32 to index
        %swap3A_500 = arith.index_cast %swap3A_498 : i32 to index
        %swap3A_501 = arith.constant 16 : index
        %swap3A_502 = tpu.vector_load %arg15[%swap3A_499, %swap3A_500, %swap3A_501] {strides = array<i32>} : memref<8x8x128xf32, #tpu.memory_space<vmem>>, vector<16xf32>,
        tpu.vector_store %arg15[%swap3A_499, %swap3A_500, %swap3A_501], %add3A_497 {strides = array<i32>} : memref<8x8x128xf32, #tpu.memory_space<vmem>>, vector<16xf32>,
        %mul3A_503 = arith.constant 128 : i32
        %mul3A_504 = arith.muli %scan3A_414, %mul3A_503 : i32
        %add3A_505 = arith.constant 32 : i32
        %add3A_506 = arith.addi %mul3A_504, %add3A_505 : i32
        %get3A_507 = arith.index_cast %add3A_506 : i32 to index
        %get3A_508 = tpu.vector_load %arg11[%get3A_507] {strides = array<i32>} : memref<1024xf32, #tpu.memory_space<vmem>>, vector<16xf32>,
        %get3A_509 = arith.constant 7 : i32
        %get3A_510 = arith.index_cast %scan3A_414 : i32 to index
        %get3A_511 = arith.index_cast %get3A_509 : i32 to index
        %get3A_512 = arith.constant 32 : index
        %get3A_513 = tpu.vector_load %arg15[%get3A_510, %get3A_511, %get3A_512] {strides = array<i32>} : memref<8x8x128xf32, #tpu.memory_space<vmem>>, vector<16xf32>,
        %add3A_514 = arith.addf %get3A_513, %get3A_508 : vector<16xf32>
        %swap3A_515 = arith.constant 7 : i32
        %swap3A_516 = arith.index_cast %scan3A_414 : i32 to index
        %swap3A_517 = arith.index_cast %swap3A_515 : i32 to index
        %swap3A_518 = arith.constant 32 : index
        %swap3A_519 = tpu.vector_load %arg15[%swap3A_516, %swap3A_517, %swap3A_518] {strides = array<i32>} : memref<8x8x128xf32, #tpu.memory_space<vmem>>, vector<16xf32>,
        tpu.vector_store %arg15[%swap3A_516, %swap3A_517, %swap3A_518], %add3A_514 {strides = array<i32>} : memref<8x8x128xf32, #tpu.memory_space<vmem>>, vector<16xf32>,
        %mul3A_520 = arith.constant 128 : i32
        %mul3A_521 = arith.muli %scan3A_414, %mul3A_520 : i32
        %add3A_522 = arith.constant 48 : i32
        %add3A_523 = arith.addi %mul3A_521, %add3A_522 : i32
        %get3A_524 = arith.index_cast %add3A_523 : i32 to index
        %get3A_525 = tpu.vector_load %arg11[%get3A_524] {strides = array<i32>} : memref<1024xf32, #tpu.memory_space<vmem>>, vector<16xf32>,
        %get3A_526 = arith.constant 7 : i32
        %get3A_527 = arith.index_cast %scan3A_414 : i32 to index
        %get3A_528 = arith.index_cast %get3A_526 : i32 to index
        %get3A_529 = arith.constant 48 : index
        %get3A_530 = tpu.vector_load %arg15[%get3A_527, %get3A_528, %get3A_529] {strides = array<i32>} : memref<8x8x128xf32, #tpu.memory_space<vmem>>, vector<16xf32>,
        %add3A_531 = arith.addf %get3A_530, %get3A_525 : vector<16xf32>
        %swap3A_532 = arith.constant 7 : i32
        %swap3A_533 = arith.index_cast %scan3A_414 : i32 to index
        %swap3A_534 = arith.index_cast %swap3A_532 : i32 to index
        %swap3A_535 = arith.constant 48 : index
        %swap3A_536 = tpu.vector_load %arg15[%swap3A_533, %swap3A_534, %swap3A_535] {strides = array<i32>} : memref<8x8x128xf32, #tpu.memory_space<vmem>>, vector<16xf32>,
        tpu.vector_store %arg15[%swap3A_533, %swap3A_534, %swap3A_535], %add3A_531 {strides = array<i32>} : memref<8x8x128xf32, #tpu.memory_space<vmem>>, vector<16xf32>,
        %mul3A_537 = arith.constant 128 : i32
        %mul3A_538 = arith.muli %scan3A_414, %mul3A_537 : i32
        %add3A_539 = arith.constant 64 : i32
        %add3A_540 = arith.addi %mul3A_538, %add3A_539 : i32
        %get3A_541 = arith.index_cast %add3A_540 : i32 to index
        %get3A_542 = tpu.vector_load %arg11[%get3A_541] {strides = array<i32>} : memref<1024xf32, #tpu.memory_space<vmem>>, vector<16xf32>,
        %get3A_543 = arith.constant 7 : i32
        %get3A_544 = arith.index_cast %scan3A_414 : i32 to index
        %get3A_545 = arith.index_cast %get3A_543 : i32 to index
        %get3A_546 = arith.constant 64 : index
        %get3A_547 = tpu.vector_load %arg15[%get3A_544, %get3A_545, %get3A_546] {strides = array<i32>} : memref<8x8x128xf32, #tpu.memory_space<vmem>>, vector<16xf32>,
        %add3A_548 = arith.addf %get3A_547, %get3A_542 : vector<16xf32>
        %swap3A_549 = arith.constant 7 : i32
        %swap3A_550 = arith.index_cast %scan3A_414 : i32 to index
        %swap3A_551 = arith.index_cast %swap3A_549 : i32 to index
        %swap3A_552 = arith.constant 64 : index
        %swap3A_553 = tpu.vector_load %arg15[%swap3A_550, %swap3A_551, %swap3A_552] {strides = array<i32>} : memref<8x8x128xf32, #tpu.memory_space<vmem>>, vector<16xf32>,
        tpu.vector_store %arg15[%swap3A_550, %swap3A_551, %swap3A_552], %add3A_548 {strides = array<i32>} : memref<8x8x128xf32, #tpu.memory_space<vmem>>, vector<16xf32>,
        %mul3A_554 = arith.constant 128 : i32
        %mul3A_555 = arith.muli %scan3A_414, %mul3A_554 : i32
        %add3A_556 = arith.constant 80 : i32
        %add3A_557 = arith.addi %mul3A_555, %add3A_556 : i32
        %get3A_558 = arith.index_cast %add3A_557 : i32 to index
        %get3A_559 = tpu.vector_load %arg11[%get3A_558] {strides = array<i32>} : memref<1024xf32, #tpu.memory_space<vmem>>, vector<16xf32>,
        %get3A_560 = arith.constant 7 : i32
        %get3A_561 = arith.index_cast %scan3A_414 : i32 to index
        %get3A_562 = arith.index_cast %get3A_560 : i32 to index
        %get3A_563 = arith.constant 80 : index
        %get3A_564 = tpu.vector_load %arg15[%get3A_561, %get3A_562, %get3A_563] {strides = array<i32>} : memref<8x8x128xf32, #tpu.memory_space<vmem>>, vector<16xf32>,
        %add3A_565 = arith.addf %get3A_564, %get3A_559 : vector<16xf32>
        %swap3A_566 = arith.constant 7 : i32
        %swap3A_567 = arith.index_cast %scan3A_414 : i32 to index
        %swap3A_568 = arith.index_cast %swap3A_566 : i32 to index
        %swap3A_569 = arith.constant 80 : index
        %swap3A_570 = tpu.vector_load %arg15[%swap3A_567, %swap3A_568, %swap3A_569] {strides = array<i32>} : memref<8x8x128xf32, #tpu.memory_space<vmem>>, vector<16xf32>,
        tpu.vector_store %arg15[%swap3A_567, %swap3A_568, %swap3A_569], %add3A_565 {strides = array<i32>} : memref<8x8x128xf32, #tpu.memory_space<vmem>>, vector<16xf32>,
        %mul3A_571 = arith.constant 128 : i32
        %mul3A_572 = arith.muli %scan3A_414, %mul3A_571 : i32
        %add3A_573 = arith.constant 96 : i32
        %add3A_574 = arith.addi %mul3A_572, %add3A_573 : i32
        %get3A_575 = arith.index_cast %add3A_574 : i32 to index
        %get3A_576 = tpu.vector_load %arg11[%get3A_575] {strides = array<i32>} : memref<1024xf32, #tpu.memory_space<vmem>>, vector<16xf32>,
        %get3A_577 = arith.constant 7 : i32
        %get3A_578 = arith.index_cast %scan3A_414 : i32 to index
        %get3A_579 = arith.index_cast %get3A_577 : i32 to index
        %get3A_580 = arith.constant 96 : index
        %get3A_581 = tpu.vector_load %arg15[%get3A_578, %get3A_579, %get3A_580] {strides = array<i32>} : memref<8x8x128xf32, #tpu.memory_space<vmem>>, vector<16xf32>,
        %add3A_582 = arith.addf %get3A_581, %get3A_576 : vector<16xf32>
        %swap3A_583 = arith.constant 7 : i32
        %swap3A_584 = arith.index_cast %scan3A_414 : i32 to index
        %swap3A_585 = arith.index_cast %swap3A_583 : i32 to index
        %swap3A_586 = arith.constant 96 : index
        %swap3A_587 = tpu.vector_load %arg15[%swap3A_584, %swap3A_585, %swap3A_586] {strides = array<i32>} : memref<8x8x128xf32, #tpu.memory_space<vmem>>, vector<16xf32>,
        tpu.vector_store %arg15[%swap3A_584, %swap3A_585, %swap3A_586], %add3A_582 {strides = array<i32>} : memref<8x8x128xf32, #tpu.memory_space<vmem>>, vector<16xf32>,
        %mul3A_588 = arith.constant 128 : i32
        %mul3A_589 = arith.muli %scan3A_414, %mul3A_588 : i32
        %add3A_590 = arith.constant 112 : i32
        %add3A_591 = arith.addi %mul3A_589, %add3A_590 : i32
        %get3A_592 = arith.index_cast %add3A_591 : i32 to index
        %get3A_593 = tpu.vector_load %arg11[%get3A_592] {strides = array<i32>} : memref<1024xf32, #tpu.memory_space<vmem>>, vector<16xf32>,
        %get3A_594 = arith.constant 7 : i32
        %get3A_595 = arith.index_cast %scan3A_414 : i32 to index
        %get3A_596 = arith.index_cast %get3A_594 : i32 to index
        %get3A_597 = arith.constant 112 : index
        %get3A_598 = tpu.vector_load %arg15[%get3A_595, %get3A_596, %get3A_597] {strides = array<i32>} : memref<8x8x128xf32, #tpu.memory_space<vmem>>, vector<16xf32>,
        %add3A_599 = arith.addf %get3A_598, %get3A_593 : vector<16xf32>
        %swap3A_600 = arith.constant 7 : i32
        %swap3A_601 = arith.index_cast %scan3A_414 : i32 to index
        %swap3A_602 = arith.index_cast %swap3A_600 : i32 to index
        %swap3A_603 = arith.constant 112 : index
        %swap3A_604 = tpu.vector_load %arg15[%swap3A_601, %swap3A_602, %swap3A_603] {strides = array<i32>} : memref<8x8x128xf32, #tpu.memory_space<vmem>>, vector<16xf32>,
        tpu.vector_store %arg15[%swap3A_601, %swap3A_602, %swap3A_603], %add3A_599 {strides = array<i32>} : memref<8x8x128xf32, #tpu.memory_space<vmem>>, vector<16xf32>,
      }
      %scan3A_390 = arith.constant 8 : i32
      %dma_start3A_391 = arith.constant 7 : i32
      %dma_start3A_392 = arith.constant 0 : i32
      %dma_start3A_393 = arith.constant 0 : i32
      %dma_start3A_394 = arith.constant 0 : i32
      %dma_start3A_395 = arith.constant 0 : i32
      %dma_start3A_396 = tpu.memref_slice %arg6[%add3A_21, %dma_start3A_392, %dma_start3A_393, %dma_start3A_394, %dma_start3A_395] : memref<1001x8x8x8x128xf32, #tpu.memory_space<hbm>> -> memref<1x8x8x8x128xf32, #tpu.memory_space<hbm>>
      %dma_start3A_397 = tpu.memref_squeeze %dma_start3A_396 : memref<1x8x8x8x128xf32, #tpu.memory_space<hbm>> -> memref<8x8x8x128xf32, #tpu.memory_space<hbm>>
      %dma_start3A_398 = arith.constant 0 : i32
      %dma_start3A_399 = arith.constant 0 : i32
      %dma_start3A_400 = arith.constant 0 : i32
      %dma_start3A_401 = tpu.memref_slice %dma_start3A_397[%dma_start3A_391, %dma_start3A_398, %dma_start3A_399, %dma_start3A_400] : memref<8x8x8x128xf32, #tpu.memory_space<hbm>> -> memref<1x8x8x128xf32, #tpu.memory_space<hbm>>
      %dma_start3A_402 = tpu.memref_squeeze %dma_start3A_401 : memref<1x8x8x128xf32, #tpu.memory_space<hbm>> -> memref<8x8x128xf32, #tpu.memory_space<hbm>>
      %dma_start3A_403 = arith.constant 0 : i32
      %dma_start3A_404 = arith.constant 0 : i32
      %dma_start3A_405 = arith.constant 0 : i32
      %dma_start3A_406 = arith.constant 0 : i32
      %dma_start3A_407 = tpu.memref_slice %arg6[%add3A_21, %dma_start3A_403, %dma_start3A_404, %dma_start3A_405, %dma_start3A_406] : memref<1001x8x8x8x128xf32, #tpu.memory_space<hbm>> -> memref<1x8x8x8x128xf32, #tpu.memory_space<hbm>>
      %dma_start3A_408 = tpu.memref_squeeze %dma_start3A_407 : memref<1x8x8x8x128xf32, #tpu.memory_space<hbm>> -> memref<8x8x8x128xf32, #tpu.memory_space<hbm>>
      %dma_start3A_409 = arith.constant 0 : i32
      %dma_start3A_410 = arith.constant 0 : i32
      %dma_start3A_411 = arith.constant 0 : i32
      %dma_start3A_412 = tpu.memref_slice %dma_start3A_408[%dma_start3A_391, %dma_start3A_409, %dma_start3A_410, %dma_start3A_411] : memref<8x8x8x128xf32, #tpu.memory_space<hbm>> -> memref<1x8x8x128xf32, #tpu.memory_space<hbm>>
      %dma_start3A_413 = tpu.memref_squeeze %dma_start3A_412 : memref<1x8x8x128xf32, #tpu.memory_space<hbm>> -> memref<8x8x128xf32, #tpu.memory_space<hbm>>
      tpu.enqueue_dma source(%arg15 : memref<8x8x128xf32, #tpu.memory_space<vmem>>) target(%dma_start3A_413 : memref<8x8x128xf32, #tpu.memory_space<hbm>>) target_semaphore(%arg19 : memref<!tpu.dma_semaphore, #tpu.memory_space<semaphore_mem>>)
    }
    %while3A_14 = arith.constant 1 : i32
    scf.for %while3A_20 = %while3A_12 to %while3A_8 step %while3A_14  : i32 {
      %add3A_21 = arith.addi %mul3A_2, %while3A_20 : i32
      %dma_start3A = arith.constant 0 : i32
      %dma_start3A_22 = tpu.memref_slice %arg2[%add3A_21, %dma_start3A] : memref<1002x1024xi32, #tpu.memory_space<hbm>> -> memref<1x1024xi32, #tpu.memory_space<hbm>>
      %dma_start3A_23 = tpu.memref_squeeze %dma_start3A_22 : memref<1x1024xi32, #tpu.memory_space<hbm>> -> memref<1024xi32, #tpu.memory_space<hbm>>
      %dma_start3A_24 = arith.constant 0 : i32
      %dma_start3A_25 = tpu.memref_slice %arg2[%add3A_21, %dma_start3A_24] : memref<1002x1024xi32, #tpu.memory_space<hbm>> -> memref<1x1024xi32, #tpu.memory_space<hbm>>
      %dma_start3A_26 = tpu.memref_squeeze %dma_start3A_25 : memref<1x1024xi32, #tpu.memory_space<hbm>> -> memref<1024xi32, #tpu.memory_space<hbm>>
      tpu.enqueue_dma source(%dma_start3A_26 : memref<1024xi32, #tpu.memory_space<hbm>>) target(%arg10 : memref<1024xi32, #tpu.memory_space<vmem>>) target_semaphore(%arg20 : memref<!tpu.dma_semaphore, #tpu.memory_space<semaphore_mem>>)
      %dma_start3A_27 = arith.constant 0 : i32
      %dma_start3A_28 = tpu.memref_slice %arg3[%add3A_21, %dma_start3A_27] : memref<1001x1024xf32, #tpu.memory_space<hbm>> -> memref<1x1024xf32, #tpu.memory_space<hbm>>
      %dma_start3A_29 = tpu.memref_squeeze %dma_start3A_28 : memref<1x1024xf32, #tpu.memory_space<hbm>> -> memref<1024xf32, #tpu.memory_space<hbm>>
      %dma_start3A_30 = arith.constant 0 : i32
      %dma_start3A_31 = tpu.memref_slice %arg3[%add3A_21, %dma_start3A_30] : memref<1001x1024xf32, #tpu.memory_space<hbm>> -> memref<1x1024xf32, #tpu.memory_space<hbm>>
      %dma_start3A_32 = tpu.memref_squeeze %dma_start3A_31 : memref<1x1024xf32, #tpu.memory_space<hbm>> -> memref<1024xf32, #tpu.memory_space<hbm>>
      tpu.enqueue_dma source(%dma_start3A_32 : memref<1024xf32, #tpu.memory_space<hbm>>) target(%arg11 : memref<1024xf32, #tpu.memory_space<vmem>>) target_semaphore(%arg20 : memref<!tpu.dma_semaphore, #tpu.memory_space<semaphore_mem>>)
      %dma_wait3A = arith.constant 0 : i32
      %dma_wait3A_33 = tpu.memref_slice %arg2[%add3A_21, %dma_wait3A] : memref<1002x1024xi32, #tpu.memory_space<hbm>> -> memref<1x1024xi32, #tpu.memory_space<hbm>>
      %dma_wait3A_34 = tpu.memref_squeeze %dma_wait3A_33 : memref<1x1024xi32, #tpu.memory_space<hbm>> -> memref<1024xi32, #tpu.memory_space<hbm>>
      %dma_wait3A_35 = arith.constant 0 : i32
      %dma_wait3A_36 = tpu.memref_slice %arg2[%add3A_21, %dma_wait3A_35] : memref<1002x1024xi32, #tpu.memory_space<hbm>> -> memref<1x1024xi32, #tpu.memory_space<hbm>>
      %dma_wait3A_37 = tpu.memref_squeeze %dma_wait3A_36 : memref<1x1024xi32, #tpu.memory_space<hbm>> -> memref<1024xi32, #tpu.memory_space<hbm>>
      tpu.wait_dma2 semaphore(%arg20 : memref<!tpu.dma_semaphore, #tpu.memory_space<semaphore_mem>>) src(%dma_wait3A_37 : memref<1024xi32, #tpu.memory_space<hbm>>) dst(%arg10 : memref<1024xi32, #tpu.memory_space<vmem>>)
      %dma_wait3A_38 = arith.constant 0 : i32
      %dma_wait3A_39 = tpu.memref_slice %arg3[%add3A_21, %dma_wait3A_38] : memref<1001x1024xf32, #tpu.memory_space<hbm>> -> memref<1x1024xf32, #tpu.memory_space<hbm>>
      %dma_wait3A_40 = tpu.memref_squeeze %dma_wait3A_39 : memref<1x1024xf32, #tpu.memory_space<hbm>> -> memref<1024xf32, #tpu.memory_space<hbm>>
      %dma_wait3A_41 = arith.constant 0 : i32
      %dma_wait3A_42 = tpu.memref_slice %arg3[%add3A_21, %dma_wait3A_41] : memref<1001x1024xf32, #tpu.memory_space<hbm>> -> memref<1x1024xf32, #tpu.memory_space<hbm>>
      %dma_wait3A_43 = tpu.memref_squeeze %dma_wait3A_42 : memref<1x1024xf32, #tpu.memory_space<hbm>> -> memref<1024xf32, #tpu.memory_space<hbm>>
      tpu.wait_dma2 semaphore(%arg20 : memref<!tpu.dma_semaphore, #tpu.memory_space<semaphore_mem>>) src(%dma_wait3A_43 : memref<1024xf32, #tpu.memory_space<hbm>>) dst(%arg11 : memref<1024xf32, #tpu.memory_space<vmem>>)
      %get3A = arith.constant 0 : index
      %get3A_44 = tpu.vector_load %arg10[%get3A] {strides = array<i32>} : memref<1024xi32, #tpu.memory_space<vmem>>, vector<16xi32>,
      %shift_right_arithmetic3A = arith.constant 31 : i32
      %shift_right_arithmetic3A_45 = vector.broadcast %shift_right_arithmetic3A : i32 to vector<16xi32>
      %shift_right_arithmetic3A_46 = arith.shrsi %get3A_44, %shift_right_arithmetic3A_45 : vector<16xi32>
      %add3A_47 = vector.broadcast %while3A_20 : i32 to vector<16xi32>
      %add3A_48 = arith.addi %shift_right_arithmetic3A_46, %add3A_47 : vector<16xi32>
      %add3A_49 = arith.constant 0 : i32
      %add3A_50 = vector.broadcast %add3A_49 : i32 to vector<16xi32>
      %add3A_51 = arith.addi %add3A_50, %iota3A : vector<16xi32>
      %gather3A = tpu.vector_load_idx %arg8[%add3A_51, %add3A_48] : memref<64x32xf32, #tpu.memory_space<vmem>>[vector<16xi32>, vector<16xi32>], vector<16xf32>,
      %swap3A = arith.constant 0 : index
      %swap3A_52 = tpu.vector_load %arg9[%swap3A] {strides = array<i32>} : memref<64xf32, #tpu.memory_space<vmem>>, vector<16xf32>,
      tpu.vector_store %arg9[%swap3A], %gather3A {strides = array<i32>} : memref<64xf32, #tpu.memory_space<vmem>>, vector<16xf32>,
      %add3A_53 = arith.constant 16 : i32
      %add3A_54 = vector.broadcast %add3A_53 : i32 to vector<16xi32>
      %add3A_55 = arith.addi %add3A_54, %iota3A : vector<16xi32>
      %gather3A_56 = tpu.vector_load_idx %arg8[%add3A_55, %add3A_48] : memref<64x32xf32, #tpu.memory_space<vmem>>[vector<16xi32>, vector<16xi32>], vector<16xf32>,
      %swap3A_57 = arith.constant 16 : index
      %swap3A_58 = tpu.vector_load %arg9[%swap3A_57] {strides = array<i32>} : memref<64xf32, #tpu.memory_space<vmem>>, vector<16xf32>,
      tpu.vector_store %arg9[%swap3A_57], %gather3A_56 {strides = array<i32>} : memref<64xf32, #tpu.memory_space<vmem>>, vector<16xf32>,
      %add3A_59 = arith.constant 32 : i32
      %add3A_60 = vector.broadcast %add3A_59 : i32 to vector<16xi32>
      %add3A_61 = arith.addi %add3A_60, %iota3A : vector<16xi32>
      %gather3A_62 = tpu.vector_load_idx %arg8[%add3A_61, %add3A_48] : memref<64x32xf32, #tpu.memory_space<vmem>>[vector<16xi32>, vector<16xi32>], vector<16xf32>,
      %swap3A_63 = arith.constant 32 : index
      %swap3A_64 = tpu.vector_load %arg9[%swap3A_63] {strides = array<i32>} : memref<64xf32, #tpu.memory_space<vmem>>, vector<16xf32>,
      tpu.vector_store %arg9[%swap3A_63], %gather3A_62 {strides = array<i32>} : memref<64xf32, #tpu.memory_space<vmem>>, vector<16xf32>,
      %add3A_65 = arith.constant 48 : i32
      %add3A_66 = vector.broadcast %add3A_65 : i32 to vector<16xi32>
      %add3A_67 = arith.addi %add3A_66, %iota3A : vector<16xi32>
      %gather3A_68 = tpu.vector_load_idx %arg8[%add3A_67, %add3A_48] : memref<64x32xf32, #tpu.memory_space<vmem>>[vector<16xi32>, vector<16xi32>], vector<16xf32>,
      %swap3A_69 = arith.constant 48 : index
      %swap3A_70 = tpu.vector_load %arg9[%swap3A_69] {strides = array<i32>} : memref<64xf32, #tpu.memory_space<vmem>>, vector<16xf32>,
      tpu.vector_store %arg9[%swap3A_69], %gather3A_68 {strides = array<i32>} : memref<64xf32, #tpu.memory_space<vmem>>, vector<16xf32>,
      %gt3A_71 = arith.constant 0 : i32
      %gt3A_72 = arith.cmpi sgt, %while3A_20, %gt3A_71 : i32
      %convert_element_type3A_73 = arith.extui %gt3A_72 : i1 to i32
      %cond3A_74 = arith.constant 0 : i32
      %cond3A_75 = arith.cmpi ne, %convert_element_type3A_73, %cond3A_74 : i32
      scf.if %cond3A_75 {
        %dma_wait3A_414 = arith.constant 0 : i32
        %dma_wait3A_415 = arith.constant 0 : i32
        %dma_wait3A_416 = arith.constant 0 : i32
        %dma_wait3A_417 = arith.constant 0 : i32
        %dma_wait3A_418 = arith.constant 0 : i32
        %dma_wait3A_419 = tpu.memref_slice %arg6[%add3A_21, %dma_wait3A_415, %dma_wait3A_416, %dma_wait3A_417, %dma_wait3A_418] : memref<1001x8x8x8x128xf32, #tpu.memory_space<hbm>> -> memref<1x8x8x8x128xf32, #tpu.memory_space<hbm>>
        %dma_wait3A_420 = tpu.memref_squeeze %dma_wait3A_419 : memref<1x8x8x8x128xf32, #tpu.memory_space<hbm>> -> memref<8x8x8x128xf32, #tpu.memory_space<hbm>>
        %dma_wait3A_421 = arith.constant 0 : i32
        %dma_wait3A_422 = arith.constant 0 : i32
        %dma_wait3A_423 = arith.constant 0 : i32
        %dma_wait3A_424 = tpu.memref_slice %dma_wait3A_420[%dma_wait3A_414, %dma_wait3A_421, %dma_wait3A_422, %dma_wait3A_423] : memref<8x8x8x128xf32, #tpu.memory_space<hbm>> -> memref<1x8x8x128xf32, #tpu.memory_space<hbm>>
        %dma_wait3A_425 = tpu.memref_squeeze %dma_wait3A_424 : memref<1x8x8x128xf32, #tpu.memory_space<hbm>> -> memref<8x8x128xf32, #tpu.memory_space<hbm>>
        %dma_wait3A_426 = arith.constant 0 : i32
        %dma_wait3A_427 = arith.constant 0 : i32
        %dma_wait3A_428 = arith.constant 0 : i32
        %dma_wait3A_429 = arith.constant 0 : i32
        %dma_wait3A_430 = tpu.memref_slice %arg6[%add3A_21, %dma_wait3A_426, %dma_wait3A_427, %dma_wait3A_428, %dma_wait3A_429] : memref<1001x8x8x8x128xf32, #tpu.memory_space<hbm>> -> memref<1x8x8x8x128xf32, #tpu.memory_space<hbm>>
        %dma_wait3A_431 = tpu.memref_squeeze %dma_wait3A_430 : memref<1x8x8x8x128xf32, #tpu.memory_space<hbm>> -> memref<8x8x8x128xf32, #tpu.memory_space<hbm>>
        %dma_wait3A_432 = arith.constant 0 : i32
        %dma_wait3A_433 = arith.constant 0 : i32
        %dma_wait3A_434 = arith.constant 0 : i32
        %dma_wait3A_435 = tpu.memref_slice %dma_wait3A_431[%dma_wait3A_414, %dma_wait3A_432, %dma_wait3A_433, %dma_wait3A_434] : memref<8x8x8x128xf32, #tpu.memory_space<hbm>> -> memref<1x8x8x128xf32, #tpu.memory_space<hbm>>
        %dma_wait3A_436 = tpu.memref_squeeze %dma_wait3A_435 : memref<1x8x8x128xf32, #tpu.memory_space<hbm>> -> memref<8x8x128xf32, #tpu.memory_space<hbm>>
        tpu.wait_dma2 semaphore(%arg16 : memref<!tpu.dma_semaphore, #tpu.memory_space<semaphore_mem>>) src(%dma_wait3A_436 : memref<8x8x128xf32, #tpu.memory_space<hbm>>) dst(%arg12 : memref<8x8x128xf32, #tpu.memory_space<vmem>>)
      } else {
      }
      %scan3A = arith.constant 0 : i32
      %scan3A_76 = arith.constant 0 : i32
      %scan3A_77 = arith.constant 8 : i32
      %scan3A_78 = arith.addi %scan3A_76, %scan3A_77 : i32
      %scan3A_79 = arith.constant 1 : i32
      scf.for %scan3A_414 = %scan3A_76 to %scan3A_78 step %scan3A_79  : i32 {
        %mul3A_415 = arith.constant 128 : i32
        %mul3A_416 = arith.muli %scan3A_414, %mul3A_415 : i32
        %add3A_417 = arith.constant 0 : i32
        %add3A_418 = arith.addi %mul3A_416, %add3A_417 : i32
        %get3A_419 = arith.index_cast %add3A_418 : i32 to index
        %get3A_420 = tpu.vector_load %arg10[%get3A_419] {strides = array<i32>} : memref<1024xi32, #tpu.memory_space<vmem>>, vector<16xi32>,
        %mul3A_421 = arith.constant 128 : i32
        %mul3A_422 = arith.muli %scan3A_414, %mul3A_421 : i32
        %add3A_423 = arith.constant 16 : i32
        %add3A_424 = arith.addi %mul3A_422, %add3A_423 : i32
        %get3A_425 = arith.index_cast %add3A_424 : i32 to index
        %get3A_426 = tpu.vector_load %arg10[%get3A_425] {strides = array<i32>} : memref<1024xi32, #tpu.memory_space<vmem>>, vector<16xi32>,
        %mul3A_427 = arith.constant 128 : i32
        %mul3A_428 = arith.muli %scan3A_414, %mul3A_427 : i32
        %add3A_429 = arith.constant 32 : i32
        %add3A_430 = arith.addi %mul3A_428, %add3A_429 : i32
        %get3A_431 = arith.index_cast %add3A_430 : i32 to index
        %get3A_432 = tpu.vector_load %arg10[%get3A_431] {strides = array<i32>} : memref<1024xi32, #tpu.memory_space<vmem>>, vector<16xi32>,
        %mul3A_433 = arith.constant 128 : i32
        %mul3A_434 = arith.muli %scan3A_414, %mul3A_433 : i32
        %add3A_435 = arith.constant 48 : i32
        %add3A_436 = arith.addi %mul3A_434, %add3A_435 : i32
        %get3A_437 = arith.index_cast %add3A_436 : i32 to index
        %get3A_438 = tpu.vector_load %arg10[%get3A_437] {strides = array<i32>} : memref<1024xi32, #tpu.memory_space<vmem>>, vector<16xi32>,
        %mul3A_439 = arith.constant 128 : i32
        %mul3A_440 = arith.muli %scan3A_414, %mul3A_439 : i32
        %add3A_441 = arith.constant 64 : i32
        %add3A_442 = arith.addi %mul3A_440, %add3A_441 : i32
        %get3A_443 = arith.index_cast %add3A_442 : i32 to index
        %get3A_444 = tpu.vector_load %arg10[%get3A_443] {strides = array<i32>} : memref<1024xi32, #tpu.memory_space<vmem>>, vector<16xi32>,
        %mul3A_445 = arith.constant 128 : i32
        %mul3A_446 = arith.muli %scan3A_414, %mul3A_445 : i32
        %add3A_447 = arith.constant 80 : i32
        %add3A_448 = arith.addi %mul3A_446, %add3A_447 : i32
        %get3A_449 = arith.index_cast %add3A_448 : i32 to index
        %get3A_450 = tpu.vector_load %arg10[%get3A_449] {strides = array<i32>} : memref<1024xi32, #tpu.memory_space<vmem>>, vector<16xi32>,
        %mul3A_451 = arith.constant 128 : i32
        %mul3A_452 = arith.muli %scan3A_414, %mul3A_451 : i32
        %add3A_453 = arith.constant 96 : i32
        %add3A_454 = arith.addi %mul3A_452, %add3A_453 : i32
        %get3A_455 = arith.index_cast %add3A_454 : i32 to index
        %get3A_456 = tpu.vector_load %arg10[%get3A_455] {strides = array<i32>} : memref<1024xi32, #tpu.memory_space<vmem>>, vector<16xi32>,
        %mul3A_457 = arith.constant 128 : i32
        %mul3A_458 = arith.muli %scan3A_414, %mul3A_457 : i32
        %add3A_459 = arith.constant 112 : i32
        %add3A_460 = arith.addi %mul3A_458, %add3A_459 : i32
        %get3A_461 = arith.index_cast %add3A_460 : i32 to index
        %get3A_462 = tpu.vector_load %arg10[%get3A_461] {strides = array<i32>} : memref<1024xi32, #tpu.memory_space<vmem>>, vector<16xi32>,
        %scan3A_463 = arith.constant 0 : i32
        %scan3A_464 = arith.constant 0 : i32
        %scan3A_465 = arith.constant 8 : i32
        %scan3A_466 = arith.addi %scan3A_464, %scan3A_465 : i32
        %scan3A_467 = arith.constant 1 : i32
        scf.for %scan3A_469 = %scan3A_464 to %scan3A_466 step %scan3A_467  : i32 {
          %mul3A_470 = arith.constant 0 : i32
          %mul3A_471 = vector.broadcast %mul3A_470 : i32 to vector<16xi32>
          %mul3A_472 = arith.muli %iota3A, %mul3A_471 : vector<16xi32>
          %add3A_473 = arith.constant 0 : i32
          %add3A_474 = arith.addi %add3A_473, %scan3A_469 : i32
          %add3A_475 = vector.broadcast %add3A_474 : i32 to vector<16xi32>
          %add3A_476 = arith.addi %mul3A_472, %add3A_475 : vector<16xi32>
          %gather3A_477 = tpu.vector_load_idx %arg9[%add3A_476] : memref<64xf32, #tpu.memory_space<vmem>>[vector<16xi32>], vector<16xf32>,
          %gather3A_478 = tpu.vector_load_idx %arg7[%add3A_476, %get3A_420] : memref<64x1001xf32, #tpu.memory_space<vmem>>[vector<16xi32>, vector<16xi32>], vector<16xf32>,
          %add3A_479 = arith.addf %gather3A_478, %gather3A_477 : vector<16xf32>
          %swap3A_480 = arith.index_cast %scan3A_414 : i32 to index
          %swap3A_481 = arith.index_cast %scan3A_469 : i32 to index
          %swap3A_482 = arith.constant 0 : index
          %swap3A_483 = tpu.vector_load %arg12[%swap3A_480, %swap3A_481, %swap3A_482] {strides = array<i32>} : memref<8x8x128xf32, #tpu.memory_space<vmem>>, vector<16xf32>,
          tpu.vector_store %arg12[%swap3A_480, %swap3A_481, %swap3A_482], %add3A_479 {strides = array<i32>} : memref<8x8x128xf32, #tpu.memory_space<vmem>>, vector<16xf32>,
          %gather3A_484 = tpu.vector_load_idx %arg7[%add3A_476, %get3A_426] : memref<64x1001xf32, #tpu.memory_space<vmem>>[vector<16xi32>, vector<16xi32>], vector<16xf32>,
          %add3A_485 = arith.addf %gather3A_484, %gather3A_477 : vector<16xf32>
          %swap3A_486 = arith.index_cast %scan3A_414 : i32 to index
          %swap3A_487 = arith.index_cast %scan3A_469 : i32 to index
          %swap3A_488 = arith.constant 16 : index
          %swap3A_489 = tpu.vector_load %arg12[%swap3A_486, %swap3A_487, %swap3A_488] {strides = array<i32>} : memref<8x8x128xf32, #tpu.memory_space<vmem>>, vector<16xf32>,
          tpu.vector_store %arg12[%swap3A_486, %swap3A_487, %swap3A_488], %add3A_485 {strides = array<i32>} : memref<8x8x128xf32, #tpu.memory_space<vmem>>, vector<16xf32>,
          %gather3A_490 = tpu.vector_load_idx %arg7[%add3A_476, %get3A_432] : memref<64x1001xf32, #tpu.memory_space<vmem>>[vector<16xi32>, vector<16xi32>], vector<16xf32>,
          %add3A_491 = arith.addf %gather3A_490, %gather3A_477 : vector<16xf32>
          %swap3A_492 = arith.index_cast %scan3A_414 : i32 to index
          %swap3A_493 = arith.index_cast %scan3A_469 : i32 to index
          %swap3A_494 = arith.constant 32 : index
          %swap3A_495 = tpu.vector_load %arg12[%swap3A_492, %swap3A_493, %swap3A_494] {strides = array<i32>} : memref<8x8x128xf32, #tpu.memory_space<vmem>>, vector<16xf32>,
          tpu.vector_store %arg12[%swap3A_492, %swap3A_493, %swap3A_494], %add3A_491 {strides = array<i32>} : memref<8x8x128xf32, #tpu.memory_space<vmem>>, vector<16xf32>,
          %gather3A_496 = tpu.vector_load_idx %arg7[%add3A_476, %get3A_438] : memref<64x1001xf32, #tpu.memory_space<vmem>>[vector<16xi32>, vector<16xi32>], vector<16xf32>,
          %add3A_497 = arith.addf %gather3A_496, %gather3A_477 : vector<16xf32>
          %swap3A_498 = arith.index_cast %scan3A_414 : i32 to index
          %swap3A_499 = arith.index_cast %scan3A_469 : i32 to index
          %swap3A_500 = arith.constant 48 : index
          %swap3A_501 = tpu.vector_load %arg12[%swap3A_498, %swap3A_499, %swap3A_500] {strides = array<i32>} : memref<8x8x128xf32, #tpu.memory_space<vmem>>, vector<16xf32>,
          tpu.vector_store %arg12[%swap3A_498, %swap3A_499, %swap3A_500], %add3A_497 {strides = array<i32>} : memref<8x8x128xf32, #tpu.memory_space<vmem>>, vector<16xf32>,
          %gather3A_502 = tpu.vector_load_idx %arg7[%add3A_476, %get3A_444] : memref<64x1001xf32, #tpu.memory_space<vmem>>[vector<16xi32>, vector<16xi32>], vector<16xf32>,
          %add3A_503 = arith.addf %gather3A_502, %gather3A_477 : vector<16xf32>
          %swap3A_504 = arith.index_cast %scan3A_414 : i32 to index
          %swap3A_505 = arith.index_cast %scan3A_469 : i32 to index
          %swap3A_506 = arith.constant 64 : index
          %swap3A_507 = tpu.vector_load %arg12[%swap3A_504, %swap3A_505, %swap3A_506] {strides = array<i32>} : memref<8x8x128xf32, #tpu.memory_space<vmem>>, vector<16xf32>,
          tpu.vector_store %arg12[%swap3A_504, %swap3A_505, %swap3A_506], %add3A_503 {strides = array<i32>} : memref<8x8x128xf32, #tpu.memory_space<vmem>>, vector<16xf32>,
          %gather3A_508 = tpu.vector_load_idx %arg7[%add3A_476, %get3A_450] : memref<64x1001xf32, #tpu.memory_space<vmem>>[vector<16xi32>, vector<16xi32>], vector<16xf32>,
          %add3A_509 = arith.addf %gather3A_508, %gather3A_477 : vector<16xf32>
          %swap3A_510 = arith.index_cast %scan3A_414 : i32 to index
          %swap3A_511 = arith.index_cast %scan3A_469 : i32 to index
          %swap3A_512 = arith.constant 80 : index
          %swap3A_513 = tpu.vector_load %arg12[%swap3A_510, %swap3A_511, %swap3A_512] {strides = array<i32>} : memref<8x8x128xf32, #tpu.memory_space<vmem>>, vector<16xf32>,
          tpu.vector_store %arg12[%swap3A_510, %swap3A_511, %swap3A_512], %add3A_509 {strides = array<i32>} : memref<8x8x128xf32, #tpu.memory_space<vmem>>, vector<16xf32>,
          %gather3A_514 = tpu.vector_load_idx %arg7[%add3A_476, %get3A_456] : memref<64x1001xf32, #tpu.memory_space<vmem>>[vector<16xi32>, vector<16xi32>], vector<16xf32>,
          %add3A_515 = arith.addf %gather3A_514, %gather3A_477 : vector<16xf32>
          %swap3A_516 = arith.index_cast %scan3A_414 : i32 to index
          %swap3A_517 = arith.index_cast %scan3A_469 : i32 to index
          %swap3A_518 = arith.constant 96 : index
          %swap3A_519 = tpu.vector_load %arg12[%swap3A_516, %swap3A_517, %swap3A_518] {strides = array<i32>} : memref<8x8x128xf32, #tpu.memory_space<vmem>>, vector<16xf32>,
          tpu.vector_store %arg12[%swap3A_516, %swap3A_517, %swap3A_518], %add3A_515 {strides = array<i32>} : memref<8x8x128xf32, #tpu.memory_space<vmem>>, vector<16xf32>,
          %gather3A_520 = tpu.vector_load_idx %arg7[%add3A_476, %get3A_462] : memref<64x1001xf32, #tpu.memory_space<vmem>>[vector<16xi32>, vector<16xi32>], vector<16xf32>,
          %add3A_521 = arith.addf %gather3A_520, %gather3A_477 : vector<16xf32>
          %swap3A_522 = arith.index_cast %scan3A_414 : i32 to index
          %swap3A_523 = arith.index_cast %scan3A_469 : i32 to index
          %swap3A_524 = arith.constant 112 : index
          %swap3A_525 = tpu.vector_load %arg12[%swap3A_522, %swap3A_523, %swap3A_524] {strides = array<i32>} : memref<8x8x128xf32, #tpu.memory_space<vmem>>, vector<16xf32>,
          tpu.vector_store %arg12[%swap3A_522, %swap3A_523, %swap3A_524], %add3A_521 {strides = array<i32>} : memref<8x8x128xf32, #tpu.memory_space<vmem>>, vector<16xf32>,
        }
        %scan3A_468 = arith.constant 8 : i32
      }
      %scan3A_80 = arith.constant 8 : i32
      %dma_start3A_81 = arith.constant 0 : i32
      %dma_start3A_82 = arith.constant 0 : i32
      %dma_start3A_83 = arith.constant 0 : i32
      %dma_start3A_84 = arith.constant 0 : i32
      %dma_start3A_85 = arith.constant 0 : i32
      %dma_start3A_86 = tpu.memref_slice %arg6[%add3A_21, %dma_start3A_82, %dma_start3A_83, %dma_start3A_84, %dma_start3A_85] : memref<1001x8x8x8x128xf32, #tpu.memory_space<hbm>> -> memref<1x8x8x8x128xf32, #tpu.memory_space<hbm>>
      %dma_start3A_87 = tpu.memref_squeeze %dma_start3A_86 : memref<1x8x8x8x128xf32, #tpu.memory_space<hbm>> -> memref<8x8x8x128xf32, #tpu.memory_space<hbm>>
      %dma_start3A_88 = arith.constant 0 : i32
      %dma_start3A_89 = arith.constant 0 : i32
      %dma_start3A_90 = arith.constant 0 : i32
      %dma_start3A_91 = tpu.memref_slice %dma_start3A_87[%dma_start3A_81, %dma_start3A_88, %dma_start3A_89, %dma_start3A_90] : memref<8x8x8x128xf32, #tpu.memory_space<hbm>> -> memref<1x8x8x128xf32, #tpu.memory_space<hbm>>
      %dma_start3A_92 = tpu.memref_squeeze %dma_start3A_91 : memref<1x8x8x128xf32, #tpu.memory_space<hbm>> -> memref<8x8x128xf32, #tpu.memory_space<hbm>>
      %dma_start3A_93 = arith.constant 0 : i32
      %dma_start3A_94 = arith.constant 0 : i32
      %dma_start3A_95 = arith.constant 0 : i32
      %dma_start3A_96 = arith.constant 0 : i32
      %dma_start3A_97 = tpu.memref_slice %arg6[%add3A_21, %dma_start3A_93, %dma_start3A_94, %dma_start3A_95, %dma_start3A_96] : memref<1001x8x8x8x128xf32, #tpu.memory_space<hbm>> -> memref<1x8x8x8x128xf32, #tpu.memory_space<hbm>>
      %dma_start3A_98 = tpu.memref_squeeze %dma_start3A_97 : memref<1x8x8x8x128xf32, #tpu.memory_space<hbm>> -> memref<8x8x8x128xf32, #tpu.memory_space<hbm>>
      %dma_start3A_99 = arith.constant 0 : i32
      %dma_start3A_100 = arith.constant 0 : i32
      %dma_start3A_101 = arith.constant 0 : i32
      %dma_start3A_102 = tpu.memref_slice %dma_start3A_98[%dma_start3A_81, %dma_start3A_99, %dma_start3A_100, %dma_start3A_101] : memref<8x8x8x128xf32, #tpu.memory_space<hbm>> -> memref<1x8x8x128xf32, #tpu.memory_space<hbm>>
      %dma_start3A_103 = tpu.memref_squeeze %dma_start3A_102 : memref<1x8x8x128xf32, #tpu.memory_space<hbm>> -> memref<8x8x128xf32, #tpu.memory_space<hbm>>
      tpu.enqueue_dma source(%arg12 : memref<8x8x128xf32, #tpu.memory_space<vmem>>) target(%dma_start3A_103 : memref<8x8x128xf32, #tpu.memory_space<hbm>>) target_semaphore(%arg16 : memref<!tpu.dma_semaphore, #tpu.memory_space<semaphore_mem>>)
      %gt3A_104 = arith.constant 0 : i32
      %gt3A_105 = arith.cmpi sgt, %while3A_20, %gt3A_104 : i32
      %convert_element_type3A_106 = arith.extui %gt3A_105 : i1 to i32
      %cond3A_107 = arith.constant 0 : i32
      %cond3A_108 = arith.cmpi ne, %convert_element_type3A_106, %cond3A_107 : i32
      scf.if %cond3A_108 {
        %dma_wait3A_414 = arith.constant 1 : i32
        %dma_wait3A_415 = arith.constant 0 : i32
        %dma_wait3A_416 = arith.constant 0 : i32
        %dma_wait3A_417 = arith.constant 0 : i32
        %dma_wait3A_418 = arith.constant 0 : i32
        %dma_wait3A_419 = tpu.memref_slice %arg6[%add3A_21, %dma_wait3A_415, %dma_wait3A_416, %dma_wait3A_417, %dma_wait3A_418] : memref<1001x8x8x8x128xf32, #tpu.memory_space<hbm>> -> memref<1x8x8x8x128xf32, #tpu.memory_space<hbm>>
        %dma_wait3A_420 = tpu.memref_squeeze %dma_wait3A_419 : memref<1x8x8x8x128xf32, #tpu.memory_space<hbm>> -> memref<8x8x8x128xf32, #tpu.memory_space<hbm>>
        %dma_wait3A_421 = arith.constant 0 : i32
        %dma_wait3A_422 = arith.constant 0 : i32
        %dma_wait3A_423 = arith.constant 0 : i32
        %dma_wait3A_424 = tpu.memref_slice %dma_wait3A_420[%dma_wait3A_414, %dma_wait3A_421, %dma_wait3A_422, %dma_wait3A_423] : memref<8x8x8x128xf32, #tpu.memory_space<hbm>> -> memref<1x8x8x128xf32, #tpu.memory_space<hbm>>
        %dma_wait3A_425 = tpu.memref_squeeze %dma_wait3A_424 : memref<1x8x8x128xf32, #tpu.memory_space<hbm>> -> memref<8x8x128xf32, #tpu.memory_space<hbm>>
        %dma_wait3A_426 = arith.constant 0 : i32
        %dma_wait3A_427 = arith.constant 0 : i32
        %dma_wait3A_428 = arith.constant 0 : i32
        %dma_wait3A_429 = arith.constant 0 : i32
        %dma_wait3A_430 = tpu.memref_slice %arg6[%add3A_21, %dma_wait3A_426, %dma_wait3A_427, %dma_wait3A_428, %dma_wait3A_429] : memref<1001x8x8x8x128xf32, #tpu.memory_space<hbm>> -> memref<1x8x8x8x128xf32, #tpu.memory_space<hbm>>
        %dma_wait3A_431 = tpu.memref_squeeze %dma_wait3A_430 : memref<1x8x8x8x128xf32, #tpu.memory_space<hbm>> -> memref<8x8x8x128xf32, #tpu.memory_space<hbm>>
        %dma_wait3A_432 = arith.constant 0 : i32
        %dma_wait3A_433 = arith.constant 0 : i32
        %dma_wait3A_434 = arith.constant 0 : i32
        %dma_wait3A_435 = tpu.memref_slice %dma_wait3A_431[%dma_wait3A_414, %dma_wait3A_432, %dma_wait3A_433, %dma_wait3A_434] : memref<8x8x8x128xf32, #tpu.memory_space<hbm>> -> memref<1x8x8x128xf32, #tpu.memory_space<hbm>>
        %dma_wait3A_436 = tpu.memref_squeeze %dma_wait3A_435 : memref<1x8x8x128xf32, #tpu.memory_space<hbm>> -> memref<8x8x128xf32, #tpu.memory_space<hbm>>
        tpu.wait_dma2 semaphore(%arg17 : memref<!tpu.dma_semaphore, #tpu.memory_space<semaphore_mem>>) src(%dma_wait3A_436 : memref<8x8x128xf32, #tpu.memory_space<hbm>>) dst(%arg13 : memref<8x8x128xf32, #tpu.memory_space<vmem>>)
      } else {
      }
      %scan3A_109 = arith.constant 0 : i32
      %scan3A_110 = arith.constant 0 : i32
      %scan3A_111 = arith.constant 8 : i32
      %scan3A_112 = arith.addi %scan3A_110, %scan3A_111 : i32
      %scan3A_113 = arith.constant 1 : i32
      scf.for %scan3A_414 = %scan3A_110 to %scan3A_112 step %scan3A_113  : i32 {
        %mul3A_415 = arith.constant 128 : i32
        %mul3A_416 = arith.muli %scan3A_414, %mul3A_415 : i32
        %add3A_417 = arith.constant 0 : i32
        %add3A_418 = arith.addi %mul3A_416, %add3A_417 : i32
        %get3A_419 = arith.index_cast %add3A_418 : i32 to index
        %get3A_420 = tpu.vector_load %arg10[%get3A_419] {strides = array<i32>} : memref<1024xi32, #tpu.memory_space<vmem>>, vector<16xi32>,
        %mul3A_421 = arith.constant 128 : i32
        %mul3A_422 = arith.muli %scan3A_414, %mul3A_421 : i32
        %add3A_423 = arith.constant 16 : i32
        %add3A_424 = arith.addi %mul3A_422, %add3A_423 : i32
        %get3A_425 = arith.index_cast %add3A_424 : i32 to index
        %get3A_426 = tpu.vector_load %arg10[%get3A_425] {strides = array<i32>} : memref<1024xi32, #tpu.memory_space<vmem>>, vector<16xi32>,
        %mul3A_427 = arith.constant 128 : i32
        %mul3A_428 = arith.muli %scan3A_414, %mul3A_427 : i32
        %add3A_429 = arith.constant 32 : i32
        %add3A_430 = arith.addi %mul3A_428, %add3A_429 : i32
        %get3A_431 = arith.index_cast %add3A_430 : i32 to index
        %get3A_432 = tpu.vector_load %arg10[%get3A_431] {strides = array<i32>} : memref<1024xi32, #tpu.memory_space<vmem>>, vector<16xi32>,
        %mul3A_433 = arith.constant 128 : i32
        %mul3A_434 = arith.muli %scan3A_414, %mul3A_433 : i32
        %add3A_435 = arith.constant 48 : i32
        %add3A_436 = arith.addi %mul3A_434, %add3A_435 : i32
        %get3A_437 = arith.index_cast %add3A_436 : i32 to index
        %get3A_438 = tpu.vector_load %arg10[%get3A_437] {strides = array<i32>} : memref<1024xi32, #tpu.memory_space<vmem>>, vector<16xi32>,
        %mul3A_439 = arith.constant 128 : i32
        %mul3A_440 = arith.muli %scan3A_414, %mul3A_439 : i32
        %add3A_441 = arith.constant 64 : i32
        %add3A_442 = arith.addi %mul3A_440, %add3A_441 : i32
        %get3A_443 = arith.index_cast %add3A_442 : i32 to index
        %get3A_444 = tpu.vector_load %arg10[%get3A_443] {strides = array<i32>} : memref<1024xi32, #tpu.memory_space<vmem>>, vector<16xi32>,
        %mul3A_445 = arith.constant 128 : i32
        %mul3A_446 = arith.muli %scan3A_414, %mul3A_445 : i32
        %add3A_447 = arith.constant 80 : i32
        %add3A_448 = arith.addi %mul3A_446, %add3A_447 : i32
        %get3A_449 = arith.index_cast %add3A_448 : i32 to index
        %get3A_450 = tpu.vector_load %arg10[%get3A_449] {strides = array<i32>} : memref<1024xi32, #tpu.memory_space<vmem>>, vector<16xi32>,
        %mul3A_451 = arith.constant 128 : i32
        %mul3A_452 = arith.muli %scan3A_414, %mul3A_451 : i32
        %add3A_453 = arith.constant 96 : i32
        %add3A_454 = arith.addi %mul3A_452, %add3A_453 : i32
        %get3A_455 = arith.index_cast %add3A_454 : i32 to index
        %get3A_456 = tpu.vector_load %arg10[%get3A_455] {strides = array<i32>} : memref<1024xi32, #tpu.memory_space<vmem>>, vector<16xi32>,
        %mul3A_457 = arith.constant 128 : i32
        %mul3A_458 = arith.muli %scan3A_414, %mul3A_457 : i32
        %add3A_459 = arith.constant 112 : i32
        %add3A_460 = arith.addi %mul3A_458, %add3A_459 : i32
        %get3A_461 = arith.index_cast %add3A_460 : i32 to index
        %get3A_462 = tpu.vector_load %arg10[%get3A_461] {strides = array<i32>} : memref<1024xi32, #tpu.memory_space<vmem>>, vector<16xi32>,
        %scan3A_463 = arith.constant 0 : i32
        %scan3A_464 = arith.constant 0 : i32
        %scan3A_465 = arith.constant 8 : i32
        %scan3A_466 = arith.addi %scan3A_464, %scan3A_465 : i32
        %scan3A_467 = arith.constant 1 : i32
        scf.for %scan3A_469 = %scan3A_464 to %scan3A_466 step %scan3A_467  : i32 {
          %mul3A_470 = arith.constant 0 : i32
          %mul3A_471 = vector.broadcast %mul3A_470 : i32 to vector<16xi32>
          %mul3A_472 = arith.muli %iota3A, %mul3A_471 : vector<16xi32>
          %add3A_473 = arith.constant 8 : i32
          %add3A_474 = arith.addi %add3A_473, %scan3A_469 : i32
          %add3A_475 = vector.broadcast %add3A_474 : i32 to vector<16xi32>
          %add3A_476 = arith.addi %mul3A_472, %add3A_475 : vector<16xi32>
          %gather3A_477 = tpu.vector_load_idx %arg9[%add3A_476] : memref<64xf32, #tpu.memory_space<vmem>>[vector<16xi32>], vector<16xf32>,
          %gather3A_478 = tpu.vector_load_idx %arg7[%add3A_476, %get3A_420] : memref<64x1001xf32, #tpu.memory_space<vmem>>[vector<16xi32>, vector<16xi32>], vector<16xf32>,
          %add3A_479 = arith.addf %gather3A_478, %gather3A_477 : vector<16xf32>
          %swap3A_480 = arith.index_cast %scan3A_414 : i32 to index
          %swap3A_481 = arith.index_cast %scan3A_469 : i32 to index
          %swap3A_482 = arith.constant 0 : index
          %swap3A_483 = tpu.vector_load %arg13[%swap3A_480, %swap3A_481, %swap3A_482] {strides = array<i32>} : memref<8x8x128xf32, #tpu.memory_space<vmem>>, vector<16xf32>,
          tpu.vector_store %arg13[%swap3A_480, %swap3A_481, %swap3A_482], %add3A_479 {strides = array<i32>} : memref<8x8x128xf32, #tpu.memory_space<vmem>>, vector<16xf32>,
          %gather3A_484 = tpu.vector_load_idx %arg7[%add3A_476, %get3A_426] : memref<64x1001xf32, #tpu.memory_space<vmem>>[vector<16xi32>, vector<16xi32>], vector<16xf32>,
          %add3A_485 = arith.addf %gather3A_484, %gather3A_477 : vector<16xf32>
          %swap3A_486 = arith.index_cast %scan3A_414 : i32 to index
          %swap3A_487 = arith.index_cast %scan3A_469 : i32 to index
          %swap3A_488 = arith.constant 16 : index
          %swap3A_489 = tpu.vector_load %arg13[%swap3A_486, %swap3A_487, %swap3A_488] {strides = array<i32>} : memref<8x8x128xf32, #tpu.memory_space<vmem>>, vector<16xf32>,
          tpu.vector_store %arg13[%swap3A_486, %swap3A_487, %swap3A_488], %add3A_485 {strides = array<i32>} : memref<8x8x128xf32, #tpu.memory_space<vmem>>, vector<16xf32>,
          %gather3A_490 = tpu.vector_load_idx %arg7[%add3A_476, %get3A_432] : memref<64x1001xf32, #tpu.memory_space<vmem>>[vector<16xi32>, vector<16xi32>], vector<16xf32>,
          %add3A_491 = arith.addf %gather3A_490, %gather3A_477 : vector<16xf32>
          %swap3A_492 = arith.index_cast %scan3A_414 : i32 to index
          %swap3A_493 = arith.index_cast %scan3A_469 : i32 to index
          %swap3A_494 = arith.constant 32 : index
          %swap3A_495 = tpu.vector_load %arg13[%swap3A_492, %swap3A_493, %swap3A_494] {strides = array<i32>} : memref<8x8x128xf32, #tpu.memory_space<vmem>>, vector<16xf32>,
          tpu.vector_store %arg13[%swap3A_492, %swap3A_493, %swap3A_494], %add3A_491 {strides = array<i32>} : memref<8x8x128xf32, #tpu.memory_space<vmem>>, vector<16xf32>,
          %gather3A_496 = tpu.vector_load_idx %arg7[%add3A_476, %get3A_438] : memref<64x1001xf32, #tpu.memory_space<vmem>>[vector<16xi32>, vector<16xi32>], vector<16xf32>,
          %add3A_497 = arith.addf %gather3A_496, %gather3A_477 : vector<16xf32>
          %swap3A_498 = arith.index_cast %scan3A_414 : i32 to index
          %swap3A_499 = arith.index_cast %scan3A_469 : i32 to index
          %swap3A_500 = arith.constant 48 : index
          %swap3A_501 = tpu.vector_load %arg13[%swap3A_498, %swap3A_499, %swap3A_500] {strides = array<i32>} : memref<8x8x128xf32, #tpu.memory_space<vmem>>, vector<16xf32>,
          tpu.vector_store %arg13[%swap3A_498, %swap3A_499, %swap3A_500], %add3A_497 {strides = array<i32>} : memref<8x8x128xf32, #tpu.memory_space<vmem>>, vector<16xf32>,
          %gather3A_502 = tpu.vector_load_idx %arg7[%add3A_476, %get3A_444] : memref<64x1001xf32, #tpu.memory_space<vmem>>[vector<16xi32>, vector<16xi32>], vector<16xf32>,
          %add3A_503 = arith.addf %gather3A_502, %gather3A_477 : vector<16xf32>
          %swap3A_504 = arith.index_cast %scan3A_414 : i32 to index
          %swap3A_505 = arith.index_cast %scan3A_469 : i32 to index
          %swap3A_506 = arith.constant 64 : index
          %swap3A_507 = tpu.vector_load %arg13[%swap3A_504, %swap3A_505, %swap3A_506] {strides = array<i32>} : memref<8x8x128xf32, #tpu.memory_space<vmem>>, vector<16xf32>,
          tpu.vector_store %arg13[%swap3A_504, %swap3A_505, %swap3A_506], %add3A_503 {strides = array<i32>} : memref<8x8x128xf32, #tpu.memory_space<vmem>>, vector<16xf32>,
          %gather3A_508 = tpu.vector_load_idx %arg7[%add3A_476, %get3A_450] : memref<64x1001xf32, #tpu.memory_space<vmem>>[vector<16xi32>, vector<16xi32>], vector<16xf32>,
          %add3A_509 = arith.addf %gather3A_508, %gather3A_477 : vector<16xf32>
          %swap3A_510 = arith.index_cast %scan3A_414 : i32 to index
          %swap3A_511 = arith.index_cast %scan3A_469 : i32 to index
          %swap3A_512 = arith.constant 80 : index
          %swap3A_513 = tpu.vector_load %arg13[%swap3A_510, %swap3A_511, %swap3A_512] {strides = array<i32>} : memref<8x8x128xf32, #tpu.memory_space<vmem>>, vector<16xf32>,
          tpu.vector_store %arg13[%swap3A_510, %swap3A_511, %swap3A_512], %add3A_509 {strides = array<i32>} : memref<8x8x128xf32, #tpu.memory_space<vmem>>, vector<16xf32>,
          %gather3A_514 = tpu.vector_load_idx %arg7[%add3A_476, %get3A_456] : memref<64x1001xf32, #tpu.memory_space<vmem>>[vector<16xi32>, vector<16xi32>], vector<16xf32>,
          %add3A_515 = arith.addf %gather3A_514, %gather3A_477 : vector<16xf32>
          %swap3A_516 = arith.index_cast %scan3A_414 : i32 to index
          %swap3A_517 = arith.index_cast %scan3A_469 : i32 to index
          %swap3A_518 = arith.constant 96 : index
          %swap3A_519 = tpu.vector_load %arg13[%swap3A_516, %swap3A_517, %swap3A_518] {strides = array<i32>} : memref<8x8x128xf32, #tpu.memory_space<vmem>>, vector<16xf32>,
          tpu.vector_store %arg13[%swap3A_516, %swap3A_517, %swap3A_518], %add3A_515 {strides = array<i32>} : memref<8x8x128xf32, #tpu.memory_space<vmem>>, vector<16xf32>,
          %gather3A_520 = tpu.vector_load_idx %arg7[%add3A_476, %get3A_462] : memref<64x1001xf32, #tpu.memory_space<vmem>>[vector<16xi32>, vector<16xi32>], vector<16xf32>,
          %add3A_521 = arith.addf %gather3A_520, %gather3A_477 : vector<16xf32>
          %swap3A_522 = arith.index_cast %scan3A_414 : i32 to index
          %swap3A_523 = arith.index_cast %scan3A_469 : i32 to index
          %swap3A_524 = arith.constant 112 : index
          %swap3A_525 = tpu.vector_load %arg13[%swap3A_522, %swap3A_523, %swap3A_524] {strides = array<i32>} : memref<8x8x128xf32, #tpu.memory_space<vmem>>, vector<16xf32>,
          tpu.vector_store %arg13[%swap3A_522, %swap3A_523, %swap3A_524], %add3A_521 {strides = array<i32>} : memref<8x8x128xf32, #tpu.memory_space<vmem>>, vector<16xf32>,
        }
        %scan3A_468 = arith.constant 8 : i32
      }
      %scan3A_114 = arith.constant 8 : i32
      %dma_start3A_115 = arith.constant 1 : i32
      %dma_start3A_116 = arith.constant 0 : i32
      %dma_start3A_117 = arith.constant 0 : i32
      %dma_start3A_118 = arith.constant 0 : i32
      %dma_start3A_119 = arith.constant 0 : i32
      %dma_start3A_120 = tpu.memref_slice %arg6[%add3A_21, %dma_start3A_116, %dma_start3A_117, %dma_start3A_118, %dma_start3A_119] : memref<1001x8x8x8x128xf32, #tpu.memory_space<hbm>> -> memref<1x8x8x8x128xf32, #tpu.memory_space<hbm>>
      %dma_start3A_121 = tpu.memref_squeeze %dma_start3A_120 : memref<1x8x8x8x128xf32, #tpu.memory_space<hbm>> -> memref<8x8x8x128xf32, #tpu.memory_space<hbm>>
      %dma_start3A_122 = arith.constant 0 : i32
      %dma_start3A_123 = arith.constant 0 : i32
      %dma_start3A_124 = arith.constant 0 : i32
      %dma_start3A_125 = tpu.memref_slice %dma_start3A_121[%dma_start3A_115, %dma_start3A_122, %dma_start3A_123, %dma_start3A_124] : memref<8x8x8x128xf32, #tpu.memory_space<hbm>> -> memref<1x8x8x128xf32, #tpu.memory_space<hbm>>
      %dma_start3A_126 = tpu.memref_squeeze %dma_start3A_125 : memref<1x8x8x128xf32, #tpu.memory_space<hbm>> -> memref<8x8x128xf32, #tpu.memory_space<hbm>>
      %dma_start3A_127 = arith.constant 0 : i32
      %dma_start3A_128 = arith.constant 0 : i32
      %dma_start3A_129 = arith.constant 0 : i32
      %dma_start3A_130 = arith.constant 0 : i32
      %dma_start3A_131 = tpu.memref_slice %arg6[%add3A_21, %dma_start3A_127, %dma_start3A_128, %dma_start3A_129, %dma_start3A_130] : memref<1001x8x8x8x128xf32, #tpu.memory_space<hbm>> -> memref<1x8x8x8x128xf32, #tpu.memory_space<hbm>>
      %dma_start3A_132 = tpu.memref_squeeze %dma_start3A_131 : memref<1x8x8x8x128xf32, #tpu.memory_space<hbm>> -> memref<8x8x8x128xf32, #tpu.memory_space<hbm>>
      %dma_start3A_133 = arith.constant 0 : i32
      %dma_start3A_134 = arith.constant 0 : i32
      %dma_start3A_135 = arith.constant 0 : i32
      %dma_start3A_136 = tpu.memref_slice %dma_start3A_132[%dma_start3A_115, %dma_start3A_133, %dma_start3A_134, %dma_start3A_135] : memref<8x8x8x128xf32, #tpu.memory_space<hbm>> -> memref<1x8x8x128xf32, #tpu.memory_space<hbm>>
      %dma_start3A_137 = tpu.memref_squeeze %dma_start3A_136 : memref<1x8x8x128xf32, #tpu.memory_space<hbm>> -> memref<8x8x128xf32, #tpu.memory_space<hbm>>
      tpu.enqueue_dma source(%arg13 : memref<8x8x128xf32, #tpu.memory_space<vmem>>) target(%dma_start3A_137 : memref<8x8x128xf32, #tpu.memory_space<hbm>>) target_semaphore(%arg17 : memref<!tpu.dma_semaphore, #tpu.memory_space<semaphore_mem>>)
      %gt3A_138 = arith.constant 0 : i32
      %gt3A_139 = arith.cmpi sgt, %while3A_20, %gt3A_138 : i32
      %convert_element_type3A_140 = arith.extui %gt3A_139 : i1 to i32
      %cond3A_141 = arith.constant 0 : i32
      %cond3A_142 = arith.cmpi ne, %convert_element_type3A_140, %cond3A_141 : i32
      scf.if %cond3A_142 {
        %dma_wait3A_414 = arith.constant 2 : i32
        %dma_wait3A_415 = arith.constant 0 : i32
        %dma_wait3A_416 = arith.constant 0 : i32
        %dma_wait3A_417 = arith.constant 0 : i32
        %dma_wait3A_418 = arith.constant 0 : i32
        %dma_wait3A_419 = tpu.memref_slice %arg6[%add3A_21, %dma_wait3A_415, %dma_wait3A_416, %dma_wait3A_417, %dma_wait3A_418] : memref<1001x8x8x8x128xf32, #tpu.memory_space<hbm>> -> memref<1x8x8x8x128xf32, #tpu.memory_space<hbm>>
        %dma_wait3A_420 = tpu.memref_squeeze %dma_wait3A_419 : memref<1x8x8x8x128xf32, #tpu.memory_space<hbm>> -> memref<8x8x8x128xf32, #tpu.memory_space<hbm>>
        %dma_wait3A_421 = arith.constant 0 : i32
        %dma_wait3A_422 = arith.constant 0 : i32
        %dma_wait3A_423 = arith.constant 0 : i32
        %dma_wait3A_424 = tpu.memref_slice %dma_wait3A_420[%dma_wait3A_414, %dma_wait3A_421, %dma_wait3A_422, %dma_wait3A_423] : memref<8x8x8x128xf32, #tpu.memory_space<hbm>> -> memref<1x8x8x128xf32, #tpu.memory_space<hbm>>
        %dma_wait3A_425 = tpu.memref_squeeze %dma_wait3A_424 : memref<1x8x8x128xf32, #tpu.memory_space<hbm>> -> memref<8x8x128xf32, #tpu.memory_space<hbm>>
        %dma_wait3A_426 = arith.constant 0 : i32
        %dma_wait3A_427 = arith.constant 0 : i32
        %dma_wait3A_428 = arith.constant 0 : i32
        %dma_wait3A_429 = arith.constant 0 : i32
        %dma_wait3A_430 = tpu.memref_slice %arg6[%add3A_21, %dma_wait3A_426, %dma_wait3A_427, %dma_wait3A_428, %dma_wait3A_429] : memref<1001x8x8x8x128xf32, #tpu.memory_space<hbm>> -> memref<1x8x8x8x128xf32, #tpu.memory_space<hbm>>
        %dma_wait3A_431 = tpu.memref_squeeze %dma_wait3A_430 : memref<1x8x8x8x128xf32, #tpu.memory_space<hbm>> -> memref<8x8x8x128xf32, #tpu.memory_space<hbm>>
        %dma_wait3A_432 = arith.constant 0 : i32
        %dma_wait3A_433 = arith.constant 0 : i32
        %dma_wait3A_434 = arith.constant 0 : i32
        %dma_wait3A_435 = tpu.memref_slice %dma_wait3A_431[%dma_wait3A_414, %dma_wait3A_432, %dma_wait3A_433, %dma_wait3A_434] : memref<8x8x8x128xf32, #tpu.memory_space<hbm>> -> memref<1x8x8x128xf32, #tpu.memory_space<hbm>>
        %dma_wait3A_436 = tpu.memref_squeeze %dma_wait3A_435 : memref<1x8x8x128xf32, #tpu.memory_space<hbm>> -> memref<8x8x128xf32, #tpu.memory_space<hbm>>
        tpu.wait_dma2 semaphore(%arg18 : memref<!tpu.dma_semaphore, #tpu.memory_space<semaphore_mem>>) src(%dma_wait3A_436 : memref<8x8x128xf32, #tpu.memory_space<hbm>>) dst(%arg14 : memref<8x8x128xf32, #tpu.memory_space<vmem>>)
      } else {
      }
      %scan3A_143 = arith.constant 0 : i32
      %scan3A_144 = arith.constant 0 : i32
      %scan3A_145 = arith.constant 8 : i32
      %scan3A_146 = arith.addi %scan3A_144, %scan3A_145 : i32
      %scan3A_147 = arith.constant 1 : i32
      scf.for %scan3A_414 = %scan3A_144 to %scan3A_146 step %scan3A_147  : i32 {
        %mul3A_415 = arith.constant 128 : i32
        %mul3A_416 = arith.muli %scan3A_414, %mul3A_415 : i32
        %add3A_417 = arith.constant 0 : i32
        %add3A_418 = arith.addi %mul3A_416, %add3A_417 : i32
        %get3A_419 = arith.index_cast %add3A_418 : i32 to index
        %get3A_420 = tpu.vector_load %arg10[%get3A_419] {strides = array<i32>} : memref<1024xi32, #tpu.memory_space<vmem>>, vector<16xi32>,
        %mul3A_421 = arith.constant 128 : i32
        %mul3A_422 = arith.muli %scan3A_414, %mul3A_421 : i32
        %add3A_423 = arith.constant 16 : i32
        %add3A_424 = arith.addi %mul3A_422, %add3A_423 : i32
        %get3A_425 = arith.index_cast %add3A_424 : i32 to index
        %get3A_426 = tpu.vector_load %arg10[%get3A_425] {strides = array<i32>} : memref<1024xi32, #tpu.memory_space<vmem>>, vector<16xi32>,
        %mul3A_427 = arith.constant 128 : i32
        %mul3A_428 = arith.muli %scan3A_414, %mul3A_427 : i32
        %add3A_429 = arith.constant 32 : i32
        %add3A_430 = arith.addi %mul3A_428, %add3A_429 : i32
        %get3A_431 = arith.index_cast %add3A_430 : i32 to index
        %get3A_432 = tpu.vector_load %arg10[%get3A_431] {strides = array<i32>} : memref<1024xi32, #tpu.memory_space<vmem>>, vector<16xi32>,
        %mul3A_433 = arith.constant 128 : i32
        %mul3A_434 = arith.muli %scan3A_414, %mul3A_433 : i32
        %add3A_435 = arith.constant 48 : i32
        %add3A_436 = arith.addi %mul3A_434, %add3A_435 : i32
        %get3A_437 = arith.index_cast %add3A_436 : i32 to index
        %get3A_438 = tpu.vector_load %arg10[%get3A_437] {strides = array<i32>} : memref<1024xi32, #tpu.memory_space<vmem>>, vector<16xi32>,
        %mul3A_439 = arith.constant 128 : i32
        %mul3A_440 = arith.muli %scan3A_414, %mul3A_439 : i32
        %add3A_441 = arith.constant 64 : i32
        %add3A_442 = arith.addi %mul3A_440, %add3A_441 : i32
        %get3A_443 = arith.index_cast %add3A_442 : i32 to index
        %get3A_444 = tpu.vector_load %arg10[%get3A_443] {strides = array<i32>} : memref<1024xi32, #tpu.memory_space<vmem>>, vector<16xi32>,
        %mul3A_445 = arith.constant 128 : i32
        %mul3A_446 = arith.muli %scan3A_414, %mul3A_445 : i32
        %add3A_447 = arith.constant 80 : i32
        %add3A_448 = arith.addi %mul3A_446, %add3A_447 : i32
        %get3A_449 = arith.index_cast %add3A_448 : i32 to index
        %get3A_450 = tpu.vector_load %arg10[%get3A_449] {strides = array<i32>} : memref<1024xi32, #tpu.memory_space<vmem>>, vector<16xi32>,
        %mul3A_451 = arith.constant 128 : i32
        %mul3A_452 = arith.muli %scan3A_414, %mul3A_451 : i32
        %add3A_453 = arith.constant 96 : i32
        %add3A_454 = arith.addi %mul3A_452, %add3A_453 : i32
        %get3A_455 = arith.index_cast %add3A_454 : i32 to index
        %get3A_456 = tpu.vector_load %arg10[%get3A_455] {strides = array<i32>} : memref<1024xi32, #tpu.memory_space<vmem>>, vector<16xi32>,
        %mul3A_457 = arith.constant 128 : i32
        %mul3A_458 = arith.muli %scan3A_414, %mul3A_457 : i32
        %add3A_459 = arith.constant 112 : i32
        %add3A_460 = arith.addi %mul3A_458, %add3A_459 : i32
        %get3A_461 = arith.index_cast %add3A_460 : i32 to index
        %get3A_462 = tpu.vector_load %arg10[%get3A_461] {strides = array<i32>} : memref<1024xi32, #tpu.memory_space<vmem>>, vector<16xi32>,
        %scan3A_463 = arith.constant 0 : i32
        %scan3A_464 = arith.constant 0 : i32
        %scan3A_465 = arith.constant 8 : i32
        %scan3A_466 = arith.addi %scan3A_464, %scan3A_465 : i32
        %scan3A_467 = arith.constant 1 : i32
        scf.for %scan3A_469 = %scan3A_464 to %scan3A_466 step %scan3A_467  : i32 {
          %mul3A_470 = arith.constant 0 : i32
          %mul3A_471 = vector.broadcast %mul3A_470 : i32 to vector<16xi32>
          %mul3A_472 = arith.muli %iota3A, %mul3A_471 : vector<16xi32>
          %add3A_473 = arith.constant 16 : i32
          %add3A_474 = arith.addi %add3A_473, %scan3A_469 : i32
          %add3A_475 = vector.broadcast %add3A_474 : i32 to vector<16xi32>
          %add3A_476 = arith.addi %mul3A_472, %add3A_475 : vector<16xi32>
          %gather3A_477 = tpu.vector_load_idx %arg9[%add3A_476] : memref<64xf32, #tpu.memory_space<vmem>>[vector<16xi32>], vector<16xf32>,
          %gather3A_478 = tpu.vector_load_idx %arg7[%add3A_476, %get3A_420] : memref<64x1001xf32, #tpu.memory_space<vmem>>[vector<16xi32>, vector<16xi32>], vector<16xf32>,
          %add3A_479 = arith.addf %gather3A_478, %gather3A_477 : vector<16xf32>
          %swap3A_480 = arith.index_cast %scan3A_414 : i32 to index
          %swap3A_481 = arith.index_cast %scan3A_469 : i32 to index
          %swap3A_482 = arith.constant 0 : index
          %swap3A_483 = tpu.vector_load %arg14[%swap3A_480, %swap3A_481, %swap3A_482] {strides = array<i32>} : memref<8x8x128xf32, #tpu.memory_space<vmem>>, vector<16xf32>,
          tpu.vector_store %arg14[%swap3A_480, %swap3A_481, %swap3A_482], %add3A_479 {strides = array<i32>} : memref<8x8x128xf32, #tpu.memory_space<vmem>>, vector<16xf32>,
          %gather3A_484 = tpu.vector_load_idx %arg7[%add3A_476, %get3A_426] : memref<64x1001xf32, #tpu.memory_space<vmem>>[vector<16xi32>, vector<16xi32>], vector<16xf32>,
          %add3A_485 = arith.addf %gather3A_484, %gather3A_477 : vector<16xf32>
          %swap3A_486 = arith.index_cast %scan3A_414 : i32 to index
          %swap3A_487 = arith.index_cast %scan3A_469 : i32 to index
          %swap3A_488 = arith.constant 16 : index
          %swap3A_489 = tpu.vector_load %arg14[%swap3A_486, %swap3A_487, %swap3A_488] {strides = array<i32>} : memref<8x8x128xf32, #tpu.memory_space<vmem>>, vector<16xf32>,
          tpu.vector_store %arg14[%swap3A_486, %swap3A_487, %swap3A_488], %add3A_485 {strides = array<i32>} : memref<8x8x128xf32, #tpu.memory_space<vmem>>, vector<16xf32>,
          %gather3A_490 = tpu.vector_load_idx %arg7[%add3A_476, %get3A_432] : memref<64x1001xf32, #tpu.memory_space<vmem>>[vector<16xi32>, vector<16xi32>], vector<16xf32>,
          %add3A_491 = arith.addf %gather3A_490, %gather3A_477 : vector<16xf32>
          %swap3A_492 = arith.index_cast %scan3A_414 : i32 to index
          %swap3A_493 = arith.index_cast %scan3A_469 : i32 to index
          %swap3A_494 = arith.constant 32 : index
          %swap3A_495 = tpu.vector_load %arg14[%swap3A_492, %swap3A_493, %swap3A_494] {strides = array<i32>} : memref<8x8x128xf32, #tpu.memory_space<vmem>>, vector<16xf32>,
          tpu.vector_store %arg14[%swap3A_492, %swap3A_493, %swap3A_494], %add3A_491 {strides = array<i32>} : memref<8x8x128xf32, #tpu.memory_space<vmem>>, vector<16xf32>,
          %gather3A_496 = tpu.vector_load_idx %arg7[%add3A_476, %get3A_438] : memref<64x1001xf32, #tpu.memory_space<vmem>>[vector<16xi32>, vector<16xi32>], vector<16xf32>,
          %add3A_497 = arith.addf %gather3A_496, %gather3A_477 : vector<16xf32>
          %swap3A_498 = arith.index_cast %scan3A_414 : i32 to index
          %swap3A_499 = arith.index_cast %scan3A_469 : i32 to index
          %swap3A_500 = arith.constant 48 : index
          %swap3A_501 = tpu.vector_load %arg14[%swap3A_498, %swap3A_499, %swap3A_500] {strides = array<i32>} : memref<8x8x128xf32, #tpu.memory_space<vmem>>, vector<16xf32>,
          tpu.vector_store %arg14[%swap3A_498, %swap3A_499, %swap3A_500], %add3A_497 {strides = array<i32>} : memref<8x8x128xf32, #tpu.memory_space<vmem>>, vector<16xf32>,
          %gather3A_502 = tpu.vector_load_idx %arg7[%add3A_476, %get3A_444] : memref<64x1001xf32, #tpu.memory_space<vmem>>[vector<16xi32>, vector<16xi32>], vector<16xf32>,
          %add3A_503 = arith.addf %gather3A_502, %gather3A_477 : vector<16xf32>
          %swap3A_504 = arith.index_cast %scan3A_414 : i32 to index
          %swap3A_505 = arith.index_cast %scan3A_469 : i32 to index
          %swap3A_506 = arith.constant 64 : index
          %swap3A_507 = tpu.vector_load %arg14[%swap3A_504, %swap3A_505, %swap3A_506] {strides = array<i32>} : memref<8x8x128xf32, #tpu.memory_space<vmem>>, vector<16xf32>,
          tpu.vector_store %arg14[%swap3A_504, %swap3A_505, %swap3A_506], %add3A_503 {strides = array<i32>} : memref<8x8x128xf32, #tpu.memory_space<vmem>>, vector<16xf32>,
          %gather3A_508 = tpu.vector_load_idx %arg7[%add3A_476, %get3A_450] : memref<64x1001xf32, #tpu.memory_space<vmem>>[vector<16xi32>, vector<16xi32>], vector<16xf32>,
          %add3A_509 = arith.addf %gather3A_508, %gather3A_477 : vector<16xf32>
          %swap3A_510 = arith.index_cast %scan3A_414 : i32 to index
          %swap3A_511 = arith.index_cast %scan3A_469 : i32 to index
          %swap3A_512 = arith.constant 80 : index
          %swap3A_513 = tpu.vector_load %arg14[%swap3A_510, %swap3A_511, %swap3A_512] {strides = array<i32>} : memref<8x8x128xf32, #tpu.memory_space<vmem>>, vector<16xf32>,
          tpu.vector_store %arg14[%swap3A_510, %swap3A_511, %swap3A_512], %add3A_509 {strides = array<i32>} : memref<8x8x128xf32, #tpu.memory_space<vmem>>, vector<16xf32>,
          %gather3A_514 = tpu.vector_load_idx %arg7[%add3A_476, %get3A_456] : memref<64x1001xf32, #tpu.memory_space<vmem>>[vector<16xi32>, vector<16xi32>], vector<16xf32>,
          %add3A_515 = arith.addf %gather3A_514, %gather3A_477 : vector<16xf32>
          %swap3A_516 = arith.index_cast %scan3A_414 : i32 to index
          %swap3A_517 = arith.index_cast %scan3A_469 : i32 to index
          %swap3A_518 = arith.constant 96 : index
          %swap3A_519 = tpu.vector_load %arg14[%swap3A_516, %swap3A_517, %swap3A_518] {strides = array<i32>} : memref<8x8x128xf32, #tpu.memory_space<vmem>>, vector<16xf32>,
          tpu.vector_store %arg14[%swap3A_516, %swap3A_517, %swap3A_518], %add3A_515 {strides = array<i32>} : memref<8x8x128xf32, #tpu.memory_space<vmem>>, vector<16xf32>,
          %gather3A_520 = tpu.vector_load_idx %arg7[%add3A_476, %get3A_462] : memref<64x1001xf32, #tpu.memory_space<vmem>>[vector<16xi32>, vector<16xi32>], vector<16xf32>,
          %add3A_521 = arith.addf %gather3A_520, %gather3A_477 : vector<16xf32>
          %swap3A_522 = arith.index_cast %scan3A_414 : i32 to index
          %swap3A_523 = arith.index_cast %scan3A_469 : i32 to index
          %swap3A_524 = arith.constant 112 : index
          %swap3A_525 = tpu.vector_load %arg14[%swap3A_522, %swap3A_523, %swap3A_524] {strides = array<i32>} : memref<8x8x128xf32, #tpu.memory_space<vmem>>, vector<16xf32>,
          tpu.vector_store %arg14[%swap3A_522, %swap3A_523, %swap3A_524], %add3A_521 {strides = array<i32>} : memref<8x8x128xf32, #tpu.memory_space<vmem>>, vector<16xf32>,
        }
        %scan3A_468 = arith.constant 8 : i32
      }
      %scan3A_148 = arith.constant 8 : i32
      %dma_start3A_149 = arith.constant 2 : i32
      %dma_start3A_150 = arith.constant 0 : i32
      %dma_start3A_151 = arith.constant 0 : i32
      %dma_start3A_152 = arith.constant 0 : i32
      %dma_start3A_153 = arith.constant 0 : i32
      %dma_start3A_154 = tpu.memref_slice %arg6[%add3A_21, %dma_start3A_150, %dma_start3A_151, %dma_start3A_152, %dma_start3A_153] : memref<1001x8x8x8x128xf32, #tpu.memory_space<hbm>> -> memref<1x8x8x8x128xf32, #tpu.memory_space<hbm>>
      %dma_start3A_155 = tpu.memref_squeeze %dma_start3A_154 : memref<1x8x8x8x128xf32, #tpu.memory_space<hbm>> -> memref<8x8x8x128xf32, #tpu.memory_space<hbm>>
      %dma_start3A_156 = arith.constant 0 : i32
      %dma_start3A_157 = arith.constant 0 : i32
      %dma_start3A_158 = arith.constant 0 : i32
      %dma_start3A_159 = tpu.memref_slice %dma_start3A_155[%dma_start3A_149, %dma_start3A_156, %dma_start3A_157, %dma_start3A_158] : memref<8x8x8x128xf32, #tpu.memory_space<hbm>> -> memref<1x8x8x128xf32, #tpu.memory_space<hbm>>
      %dma_start3A_160 = tpu.memref_squeeze %dma_start3A_159 : memref<1x8x8x128xf32, #tpu.memory_space<hbm>> -> memref<8x8x128xf32, #tpu.memory_space<hbm>>
      %dma_start3A_161 = arith.constant 0 : i32
      %dma_start3A_162 = arith.constant 0 : i32
      %dma_start3A_163 = arith.constant 0 : i32
      %dma_start3A_164 = arith.constant 0 : i32
      %dma_start3A_165 = tpu.memref_slice %arg6[%add3A_21, %dma_start3A_161, %dma_start3A_162, %dma_start3A_163, %dma_start3A_164] : memref<1001x8x8x8x128xf32, #tpu.memory_space<hbm>> -> memref<1x8x8x8x128xf32, #tpu.memory_space<hbm>>
      %dma_start3A_166 = tpu.memref_squeeze %dma_start3A_165 : memref<1x8x8x8x128xf32, #tpu.memory_space<hbm>> -> memref<8x8x8x128xf32, #tpu.memory_space<hbm>>
      %dma_start3A_167 = arith.constant 0 : i32
      %dma_start3A_168 = arith.constant 0 : i32
      %dma_start3A_169 = arith.constant 0 : i32
      %dma_start3A_170 = tpu.memref_slice %dma_start3A_166[%dma_start3A_149, %dma_start3A_167, %dma_start3A_168, %dma_start3A_169] : memref<8x8x8x128xf32, #tpu.memory_space<hbm>> -> memref<1x8x8x128xf32, #tpu.memory_space<hbm>>
      %dma_start3A_171 = tpu.memref_squeeze %dma_start3A_170 : memref<1x8x8x128xf32, #tpu.memory_space<hbm>> -> memref<8x8x128xf32, #tpu.memory_space<hbm>>
      tpu.enqueue_dma source(%arg14 : memref<8x8x128xf32, #tpu.memory_space<vmem>>) target(%dma_start3A_171 : memref<8x8x128xf32, #tpu.memory_space<hbm>>) target_semaphore(%arg18 : memref<!tpu.dma_semaphore, #tpu.memory_space<semaphore_mem>>)
      %gt3A_172 = arith.constant 0 : i32
      %gt3A_173 = arith.cmpi sgt, %while3A_20, %gt3A_172 : i32
      %convert_element_type3A_174 = arith.extui %gt3A_173 : i1 to i32
      %cond3A_175 = arith.constant 0 : i32
      %cond3A_176 = arith.cmpi ne, %convert_element_type3A_174, %cond3A_175 : i32
      scf.if %cond3A_176 {
        %dma_wait3A_414 = arith.constant 3 : i32
        %dma_wait3A_415 = arith.constant 0 : i32
        %dma_wait3A_416 = arith.constant 0 : i32
        %dma_wait3A_417 = arith.constant 0 : i32
        %dma_wait3A_418 = arith.constant 0 : i32
        %dma_wait3A_419 = tpu.memref_slice %arg6[%add3A_21, %dma_wait3A_415, %dma_wait3A_416, %dma_wait3A_417, %dma_wait3A_418] : memref<1001x8x8x8x128xf32, #tpu.memory_space<hbm>> -> memref<1x8x8x8x128xf32, #tpu.memory_space<hbm>>
        %dma_wait3A_420 = tpu.memref_squeeze %dma_wait3A_419 : memref<1x8x8x8x128xf32, #tpu.memory_space<hbm>> -> memref<8x8x8x128xf32, #tpu.memory_space<hbm>>
        %dma_wait3A_421 = arith.constant 0 : i32
        %dma_wait3A_422 = arith.constant 0 : i32
        %dma_wait3A_423 = arith.constant 0 : i32
        %dma_wait3A_424 = tpu.memref_slice %dma_wait3A_420[%dma_wait3A_414, %dma_wait3A_421, %dma_wait3A_422, %dma_wait3A_423] : memref<8x8x8x128xf32, #tpu.memory_space<hbm>> -> memref<1x8x8x128xf32, #tpu.memory_space<hbm>>
        %dma_wait3A_425 = tpu.memref_squeeze %dma_wait3A_424 : memref<1x8x8x128xf32, #tpu.memory_space<hbm>> -> memref<8x8x128xf32, #tpu.memory_space<hbm>>
        %dma_wait3A_426 = arith.constant 0 : i32
        %dma_wait3A_427 = arith.constant 0 : i32
        %dma_wait3A_428 = arith.constant 0 : i32
        %dma_wait3A_429 = arith.constant 0 : i32
        %dma_wait3A_430 = tpu.memref_slice %arg6[%add3A_21, %dma_wait3A_426, %dma_wait3A_427, %dma_wait3A_428, %dma_wait3A_429] : memref<1001x8x8x8x128xf32, #tpu.memory_space<hbm>> -> memref<1x8x8x8x128xf32, #tpu.memory_space<hbm>>
        %dma_wait3A_431 = tpu.memref_squeeze %dma_wait3A_430 : memref<1x8x8x8x128xf32, #tpu.memory_space<hbm>> -> memref<8x8x8x128xf32, #tpu.memory_space<hbm>>
        %dma_wait3A_432 = arith.constant 0 : i32
        %dma_wait3A_433 = arith.constant 0 : i32
        %dma_wait3A_434 = arith.constant 0 : i32
        %dma_wait3A_435 = tpu.memref_slice %dma_wait3A_431[%dma_wait3A_414, %dma_wait3A_432, %dma_wait3A_433, %dma_wait3A_434] : memref<8x8x8x128xf32, #tpu.memory_space<hbm>> -> memref<1x8x8x128xf32, #tpu.memory_space<hbm>>
        %dma_wait3A_436 = tpu.memref_squeeze %dma_wait3A_435 : memref<1x8x8x128xf32, #tpu.memory_space<hbm>> -> memref<8x8x128xf32, #tpu.memory_space<hbm>>
        tpu.wait_dma2 semaphore(%arg19 : memref<!tpu.dma_semaphore, #tpu.memory_space<semaphore_mem>>) src(%dma_wait3A_436 : memref<8x8x128xf32, #tpu.memory_space<hbm>>) dst(%arg15 : memref<8x8x128xf32, #tpu.memory_space<vmem>>)
      } else {
      }
      %scan3A_177 = arith.constant 0 : i32
      %scan3A_178 = arith.constant 0 : i32
      %scan3A_179 = arith.constant 8 : i32
      %scan3A_180 = arith.addi %scan3A_178, %scan3A_179 : i32
      %scan3A_181 = arith.constant 1 : i32
      scf.for %scan3A_414 = %scan3A_178 to %scan3A_180 step %scan3A_181  : i32 {
        %mul3A_415 = arith.constant 128 : i32
        %mul3A_416 = arith.muli %scan3A_414, %mul3A_415 : i32
        %add3A_417 = arith.constant 0 : i32
        %add3A_418 = arith.addi %mul3A_416, %add3A_417 : i32
        %get3A_419 = arith.index_cast %add3A_418 : i32 to index
        %get3A_420 = tpu.vector_load %arg10[%get3A_419] {strides = array<i32>} : memref<1024xi32, #tpu.memory_space<vmem>>, vector<16xi32>,
        %mul3A_421 = arith.constant 128 : i32
        %mul3A_422 = arith.muli %scan3A_414, %mul3A_421 : i32
        %add3A_423 = arith.constant 16 : i32
        %add3A_424 = arith.addi %mul3A_422, %add3A_423 : i32
        %get3A_425 = arith.index_cast %add3A_424 : i32 to index
        %get3A_426 = tpu.vector_load %arg10[%get3A_425] {strides = array<i32>} : memref<1024xi32, #tpu.memory_space<vmem>>, vector<16xi32>,
        %mul3A_427 = arith.constant 128 : i32
        %mul3A_428 = arith.muli %scan3A_414, %mul3A_427 : i32
        %add3A_429 = arith.constant 32 : i32
        %add3A_430 = arith.addi %mul3A_428, %add3A_429 : i32
        %get3A_431 = arith.index_cast %add3A_430 : i32 to index
        %get3A_432 = tpu.vector_load %arg10[%get3A_431] {strides = array<i32>} : memref<1024xi32, #tpu.memory_space<vmem>>, vector<16xi32>,
        %mul3A_433 = arith.constant 128 : i32
        %mul3A_434 = arith.muli %scan3A_414, %mul3A_433 : i32
        %add3A_435 = arith.constant 48 : i32
        %add3A_436 = arith.addi %mul3A_434, %add3A_435 : i32
        %get3A_437 = arith.index_cast %add3A_436 : i32 to index
        %get3A_438 = tpu.vector_load %arg10[%get3A_437] {strides = array<i32>} : memref<1024xi32, #tpu.memory_space<vmem>>, vector<16xi32>,
        %mul3A_439 = arith.constant 128 : i32
        %mul3A_440 = arith.muli %scan3A_414, %mul3A_439 : i32
        %add3A_441 = arith.constant 64 : i32
        %add3A_442 = arith.addi %mul3A_440, %add3A_441 : i32
        %get3A_443 = arith.index_cast %add3A_442 : i32 to index
        %get3A_444 = tpu.vector_load %arg10[%get3A_443] {strides = array<i32>} : memref<1024xi32, #tpu.memory_space<vmem>>, vector<16xi32>,
        %mul3A_445 = arith.constant 128 : i32
        %mul3A_446 = arith.muli %scan3A_414, %mul3A_445 : i32
        %add3A_447 = arith.constant 80 : i32
        %add3A_448 = arith.addi %mul3A_446, %add3A_447 : i32
        %get3A_449 = arith.index_cast %add3A_448 : i32 to index
        %get3A_450 = tpu.vector_load %arg10[%get3A_449] {strides = array<i32>} : memref<1024xi32, #tpu.memory_space<vmem>>, vector<16xi32>,
        %mul3A_451 = arith.constant 128 : i32
        %mul3A_452 = arith.muli %scan3A_414, %mul3A_451 : i32
        %add3A_453 = arith.constant 96 : i32
        %add3A_454 = arith.addi %mul3A_452, %add3A_453 : i32
        %get3A_455 = arith.index_cast %add3A_454 : i32 to index
        %get3A_456 = tpu.vector_load %arg10[%get3A_455] {strides = array<i32>} : memref<1024xi32, #tpu.memory_space<vmem>>, vector<16xi32>,
        %mul3A_457 = arith.constant 128 : i32
        %mul3A_458 = arith.muli %scan3A_414, %mul3A_457 : i32
        %add3A_459 = arith.constant 112 : i32
        %add3A_460 = arith.addi %mul3A_458, %add3A_459 : i32
        %get3A_461 = arith.index_cast %add3A_460 : i32 to index
        %get3A_462 = tpu.vector_load %arg10[%get3A_461] {strides = array<i32>} : memref<1024xi32, #tpu.memory_space<vmem>>, vector<16xi32>,
        %scan3A_463 = arith.constant 0 : i32
        %scan3A_464 = arith.constant 0 : i32
        %scan3A_465 = arith.constant 8 : i32
        %scan3A_466 = arith.addi %scan3A_464, %scan3A_465 : i32
        %scan3A_467 = arith.constant 1 : i32
        scf.for %scan3A_469 = %scan3A_464 to %scan3A_466 step %scan3A_467  : i32 {
          %mul3A_470 = arith.constant 0 : i32
          %mul3A_471 = vector.broadcast %mul3A_470 : i32 to vector<16xi32>
          %mul3A_472 = arith.muli %iota3A, %mul3A_471 : vector<16xi32>
          %add3A_473 = arith.constant 24 : i32
          %add3A_474 = arith.addi %add3A_473, %scan3A_469 : i32
          %add3A_475 = vector.broadcast %add3A_474 : i32 to vector<16xi32>
          %add3A_476 = arith.addi %mul3A_472, %add3A_475 : vector<16xi32>
          %gather3A_477 = tpu.vector_load_idx %arg9[%add3A_476] : memref<64xf32, #tpu.memory_space<vmem>>[vector<16xi32>], vector<16xf32>,
          %gather3A_478 = tpu.vector_load_idx %arg7[%add3A_476, %get3A_420] : memref<64x1001xf32, #tpu.memory_space<vmem>>[vector<16xi32>, vector<16xi32>], vector<16xf32>,
          %add3A_479 = arith.addf %gather3A_478, %gather3A_477 : vector<16xf32>
          %swap3A_480 = arith.index_cast %scan3A_414 : i32 to index
          %swap3A_481 = arith.index_cast %scan3A_469 : i32 to index
          %swap3A_482 = arith.constant 0 : index
          %swap3A_483 = tpu.vector_load %arg15[%swap3A_480, %swap3A_481, %swap3A_482] {strides = array<i32>} : memref<8x8x128xf32, #tpu.memory_space<vmem>>, vector<16xf32>,
          tpu.vector_store %arg15[%swap3A_480, %swap3A_481, %swap3A_482], %add3A_479 {strides = array<i32>} : memref<8x8x128xf32, #tpu.memory_space<vmem>>, vector<16xf32>,
          %gather3A_484 = tpu.vector_load_idx %arg7[%add3A_476, %get3A_426] : memref<64x1001xf32, #tpu.memory_space<vmem>>[vector<16xi32>, vector<16xi32>], vector<16xf32>,
          %add3A_485 = arith.addf %gather3A_484, %gather3A_477 : vector<16xf32>
          %swap3A_486 = arith.index_cast %scan3A_414 : i32 to index
          %swap3A_487 = arith.index_cast %scan3A_469 : i32 to index
          %swap3A_488 = arith.constant 16 : index
          %swap3A_489 = tpu.vector_load %arg15[%swap3A_486, %swap3A_487, %swap3A_488] {strides = array<i32>} : memref<8x8x128xf32, #tpu.memory_space<vmem>>, vector<16xf32>,
          tpu.vector_store %arg15[%swap3A_486, %swap3A_487, %swap3A_488], %add3A_485 {strides = array<i32>} : memref<8x8x128xf32, #tpu.memory_space<vmem>>, vector<16xf32>,
          %gather3A_490 = tpu.vector_load_idx %arg7[%add3A_476, %get3A_432] : memref<64x1001xf32, #tpu.memory_space<vmem>>[vector<16xi32>, vector<16xi32>], vector<16xf32>,
          %add3A_491 = arith.addf %gather3A_490, %gather3A_477 : vector<16xf32>
          %swap3A_492 = arith.index_cast %scan3A_414 : i32 to index
          %swap3A_493 = arith.index_cast %scan3A_469 : i32 to index
          %swap3A_494 = arith.constant 32 : index
          %swap3A_495 = tpu.vector_load %arg15[%swap3A_492, %swap3A_493, %swap3A_494] {strides = array<i32>} : memref<8x8x128xf32, #tpu.memory_space<vmem>>, vector<16xf32>,
          tpu.vector_store %arg15[%swap3A_492, %swap3A_493, %swap3A_494], %add3A_491 {strides = array<i32>} : memref<8x8x128xf32, #tpu.memory_space<vmem>>, vector<16xf32>,
          %gather3A_496 = tpu.vector_load_idx %arg7[%add3A_476, %get3A_438] : memref<64x1001xf32, #tpu.memory_space<vmem>>[vector<16xi32>, vector<16xi32>], vector<16xf32>,
          %add3A_497 = arith.addf %gather3A_496, %gather3A_477 : vector<16xf32>
          %swap3A_498 = arith.index_cast %scan3A_414 : i32 to index
          %swap3A_499 = arith.index_cast %scan3A_469 : i32 to index
          %swap3A_500 = arith.constant 48 : index
          %swap3A_501 = tpu.vector_load %arg15[%swap3A_498, %swap3A_499, %swap3A_500] {strides = array<i32>} : memref<8x8x128xf32, #tpu.memory_space<vmem>>, vector<16xf32>,
          tpu.vector_store %arg15[%swap3A_498, %swap3A_499, %swap3A_500], %add3A_497 {strides = array<i32>} : memref<8x8x128xf32, #tpu.memory_space<vmem>>, vector<16xf32>,
          %gather3A_502 = tpu.vector_load_idx %arg7[%add3A_476, %get3A_444] : memref<64x1001xf32, #tpu.memory_space<vmem>>[vector<16xi32>, vector<16xi32>], vector<16xf32>,
          %add3A_503 = arith.addf %gather3A_502, %gather3A_477 : vector<16xf32>
          %swap3A_504 = arith.index_cast %scan3A_414 : i32 to index
          %swap3A_505 = arith.index_cast %scan3A_469 : i32 to index
          %swap3A_506 = arith.constant 64 : index
          %swap3A_507 = tpu.vector_load %arg15[%swap3A_504, %swap3A_505, %swap3A_506] {strides = array<i32>} : memref<8x8x128xf32, #tpu.memory_space<vmem>>, vector<16xf32>,
          tpu.vector_store %arg15[%swap3A_504, %swap3A_505, %swap3A_506], %add3A_503 {strides = array<i32>} : memref<8x8x128xf32, #tpu.memory_space<vmem>>, vector<16xf32>,
          %gather3A_508 = tpu.vector_load_idx %arg7[%add3A_476, %get3A_450] : memref<64x1001xf32, #tpu.memory_space<vmem>>[vector<16xi32>, vector<16xi32>], vector<16xf32>,
          %add3A_509 = arith.addf %gather3A_508, %gather3A_477 : vector<16xf32>
          %swap3A_510 = arith.index_cast %scan3A_414 : i32 to index
          %swap3A_511 = arith.index_cast %scan3A_469 : i32 to index
          %swap3A_512 = arith.constant 80 : index
          %swap3A_513 = tpu.vector_load %arg15[%swap3A_510, %swap3A_511, %swap3A_512] {strides = array<i32>} : memref<8x8x128xf32, #tpu.memory_space<vmem>>, vector<16xf32>,
          tpu.vector_store %arg15[%swap3A_510, %swap3A_511, %swap3A_512], %add3A_509 {strides = array<i32>} : memref<8x8x128xf32, #tpu.memory_space<vmem>>, vector<16xf32>,
          %gather3A_514 = tpu.vector_load_idx %arg7[%add3A_476, %get3A_456] : memref<64x1001xf32, #tpu.memory_space<vmem>>[vector<16xi32>, vector<16xi32>], vector<16xf32>,
          %add3A_515 = arith.addf %gather3A_514, %gather3A_477 : vector<16xf32>
          %swap3A_516 = arith.index_cast %scan3A_414 : i32 to index
          %swap3A_517 = arith.index_cast %scan3A_469 : i32 to index
          %swap3A_518 = arith.constant 96 : index
          %swap3A_519 = tpu.vector_load %arg15[%swap3A_516, %swap3A_517, %swap3A_518] {strides = array<i32>} : memref<8x8x128xf32, #tpu.memory_space<vmem>>, vector<16xf32>,
          tpu.vector_store %arg15[%swap3A_516, %swap3A_517, %swap3A_518], %add3A_515 {strides = array<i32>} : memref<8x8x128xf32, #tpu.memory_space<vmem>>, vector<16xf32>,
          %gather3A_520 = tpu.vector_load_idx %arg7[%add3A_476, %get3A_462] : memref<64x1001xf32, #tpu.memory_space<vmem>>[vector<16xi32>, vector<16xi32>], vector<16xf32>,
          %add3A_521 = arith.addf %gather3A_520, %gather3A_477 : vector<16xf32>
          %swap3A_522 = arith.index_cast %scan3A_414 : i32 to index
          %swap3A_523 = arith.index_cast %scan3A_469 : i32 to index
          %swap3A_524 = arith.constant 112 : index
          %swap3A_525 = tpu.vector_load %arg15[%swap3A_522, %swap3A_523, %swap3A_524] {strides = array<i32>} : memref<8x8x128xf32, #tpu.memory_space<vmem>>, vector<16xf32>,
          tpu.vector_store %arg15[%swap3A_522, %swap3A_523, %swap3A_524], %add3A_521 {strides = array<i32>} : memref<8x8x128xf32, #tpu.memory_space<vmem>>, vector<16xf32>,
        }
        %scan3A_468 = arith.constant 8 : i32
      }
      %scan3A_182 = arith.constant 8 : i32
      %dma_start3A_183 = arith.constant 3 : i32
      %dma_start3A_184 = arith.constant 0 : i32
      %dma_start3A_185 = arith.constant 0 : i32
      %dma_start3A_186 = arith.constant 0 : i32
      %dma_start3A_187 = arith.constant 0 : i32
      %dma_start3A_188 = tpu.memref_slice %arg6[%add3A_21, %dma_start3A_184, %dma_start3A_185, %dma_start3A_186, %dma_start3A_187] : memref<1001x8x8x8x128xf32, #tpu.memory_space<hbm>> -> memref<1x8x8x8x128xf32, #tpu.memory_space<hbm>>
      %dma_start3A_189 = tpu.memref_squeeze %dma_start3A_188 : memref<1x8x8x8x128xf32, #tpu.memory_space<hbm>> -> memref<8x8x8x128xf32, #tpu.memory_space<hbm>>
      %dma_start3A_190 = arith.constant 0 : i32
      %dma_start3A_191 = arith.constant 0 : i32
      %dma_start3A_192 = arith.constant 0 : i32
      %dma_start3A_193 = tpu.memref_slice %dma_start3A_189[%dma_start3A_183, %dma_start3A_190, %dma_start3A_191, %dma_start3A_192] : memref<8x8x8x128xf32, #tpu.memory_space<hbm>> -> memref<1x8x8x128xf32, #tpu.memory_space<hbm>>
      %dma_start3A_194 = tpu.memref_squeeze %dma_start3A_193 : memref<1x8x8x128xf32, #tpu.memory_space<hbm>> -> memref<8x8x128xf32, #tpu.memory_space<hbm>>
      %dma_start3A_195 = arith.constant 0 : i32
      %dma_start3A_196 = arith.constant 0 : i32
      %dma_start3A_197 = arith.constant 0 : i32
      %dma_start3A_198 = arith.constant 0 : i32
      %dma_start3A_199 = tpu.memref_slice %arg6[%add3A_21, %dma_start3A_195, %dma_start3A_196, %dma_start3A_197, %dma_start3A_198] : memref<1001x8x8x8x128xf32, #tpu.memory_space<hbm>> -> memref<1x8x8x8x128xf32, #tpu.memory_space<hbm>>
      %dma_start3A_200 = tpu.memref_squeeze %dma_start3A_199 : memref<1x8x8x8x128xf32, #tpu.memory_space<hbm>> -> memref<8x8x8x128xf32, #tpu.memory_space<hbm>>
      %dma_start3A_201 = arith.constant 0 : i32
      %dma_start3A_202 = arith.constant 0 : i32
      %dma_start3A_203 = arith.constant 0 : i32
      %dma_start3A_204 = tpu.memref_slice %dma_start3A_200[%dma_start3A_183, %dma_start3A_201, %dma_start3A_202, %dma_start3A_203] : memref<8x8x8x128xf32, #tpu.memory_space<hbm>> -> memref<1x8x8x128xf32, #tpu.memory_space<hbm>>
      %dma_start3A_205 = tpu.memref_squeeze %dma_start3A_204 : memref<1x8x8x128xf32, #tpu.memory_space<hbm>> -> memref<8x8x128xf32, #tpu.memory_space<hbm>>
      tpu.enqueue_dma source(%arg15 : memref<8x8x128xf32, #tpu.memory_space<vmem>>) target(%dma_start3A_205 : memref<8x8x128xf32, #tpu.memory_space<hbm>>) target_semaphore(%arg19 : memref<!tpu.dma_semaphore, #tpu.memory_space<semaphore_mem>>)
      %dma_wait3A_206 = arith.constant 0 : i32
      %dma_wait3A_207 = arith.constant 0 : i32
      %dma_wait3A_208 = arith.constant 0 : i32
      %dma_wait3A_209 = arith.constant 0 : i32
      %dma_wait3A_210 = arith.constant 0 : i32
      %dma_wait3A_211 = tpu.memref_slice %arg6[%add3A_21, %dma_wait3A_207, %dma_wait3A_208, %dma_wait3A_209, %dma_wait3A_210] : memref<1001x8x8x8x128xf32, #tpu.memory_space<hbm>> -> memref<1x8x8x8x128xf32, #tpu.memory_space<hbm>>
      %dma_wait3A_212 = tpu.memref_squeeze %dma_wait3A_211 : memref<1x8x8x8x128xf32, #tpu.memory_space<hbm>> -> memref<8x8x8x128xf32, #tpu.memory_space<hbm>>
      %dma_wait3A_213 = arith.constant 0 : i32
      %dma_wait3A_214 = arith.constant 0 : i32
      %dma_wait3A_215 = arith.constant 0 : i32
      %dma_wait3A_216 = tpu.memref_slice %dma_wait3A_212[%dma_wait3A_206, %dma_wait3A_213, %dma_wait3A_214, %dma_wait3A_215] : memref<8x8x8x128xf32, #tpu.memory_space<hbm>> -> memref<1x8x8x128xf32, #tpu.memory_space<hbm>>
      %dma_wait3A_217 = tpu.memref_squeeze %dma_wait3A_216 : memref<1x8x8x128xf32, #tpu.memory_space<hbm>> -> memref<8x8x128xf32, #tpu.memory_space<hbm>>
      %dma_wait3A_218 = arith.constant 0 : i32
      %dma_wait3A_219 = arith.constant 0 : i32
      %dma_wait3A_220 = arith.constant 0 : i32
      %dma_wait3A_221 = arith.constant 0 : i32
      %dma_wait3A_222 = tpu.memref_slice %arg6[%add3A_21, %dma_wait3A_218, %dma_wait3A_219, %dma_wait3A_220, %dma_wait3A_221] : memref<1001x8x8x8x128xf32, #tpu.memory_space<hbm>> -> memref<1x8x8x8x128xf32, #tpu.memory_space<hbm>>
      %dma_wait3A_223 = tpu.memref_squeeze %dma_wait3A_222 : memref<1x8x8x8x128xf32, #tpu.memory_space<hbm>> -> memref<8x8x8x128xf32, #tpu.memory_space<hbm>>
      %dma_wait3A_224 = arith.constant 0 : i32
      %dma_wait3A_225 = arith.constant 0 : i32
      %dma_wait3A_226 = arith.constant 0 : i32
      %dma_wait3A_227 = tpu.memref_slice %dma_wait3A_223[%dma_wait3A_206, %dma_wait3A_224, %dma_wait3A_225, %dma_wait3A_226] : memref<8x8x8x128xf32, #tpu.memory_space<hbm>> -> memref<1x8x8x128xf32, #tpu.memory_space<hbm>>
      %dma_wait3A_228 = tpu.memref_squeeze %dma_wait3A_227 : memref<1x8x8x128xf32, #tpu.memory_space<hbm>> -> memref<8x8x128xf32, #tpu.memory_space<hbm>>
      tpu.wait_dma2 semaphore(%arg16 : memref<!tpu.dma_semaphore, #tpu.memory_space<semaphore_mem>>) src(%dma_wait3A_228 : memref<8x8x128xf32, #tpu.memory_space<hbm>>) dst(%arg12 : memref<8x8x128xf32, #tpu.memory_space<vmem>>)
      %scan3A_229 = arith.constant 0 : i32
      %scan3A_230 = arith.constant 0 : i32
      %scan3A_231 = arith.constant 8 : i32
      %scan3A_232 = arith.addi %scan3A_230, %scan3A_231 : i32
      %scan3A_233 = arith.constant 1 : i32
      scf.for %scan3A_414 = %scan3A_230 to %scan3A_232 step %scan3A_233  : i32 {
        %mul3A_415 = arith.constant 128 : i32
        %mul3A_416 = arith.muli %scan3A_414, %mul3A_415 : i32
        %add3A_417 = arith.constant 0 : i32
        %add3A_418 = arith.addi %mul3A_416, %add3A_417 : i32
        %get3A_419 = arith.index_cast %add3A_418 : i32 to index
        %get3A_420 = tpu.vector_load %arg10[%get3A_419] {strides = array<i32>} : memref<1024xi32, #tpu.memory_space<vmem>>, vector<16xi32>,
        %mul3A_421 = arith.constant 128 : i32
        %mul3A_422 = arith.muli %scan3A_414, %mul3A_421 : i32
        %add3A_423 = arith.constant 16 : i32
        %add3A_424 = arith.addi %mul3A_422, %add3A_423 : i32
        %get3A_425 = arith.index_cast %add3A_424 : i32 to index
        %get3A_426 = tpu.vector_load %arg10[%get3A_425] {strides = array<i32>} : memref<1024xi32, #tpu.memory_space<vmem>>, vector<16xi32>,
        %mul3A_427 = arith.constant 128 : i32
        %mul3A_428 = arith.muli %scan3A_414, %mul3A_427 : i32
        %add3A_429 = arith.constant 32 : i32
        %add3A_430 = arith.addi %mul3A_428, %add3A_429 : i32
        %get3A_431 = arith.index_cast %add3A_430 : i32 to index
        %get3A_432 = tpu.vector_load %arg10[%get3A_431] {strides = array<i32>} : memref<1024xi32, #tpu.memory_space<vmem>>, vector<16xi32>,
        %mul3A_433 = arith.constant 128 : i32
        %mul3A_434 = arith.muli %scan3A_414, %mul3A_433 : i32
        %add3A_435 = arith.constant 48 : i32
        %add3A_436 = arith.addi %mul3A_434, %add3A_435 : i32
        %get3A_437 = arith.index_cast %add3A_436 : i32 to index
        %get3A_438 = tpu.vector_load %arg10[%get3A_437] {strides = array<i32>} : memref<1024xi32, #tpu.memory_space<vmem>>, vector<16xi32>,
        %mul3A_439 = arith.constant 128 : i32
        %mul3A_440 = arith.muli %scan3A_414, %mul3A_439 : i32
        %add3A_441 = arith.constant 64 : i32
        %add3A_442 = arith.addi %mul3A_440, %add3A_441 : i32
        %get3A_443 = arith.index_cast %add3A_442 : i32 to index
        %get3A_444 = tpu.vector_load %arg10[%get3A_443] {strides = array<i32>} : memref<1024xi32, #tpu.memory_space<vmem>>, vector<16xi32>,
        %mul3A_445 = arith.constant 128 : i32
        %mul3A_446 = arith.muli %scan3A_414, %mul3A_445 : i32
        %add3A_447 = arith.constant 80 : i32
        %add3A_448 = arith.addi %mul3A_446, %add3A_447 : i32
        %get3A_449 = arith.index_cast %add3A_448 : i32 to index
        %get3A_450 = tpu.vector_load %arg10[%get3A_449] {strides = array<i32>} : memref<1024xi32, #tpu.memory_space<vmem>>, vector<16xi32>,
        %mul3A_451 = arith.constant 128 : i32
        %mul3A_452 = arith.muli %scan3A_414, %mul3A_451 : i32
        %add3A_453 = arith.constant 96 : i32
        %add3A_454 = arith.addi %mul3A_452, %add3A_453 : i32
        %get3A_455 = arith.index_cast %add3A_454 : i32 to index
        %get3A_456 = tpu.vector_load %arg10[%get3A_455] {strides = array<i32>} : memref<1024xi32, #tpu.memory_space<vmem>>, vector<16xi32>,
        %mul3A_457 = arith.constant 128 : i32
        %mul3A_458 = arith.muli %scan3A_414, %mul3A_457 : i32
        %add3A_459 = arith.constant 112 : i32
        %add3A_460 = arith.addi %mul3A_458, %add3A_459 : i32
        %get3A_461 = arith.index_cast %add3A_460 : i32 to index
        %get3A_462 = tpu.vector_load %arg10[%get3A_461] {strides = array<i32>} : memref<1024xi32, #tpu.memory_space<vmem>>, vector<16xi32>,
        %scan3A_463 = arith.constant 0 : i32
        %scan3A_464 = arith.constant 0 : i32
        %scan3A_465 = arith.constant 8 : i32
        %scan3A_466 = arith.addi %scan3A_464, %scan3A_465 : i32
        %scan3A_467 = arith.constant 1 : i32
        scf.for %scan3A_469 = %scan3A_464 to %scan3A_466 step %scan3A_467  : i32 {
          %mul3A_470 = arith.constant 0 : i32
          %mul3A_471 = vector.broadcast %mul3A_470 : i32 to vector<16xi32>
          %mul3A_472 = arith.muli %iota3A, %mul3A_471 : vector<16xi32>
          %add3A_473 = arith.constant 32 : i32
          %add3A_474 = arith.addi %add3A_473, %scan3A_469 : i32
          %add3A_475 = vector.broadcast %add3A_474 : i32 to vector<16xi32>
          %add3A_476 = arith.addi %mul3A_472, %add3A_475 : vector<16xi32>
          %gather3A_477 = tpu.vector_load_idx %arg9[%add3A_476] : memref<64xf32, #tpu.memory_space<vmem>>[vector<16xi32>], vector<16xf32>,
          %gather3A_478 = tpu.vector_load_idx %arg7[%add3A_476, %get3A_420] : memref<64x1001xf32, #tpu.memory_space<vmem>>[vector<16xi32>, vector<16xi32>], vector<16xf32>,
          %add3A_479 = arith.addf %gather3A_478, %gather3A_477 : vector<16xf32>
          %swap3A_480 = arith.index_cast %scan3A_414 : i32 to index
          %swap3A_481 = arith.index_cast %scan3A_469 : i32 to index
          %swap3A_482 = arith.constant 0 : index
          %swap3A_483 = tpu.vector_load %arg12[%swap3A_480, %swap3A_481, %swap3A_482] {strides = array<i32>} : memref<8x8x128xf32, #tpu.memory_space<vmem>>, vector<16xf32>,
          tpu.vector_store %arg12[%swap3A_480, %swap3A_481, %swap3A_482], %add3A_479 {strides = array<i32>} : memref<8x8x128xf32, #tpu.memory_space<vmem>>, vector<16xf32>,
          %gather3A_484 = tpu.vector_load_idx %arg7[%add3A_476, %get3A_426] : memref<64x1001xf32, #tpu.memory_space<vmem>>[vector<16xi32>, vector<16xi32>], vector<16xf32>,
          %add3A_485 = arith.addf %gather3A_484, %gather3A_477 : vector<16xf32>
          %swap3A_486 = arith.index_cast %scan3A_414 : i32 to index
          %swap3A_487 = arith.index_cast %scan3A_469 : i32 to index
          %swap3A_488 = arith.constant 16 : index
          %swap3A_489 = tpu.vector_load %arg12[%swap3A_486, %swap3A_487, %swap3A_488] {strides = array<i32>} : memref<8x8x128xf32, #tpu.memory_space<vmem>>, vector<16xf32>,
          tpu.vector_store %arg12[%swap3A_486, %swap3A_487, %swap3A_488], %add3A_485 {strides = array<i32>} : memref<8x8x128xf32, #tpu.memory_space<vmem>>, vector<16xf32>,
          %gather3A_490 = tpu.vector_load_idx %arg7[%add3A_476, %get3A_432] : memref<64x1001xf32, #tpu.memory_space<vmem>>[vector<16xi32>, vector<16xi32>], vector<16xf32>,
          %add3A_491 = arith.addf %gather3A_490, %gather3A_477 : vector<16xf32>
          %swap3A_492 = arith.index_cast %scan3A_414 : i32 to index
          %swap3A_493 = arith.index_cast %scan3A_469 : i32 to index
          %swap3A_494 = arith.constant 32 : index
          %swap3A_495 = tpu.vector_load %arg12[%swap3A_492, %swap3A_493, %swap3A_494] {strides = array<i32>} : memref<8x8x128xf32, #tpu.memory_space<vmem>>, vector<16xf32>,
          tpu.vector_store %arg12[%swap3A_492, %swap3A_493, %swap3A_494], %add3A_491 {strides = array<i32>} : memref<8x8x128xf32, #tpu.memory_space<vmem>>, vector<16xf32>,
          %gather3A_496 = tpu.vector_load_idx %arg7[%add3A_476, %get3A_438] : memref<64x1001xf32, #tpu.memory_space<vmem>>[vector<16xi32>, vector<16xi32>], vector<16xf32>,
          %add3A_497 = arith.addf %gather3A_496, %gather3A_477 : vector<16xf32>
          %swap3A_498 = arith.index_cast %scan3A_414 : i32 to index
          %swap3A_499 = arith.index_cast %scan3A_469 : i32 to index
          %swap3A_500 = arith.constant 48 : index
          %swap3A_501 = tpu.vector_load %arg12[%swap3A_498, %swap3A_499, %swap3A_500] {strides = array<i32>} : memref<8x8x128xf32, #tpu.memory_space<vmem>>, vector<16xf32>,
          tpu.vector_store %arg12[%swap3A_498, %swap3A_499, %swap3A_500], %add3A_497 {strides = array<i32>} : memref<8x8x128xf32, #tpu.memory_space<vmem>>, vector<16xf32>,
          %gather3A_502 = tpu.vector_load_idx %arg7[%add3A_476, %get3A_444] : memref<64x1001xf32, #tpu.memory_space<vmem>>[vector<16xi32>, vector<16xi32>], vector<16xf32>,
          %add3A_503 = arith.addf %gather3A_502, %gather3A_477 : vector<16xf32>
          %swap3A_504 = arith.index_cast %scan3A_414 : i32 to index
          %swap3A_505 = arith.index_cast %scan3A_469 : i32 to index
          %swap3A_506 = arith.constant 64 : index
          %swap3A_507 = tpu.vector_load %arg12[%swap3A_504, %swap3A_505, %swap3A_506] {strides = array<i32>} : memref<8x8x128xf32, #tpu.memory_space<vmem>>, vector<16xf32>,
          tpu.vector_store %arg12[%swap3A_504, %swap3A_505, %swap3A_506], %add3A_503 {strides = array<i32>} : memref<8x8x128xf32, #tpu.memory_space<vmem>>, vector<16xf32>,
          %gather3A_508 = tpu.vector_load_idx %arg7[%add3A_476, %get3A_450] : memref<64x1001xf32, #tpu.memory_space<vmem>>[vector<16xi32>, vector<16xi32>], vector<16xf32>,
          %add3A_509 = arith.addf %gather3A_508, %gather3A_477 : vector<16xf32>
          %swap3A_510 = arith.index_cast %scan3A_414 : i32 to index
          %swap3A_511 = arith.index_cast %scan3A_469 : i32 to index
          %swap3A_512 = arith.constant 80 : index
          %swap3A_513 = tpu.vector_load %arg12[%swap3A_510, %swap3A_511, %swap3A_512] {strides = array<i32>} : memref<8x8x128xf32, #tpu.memory_space<vmem>>, vector<16xf32>,
          tpu.vector_store %arg12[%swap3A_510, %swap3A_511, %swap3A_512], %add3A_509 {strides = array<i32>} : memref<8x8x128xf32, #tpu.memory_space<vmem>>, vector<16xf32>,
          %gather3A_514 = tpu.vector_load_idx %arg7[%add3A_476, %get3A_456] : memref<64x1001xf32, #tpu.memory_space<vmem>>[vector<16xi32>, vector<16xi32>], vector<16xf32>,
          %add3A_515 = arith.addf %gather3A_514, %gather3A_477 : vector<16xf32>
          %swap3A_516 = arith.index_cast %scan3A_414 : i32 to index
          %swap3A_517 = arith.index_cast %scan3A_469 : i32 to index
          %swap3A_518 = arith.constant 96 : index
          %swap3A_519 = tpu.vector_load %arg12[%swap3A_516, %swap3A_517, %swap3A_518] {strides = array<i32>} : memref<8x8x128xf32, #tpu.memory_space<vmem>>, vector<16xf32>,
          tpu.vector_store %arg12[%swap3A_516, %swap3A_517, %swap3A_518], %add3A_515 {strides = array<i32>} : memref<8x8x128xf32, #tpu.memory_space<vmem>>, vector<16xf32>,
          %gather3A_520 = tpu.vector_load_idx %arg7[%add3A_476, %get3A_462] : memref<64x1001xf32, #tpu.memory_space<vmem>>[vector<16xi32>, vector<16xi32>], vector<16xf32>,
          %add3A_521 = arith.addf %gather3A_520, %gather3A_477 : vector<16xf32>
          %swap3A_522 = arith.index_cast %scan3A_414 : i32 to index
          %swap3A_523 = arith.index_cast %scan3A_469 : i32 to index
          %swap3A_524 = arith.constant 112 : index
          %swap3A_525 = tpu.vector_load %arg12[%swap3A_522, %swap3A_523, %swap3A_524] {strides = array<i32>} : memref<8x8x128xf32, #tpu.memory_space<vmem>>, vector<16xf32>,
          tpu.vector_store %arg12[%swap3A_522, %swap3A_523, %swap3A_524], %add3A_521 {strides = array<i32>} : memref<8x8x128xf32, #tpu.memory_space<vmem>>, vector<16xf32>,
        }
        %scan3A_468 = arith.constant 8 : i32
      }
      %scan3A_234 = arith.constant 8 : i32
      %dma_start3A_235 = arith.constant 4 : i32
      %dma_start3A_236 = arith.constant 0 : i32
      %dma_start3A_237 = arith.constant 0 : i32
      %dma_start3A_238 = arith.constant 0 : i32
      %dma_start3A_239 = arith.constant 0 : i32
      %dma_start3A_240 = tpu.memref_slice %arg6[%add3A_21, %dma_start3A_236, %dma_start3A_237, %dma_start3A_238, %dma_start3A_239] : memref<1001x8x8x8x128xf32, #tpu.memory_space<hbm>> -> memref<1x8x8x8x128xf32, #tpu.memory_space<hbm>>
      %dma_start3A_241 = tpu.memref_squeeze %dma_start3A_240 : memref<1x8x8x8x128xf32, #tpu.memory_space<hbm>> -> memref<8x8x8x128xf32, #tpu.memory_space<hbm>>
      %dma_start3A_242 = arith.constant 0 : i32
      %dma_start3A_243 = arith.constant 0 : i32
      %dma_start3A_244 = arith.constant 0 : i32
      %dma_start3A_245 = tpu.memref_slice %dma_start3A_241[%dma_start3A_235, %dma_start3A_242, %dma_start3A_243, %dma_start3A_244] : memref<8x8x8x128xf32, #tpu.memory_space<hbm>> -> memref<1x8x8x128xf32, #tpu.memory_space<hbm>>
      %dma_start3A_246 = tpu.memref_squeeze %dma_start3A_245 : memref<1x8x8x128xf32, #tpu.memory_space<hbm>> -> memref<8x8x128xf32, #tpu.memory_space<hbm>>
      %dma_start3A_247 = arith.constant 0 : i32
      %dma_start3A_248 = arith.constant 0 : i32
      %dma_start3A_249 = arith.constant 0 : i32
      %dma_start3A_250 = arith.constant 0 : i32
      %dma_start3A_251 = tpu.memref_slice %arg6[%add3A_21, %dma_start3A_247, %dma_start3A_248, %dma_start3A_249, %dma_start3A_250] : memref<1001x8x8x8x128xf32, #tpu.memory_space<hbm>> -> memref<1x8x8x8x128xf32, #tpu.memory_space<hbm>>
      %dma_start3A_252 = tpu.memref_squeeze %dma_start3A_251 : memref<1x8x8x8x128xf32, #tpu.memory_space<hbm>> -> memref<8x8x8x128xf32, #tpu.memory_space<hbm>>
      %dma_start3A_253 = arith.constant 0 : i32
      %dma_start3A_254 = arith.constant 0 : i32
      %dma_start3A_255 = arith.constant 0 : i32
      %dma_start3A_256 = tpu.memref_slice %dma_start3A_252[%dma_start3A_235, %dma_start3A_253, %dma_start3A_254, %dma_start3A_255] : memref<8x8x8x128xf32, #tpu.memory_space<hbm>> -> memref<1x8x8x128xf32, #tpu.memory_space<hbm>>
      %dma_start3A_257 = tpu.memref_squeeze %dma_start3A_256 : memref<1x8x8x128xf32, #tpu.memory_space<hbm>> -> memref<8x8x128xf32, #tpu.memory_space<hbm>>
      tpu.enqueue_dma source(%arg12 : memref<8x8x128xf32, #tpu.memory_space<vmem>>) target(%dma_start3A_257 : memref<8x8x128xf32, #tpu.memory_space<hbm>>) target_semaphore(%arg16 : memref<!tpu.dma_semaphore, #tpu.memory_space<semaphore_mem>>)
      %dma_wait3A_258 = arith.constant 1 : i32
      %dma_wait3A_259 = arith.constant 0 : i32
      %dma_wait3A_260 = arith.constant 0 : i32
      %dma_wait3A_261 = arith.constant 0 : i32
      %dma_wait3A_262 = arith.constant 0 : i32
      %dma_wait3A_263 = tpu.memref_slice %arg6[%add3A_21, %dma_wait3A_259, %dma_wait3A_260, %dma_wait3A_261, %dma_wait3A_262] : memref<1001x8x8x8x128xf32, #tpu.memory_space<hbm>> -> memref<1x8x8x8x128xf32, #tpu.memory_space<hbm>>
      %dma_wait3A_264 = tpu.memref_squeeze %dma_wait3A_263 : memref<1x8x8x8x128xf32, #tpu.memory_space<hbm>> -> memref<8x8x8x128xf32, #tpu.memory_space<hbm>>
      %dma_wait3A_265 = arith.constant 0 : i32
      %dma_wait3A_266 = arith.constant 0 : i32
      %dma_wait3A_267 = arith.constant 0 : i32
      %dma_wait3A_268 = tpu.memref_slice %dma_wait3A_264[%dma_wait3A_258, %dma_wait3A_265, %dma_wait3A_266, %dma_wait3A_267] : memref<8x8x8x128xf32, #tpu.memory_space<hbm>> -> memref<1x8x8x128xf32, #tpu.memory_space<hbm>>
      %dma_wait3A_269 = tpu.memref_squeeze %dma_wait3A_268 : memref<1x8x8x128xf32, #tpu.memory_space<hbm>> -> memref<8x8x128xf32, #tpu.memory_space<hbm>>
      %dma_wait3A_270 = arith.constant 0 : i32
      %dma_wait3A_271 = arith.constant 0 : i32
      %dma_wait3A_272 = arith.constant 0 : i32
      %dma_wait3A_273 = arith.constant 0 : i32
      %dma_wait3A_274 = tpu.memref_slice %arg6[%add3A_21, %dma_wait3A_270, %dma_wait3A_271, %dma_wait3A_272, %dma_wait3A_273] : memref<1001x8x8x8x128xf32, #tpu.memory_space<hbm>> -> memref<1x8x8x8x128xf32, #tpu.memory_space<hbm>>
      %dma_wait3A_275 = tpu.memref_squeeze %dma_wait3A_274 : memref<1x8x8x8x128xf32, #tpu.memory_space<hbm>> -> memref<8x8x8x128xf32, #tpu.memory_space<hbm>>
      %dma_wait3A_276 = arith.constant 0 : i32
      %dma_wait3A_277 = arith.constant 0 : i32
      %dma_wait3A_278 = arith.constant 0 : i32
      %dma_wait3A_279 = tpu.memref_slice %dma_wait3A_275[%dma_wait3A_258, %dma_wait3A_276, %dma_wait3A_277, %dma_wait3A_278] : memref<8x8x8x128xf32, #tpu.memory_space<hbm>> -> memref<1x8x8x128xf32, #tpu.memory_space<hbm>>
      %dma_wait3A_280 = tpu.memref_squeeze %dma_wait3A_279 : memref<1x8x8x128xf32, #tpu.memory_space<hbm>> -> memref<8x8x128xf32, #tpu.memory_space<hbm>>
      tpu.wait_dma2 semaphore(%arg17 : memref<!tpu.dma_semaphore, #tpu.memory_space<semaphore_mem>>) src(%dma_wait3A_280 : memref<8x8x128xf32, #tpu.memory_space<hbm>>) dst(%arg13 : memref<8x8x128xf32, #tpu.memory_space<vmem>>)
      %scan3A_281 = arith.constant 0 : i32
      %scan3A_282 = arith.constant 0 : i32
      %scan3A_283 = arith.constant 8 : i32
      %scan3A_284 = arith.addi %scan3A_282, %scan3A_283 : i32
      %scan3A_285 = arith.constant 1 : i32
      scf.for %scan3A_414 = %scan3A_282 to %scan3A_284 step %scan3A_285  : i32 {
        %mul3A_415 = arith.constant 128 : i32
        %mul3A_416 = arith.muli %scan3A_414, %mul3A_415 : i32
        %add3A_417 = arith.constant 0 : i32
        %add3A_418 = arith.addi %mul3A_416, %add3A_417 : i32
        %get3A_419 = arith.index_cast %add3A_418 : i32 to index
        %get3A_420 = tpu.vector_load %arg10[%get3A_419] {strides = array<i32>} : memref<1024xi32, #tpu.memory_space<vmem>>, vector<16xi32>,
        %mul3A_421 = arith.constant 128 : i32
        %mul3A_422 = arith.muli %scan3A_414, %mul3A_421 : i32
        %add3A_423 = arith.constant 16 : i32
        %add3A_424 = arith.addi %mul3A_422, %add3A_423 : i32
        %get3A_425 = arith.index_cast %add3A_424 : i32 to index
        %get3A_426 = tpu.vector_load %arg10[%get3A_425] {strides = array<i32>} : memref<1024xi32, #tpu.memory_space<vmem>>, vector<16xi32>,
        %mul3A_427 = arith.constant 128 : i32
        %mul3A_428 = arith.muli %scan3A_414, %mul3A_427 : i32
        %add3A_429 = arith.constant 32 : i32
        %add3A_430 = arith.addi %mul3A_428, %add3A_429 : i32
        %get3A_431 = arith.index_cast %add3A_430 : i32 to index
        %get3A_432 = tpu.vector_load %arg10[%get3A_431] {strides = array<i32>} : memref<1024xi32, #tpu.memory_space<vmem>>, vector<16xi32>,
        %mul3A_433 = arith.constant 128 : i32
        %mul3A_434 = arith.muli %scan3A_414, %mul3A_433 : i32
        %add3A_435 = arith.constant 48 : i32
        %add3A_436 = arith.addi %mul3A_434, %add3A_435 : i32
        %get3A_437 = arith.index_cast %add3A_436 : i32 to index
        %get3A_438 = tpu.vector_load %arg10[%get3A_437] {strides = array<i32>} : memref<1024xi32, #tpu.memory_space<vmem>>, vector<16xi32>,
        %mul3A_439 = arith.constant 128 : i32
        %mul3A_440 = arith.muli %scan3A_414, %mul3A_439 : i32
        %add3A_441 = arith.constant 64 : i32
        %add3A_442 = arith.addi %mul3A_440, %add3A_441 : i32
        %get3A_443 = arith.index_cast %add3A_442 : i32 to index
        %get3A_444 = tpu.vector_load %arg10[%get3A_443] {strides = array<i32>} : memref<1024xi32, #tpu.memory_space<vmem>>, vector<16xi32>,
        %mul3A_445 = arith.constant 128 : i32
        %mul3A_446 = arith.muli %scan3A_414, %mul3A_445 : i32
        %add3A_447 = arith.constant 80 : i32
        %add3A_448 = arith.addi %mul3A_446, %add3A_447 : i32
        %get3A_449 = arith.index_cast %add3A_448 : i32 to index
        %get3A_450 = tpu.vector_load %arg10[%get3A_449] {strides = array<i32>} : memref<1024xi32, #tpu.memory_space<vmem>>, vector<16xi32>,
        %mul3A_451 = arith.constant 128 : i32
        %mul3A_452 = arith.muli %scan3A_414, %mul3A_451 : i32
        %add3A_453 = arith.constant 96 : i32
        %add3A_454 = arith.addi %mul3A_452, %add3A_453 : i32
        %get3A_455 = arith.index_cast %add3A_454 : i32 to index
        %get3A_456 = tpu.vector_load %arg10[%get3A_455] {strides = array<i32>} : memref<1024xi32, #tpu.memory_space<vmem>>, vector<16xi32>,
        %mul3A_457 = arith.constant 128 : i32
        %mul3A_458 = arith.muli %scan3A_414, %mul3A_457 : i32
        %add3A_459 = arith.constant 112 : i32
        %add3A_460 = arith.addi %mul3A_458, %add3A_459 : i32
        %get3A_461 = arith.index_cast %add3A_460 : i32 to index
        %get3A_462 = tpu.vector_load %arg10[%get3A_461] {strides = array<i32>} : memref<1024xi32, #tpu.memory_space<vmem>>, vector<16xi32>,
        %scan3A_463 = arith.constant 0 : i32
        %scan3A_464 = arith.constant 0 : i32
        %scan3A_465 = arith.constant 8 : i32
        %scan3A_466 = arith.addi %scan3A_464, %scan3A_465 : i32
        %scan3A_467 = arith.constant 1 : i32
        scf.for %scan3A_469 = %scan3A_464 to %scan3A_466 step %scan3A_467  : i32 {
          %mul3A_470 = arith.constant 0 : i32
          %mul3A_471 = vector.broadcast %mul3A_470 : i32 to vector<16xi32>
          %mul3A_472 = arith.muli %iota3A, %mul3A_471 : vector<16xi32>
          %add3A_473 = arith.constant 40 : i32
          %add3A_474 = arith.addi %add3A_473, %scan3A_469 : i32
          %add3A_475 = vector.broadcast %add3A_474 : i32 to vector<16xi32>
          %add3A_476 = arith.addi %mul3A_472, %add3A_475 : vector<16xi32>
          %gather3A_477 = tpu.vector_load_idx %arg9[%add3A_476] : memref<64xf32, #tpu.memory_space<vmem>>[vector<16xi32>], vector<16xf32>,
          %gather3A_478 = tpu.vector_load_idx %arg7[%add3A_476, %get3A_420] : memref<64x1001xf32, #tpu.memory_space<vmem>>[vector<16xi32>, vector<16xi32>], vector<16xf32>,
          %add3A_479 = arith.addf %gather3A_478, %gather3A_477 : vector<16xf32>
          %swap3A_480 = arith.index_cast %scan3A_414 : i32 to index
          %swap3A_481 = arith.index_cast %scan3A_469 : i32 to index
          %swap3A_482 = arith.constant 0 : index
          %swap3A_483 = tpu.vector_load %arg13[%swap3A_480, %swap3A_481, %swap3A_482] {strides = array<i32>} : memref<8x8x128xf32, #tpu.memory_space<vmem>>, vector<16xf32>,
          tpu.vector_store %arg13[%swap3A_480, %swap3A_481, %swap3A_482], %add3A_479 {strides = array<i32>} : memref<8x8x128xf32, #tpu.memory_space<vmem>>, vector<16xf32>,
          %gather3A_484 = tpu.vector_load_idx %arg7[%add3A_476, %get3A_426] : memref<64x1001xf32, #tpu.memory_space<vmem>>[vector<16xi32>, vector<16xi32>], vector<16xf32>,
          %add3A_485 = arith.addf %gather3A_484, %gather3A_477 : vector<16xf32>
          %swap3A_486 = arith.index_cast %scan3A_414 : i32 to index
          %swap3A_487 = arith.index_cast %scan3A_469 : i32 to index
          %swap3A_488 = arith.constant 16 : index
          %swap3A_489 = tpu.vector_load %arg13[%swap3A_486, %swap3A_487, %swap3A_488] {strides = array<i32>} : memref<8x8x128xf32, #tpu.memory_space<vmem>>, vector<16xf32>,
          tpu.vector_store %arg13[%swap3A_486, %swap3A_487, %swap3A_488], %add3A_485 {strides = array<i32>} : memref<8x8x128xf32, #tpu.memory_space<vmem>>, vector<16xf32>,
          %gather3A_490 = tpu.vector_load_idx %arg7[%add3A_476, %get3A_432] : memref<64x1001xf32, #tpu.memory_space<vmem>>[vector<16xi32>, vector<16xi32>], vector<16xf32>,
          %add3A_491 = arith.addf %gather3A_490, %gather3A_477 : vector<16xf32>
          %swap3A_492 = arith.index_cast %scan3A_414 : i32 to index
          %swap3A_493 = arith.index_cast %scan3A_469 : i32 to index
          %swap3A_494 = arith.constant 32 : index
          %swap3A_495 = tpu.vector_load %arg13[%swap3A_492, %swap3A_493, %swap3A_494] {strides = array<i32>} : memref<8x8x128xf32, #tpu.memory_space<vmem>>, vector<16xf32>,
          tpu.vector_store %arg13[%swap3A_492, %swap3A_493, %swap3A_494], %add3A_491 {strides = array<i32>} : memref<8x8x128xf32, #tpu.memory_space<vmem>>, vector<16xf32>,
          %gather3A_496 = tpu.vector_load_idx %arg7[%add3A_476, %get3A_438] : memref<64x1001xf32, #tpu.memory_space<vmem>>[vector<16xi32>, vector<16xi32>], vector<16xf32>,
          %add3A_497 = arith.addf %gather3A_496, %gather3A_477 : vector<16xf32>
          %swap3A_498 = arith.index_cast %scan3A_414 : i32 to index
          %swap3A_499 = arith.index_cast %scan3A_469 : i32 to index
          %swap3A_500 = arith.constant 48 : index
          %swap3A_501 = tpu.vector_load %arg13[%swap3A_498, %swap3A_499, %swap3A_500] {strides = array<i32>} : memref<8x8x128xf32, #tpu.memory_space<vmem>>, vector<16xf32>,
          tpu.vector_store %arg13[%swap3A_498, %swap3A_499, %swap3A_500], %add3A_497 {strides = array<i32>} : memref<8x8x128xf32, #tpu.memory_space<vmem>>, vector<16xf32>,
          %gather3A_502 = tpu.vector_load_idx %arg7[%add3A_476, %get3A_444] : memref<64x1001xf32, #tpu.memory_space<vmem>>[vector<16xi32>, vector<16xi32>], vector<16xf32>,
          %add3A_503 = arith.addf %gather3A_502, %gather3A_477 : vector<16xf32>
          %swap3A_504 = arith.index_cast %scan3A_414 : i32 to index
          %swap3A_505 = arith.index_cast %scan3A_469 : i32 to index
          %swap3A_506 = arith.constant 64 : index
          %swap3A_507 = tpu.vector_load %arg13[%swap3A_504, %swap3A_505, %swap3A_506] {strides = array<i32>} : memref<8x8x128xf32, #tpu.memory_space<vmem>>, vector<16xf32>,
          tpu.vector_store %arg13[%swap3A_504, %swap3A_505, %swap3A_506], %add3A_503 {strides = array<i32>} : memref<8x8x128xf32, #tpu.memory_space<vmem>>, vector<16xf32>,
          %gather3A_508 = tpu.vector_load_idx %arg7[%add3A_476, %get3A_450] : memref<64x1001xf32, #tpu.memory_space<vmem>>[vector<16xi32>, vector<16xi32>], vector<16xf32>,
          %add3A_509 = arith.addf %gather3A_508, %gather3A_477 : vector<16xf32>
          %swap3A_510 = arith.index_cast %scan3A_414 : i32 to index
          %swap3A_511 = arith.index_cast %scan3A_469 : i32 to index
          %swap3A_512 = arith.constant 80 : index
          %swap3A_513 = tpu.vector_load %arg13[%swap3A_510, %swap3A_511, %swap3A_512] {strides = array<i32>} : memref<8x8x128xf32, #tpu.memory_space<vmem>>, vector<16xf32>,
          tpu.vector_store %arg13[%swap3A_510, %swap3A_511, %swap3A_512], %add3A_509 {strides = array<i32>} : memref<8x8x128xf32, #tpu.memory_space<vmem>>, vector<16xf32>,
          %gather3A_514 = tpu.vector_load_idx %arg7[%add3A_476, %get3A_456] : memref<64x1001xf32, #tpu.memory_space<vmem>>[vector<16xi32>, vector<16xi32>], vector<16xf32>,
          %add3A_515 = arith.addf %gather3A_514, %gather3A_477 : vector<16xf32>
          %swap3A_516 = arith.index_cast %scan3A_414 : i32 to index
          %swap3A_517 = arith.index_cast %scan3A_469 : i32 to index
          %swap3A_518 = arith.constant 96 : index
          %swap3A_519 = tpu.vector_load %arg13[%swap3A_516, %swap3A_517, %swap3A_518] {strides = array<i32>} : memref<8x8x128xf32, #tpu.memory_space<vmem>>, vector<16xf32>,
          tpu.vector_store %arg13[%swap3A_516, %swap3A_517, %swap3A_518], %add3A_515 {strides = array<i32>} : memref<8x8x128xf32, #tpu.memory_space<vmem>>, vector<16xf32>,
          %gather3A_520 = tpu.vector_load_idx %arg7[%add3A_476, %get3A_462] : memref<64x1001xf32, #tpu.memory_space<vmem>>[vector<16xi32>, vector<16xi32>], vector<16xf32>,
          %add3A_521 = arith.addf %gather3A_520, %gather3A_477 : vector<16xf32>
          %swap3A_522 = arith.index_cast %scan3A_414 : i32 to index
          %swap3A_523 = arith.index_cast %scan3A_469 : i32 to index
          %swap3A_524 = arith.constant 112 : index
          %swap3A_525 = tpu.vector_load %arg13[%swap3A_522, %swap3A_523, %swap3A_524] {strides = array<i32>} : memref<8x8x128xf32, #tpu.memory_space<vmem>>, vector<16xf32>,
          tpu.vector_store %arg13[%swap3A_522, %swap3A_523, %swap3A_524], %add3A_521 {strides = array<i32>} : memref<8x8x128xf32, #tpu.memory_space<vmem>>, vector<16xf32>,
        }
        %scan3A_468 = arith.constant 8 : i32
      }
      %scan3A_286 = arith.constant 8 : i32
      %dma_start3A_287 = arith.constant 5 : i32
      %dma_start3A_288 = arith.constant 0 : i32
      %dma_start3A_289 = arith.constant 0 : i32
      %dma_start3A_290 = arith.constant 0 : i32
      %dma_start3A_291 = arith.constant 0 : i32
      %dma_start3A_292 = tpu.memref_slice %arg6[%add3A_21, %dma_start3A_288, %dma_start3A_289, %dma_start3A_290, %dma_start3A_291] : memref<1001x8x8x8x128xf32, #tpu.memory_space<hbm>> -> memref<1x8x8x8x128xf32, #tpu.memory_space<hbm>>
      %dma_start3A_293 = tpu.memref_squeeze %dma_start3A_292 : memref<1x8x8x8x128xf32, #tpu.memory_space<hbm>> -> memref<8x8x8x128xf32, #tpu.memory_space<hbm>>
      %dma_start3A_294 = arith.constant 0 : i32
      %dma_start3A_295 = arith.constant 0 : i32
      %dma_start3A_296 = arith.constant 0 : i32
      %dma_start3A_297 = tpu.memref_slice %dma_start3A_293[%dma_start3A_287, %dma_start3A_294, %dma_start3A_295, %dma_start3A_296] : memref<8x8x8x128xf32, #tpu.memory_space<hbm>> -> memref<1x8x8x128xf32, #tpu.memory_space<hbm>>
      %dma_start3A_298 = tpu.memref_squeeze %dma_start3A_297 : memref<1x8x8x128xf32, #tpu.memory_space<hbm>> -> memref<8x8x128xf32, #tpu.memory_space<hbm>>
      %dma_start3A_299 = arith.constant 0 : i32
      %dma_start3A_300 = arith.constant 0 : i32
      %dma_start3A_301 = arith.constant 0 : i32
      %dma_start3A_302 = arith.constant 0 : i32
      %dma_start3A_303 = tpu.memref_slice %arg6[%add3A_21, %dma_start3A_299, %dma_start3A_300, %dma_start3A_301, %dma_start3A_302] : memref<1001x8x8x8x128xf32, #tpu.memory_space<hbm>> -> memref<1x8x8x8x128xf32, #tpu.memory_space<hbm>>
      %dma_start3A_304 = tpu.memref_squeeze %dma_start3A_303 : memref<1x8x8x8x128xf32, #tpu.memory_space<hbm>> -> memref<8x8x8x128xf32, #tpu.memory_space<hbm>>
      %dma_start3A_305 = arith.constant 0 : i32
      %dma_start3A_306 = arith.constant 0 : i32
      %dma_start3A_307 = arith.constant 0 : i32
      %dma_start3A_308 = tpu.memref_slice %dma_start3A_304[%dma_start3A_287, %dma_start3A_305, %dma_start3A_306, %dma_start3A_307] : memref<8x8x8x128xf32, #tpu.memory_space<hbm>> -> memref<1x8x8x128xf32, #tpu.memory_space<hbm>>
      %dma_start3A_309 = tpu.memref_squeeze %dma_start3A_308 : memref<1x8x8x128xf32, #tpu.memory_space<hbm>> -> memref<8x8x128xf32, #tpu.memory_space<hbm>>
      tpu.enqueue_dma source(%arg13 : memref<8x8x128xf32, #tpu.memory_space<vmem>>) target(%dma_start3A_309 : memref<8x8x128xf32, #tpu.memory_space<hbm>>) target_semaphore(%arg17 : memref<!tpu.dma_semaphore, #tpu.memory_space<semaphore_mem>>)
      %dma_wait3A_310 = arith.constant 2 : i32
      %dma_wait3A_311 = arith.constant 0 : i32
      %dma_wait3A_312 = arith.constant 0 : i32
      %dma_wait3A_313 = arith.constant 0 : i32
      %dma_wait3A_314 = arith.constant 0 : i32
      %dma_wait3A_315 = tpu.memref_slice %arg6[%add3A_21, %dma_wait3A_311, %dma_wait3A_312, %dma_wait3A_313, %dma_wait3A_314] : memref<1001x8x8x8x128xf32, #tpu.memory_space<hbm>> -> memref<1x8x8x8x128xf32, #tpu.memory_space<hbm>>
      %dma_wait3A_316 = tpu.memref_squeeze %dma_wait3A_315 : memref<1x8x8x8x128xf32, #tpu.memory_space<hbm>> -> memref<8x8x8x128xf32, #tpu.memory_space<hbm>>
      %dma_wait3A_317 = arith.constant 0 : i32
      %dma_wait3A_318 = arith.constant 0 : i32
      %dma_wait3A_319 = arith.constant 0 : i32
      %dma_wait3A_320 = tpu.memref_slice %dma_wait3A_316[%dma_wait3A_310, %dma_wait3A_317, %dma_wait3A_318, %dma_wait3A_319] : memref<8x8x8x128xf32, #tpu.memory_space<hbm>> -> memref<1x8x8x128xf32, #tpu.memory_space<hbm>>
      %dma_wait3A_321 = tpu.memref_squeeze %dma_wait3A_320 : memref<1x8x8x128xf32, #tpu.memory_space<hbm>> -> memref<8x8x128xf32, #tpu.memory_space<hbm>>
      %dma_wait3A_322 = arith.constant 0 : i32
      %dma_wait3A_323 = arith.constant 0 : i32
      %dma_wait3A_324 = arith.constant 0 : i32
      %dma_wait3A_325 = arith.constant 0 : i32
      %dma_wait3A_326 = tpu.memref_slice %arg6[%add3A_21, %dma_wait3A_322, %dma_wait3A_323, %dma_wait3A_324, %dma_wait3A_325] : memref<1001x8x8x8x128xf32, #tpu.memory_space<hbm>> -> memref<1x8x8x8x128xf32, #tpu.memory_space<hbm>>
      %dma_wait3A_327 = tpu.memref_squeeze %dma_wait3A_326 : memref<1x8x8x8x128xf32, #tpu.memory_space<hbm>> -> memref<8x8x8x128xf32, #tpu.memory_space<hbm>>
      %dma_wait3A_328 = arith.constant 0 : i32
      %dma_wait3A_329 = arith.constant 0 : i32
      %dma_wait3A_330 = arith.constant 0 : i32
      %dma_wait3A_331 = tpu.memref_slice %dma_wait3A_327[%dma_wait3A_310, %dma_wait3A_328, %dma_wait3A_329, %dma_wait3A_330] : memref<8x8x8x128xf32, #tpu.memory_space<hbm>> -> memref<1x8x8x128xf32, #tpu.memory_space<hbm>>
      %dma_wait3A_332 = tpu.memref_squeeze %dma_wait3A_331 : memref<1x8x8x128xf32, #tpu.memory_space<hbm>> -> memref<8x8x128xf32, #tpu.memory_space<hbm>>
      tpu.wait_dma2 semaphore(%arg18 : memref<!tpu.dma_semaphore, #tpu.memory_space<semaphore_mem>>) src(%dma_wait3A_332 : memref<8x8x128xf32, #tpu.memory_space<hbm>>) dst(%arg14 : memref<8x8x128xf32, #tpu.memory_space<vmem>>)
      %scan3A_333 = arith.constant 0 : i32
      %scan3A_334 = arith.constant 0 : i32
      %scan3A_335 = arith.constant 8 : i32
      %scan3A_336 = arith.addi %scan3A_334, %scan3A_335 : i32
      %scan3A_337 = arith.constant 1 : i32
      scf.for %scan3A_414 = %scan3A_334 to %scan3A_336 step %scan3A_337  : i32 {
        %mul3A_415 = arith.constant 128 : i32
        %mul3A_416 = arith.muli %scan3A_414, %mul3A_415 : i32
        %add3A_417 = arith.constant 0 : i32
        %add3A_418 = arith.addi %mul3A_416, %add3A_417 : i32
        %get3A_419 = arith.index_cast %add3A_418 : i32 to index
        %get3A_420 = tpu.vector_load %arg10[%get3A_419] {strides = array<i32>} : memref<1024xi32, #tpu.memory_space<vmem>>, vector<16xi32>,
        %mul3A_421 = arith.constant 128 : i32
        %mul3A_422 = arith.muli %scan3A_414, %mul3A_421 : i32
        %add3A_423 = arith.constant 16 : i32
        %add3A_424 = arith.addi %mul3A_422, %add3A_423 : i32
        %get3A_425 = arith.index_cast %add3A_424 : i32 to index
        %get3A_426 = tpu.vector_load %arg10[%get3A_425] {strides = array<i32>} : memref<1024xi32, #tpu.memory_space<vmem>>, vector<16xi32>,
        %mul3A_427 = arith.constant 128 : i32
        %mul3A_428 = arith.muli %scan3A_414, %mul3A_427 : i32
        %add3A_429 = arith.constant 32 : i32
        %add3A_430 = arith.addi %mul3A_428, %add3A_429 : i32
        %get3A_431 = arith.index_cast %add3A_430 : i32 to index
        %get3A_432 = tpu.vector_load %arg10[%get3A_431] {strides = array<i32>} : memref<1024xi32, #tpu.memory_space<vmem>>, vector<16xi32>,
        %mul3A_433 = arith.constant 128 : i32
        %mul3A_434 = arith.muli %scan3A_414, %mul3A_433 : i32
        %add3A_435 = arith.constant 48 : i32
        %add3A_436 = arith.addi %mul3A_434, %add3A_435 : i32
        %get3A_437 = arith.index_cast %add3A_436 : i32 to index
        %get3A_438 = tpu.vector_load %arg10[%get3A_437] {strides = array<i32>} : memref<1024xi32, #tpu.memory_space<vmem>>, vector<16xi32>,
        %mul3A_439 = arith.constant 128 : i32
        %mul3A_440 = arith.muli %scan3A_414, %mul3A_439 : i32
        %add3A_441 = arith.constant 64 : i32
        %add3A_442 = arith.addi %mul3A_440, %add3A_441 : i32
        %get3A_443 = arith.index_cast %add3A_442 : i32 to index
        %get3A_444 = tpu.vector_load %arg10[%get3A_443] {strides = array<i32>} : memref<1024xi32, #tpu.memory_space<vmem>>, vector<16xi32>,
        %mul3A_445 = arith.constant 128 : i32
        %mul3A_446 = arith.muli %scan3A_414, %mul3A_445 : i32
        %add3A_447 = arith.constant 80 : i32
        %add3A_448 = arith.addi %mul3A_446, %add3A_447 : i32
        %get3A_449 = arith.index_cast %add3A_448 : i32 to index
        %get3A_450 = tpu.vector_load %arg10[%get3A_449] {strides = array<i32>} : memref<1024xi32, #tpu.memory_space<vmem>>, vector<16xi32>,
        %mul3A_451 = arith.constant 128 : i32
        %mul3A_452 = arith.muli %scan3A_414, %mul3A_451 : i32
        %add3A_453 = arith.constant 96 : i32
        %add3A_454 = arith.addi %mul3A_452, %add3A_453 : i32
        %get3A_455 = arith.index_cast %add3A_454 : i32 to index
        %get3A_456 = tpu.vector_load %arg10[%get3A_455] {strides = array<i32>} : memref<1024xi32, #tpu.memory_space<vmem>>, vector<16xi32>,
        %mul3A_457 = arith.constant 128 : i32
        %mul3A_458 = arith.muli %scan3A_414, %mul3A_457 : i32
        %add3A_459 = arith.constant 112 : i32
        %add3A_460 = arith.addi %mul3A_458, %add3A_459 : i32
        %get3A_461 = arith.index_cast %add3A_460 : i32 to index
        %get3A_462 = tpu.vector_load %arg10[%get3A_461] {strides = array<i32>} : memref<1024xi32, #tpu.memory_space<vmem>>, vector<16xi32>,
        %scan3A_463 = arith.constant 0 : i32
        %scan3A_464 = arith.constant 0 : i32
        %scan3A_465 = arith.constant 8 : i32
        %scan3A_466 = arith.addi %scan3A_464, %scan3A_465 : i32
        %scan3A_467 = arith.constant 1 : i32
        scf.for %scan3A_469 = %scan3A_464 to %scan3A_466 step %scan3A_467  : i32 {
          %mul3A_470 = arith.constant 0 : i32
          %mul3A_471 = vector.broadcast %mul3A_470 : i32 to vector<16xi32>
          %mul3A_472 = arith.muli %iota3A, %mul3A_471 : vector<16xi32>
          %add3A_473 = arith.constant 48 : i32
          %add3A_474 = arith.addi %add3A_473, %scan3A_469 : i32
          %add3A_475 = vector.broadcast %add3A_474 : i32 to vector<16xi32>
          %add3A_476 = arith.addi %mul3A_472, %add3A_475 : vector<16xi32>
          %gather3A_477 = tpu.vector_load_idx %arg9[%add3A_476] : memref<64xf32, #tpu.memory_space<vmem>>[vector<16xi32>], vector<16xf32>,
          %gather3A_478 = tpu.vector_load_idx %arg7[%add3A_476, %get3A_420] : memref<64x1001xf32, #tpu.memory_space<vmem>>[vector<16xi32>, vector<16xi32>], vector<16xf32>,
          %add3A_479 = arith.addf %gather3A_478, %gather3A_477 : vector<16xf32>
          %swap3A_480 = arith.index_cast %scan3A_414 : i32 to index
          %swap3A_481 = arith.index_cast %scan3A_469 : i32 to index
          %swap3A_482 = arith.constant 0 : index
          %swap3A_483 = tpu.vector_load %arg14[%swap3A_480, %swap3A_481, %swap3A_482] {strides = array<i32>} : memref<8x8x128xf32, #tpu.memory_space<vmem>>, vector<16xf32>,
          tpu.vector_store %arg14[%swap3A_480, %swap3A_481, %swap3A_482], %add3A_479 {strides = array<i32>} : memref<8x8x128xf32, #tpu.memory_space<vmem>>, vector<16xf32>,
          %gather3A_484 = tpu.vector_load_idx %arg7[%add3A_476, %get3A_426] : memref<64x1001xf32, #tpu.memory_space<vmem>>[vector<16xi32>, vector<16xi32>], vector<16xf32>,
          %add3A_485 = arith.addf %gather3A_484, %gather3A_477 : vector<16xf32>
          %swap3A_486 = arith.index_cast %scan3A_414 : i32 to index
          %swap3A_487 = arith.index_cast %scan3A_469 : i32 to index
          %swap3A_488 = arith.constant 16 : index
          %swap3A_489 = tpu.vector_load %arg14[%swap3A_486, %swap3A_487, %swap3A_488] {strides = array<i32>} : memref<8x8x128xf32, #tpu.memory_space<vmem>>, vector<16xf32>,
          tpu.vector_store %arg14[%swap3A_486, %swap3A_487, %swap3A_488], %add3A_485 {strides = array<i32>} : memref<8x8x128xf32, #tpu.memory_space<vmem>>, vector<16xf32>,
          %gather3A_490 = tpu.vector_load_idx %arg7[%add3A_476, %get3A_432] : memref<64x1001xf32, #tpu.memory_space<vmem>>[vector<16xi32>, vector<16xi32>], vector<16xf32>,
          %add3A_491 = arith.addf %gather3A_490, %gather3A_477 : vector<16xf32>
          %swap3A_492 = arith.index_cast %scan3A_414 : i32 to index
          %swap3A_493 = arith.index_cast %scan3A_469 : i32 to index
          %swap3A_494 = arith.constant 32 : index
          %swap3A_495 = tpu.vector_load %arg14[%swap3A_492, %swap3A_493, %swap3A_494] {strides = array<i32>} : memref<8x8x128xf32, #tpu.memory_space<vmem>>, vector<16xf32>,
          tpu.vector_store %arg14[%swap3A_492, %swap3A_493, %swap3A_494], %add3A_491 {strides = array<i32>} : memref<8x8x128xf32, #tpu.memory_space<vmem>>, vector<16xf32>,
          %gather3A_496 = tpu.vector_load_idx %arg7[%add3A_476, %get3A_438] : memref<64x1001xf32, #tpu.memory_space<vmem>>[vector<16xi32>, vector<16xi32>], vector<16xf32>,
          %add3A_497 = arith.addf %gather3A_496, %gather3A_477 : vector<16xf32>
          %swap3A_498 = arith.index_cast %scan3A_414 : i32 to index
          %swap3A_499 = arith.index_cast %scan3A_469 : i32 to index
          %swap3A_500 = arith.constant 48 : index
          %swap3A_501 = tpu.vector_load %arg14[%swap3A_498, %swap3A_499, %swap3A_500] {strides = array<i32>} : memref<8x8x128xf32, #tpu.memory_space<vmem>>, vector<16xf32>,
          tpu.vector_store %arg14[%swap3A_498, %swap3A_499, %swap3A_500], %add3A_497 {strides = array<i32>} : memref<8x8x128xf32, #tpu.memory_space<vmem>>, vector<16xf32>,
          %gather3A_502 = tpu.vector_load_idx %arg7[%add3A_476, %get3A_444] : memref<64x1001xf32, #tpu.memory_space<vmem>>[vector<16xi32>, vector<16xi32>], vector<16xf32>,
          %add3A_503 = arith.addf %gather3A_502, %gather3A_477 : vector<16xf32>
          %swap3A_504 = arith.index_cast %scan3A_414 : i32 to index
          %swap3A_505 = arith.index_cast %scan3A_469 : i32 to index
          %swap3A_506 = arith.constant 64 : index
          %swap3A_507 = tpu.vector_load %arg14[%swap3A_504, %swap3A_505, %swap3A_506] {strides = array<i32>} : memref<8x8x128xf32, #tpu.memory_space<vmem>>, vector<16xf32>,
          tpu.vector_store %arg14[%swap3A_504, %swap3A_505, %swap3A_506], %add3A_503 {strides = array<i32>} : memref<8x8x128xf32, #tpu.memory_space<vmem>>, vector<16xf32>,
          %gather3A_508 = tpu.vector_load_idx %arg7[%add3A_476, %get3A_450] : memref<64x1001xf32, #tpu.memory_space<vmem>>[vector<16xi32>, vector<16xi32>], vector<16xf32>,
          %add3A_509 = arith.addf %gather3A_508, %gather3A_477 : vector<16xf32>
          %swap3A_510 = arith.index_cast %scan3A_414 : i32 to index
          %swap3A_511 = arith.index_cast %scan3A_469 : i32 to index
          %swap3A_512 = arith.constant 80 : index
          %swap3A_513 = tpu.vector_load %arg14[%swap3A_510, %swap3A_511, %swap3A_512] {strides = array<i32>} : memref<8x8x128xf32, #tpu.memory_space<vmem>>, vector<16xf32>,
          tpu.vector_store %arg14[%swap3A_510, %swap3A_511, %swap3A_512], %add3A_509 {strides = array<i32>} : memref<8x8x128xf32, #tpu.memory_space<vmem>>, vector<16xf32>,
          %gather3A_514 = tpu.vector_load_idx %arg7[%add3A_476, %get3A_456] : memref<64x1001xf32, #tpu.memory_space<vmem>>[vector<16xi32>, vector<16xi32>], vector<16xf32>,
          %add3A_515 = arith.addf %gather3A_514, %gather3A_477 : vector<16xf32>
          %swap3A_516 = arith.index_cast %scan3A_414 : i32 to index
          %swap3A_517 = arith.index_cast %scan3A_469 : i32 to index
          %swap3A_518 = arith.constant 96 : index
          %swap3A_519 = tpu.vector_load %arg14[%swap3A_516, %swap3A_517, %swap3A_518] {strides = array<i32>} : memref<8x8x128xf32, #tpu.memory_space<vmem>>, vector<16xf32>,
          tpu.vector_store %arg14[%swap3A_516, %swap3A_517, %swap3A_518], %add3A_515 {strides = array<i32>} : memref<8x8x128xf32, #tpu.memory_space<vmem>>, vector<16xf32>,
          %gather3A_520 = tpu.vector_load_idx %arg7[%add3A_476, %get3A_462] : memref<64x1001xf32, #tpu.memory_space<vmem>>[vector<16xi32>, vector<16xi32>], vector<16xf32>,
          %add3A_521 = arith.addf %gather3A_520, %gather3A_477 : vector<16xf32>
          %swap3A_522 = arith.index_cast %scan3A_414 : i32 to index
          %swap3A_523 = arith.index_cast %scan3A_469 : i32 to index
          %swap3A_524 = arith.constant 112 : index
          %swap3A_525 = tpu.vector_load %arg14[%swap3A_522, %swap3A_523, %swap3A_524] {strides = array<i32>} : memref<8x8x128xf32, #tpu.memory_space<vmem>>, vector<16xf32>,
          tpu.vector_store %arg14[%swap3A_522, %swap3A_523, %swap3A_524], %add3A_521 {strides = array<i32>} : memref<8x8x128xf32, #tpu.memory_space<vmem>>, vector<16xf32>,
        }
        %scan3A_468 = arith.constant 8 : i32
      }
      %scan3A_338 = arith.constant 8 : i32
      %dma_start3A_339 = arith.constant 6 : i32
      %dma_start3A_340 = arith.constant 0 : i32
      %dma_start3A_341 = arith.constant 0 : i32
      %dma_start3A_342 = arith.constant 0 : i32
      %dma_start3A_343 = arith.constant 0 : i32
      %dma_start3A_344 = tpu.memref_slice %arg6[%add3A_21, %dma_start3A_340, %dma_start3A_341, %dma_start3A_342, %dma_start3A_343] : memref<1001x8x8x8x128xf32, #tpu.memory_space<hbm>> -> memref<1x8x8x8x128xf32, #tpu.memory_space<hbm>>
      %dma_start3A_345 = tpu.memref_squeeze %dma_start3A_344 : memref<1x8x8x8x128xf32, #tpu.memory_space<hbm>> -> memref<8x8x8x128xf32, #tpu.memory_space<hbm>>
      %dma_start3A_346 = arith.constant 0 : i32
      %dma_start3A_347 = arith.constant 0 : i32
      %dma_start3A_348 = arith.constant 0 : i32
      %dma_start3A_349 = tpu.memref_slice %dma_start3A_345[%dma_start3A_339, %dma_start3A_346, %dma_start3A_347, %dma_start3A_348] : memref<8x8x8x128xf32, #tpu.memory_space<hbm>> -> memref<1x8x8x128xf32, #tpu.memory_space<hbm>>
      %dma_start3A_350 = tpu.memref_squeeze %dma_start3A_349 : memref<1x8x8x128xf32, #tpu.memory_space<hbm>> -> memref<8x8x128xf32, #tpu.memory_space<hbm>>
      %dma_start3A_351 = arith.constant 0 : i32
      %dma_start3A_352 = arith.constant 0 : i32
      %dma_start3A_353 = arith.constant 0 : i32
      %dma_start3A_354 = arith.constant 0 : i32
      %dma_start3A_355 = tpu.memref_slice %arg6[%add3A_21, %dma_start3A_351, %dma_start3A_352, %dma_start3A_353, %dma_start3A_354] : memref<1001x8x8x8x128xf32, #tpu.memory_space<hbm>> -> memref<1x8x8x8x128xf32, #tpu.memory_space<hbm>>
      %dma_start3A_356 = tpu.memref_squeeze %dma_start3A_355 : memref<1x8x8x8x128xf32, #tpu.memory_space<hbm>> -> memref<8x8x8x128xf32, #tpu.memory_space<hbm>>
      %dma_start3A_357 = arith.constant 0 : i32
      %dma_start3A_358 = arith.constant 0 : i32
      %dma_start3A_359 = arith.constant 0 : i32
      %dma_start3A_360 = tpu.memref_slice %dma_start3A_356[%dma_start3A_339, %dma_start3A_357, %dma_start3A_358, %dma_start3A_359] : memref<8x8x8x128xf32, #tpu.memory_space<hbm>> -> memref<1x8x8x128xf32, #tpu.memory_space<hbm>>
      %dma_start3A_361 = tpu.memref_squeeze %dma_start3A_360 : memref<1x8x8x128xf32, #tpu.memory_space<hbm>> -> memref<8x8x128xf32, #tpu.memory_space<hbm>>
      tpu.enqueue_dma source(%arg14 : memref<8x8x128xf32, #tpu.memory_space<vmem>>) target(%dma_start3A_361 : memref<8x8x128xf32, #tpu.memory_space<hbm>>) target_semaphore(%arg18 : memref<!tpu.dma_semaphore, #tpu.memory_space<semaphore_mem>>)
      %dma_wait3A_362 = arith.constant 3 : i32
      %dma_wait3A_363 = arith.constant 0 : i32
      %dma_wait3A_364 = arith.constant 0 : i32
      %dma_wait3A_365 = arith.constant 0 : i32
      %dma_wait3A_366 = arith.constant 0 : i32
      %dma_wait3A_367 = tpu.memref_slice %arg6[%add3A_21, %dma_wait3A_363, %dma_wait3A_364, %dma_wait3A_365, %dma_wait3A_366] : memref<1001x8x8x8x128xf32, #tpu.memory_space<hbm>> -> memref<1x8x8x8x128xf32, #tpu.memory_space<hbm>>
      %dma_wait3A_368 = tpu.memref_squeeze %dma_wait3A_367 : memref<1x8x8x8x128xf32, #tpu.memory_space<hbm>> -> memref<8x8x8x128xf32, #tpu.memory_space<hbm>>
      %dma_wait3A_369 = arith.constant 0 : i32
      %dma_wait3A_370 = arith.constant 0 : i32
      %dma_wait3A_371 = arith.constant 0 : i32
      %dma_wait3A_372 = tpu.memref_slice %dma_wait3A_368[%dma_wait3A_362, %dma_wait3A_369, %dma_wait3A_370, %dma_wait3A_371] : memref<8x8x8x128xf32, #tpu.memory_space<hbm>> -> memref<1x8x8x128xf32, #tpu.memory_space<hbm>>
      %dma_wait3A_373 = tpu.memref_squeeze %dma_wait3A_372 : memref<1x8x8x128xf32, #tpu.memory_space<hbm>> -> memref<8x8x128xf32, #tpu.memory_space<hbm>>
      %dma_wait3A_374 = arith.constant 0 : i32
      %dma_wait3A_375 = arith.constant 0 : i32
      %dma_wait3A_376 = arith.constant 0 : i32
      %dma_wait3A_377 = arith.constant 0 : i32
      %dma_wait3A_378 = tpu.memref_slice %arg6[%add3A_21, %dma_wait3A_374, %dma_wait3A_375, %dma_wait3A_376, %dma_wait3A_377] : memref<1001x8x8x8x128xf32, #tpu.memory_space<hbm>> -> memref<1x8x8x8x128xf32, #tpu.memory_space<hbm>>
      %dma_wait3A_379 = tpu.memref_squeeze %dma_wait3A_378 : memref<1x8x8x8x128xf32, #tpu.memory_space<hbm>> -> memref<8x8x8x128xf32, #tpu.memory_space<hbm>>
      %dma_wait3A_380 = arith.constant 0 : i32
      %dma_wait3A_381 = arith.constant 0 : i32
      %dma_wait3A_382 = arith.constant 0 : i32
      %dma_wait3A_383 = tpu.memref_slice %dma_wait3A_379[%dma_wait3A_362, %dma_wait3A_380, %dma_wait3A_381, %dma_wait3A_382] : memref<8x8x8x128xf32, #tpu.memory_space<hbm>> -> memref<1x8x8x128xf32, #tpu.memory_space<hbm>>
      %dma_wait3A_384 = tpu.memref_squeeze %dma_wait3A_383 : memref<1x8x8x128xf32, #tpu.memory_space<hbm>> -> memref<8x8x128xf32, #tpu.memory_space<hbm>>
      tpu.wait_dma2 semaphore(%arg19 : memref<!tpu.dma_semaphore, #tpu.memory_space<semaphore_mem>>) src(%dma_wait3A_384 : memref<8x8x128xf32, #tpu.memory_space<hbm>>) dst(%arg15 : memref<8x8x128xf32, #tpu.memory_space<vmem>>)
      %scan3A_385 = arith.constant 0 : i32
      %scan3A_386 = arith.constant 0 : i32
      %scan3A_387 = arith.constant 8 : i32
      %scan3A_388 = arith.addi %scan3A_386, %scan3A_387 : i32
      %scan3A_389 = arith.constant 1 : i32
      scf.for %scan3A_414 = %scan3A_386 to %scan3A_388 step %scan3A_389  : i32 {
        %mul3A_415 = arith.constant 128 : i32
        %mul3A_416 = arith.muli %scan3A_414, %mul3A_415 : i32
        %add3A_417 = arith.constant 0 : i32
        %add3A_418 = arith.addi %mul3A_416, %add3A_417 : i32
        %get3A_419 = arith.index_cast %add3A_418 : i32 to index
        %get3A_420 = tpu.vector_load %arg10[%get3A_419] {strides = array<i32>} : memref<1024xi32, #tpu.memory_space<vmem>>, vector<16xi32>,
        %mul3A_421 = arith.constant 128 : i32
        %mul3A_422 = arith.muli %scan3A_414, %mul3A_421 : i32
        %add3A_423 = arith.constant 16 : i32
        %add3A_424 = arith.addi %mul3A_422, %add3A_423 : i32
        %get3A_425 = arith.index_cast %add3A_424 : i32 to index
        %get3A_426 = tpu.vector_load %arg10[%get3A_425] {strides = array<i32>} : memref<1024xi32, #tpu.memory_space<vmem>>, vector<16xi32>,
        %mul3A_427 = arith.constant 128 : i32
        %mul3A_428 = arith.muli %scan3A_414, %mul3A_427 : i32
        %add3A_429 = arith.constant 32 : i32
        %add3A_430 = arith.addi %mul3A_428, %add3A_429 : i32
        %get3A_431 = arith.index_cast %add3A_430 : i32 to index
        %get3A_432 = tpu.vector_load %arg10[%get3A_431] {strides = array<i32>} : memref<1024xi32, #tpu.memory_space<vmem>>, vector<16xi32>,
        %mul3A_433 = arith.constant 128 : i32
        %mul3A_434 = arith.muli %scan3A_414, %mul3A_433 : i32
        %add3A_435 = arith.constant 48 : i32
        %add3A_436 = arith.addi %mul3A_434, %add3A_435 : i32
        %get3A_437 = arith.index_cast %add3A_436 : i32 to index
        %get3A_438 = tpu.vector_load %arg10[%get3A_437] {strides = array<i32>} : memref<1024xi32, #tpu.memory_space<vmem>>, vector<16xi32>,
        %mul3A_439 = arith.constant 128 : i32
        %mul3A_440 = arith.muli %scan3A_414, %mul3A_439 : i32
        %add3A_441 = arith.constant 64 : i32
        %add3A_442 = arith.addi %mul3A_440, %add3A_441 : i32
        %get3A_443 = arith.index_cast %add3A_442 : i32 to index
        %get3A_444 = tpu.vector_load %arg10[%get3A_443] {strides = array<i32>} : memref<1024xi32, #tpu.memory_space<vmem>>, vector<16xi32>,
        %mul3A_445 = arith.constant 128 : i32
        %mul3A_446 = arith.muli %scan3A_414, %mul3A_445 : i32
        %add3A_447 = arith.constant 80 : i32
        %add3A_448 = arith.addi %mul3A_446, %add3A_447 : i32
        %get3A_449 = arith.index_cast %add3A_448 : i32 to index
        %get3A_450 = tpu.vector_load %arg10[%get3A_449] {strides = array<i32>} : memref<1024xi32, #tpu.memory_space<vmem>>, vector<16xi32>,
        %mul3A_451 = arith.constant 128 : i32
        %mul3A_452 = arith.muli %scan3A_414, %mul3A_451 : i32
        %add3A_453 = arith.constant 96 : i32
        %add3A_454 = arith.addi %mul3A_452, %add3A_453 : i32
        %get3A_455 = arith.index_cast %add3A_454 : i32 to index
        %get3A_456 = tpu.vector_load %arg10[%get3A_455] {strides = array<i32>} : memref<1024xi32, #tpu.memory_space<vmem>>, vector<16xi32>,
        %mul3A_457 = arith.constant 128 : i32
        %mul3A_458 = arith.muli %scan3A_414, %mul3A_457 : i32
        %add3A_459 = arith.constant 112 : i32
        %add3A_460 = arith.addi %mul3A_458, %add3A_459 : i32
        %get3A_461 = arith.index_cast %add3A_460 : i32 to index
        %get3A_462 = tpu.vector_load %arg10[%get3A_461] {strides = array<i32>} : memref<1024xi32, #tpu.memory_space<vmem>>, vector<16xi32>,
        %scan3A_463 = arith.constant 0 : i32
        %scan3A_464 = arith.constant 0 : i32
        %scan3A_465 = arith.constant 8 : i32
        %scan3A_466 = arith.addi %scan3A_464, %scan3A_465 : i32
        %scan3A_467 = arith.constant 1 : i32
        scf.for %scan3A_605 = %scan3A_464 to %scan3A_466 step %scan3A_467  : i32 {
          %mul3A_606 = arith.constant 0 : i32
          %mul3A_607 = vector.broadcast %mul3A_606 : i32 to vector<16xi32>
          %mul3A_608 = arith.muli %iota3A, %mul3A_607 : vector<16xi32>
          %add3A_609 = arith.constant 56 : i32
          %add3A_610 = arith.addi %add3A_609, %scan3A_605 : i32
          %add3A_611 = vector.broadcast %add3A_610 : i32 to vector<16xi32>
          %add3A_612 = arith.addi %mul3A_608, %add3A_611 : vector<16xi32>
          %gather3A_613 = tpu.vector_load_idx %arg9[%add3A_612] : memref<64xf32, #tpu.memory_space<vmem>>[vector<16xi32>], vector<16xf32>,
          %gather3A_614 = tpu.vector_load_idx %arg7[%add3A_612, %get3A_420] : memref<64x1001xf32, #tpu.memory_space<vmem>>[vector<16xi32>, vector<16xi32>], vector<16xf32>,
          %add3A_615 = arith.addf %gather3A_614, %gather3A_613 : vector<16xf32>
          %swap3A_616 = arith.index_cast %scan3A_414 : i32 to index
          %swap3A_617 = arith.index_cast %scan3A_605 : i32 to index
          %swap3A_618 = arith.constant 0 : index
          %swap3A_619 = tpu.vector_load %arg15[%swap3A_616, %swap3A_617, %swap3A_618] {strides = array<i32>} : memref<8x8x128xf32, #tpu.memory_space<vmem>>, vector<16xf32>,
          tpu.vector_store %arg15[%swap3A_616, %swap3A_617, %swap3A_618], %add3A_615 {strides = array<i32>} : memref<8x8x128xf32, #tpu.memory_space<vmem>>, vector<16xf32>,
          %gather3A_620 = tpu.vector_load_idx %arg7[%add3A_612, %get3A_426] : memref<64x1001xf32, #tpu.memory_space<vmem>>[vector<16xi32>, vector<16xi32>], vector<16xf32>,
          %add3A_621 = arith.addf %gather3A_620, %gather3A_613 : vector<16xf32>
          %swap3A_622 = arith.index_cast %scan3A_414 : i32 to index
          %swap3A_623 = arith.index_cast %scan3A_605 : i32 to index
          %swap3A_624 = arith.constant 16 : index
          %swap3A_625 = tpu.vector_load %arg15[%swap3A_622, %swap3A_623, %swap3A_624] {strides = array<i32>} : memref<8x8x128xf32, #tpu.memory_space<vmem>>, vector<16xf32>,
          tpu.vector_store %arg15[%swap3A_622, %swap3A_623, %swap3A_624], %add3A_621 {strides = array<i32>} : memref<8x8x128xf32, #tpu.memory_space<vmem>>, vector<16xf32>,
          %gather3A_626 = tpu.vector_load_idx %arg7[%add3A_612, %get3A_432] : memref<64x1001xf32, #tpu.memory_space<vmem>>[vector<16xi32>, vector<16xi32>], vector<16xf32>,
          %add3A_627 = arith.addf %gather3A_626, %gather3A_613 : vector<16xf32>
          %swap3A_628 = arith.index_cast %scan3A_414 : i32 to index
          %swap3A_629 = arith.index_cast %scan3A_605 : i32 to index
          %swap3A_630 = arith.constant 32 : index
          %swap3A_631 = tpu.vector_load %arg15[%swap3A_628, %swap3A_629, %swap3A_630] {strides = array<i32>} : memref<8x8x128xf32, #tpu.memory_space<vmem>>, vector<16xf32>,
          tpu.vector_store %arg15[%swap3A_628, %swap3A_629, %swap3A_630], %add3A_627 {strides = array<i32>} : memref<8x8x128xf32, #tpu.memory_space<vmem>>, vector<16xf32>,
          %gather3A_632 = tpu.vector_load_idx %arg7[%add3A_612, %get3A_438] : memref<64x1001xf32, #tpu.memory_space<vmem>>[vector<16xi32>, vector<16xi32>], vector<16xf32>,
          %add3A_633 = arith.addf %gather3A_632, %gather3A_613 : vector<16xf32>
          %swap3A_634 = arith.index_cast %scan3A_414 : i32 to index
          %swap3A_635 = arith.index_cast %scan3A_605 : i32 to index
          %swap3A_636 = arith.constant 48 : index
          %swap3A_637 = tpu.vector_load %arg15[%swap3A_634, %swap3A_635, %swap3A_636] {strides = array<i32>} : memref<8x8x128xf32, #tpu.memory_space<vmem>>, vector<16xf32>,
          tpu.vector_store %arg15[%swap3A_634, %swap3A_635, %swap3A_636], %add3A_633 {strides = array<i32>} : memref<8x8x128xf32, #tpu.memory_space<vmem>>, vector<16xf32>,
          %gather3A_638 = tpu.vector_load_idx %arg7[%add3A_612, %get3A_444] : memref<64x1001xf32, #tpu.memory_space<vmem>>[vector<16xi32>, vector<16xi32>], vector<16xf32>,
          %add3A_639 = arith.addf %gather3A_638, %gather3A_613 : vector<16xf32>
          %swap3A_640 = arith.index_cast %scan3A_414 : i32 to index
          %swap3A_641 = arith.index_cast %scan3A_605 : i32 to index
          %swap3A_642 = arith.constant 64 : index
          %swap3A_643 = tpu.vector_load %arg15[%swap3A_640, %swap3A_641, %swap3A_642] {strides = array<i32>} : memref<8x8x128xf32, #tpu.memory_space<vmem>>, vector<16xf32>,
          tpu.vector_store %arg15[%swap3A_640, %swap3A_641, %swap3A_642], %add3A_639 {strides = array<i32>} : memref<8x8x128xf32, #tpu.memory_space<vmem>>, vector<16xf32>,
          %gather3A_644 = tpu.vector_load_idx %arg7[%add3A_612, %get3A_450] : memref<64x1001xf32, #tpu.memory_space<vmem>>[vector<16xi32>, vector<16xi32>], vector<16xf32>,
          %add3A_645 = arith.addf %gather3A_644, %gather3A_613 : vector<16xf32>
          %swap3A_646 = arith.index_cast %scan3A_414 : i32 to index
          %swap3A_647 = arith.index_cast %scan3A_605 : i32 to index
          %swap3A_648 = arith.constant 80 : index
          %swap3A_649 = tpu.vector_load %arg15[%swap3A_646, %swap3A_647, %swap3A_648] {strides = array<i32>} : memref<8x8x128xf32, #tpu.memory_space<vmem>>, vector<16xf32>,
          tpu.vector_store %arg15[%swap3A_646, %swap3A_647, %swap3A_648], %add3A_645 {strides = array<i32>} : memref<8x8x128xf32, #tpu.memory_space<vmem>>, vector<16xf32>,
          %gather3A_650 = tpu.vector_load_idx %arg7[%add3A_612, %get3A_456] : memref<64x1001xf32, #tpu.memory_space<vmem>>[vector<16xi32>, vector<16xi32>], vector<16xf32>,
          %add3A_651 = arith.addf %gather3A_650, %gather3A_613 : vector<16xf32>
          %swap3A_652 = arith.index_cast %scan3A_414 : i32 to index
          %swap3A_653 = arith.index_cast %scan3A_605 : i32 to index
          %swap3A_654 = arith.constant 96 : index
          %swap3A_655 = tpu.vector_load %arg15[%swap3A_652, %swap3A_653, %swap3A_654] {strides = array<i32>} : memref<8x8x128xf32, #tpu.memory_space<vmem>>, vector<16xf32>,
          tpu.vector_store %arg15[%swap3A_652, %swap3A_653, %swap3A_654], %add3A_651 {strides = array<i32>} : memref<8x8x128xf32, #tpu.memory_space<vmem>>, vector<16xf32>,
          %gather3A_656 = tpu.vector_load_idx %arg7[%add3A_612, %get3A_462] : memref<64x1001xf32, #tpu.memory_space<vmem>>[vector<16xi32>, vector<16xi32>], vector<16xf32>,
          %add3A_657 = arith.addf %gather3A_656, %gather3A_613 : vector<16xf32>
          %swap3A_658 = arith.index_cast %scan3A_414 : i32 to index
          %swap3A_659 = arith.index_cast %scan3A_605 : i32 to index
          %swap3A_660 = arith.constant 112 : index
          %swap3A_661 = tpu.vector_load %arg15[%swap3A_658, %swap3A_659, %swap3A_660] {strides = array<i32>} : memref<8x8x128xf32, #tpu.memory_space<vmem>>, vector<16xf32>,
          tpu.vector_store %arg15[%swap3A_658, %swap3A_659, %swap3A_660], %add3A_657 {strides = array<i32>} : memref<8x8x128xf32, #tpu.memory_space<vmem>>, vector<16xf32>,
        }
        %scan3A_468 = arith.constant 8 : i32
        %mul3A_469 = arith.constant 128 : i32
        %mul3A_470 = arith.muli %scan3A_414, %mul3A_469 : i32
        %add3A_471 = arith.constant 0 : i32
        %add3A_472 = arith.addi %mul3A_470, %add3A_471 : i32
        %get3A_473 = arith.index_cast %add3A_472 : i32 to index
        %get3A_474 = tpu.vector_load %arg11[%get3A_473] {strides = array<i32>} : memref<1024xf32, #tpu.memory_space<vmem>>, vector<16xf32>,
        %get3A_475 = arith.constant 7 : i32
        %get3A_476 = arith.index_cast %scan3A_414 : i32 to index
        %get3A_477 = arith.index_cast %get3A_475 : i32 to index
        %get3A_478 = arith.constant 0 : index
        %get3A_479 = tpu.vector_load %arg15[%get3A_476, %get3A_477, %get3A_478] {strides = array<i32>} : memref<8x8x128xf32, #tpu.memory_space<vmem>>, vector<16xf32>,
        %add3A_480 = arith.addf %get3A_479, %get3A_474 : vector<16xf32>
        %swap3A_481 = arith.constant 7 : i32
        %swap3A_482 = arith.index_cast %scan3A_414 : i32 to index
        %swap3A_483 = arith.index_cast %swap3A_481 : i32 to index
        %swap3A_484 = arith.constant 0 : index
        %swap3A_485 = tpu.vector_load %arg15[%swap3A_482, %swap3A_483, %swap3A_484] {strides = array<i32>} : memref<8x8x128xf32, #tpu.memory_space<vmem>>, vector<16xf32>,
        tpu.vector_store %arg15[%swap3A_482, %swap3A_483, %swap3A_484], %add3A_480 {strides = array<i32>} : memref<8x8x128xf32, #tpu.memory_space<vmem>>, vector<16xf32>,
        %mul3A_486 = arith.constant 128 : i32
        %mul3A_487 = arith.muli %scan3A_414, %mul3A_486 : i32
        %add3A_488 = arith.constant 16 : i32
        %add3A_489 = arith.addi %mul3A_487, %add3A_488 : i32
        %get3A_490 = arith.index_cast %add3A_489 : i32 to index
        %get3A_491 = tpu.vector_load %arg11[%get3A_490] {strides = array<i32>} : memref<1024xf32, #tpu.memory_space<vmem>>, vector<16xf32>,
        %get3A_492 = arith.constant 7 : i32
        %get3A_493 = arith.index_cast %scan3A_414 : i32 to index
        %get3A_494 = arith.index_cast %get3A_492 : i32 to index
        %get3A_495 = arith.constant 16 : index
        %get3A_496 = tpu.vector_load %arg15[%get3A_493, %get3A_494, %get3A_495] {strides = array<i32>} : memref<8x8x128xf32, #tpu.memory_space<vmem>>, vector<16xf32>,
        %add3A_497 = arith.addf %get3A_496, %get3A_491 : vector<16xf32>
        %swap3A_498 = arith.constant 7 : i32
        %swap3A_499 = arith.index_cast %scan3A_414 : i32 to index
        %swap3A_500 = arith.index_cast %swap3A_498 : i32 to index
        %swap3A_501 = arith.constant 16 : index
        %swap3A_502 = tpu.vector_load %arg15[%swap3A_499, %swap3A_500, %swap3A_501] {strides = array<i32>} : memref<8x8x128xf32, #tpu.memory_space<vmem>>, vector<16xf32>,
        tpu.vector_store %arg15[%swap3A_499, %swap3A_500, %swap3A_501], %add3A_497 {strides = array<i32>} : memref<8x8x128xf32, #tpu.memory_space<vmem>>, vector<16xf32>,
        %mul3A_503 = arith.constant 128 : i32
        %mul3A_504 = arith.muli %scan3A_414, %mul3A_503 : i32
        %add3A_505 = arith.constant 32 : i32
        %add3A_506 = arith.addi %mul3A_504, %add3A_505 : i32
        %get3A_507 = arith.index_cast %add3A_506 : i32 to index
        %get3A_508 = tpu.vector_load %arg11[%get3A_507] {strides = array<i32>} : memref<1024xf32, #tpu.memory_space<vmem>>, vector<16xf32>,
        %get3A_509 = arith.constant 7 : i32
        %get3A_510 = arith.index_cast %scan3A_414 : i32 to index
        %get3A_511 = arith.index_cast %get3A_509 : i32 to index
        %get3A_512 = arith.constant 32 : index
        %get3A_513 = tpu.vector_load %arg15[%get3A_510, %get3A_511, %get3A_512] {strides = array<i32>} : memref<8x8x128xf32, #tpu.memory_space<vmem>>, vector<16xf32>,
        %add3A_514 = arith.addf %get3A_513, %get3A_508 : vector<16xf32>
        %swap3A_515 = arith.constant 7 : i32
        %swap3A_516 = arith.index_cast %scan3A_414 : i32 to index
        %swap3A_517 = arith.index_cast %swap3A_515 : i32 to index
        %swap3A_518 = arith.constant 32 : index
        %swap3A_519 = tpu.vector_load %arg15[%swap3A_516, %swap3A_517, %swap3A_518] {strides = array<i32>} : memref<8x8x128xf32, #tpu.memory_space<vmem>>, vector<16xf32>,
        tpu.vector_store %arg15[%swap3A_516, %swap3A_517, %swap3A_518], %add3A_514 {strides = array<i32>} : memref<8x8x128xf32, #tpu.memory_space<vmem>>, vector<16xf32>,
        %mul3A_520 = arith.constant 128 : i32
        %mul3A_521 = arith.muli %scan3A_414, %mul3A_520 : i32
        %add3A_522 = arith.constant 48 : i32
        %add3A_523 = arith.addi %mul3A_521, %add3A_522 : i32
        %get3A_524 = arith.index_cast %add3A_523 : i32 to index
        %get3A_525 = tpu.vector_load %arg11[%get3A_524] {strides = array<i32>} : memref<1024xf32, #tpu.memory_space<vmem>>, vector<16xf32>,
        %get3A_526 = arith.constant 7 : i32
        %get3A_527 = arith.index_cast %scan3A_414 : i32 to index
        %get3A_528 = arith.index_cast %get3A_526 : i32 to index
        %get3A_529 = arith.constant 48 : index
        %get3A_530 = tpu.vector_load %arg15[%get3A_527, %get3A_528, %get3A_529] {strides = array<i32>} : memref<8x8x128xf32, #tpu.memory_space<vmem>>, vector<16xf32>,
        %add3A_531 = arith.addf %get3A_530, %get3A_525 : vector<16xf32>
        %swap3A_532 = arith.constant 7 : i32
        %swap3A_533 = arith.index_cast %scan3A_414 : i32 to index
        %swap3A_534 = arith.index_cast %swap3A_532 : i32 to index
        %swap3A_535 = arith.constant 48 : index
        %swap3A_536 = tpu.vector_load %arg15[%swap3A_533, %swap3A_534, %swap3A_535] {strides = array<i32>} : memref<8x8x128xf32, #tpu.memory_space<vmem>>, vector<16xf32>,
        tpu.vector_store %arg15[%swap3A_533, %swap3A_534, %swap3A_535], %add3A_531 {strides = array<i32>} : memref<8x8x128xf32, #tpu.memory_space<vmem>>, vector<16xf32>,
        %mul3A_537 = arith.constant 128 : i32
        %mul3A_538 = arith.muli %scan3A_414, %mul3A_537 : i32
        %add3A_539 = arith.constant 64 : i32
        %add3A_540 = arith.addi %mul3A_538, %add3A_539 : i32
        %get3A_541 = arith.index_cast %add3A_540 : i32 to index
        %get3A_542 = tpu.vector_load %arg11[%get3A_541] {strides = array<i32>} : memref<1024xf32, #tpu.memory_space<vmem>>, vector<16xf32>,
        %get3A_543 = arith.constant 7 : i32
        %get3A_544 = arith.index_cast %scan3A_414 : i32 to index
        %get3A_545 = arith.index_cast %get3A_543 : i32 to index
        %get3A_546 = arith.constant 64 : index
        %get3A_547 = tpu.vector_load %arg15[%get3A_544, %get3A_545, %get3A_546] {strides = array<i32>} : memref<8x8x128xf32, #tpu.memory_space<vmem>>, vector<16xf32>,
        %add3A_548 = arith.addf %get3A_547, %get3A_542 : vector<16xf32>
        %swap3A_549 = arith.constant 7 : i32
        %swap3A_550 = arith.index_cast %scan3A_414 : i32 to index
        %swap3A_551 = arith.index_cast %swap3A_549 : i32 to index
        %swap3A_552 = arith.constant 64 : index
        %swap3A_553 = tpu.vector_load %arg15[%swap3A_550, %swap3A_551, %swap3A_552] {strides = array<i32>} : memref<8x8x128xf32, #tpu.memory_space<vmem>>, vector<16xf32>,
        tpu.vector_store %arg15[%swap3A_550, %swap3A_551, %swap3A_552], %add3A_548 {strides = array<i32>} : memref<8x8x128xf32, #tpu.memory_space<vmem>>, vector<16xf32>,
        %mul3A_554 = arith.constant 128 : i32
        %mul3A_555 = arith.muli %scan3A_414, %mul3A_554 : i32
        %add3A_556 = arith.constant 80 : i32
        %add3A_557 = arith.addi %mul3A_555, %add3A_556 : i32
        %get3A_558 = arith.index_cast %add3A_557 : i32 to index
        %get3A_559 = tpu.vector_load %arg11[%get3A_558] {strides = array<i32>} : memref<1024xf32, #tpu.memory_space<vmem>>, vector<16xf32>,
        %get3A_560 = arith.constant 7 : i32
        %get3A_561 = arith.index_cast %scan3A_414 : i32 to index
        %get3A_562 = arith.index_cast %get3A_560 : i32 to index
        %get3A_563 = arith.constant 80 : index
        %get3A_564 = tpu.vector_load %arg15[%get3A_561, %get3A_562, %get3A_563] {strides = array<i32>} : memref<8x8x128xf32, #tpu.memory_space<vmem>>, vector<16xf32>,
        %add3A_565 = arith.addf %get3A_564, %get3A_559 : vector<16xf32>
        %swap3A_566 = arith.constant 7 : i32
        %swap3A_567 = arith.index_cast %scan3A_414 : i32 to index
        %swap3A_568 = arith.index_cast %swap3A_566 : i32 to index
        %swap3A_569 = arith.constant 80 : index
        %swap3A_570 = tpu.vector_load %arg15[%swap3A_567, %swap3A_568, %swap3A_569] {strides = array<i32>} : memref<8x8x128xf32, #tpu.memory_space<vmem>>, vector<16xf32>,
        tpu.vector_store %arg15[%swap3A_567, %swap3A_568, %swap3A_569], %add3A_565 {strides = array<i32>} : memref<8x8x128xf32, #tpu.memory_space<vmem>>, vector<16xf32>,
        %mul3A_571 = arith.constant 128 : i32
        %mul3A_572 = arith.muli %scan3A_414, %mul3A_571 : i32
        %add3A_573 = arith.constant 96 : i32
        %add3A_574 = arith.addi %mul3A_572, %add3A_573 : i32
        %get3A_575 = arith.index_cast %add3A_574 : i32 to index
        %get3A_576 = tpu.vector_load %arg11[%get3A_575] {strides = array<i32>} : memref<1024xf32, #tpu.memory_space<vmem>>, vector<16xf32>,
        %get3A_577 = arith.constant 7 : i32
        %get3A_578 = arith.index_cast %scan3A_414 : i32 to index
        %get3A_579 = arith.index_cast %get3A_577 : i32 to index
        %get3A_580 = arith.constant 96 : index
        %get3A_581 = tpu.vector_load %arg15[%get3A_578, %get3A_579, %get3A_580] {strides = array<i32>} : memref<8x8x128xf32, #tpu.memory_space<vmem>>, vector<16xf32>,
        %add3A_582 = arith.addf %get3A_581, %get3A_576 : vector<16xf32>
        %swap3A_583 = arith.constant 7 : i32
        %swap3A_584 = arith.index_cast %scan3A_414 : i32 to index
        %swap3A_585 = arith.index_cast %swap3A_583 : i32 to index
        %swap3A_586 = arith.constant 96 : index
        %swap3A_587 = tpu.vector_load %arg15[%swap3A_584, %swap3A_585, %swap3A_586] {strides = array<i32>} : memref<8x8x128xf32, #tpu.memory_space<vmem>>, vector<16xf32>,
        tpu.vector_store %arg15[%swap3A_584, %swap3A_585, %swap3A_586], %add3A_582 {strides = array<i32>} : memref<8x8x128xf32, #tpu.memory_space<vmem>>, vector<16xf32>,
        %mul3A_588 = arith.constant 128 : i32
        %mul3A_589 = arith.muli %scan3A_414, %mul3A_588 : i32
        %add3A_590 = arith.constant 112 : i32
        %add3A_591 = arith.addi %mul3A_589, %add3A_590 : i32
        %get3A_592 = arith.index_cast %add3A_591 : i32 to index
        %get3A_593 = tpu.vector_load %arg11[%get3A_592] {strides = array<i32>} : memref<1024xf32, #tpu.memory_space<vmem>>, vector<16xf32>,
        %get3A_594 = arith.constant 7 : i32
        %get3A_595 = arith.index_cast %scan3A_414 : i32 to index
        %get3A_596 = arith.index_cast %get3A_594 : i32 to index
        %get3A_597 = arith.constant 112 : index
        %get3A_598 = tpu.vector_load %arg15[%get3A_595, %get3A_596, %get3A_597] {strides = array<i32>} : memref<8x8x128xf32, #tpu.memory_space<vmem>>, vector<16xf32>,
        %add3A_599 = arith.addf %get3A_598, %get3A_593 : vector<16xf32>
        %swap3A_600 = arith.constant 7 : i32
        %swap3A_601 = arith.index_cast %scan3A_414 : i32 to index
        %swap3A_602 = arith.index_cast %swap3A_600 : i32 to index
        %swap3A_603 = arith.constant 112 : index
        %swap3A_604 = tpu.vector_load %arg15[%swap3A_601, %swap3A_602, %swap3A_603] {strides = array<i32>} : memref<8x8x128xf32, #tpu.memory_space<vmem>>, vector<16xf32>,
        tpu.vector_store %arg15[%swap3A_601, %swap3A_602, %swap3A_603], %add3A_599 {strides = array<i32>} : memref<8x8x128xf32, #tpu.memory_space<vmem>>, vector<16xf32>,
      }
      %scan3A_390 = arith.constant 8 : i32
      %dma_start3A_391 = arith.constant 7 : i32
      %dma_start3A_392 = arith.constant 0 : i32
      %dma_start3A_393 = arith.constant 0 : i32
      %dma_start3A_394 = arith.constant 0 : i32
      %dma_start3A_395 = arith.constant 0 : i32
      %dma_start3A_396 = tpu.memref_slice %arg6[%add3A_21, %dma_start3A_392, %dma_start3A_393, %dma_start3A_394, %dma_start3A_395] : memref<1001x8x8x8x128xf32, #tpu.memory_space<hbm>> -> memref<1x8x8x8x128xf32, #tpu.memory_space<hbm>>
      %dma_start3A_397 = tpu.memref_squeeze %dma_start3A_396 : memref<1x8x8x8x128xf32, #tpu.memory_space<hbm>> -> memref<8x8x8x128xf32, #tpu.memory_space<hbm>>
      %dma_start3A_398 = arith.constant 0 : i32
      %dma_start3A_399 = arith.constant 0 : i32
      %dma_start3A_400 = arith.constant 0 : i32
      %dma_start3A_401 = tpu.memref_slice %dma_start3A_397[%dma_start3A_391, %dma_start3A_398, %dma_start3A_399, %dma_start3A_400] : memref<8x8x8x128xf32, #tpu.memory_space<hbm>> -> memref<1x8x8x128xf32, #tpu.memory_space<hbm>>
      %dma_start3A_402 = tpu.memref_squeeze %dma_start3A_401 : memref<1x8x8x128xf32, #tpu.memory_space<hbm>> -> memref<8x8x128xf32, #tpu.memory_space<hbm>>
      %dma_start3A_403 = arith.constant 0 : i32
      %dma_start3A_404 = arith.constant 0 : i32
      %dma_start3A_405 = arith.constant 0 : i32
      %dma_start3A_406 = arith.constant 0 : i32
      %dma_start3A_407 = tpu.memref_slice %arg6[%add3A_21, %dma_start3A_403, %dma_start3A_404, %dma_start3A_405, %dma_start3A_406] : memref<1001x8x8x8x128xf32, #tpu.memory_space<hbm>> -> memref<1x8x8x8x128xf32, #tpu.memory_space<hbm>>
      %dma_start3A_408 = tpu.memref_squeeze %dma_start3A_407 : memref<1x8x8x8x128xf32, #tpu.memory_space<hbm>> -> memref<8x8x8x128xf32, #tpu.memory_space<hbm>>
      %dma_start3A_409 = arith.constant 0 : i32
      %dma_start3A_410 = arith.constant 0 : i32
      %dma_start3A_411 = arith.constant 0 : i32
      %dma_start3A_412 = tpu.memref_slice %dma_start3A_408[%dma_start3A_391, %dma_start3A_409, %dma_start3A_410, %dma_start3A_411] : memref<8x8x8x128xf32, #tpu.memory_space<hbm>> -> memref<1x8x8x128xf32, #tpu.memory_space<hbm>>
      %dma_start3A_413 = tpu.memref_squeeze %dma_start3A_412 : memref<1x8x8x128xf32, #tpu.memory_space<hbm>> -> memref<8x8x128xf32, #tpu.memory_space<hbm>>
      tpu.enqueue_dma source(%arg15 : memref<8x8x128xf32, #tpu.memory_space<vmem>>) target(%dma_start3A_413 : memref<8x8x128xf32, #tpu.memory_space<hbm>>) target_semaphore(%arg19 : memref<!tpu.dma_semaphore, #tpu.memory_space<semaphore_mem>>)
    }
    %add3A_15 = arith.addi %mul3A_2, %max3A_5 : i32
    %sub3A_16 = arith.constant 1 : i32
    %sub3A_17 = arith.subi %add3A_15, %sub3A_16 : i32
    %gt3A = arith.constant 0 : i32
    %gt3A_18 = arith.cmpi sgt, %max3A_5, %gt3A : i32
    %convert_element_type3A = arith.extui %gt3A_18 : i1 to i32
    %cond3A = arith.constant 0 : i32
    %cond3A_19 = arith.cmpi ne, %convert_element_type3A, %cond3A : i32
    scf.if %cond3A_19 {
      %dma_wait3A = arith.constant 0 : i32
      %dma_wait3A_20 = arith.constant 0 : i32
      %dma_wait3A_21 = arith.constant 0 : i32
      %dma_wait3A_22 = arith.constant 0 : i32
      %dma_wait3A_23 = arith.constant 0 : i32
      %dma_wait3A_24 = tpu.memref_slice %arg6[%sub3A_17, %dma_wait3A_20, %dma_wait3A_21, %dma_wait3A_22, %dma_wait3A_23] : memref<1001x8x8x8x128xf32, #tpu.memory_space<hbm>> -> memref<1x8x8x8x128xf32, #tpu.memory_space<hbm>>
      %dma_wait3A_25 = tpu.memref_squeeze %dma_wait3A_24 : memref<1x8x8x8x128xf32, #tpu.memory_space<hbm>> -> memref<8x8x8x128xf32, #tpu.memory_space<hbm>>
      %dma_wait3A_26 = arith.constant 0 : i32
      %dma_wait3A_27 = arith.constant 0 : i32
      %dma_wait3A_28 = arith.constant 0 : i32
      %dma_wait3A_29 = tpu.memref_slice %dma_wait3A_25[%dma_wait3A, %dma_wait3A_26, %dma_wait3A_27, %dma_wait3A_28] : memref<8x8x8x128xf32, #tpu.memory_space<hbm>> -> memref<1x8x8x128xf32, #tpu.memory_space<hbm>>
      %dma_wait3A_30 = tpu.memref_squeeze %dma_wait3A_29 : memref<1x8x8x128xf32, #tpu.memory_space<hbm>> -> memref<8x8x128xf32, #tpu.memory_space<hbm>>
      %dma_wait3A_31 = arith.constant 0 : i32
      %dma_wait3A_32 = arith.constant 0 : i32
      %dma_wait3A_33 = arith.constant 0 : i32
      %dma_wait3A_34 = arith.constant 0 : i32
      %dma_wait3A_35 = tpu.memref_slice %arg6[%sub3A_17, %dma_wait3A_31, %dma_wait3A_32, %dma_wait3A_33, %dma_wait3A_34] : memref<1001x8x8x8x128xf32, #tpu.memory_space<hbm>> -> memref<1x8x8x8x128xf32, #tpu.memory_space<hbm>>
      %dma_wait3A_36 = tpu.memref_squeeze %dma_wait3A_35 : memref<1x8x8x8x128xf32, #tpu.memory_space<hbm>> -> memref<8x8x8x128xf32, #tpu.memory_space<hbm>>
      %dma_wait3A_37 = arith.constant 0 : i32
      %dma_wait3A_38 = arith.constant 0 : i32
      %dma_wait3A_39 = arith.constant 0 : i32
      %dma_wait3A_40 = tpu.memref_slice %dma_wait3A_36[%dma_wait3A, %dma_wait3A_37, %dma_wait3A_38, %dma_wait3A_39] : memref<8x8x8x128xf32, #tpu.memory_space<hbm>> -> memref<1x8x8x128xf32, #tpu.memory_space<hbm>>
      %dma_wait3A_41 = tpu.memref_squeeze %dma_wait3A_40 : memref<1x8x8x128xf32, #tpu.memory_space<hbm>> -> memref<8x8x128xf32, #tpu.memory_space<hbm>>
      tpu.wait_dma2 semaphore(%arg16 : memref<!tpu.dma_semaphore, #tpu.memory_space<semaphore_mem>>) src(%dma_wait3A_41 : memref<8x8x128xf32, #tpu.memory_space<hbm>>) dst(%arg12 : memref<8x8x128xf32, #tpu.memory_space<vmem>>)
      %dma_wait3A_42 = arith.constant 1 : i32
      %dma_wait3A_43 = arith.constant 0 : i32
      %dma_wait3A_44 = arith.constant 0 : i32
      %dma_wait3A_45 = arith.constant 0 : i32
      %dma_wait3A_46 = arith.constant 0 : i32
      %dma_wait3A_47 = tpu.memref_slice %arg6[%sub3A_17, %dma_wait3A_43, %dma_wait3A_44, %dma_wait3A_45, %dma_wait3A_46] : memref<1001x8x8x8x128xf32, #tpu.memory_space<hbm>> -> memref<1x8x8x8x128xf32, #tpu.memory_space<hbm>>
      %dma_wait3A_48 = tpu.memref_squeeze %dma_wait3A_47 : memref<1x8x8x8x128xf32, #tpu.memory_space<hbm>> -> memref<8x8x8x128xf32, #tpu.memory_space<hbm>>
      %dma_wait3A_49 = arith.constant 0 : i32
      %dma_wait3A_50 = arith.constant 0 : i32
      %dma_wait3A_51 = arith.constant 0 : i32
      %dma_wait3A_52 = tpu.memref_slice %dma_wait3A_48[%dma_wait3A_42, %dma_wait3A_49, %dma_wait3A_50, %dma_wait3A_51] : memref<8x8x8x128xf32, #tpu.memory_space<hbm>> -> memref<1x8x8x128xf32, #tpu.memory_space<hbm>>
      %dma_wait3A_53 = tpu.memref_squeeze %dma_wait3A_52 : memref<1x8x8x128xf32, #tpu.memory_space<hbm>> -> memref<8x8x128xf32, #tpu.memory_space<hbm>>
      %dma_wait3A_54 = arith.constant 0 : i32
      %dma_wait3A_55 = arith.constant 0 : i32
      %dma_wait3A_56 = arith.constant 0 : i32
      %dma_wait3A_57 = arith.constant 0 : i32
      %dma_wait3A_58 = tpu.memref_slice %arg6[%sub3A_17, %dma_wait3A_54, %dma_wait3A_55, %dma_wait3A_56, %dma_wait3A_57] : memref<1001x8x8x8x128xf32, #tpu.memory_space<hbm>> -> memref<1x8x8x8x128xf32, #tpu.memory_space<hbm>>
      %dma_wait3A_59 = tpu.memref_squeeze %dma_wait3A_58 : memref<1x8x8x8x128xf32, #tpu.memory_space<hbm>> -> memref<8x8x8x128xf32, #tpu.memory_space<hbm>>
      %dma_wait3A_60 = arith.constant 0 : i32
      %dma_wait3A_61 = arith.constant 0 : i32
      %dma_wait3A_62 = arith.constant 0 : i32
      %dma_wait3A_63 = tpu.memref_slice %dma_wait3A_59[%dma_wait3A_42, %dma_wait3A_60, %dma_wait3A_61, %dma_wait3A_62] : memref<8x8x8x128xf32, #tpu.memory_space<hbm>> -> memref<1x8x8x128xf32, #tpu.memory_space<hbm>>
      %dma_wait3A_64 = tpu.memref_squeeze %dma_wait3A_63 : memref<1x8x8x128xf32, #tpu.memory_space<hbm>> -> memref<8x8x128xf32, #tpu.memory_space<hbm>>
      tpu.wait_dma2 semaphore(%arg17 : memref<!tpu.dma_semaphore, #tpu.memory_space<semaphore_mem>>) src(%dma_wait3A_64 : memref<8x8x128xf32, #tpu.memory_space<hbm>>) dst(%arg13 : memref<8x8x128xf32, #tpu.memory_space<vmem>>)
      %dma_wait3A_65 = arith.constant 2 : i32
      %dma_wait3A_66 = arith.constant 0 : i32
      %dma_wait3A_67 = arith.constant 0 : i32
      %dma_wait3A_68 = arith.constant 0 : i32
      %dma_wait3A_69 = arith.constant 0 : i32
      %dma_wait3A_70 = tpu.memref_slice %arg6[%sub3A_17, %dma_wait3A_66, %dma_wait3A_67, %dma_wait3A_68, %dma_wait3A_69] : memref<1001x8x8x8x128xf32, #tpu.memory_space<hbm>> -> memref<1x8x8x8x128xf32, #tpu.memory_space<hbm>>
      %dma_wait3A_71 = tpu.memref_squeeze %dma_wait3A_70 : memref<1x8x8x8x128xf32, #tpu.memory_space<hbm>> -> memref<8x8x8x128xf32, #tpu.memory_space<hbm>>
      %dma_wait3A_72 = arith.constant 0 : i32
      %dma_wait3A_73 = arith.constant 0 : i32
      %dma_wait3A_74 = arith.constant 0 : i32
      %dma_wait3A_75 = tpu.memref_slice %dma_wait3A_71[%dma_wait3A_65, %dma_wait3A_72, %dma_wait3A_73, %dma_wait3A_74] : memref<8x8x8x128xf32, #tpu.memory_space<hbm>> -> memref<1x8x8x128xf32, #tpu.memory_space<hbm>>
      %dma_wait3A_76 = tpu.memref_squeeze %dma_wait3A_75 : memref<1x8x8x128xf32, #tpu.memory_space<hbm>> -> memref<8x8x128xf32, #tpu.memory_space<hbm>>
      %dma_wait3A_77 = arith.constant 0 : i32
      %dma_wait3A_78 = arith.constant 0 : i32
      %dma_wait3A_79 = arith.constant 0 : i32
      %dma_wait3A_80 = arith.constant 0 : i32
      %dma_wait3A_81 = tpu.memref_slice %arg6[%sub3A_17, %dma_wait3A_77, %dma_wait3A_78, %dma_wait3A_79, %dma_wait3A_80] : memref<1001x8x8x8x128xf32, #tpu.memory_space<hbm>> -> memref<1x8x8x8x128xf32, #tpu.memory_space<hbm>>
      %dma_wait3A_82 = tpu.memref_squeeze %dma_wait3A_81 : memref<1x8x8x8x128xf32, #tpu.memory_space<hbm>> -> memref<8x8x8x128xf32, #tpu.memory_space<hbm>>
      %dma_wait3A_83 = arith.constant 0 : i32
      %dma_wait3A_84 = arith.constant 0 : i32
      %dma_wait3A_85 = arith.constant 0 : i32
      %dma_wait3A_86 = tpu.memref_slice %dma_wait3A_82[%dma_wait3A_65, %dma_wait3A_83, %dma_wait3A_84, %dma_wait3A_85] : memref<8x8x8x128xf32, #tpu.memory_space<hbm>> -> memref<1x8x8x128xf32, #tpu.memory_space<hbm>>
      %dma_wait3A_87 = tpu.memref_squeeze %dma_wait3A_86 : memref<1x8x8x128xf32, #tpu.memory_space<hbm>> -> memref<8x8x128xf32, #tpu.memory_space<hbm>>
      tpu.wait_dma2 semaphore(%arg18 : memref<!tpu.dma_semaphore, #tpu.memory_space<semaphore_mem>>) src(%dma_wait3A_87 : memref<8x8x128xf32, #tpu.memory_space<hbm>>) dst(%arg14 : memref<8x8x128xf32, #tpu.memory_space<vmem>>)
      %dma_wait3A_88 = arith.constant 3 : i32
      %dma_wait3A_89 = arith.constant 0 : i32
      %dma_wait3A_90 = arith.constant 0 : i32
      %dma_wait3A_91 = arith.constant 0 : i32
      %dma_wait3A_92 = arith.constant 0 : i32
      %dma_wait3A_93 = tpu.memref_slice %arg6[%sub3A_17, %dma_wait3A_89, %dma_wait3A_90, %dma_wait3A_91, %dma_wait3A_92] : memref<1001x8x8x8x128xf32, #tpu.memory_space<hbm>> -> memref<1x8x8x8x128xf32, #tpu.memory_space<hbm>>
      %dma_wait3A_94 = tpu.memref_squeeze %dma_wait3A_93 : memref<1x8x8x8x128xf32, #tpu.memory_space<hbm>> -> memref<8x8x8x128xf32, #tpu.memory_space<hbm>>
      %dma_wait3A_95 = arith.constant 0 : i32
      %dma_wait3A_96 = arith.constant 0 : i32
      %dma_wait3A_97 = arith.constant 0 : i32
      %dma_wait3A_98 = tpu.memref_slice %dma_wait3A_94[%dma_wait3A_88, %dma_wait3A_95, %dma_wait3A_96, %dma_wait3A_97] : memref<8x8x8x128xf32, #tpu.memory_space<hbm>> -> memref<1x8x8x128xf32, #tpu.memory_space<hbm>>
      %dma_wait3A_99 = tpu.memref_squeeze %dma_wait3A_98 : memref<1x8x8x128xf32, #tpu.memory_space<hbm>> -> memref<8x8x128xf32, #tpu.memory_space<hbm>>
      %dma_wait3A_100 = arith.constant 0 : i32
      %dma_wait3A_101 = arith.constant 0 : i32
      %dma_wait3A_102 = arith.constant 0 : i32
      %dma_wait3A_103 = arith.constant 0 : i32
      %dma_wait3A_104 = tpu.memref_slice %arg6[%sub3A_17, %dma_wait3A_100, %dma_wait3A_101, %dma_wait3A_102, %dma_wait3A_103] : memref<1001x8x8x8x128xf32, #tpu.memory_space<hbm>> -> memref<1x8x8x8x128xf32, #tpu.memory_space<hbm>>
      %dma_wait3A_105 = tpu.memref_squeeze %dma_wait3A_104 : memref<1x8x8x8x128xf32, #tpu.memory_space<hbm>> -> memref<8x8x8x128xf32, #tpu.memory_space<hbm>>
      %dma_wait3A_106 = arith.constant 0 : i32
      %dma_wait3A_107 = arith.constant 0 : i32
      %dma_wait3A_108 = arith.constant 0 : i32
      %dma_wait3A_109 = tpu.memref_slice %dma_wait3A_105[%dma_wait3A_88, %dma_wait3A_106, %dma_wait3A_107, %dma_wait3A_108] : memref<8x8x8x128xf32, #tpu.memory_space<hbm>> -> memref<1x8x8x128xf32, #tpu.memory_space<hbm>>
      %dma_wait3A_110 = tpu.memref_squeeze %dma_wait3A_109 : memref<1x8x8x128xf32, #tpu.memory_space<hbm>> -> memref<8x8x128xf32, #tpu.memory_space<hbm>>
      tpu.wait_dma2 semaphore(%arg19 : memref<!tpu.dma_semaphore, #tpu.memory_space<semaphore_mem>>) src(%dma_wait3A_110 : memref<8x8x128xf32, #tpu.memory_space<hbm>>) dst(%arg15 : memref<8x8x128xf32, #tpu.memory_space<vmem>>)
    } else {
    }
    return
  }
}

</mosaic_0001>

<sc_bundles>
// kernel: kernel.3.cloned.1.call-start
scs
__scs_entry_jumppad:
0x0: {  	(pc) =	sbr.rel $0x88, $3  }
0x1: {  	(tag) =	ssettag $0x0;
	lr =	simm.s32 $0x1  }
0x2: {  	[smem:$0x3F9D] =	sst lr;
	_ =	strace $0xD0000000  }
0x3: {  	_ = 	snop  }
0x4: {  	_ = 	snop  }
0x5: {  	_ = 	snop  }
0x6: {  	_ = 	snop  }
0x7: {  	_ = 	snop  }
__scs_overlays_trampoline_lowered:
0x8: {  	[smem:$0x3FAC] =	sst s0  }
0x9: {  	[smem:$0x3FAD] =	sst s1  }
0xa: {  	[smem:$0x3FAE] =	sst s2  }
0xb: {  	[smem:$0x3FAF] =	sst s3  }
0xc: {  	[smem:$0x3FB0] =	sst s4  }
0xd: {  	[smem:$0x3FB1] =	sst s5  }
0xe: {  	[smem:$0x3FB2] =	sst s6  }
0xf: {  	[smem:$0x3FB3] =	sst s7  }
0x10: {  	[smem:$0x3FB4] =	sst s8  }
0x11: {  	[smem:$0x3FB5] =	sst s9;
	s0 =	simm.s32 @!p0 $0x0  }
0x12: {  	s1 =	sld [smem:$0x3F9B];
	s0 =	simm.s32 @p0 $0x1  }
0x13: {  	[smem:$0x3FB6] =	sst s0;
	s0 =	simm.s32 @!p1 $0x0  }
0x14: {  	s2 =	sld [smem:$0x3F9A];
	s0 =	simm.s32 @p1 $0x1  }
0x15: {  	[smem:$0x3FB7] =	sst s0;
	s0 =	simm.s32 @!p2 $0x0  }
0x16: {  	s3 =	sld [smem:$0x3FDB];
	s0 =	simm.s32 @p2 $0x1  }
0x17: {  	s4 =	simm.s32 $0x1BF5;
	[smem:$0x3FB9] =	sst s0  }
0x18: {  	s0 =	sld [smem:$0x3F9C];
	_ =	swait.ge [sflag:s4], $0x0  }
0x19: {  	s7 =	sld [smem:$0x3F9D]  }
0x1a: {  	s8 =	sadd.s32 $0xFFFFE003, lr  }
0x1b: {  	s9 =	sadd.s32 $0xFFFFFEF7, lr;
	s5 =	simm.s32 $0xFFFFFFFF;
	p2 =	slt.u32 s8, $0xFFFFF086  }
0x1c: {  	p1 =	slt.u32 s9, $0xF7A;
	s5 =	simm.s32 @!p2 $0x0  }
0x1d: {  	s5 =	simm.s32 @p1 $0x1;
	p0 =	seq.s32 s7, s2  }
0x1e: {  	s7 =	smul.u32 @!p0 $0xF7A, s2;
	p2 =	seq.s32 @!p0 s5, $0x0  }
0x1f: {  	s9 =	smul.u32 $0xF7A, s1;
	s8 =	simm.s32 @!p0 $0x1BF5;
	p2 =	por !p2, p0  }
0x20: {  	[sflag:s8] =	ssyncset.s32 @!p0 $0xFFFFF086;
	s6 =	sadd.s32 @!p0 s3, s7;
	s7 =	simm.s32 @!p0 $0x108  }
0x21: {  	s3 =	sadd.s32 s3, s9;
	s6 =	sadd.s32 @!p0 $0x88, s6;
	s7 =	simm.s32 @p2 $0x1082  }
0x22: {  	[simem:s7], [sflag:s8] =	dma.local @!p0 [hbm:s6], $0xF7A  }
0x23: {  	s9 =	sor.u32 $0xD0000000, s2;
	s6 =	simm.s32 $0x108;
	_ =	swait.ge @!p0 [sflag:s8], $0x0  }
0x24: {  	s3 =	sadd.s32 $0x88, s3;
	s6 =	simm.s32 @!p1 $0x1082;
	[sflag:s4] =	ssyncset.s32 $0xFFFFF086  }
0x25: {  	[simem:s6], [sflag:s4] =	dma.local [hbm:s3], $0xF7A  }
0x26: {  	[smem:$0x3F9D] =	sst s1;
	(tag) =	ssettag s2;
	_ =	strace s9  }
0x27: {  	s1 =	sld [smem:$0x3FAD]  }
0x28: {  	s2 =	sld [smem:$0x3FAE]  }
0x29: {  	s4 =	sld [smem:$0x3FB0]  }
0x2a: {  	p0 =	seq.s32 s5, $0x0;
	s5 =	sld [smem:$0x3FB1]  }
0x2b: {  	s6 =	sld [smem:$0x3FB2]  }
0x2c: {  	s7 =	sld [smem:$0x3FB3]  }
0x2d: {  	s3 =	simm.s32 $0x108;
	s8 =	sld [smem:$0x3FB4]  }
0x2e: {  	s3 =	simm.s32 @!p0 $0x1082;
	s9 =	sld [smem:$0x3FB5]  }
0x2f: {  	lr =	sadd.s32 s0, s3;
	s0 =	sld [smem:$0x3FAC]  }
0x30: {  	s3 =	sld [smem:$0x3FAF]  }
0x31: {  	[smem:$0x3FB8] =	sst s10  }
0x32: {  	s10 =	sld [smem:$0x3FB6];
	_ =	sdelay $0x3  }
0x33: {  	p0 =	seq.s32 s10, $0x1;
	s10 =	sld [smem:$0x3FB8];
	_ =	sdelay $0x3  }
0x34: {  	[smem:$0x3FB8] =	sst s10  }
0x35: {  	s10 =	sld [smem:$0x3FB7];
	_ =	sdelay $0x3  }
0x36: {  	p1 =	seq.s32 s10, $0x1;
	s10 =	sld [smem:$0x3FB8];
	_ =	sdelay $0x3  }
0x37: {  	[smem:$0x3FB8] =	sst s10  }
0x38: {  	s10 =	sld [smem:$0x3FB9]  }
0x39: {  	_ = 	snop;
	(pc) =	sbr.ind lr, $3  }
0x3a: {  	_ = 	snop  }
0x3b: {  	_ = 	snop  }
0x3c: {  	p2 =	seq.s32 s10, $0x1;
	s10 =	sld [smem:$0x3FB8]  }
0x3d: {  	_ =	shalt  }
0x3e: {  	_ =	shalt  }
0x3f: {  	_ =	shalt  }
0x40: {  	_ =	shalt  }
0x41: {  	_ =	shalt  }
0x42: {  	_ =	shalt  }
0x43: {  	_ =	shalt  }
0x44: {  	_ =	shalt  }
0x45: {  	_ =	shalt  }
0x46: {  	_ =	shalt  }
0x47: {  	_ =	shalt  }
0x48: {  	_ =	shalt  }
0x49: {  	_ =	shalt  }
0x4a: {  	_ =	shalt  }
0x4b: {  	_ =	shalt  }
0x4c: {  	_ =	shalt  }
0x4d: {  	_ =	shalt  }
0x4e: {  	_ =	shalt  }
0x4f: {  	_ =	shalt  }
0x50: {  	_ =	shalt  }
0x51: {  	_ =	shalt  }
0x52: {  	_ =	shalt  }
0x53: {  	_ =	shalt  }
0x54: {  	_ =	shalt  }
0x55: {  	_ =	shalt  }
0x56: {  	_ =	shalt  }
0x57: {  	_ =	shalt  }
0x58: {  	_ =	shalt  }
0x59: {  	_ =	shalt  }
0x5a: {  	_ =	shalt  }
0x5b: {  	_ =	shalt  }
0x5c: {  	_ =	shalt  }
0x5d: {  	_ =	shalt  }
0x5e: {  	_ =	shalt  }
0x5f: {  	_ =	shalt  }
0x60: {  	_ =	shalt  }
0x61: {  	_ =	shalt  }
0x62: {  	_ =	shalt  }
0x63: {  	_ =	shalt  }
0x64: {  	_ =	shalt  }
0x65: {  	_ =	shalt  }
0x66: {  	_ =	shalt  }
0x67: {  	_ =	shalt  }
0x68: {  	_ =	shalt  }
0x69: {  	_ =	shalt  }
0x6a: {  	_ =	shalt  }
0x6b: {  	_ =	shalt  }
0x6c: {  	_ =	shalt  }
0x6d: {  	_ =	shalt  }
0x6e: {  	_ =	shalt  }
0x6f: {  	_ =	shalt  }
0x70: {  	_ =	shalt  }
0x71: {  	_ =	shalt  }
0x72: {  	_ =	shalt  }
0x73: {  	_ =	shalt  }
0x74: {  	_ =	shalt  }
0x75: {  	_ =	shalt  }
0x76: {  	_ =	shalt  }
0x77: {  	_ =	shalt  }
0x78: {  	_ =	shalt  }
0x79: {  	_ =	shalt  }
0x7a: {  	_ =	shalt  }
0x7b: {  	_ =	shalt  }
0x7c: {  	_ =	shalt  }
0x7d: {  	_ =	shalt  }
0x7e: {  	_ =	shalt  }
0x7f: {  	_ =	shalt  }
0x80: {  	_ =	shalt  }
0x81: {  	_ =	shalt  }
0x82: {  	_ =	shalt  }
0x83: {  	_ =	shalt  }
0x84: {  	_ =	shalt  }
0x85: {  	_ =	shalt  }
0x86: {  	_ =	shalt  }
0x87: {  	_ =	shalt  }
.Lfunc_end0:
.L_simem_size_0:
called_computation_lowered:
.L_overlay_start_0:
0x88: {  	s2 =	sld [smem:$0x3FD9]  }
0x89: {  	s3 =	sld [smem:$0x3FFE];
	_ =	sdelay $0x1  }
0x8a: {  	s1 =	srdreg.scid  }
0x8b: {  	s0 =	sand.u32 $0x1, s1  }
0x8c: {  	s17 =	sshll.u32 s0, $0xA;
	s2 =	sadd.s32 s3, s2  }
0x8d: {  	s2 =	sadd.s32 s2, s17  }
0x8e: {  	[smem:$0x3FC4] =	sst s2  }
0x8f: {  	_ = 	snop  }
0x90: {  	s2 =	sld [smem:$0x3FD0];
	(tm) =	ssettm $0x1  }
0x91: {  	s18 =	sld [smem:$0x3FFB];
	_ =	sdelay $0x3  }
0x92: {  	_ =	strace s18  }
0x93: {  	s3 =	sld [smem:$0x3FFC];
	_ =	sdelay $0x3  }
0x94: {  	_ =	strace s3  }
0x95: {  	s3 =	sld [smem:$0x3FFD];
	_ =	sdelay $0x3  }
0x96: {  	_ =	strace s3  }
0x97: {  	_ =	strace $0x8FFFFFFF  }
0x98: {  	s19 =	sld [smem:$0x3FDB];
	_ =	sdelay $0x1  }
0x99: {  	s4 =	simm.s32 $_scs_section_size  }
0x9a: {  	s5 =	simm.s32 $_size__tile_overlayer_lowered;
	s6 =	simm.s32 $_tile_overlayer_lowered  }
0x9b: {  	s22 =	simm.s32 $0x1BFF;
	s21 =	sshll.u32 s6, $0x1;
	s3 =	sadd.s32 s4, s19  }
0x9c: {  	s7 =	simm.s32 $0x0;
	s20 =	sshll.u32 s5, $0x1;
	s5 =	sadd.s32 s21, s3  }
0x9d: {  	[timem:s7], [sflag:s22] =	dma.local [hbm:s5], s20  }
0x9e: {  	_ =	swait.ge [sflag:s22], s20  }
0x9f: {  	s4 =	ssub.s32 $0x0, s20;
	[sflag:s22] =	ssyncset.done $0x0  }
0xa0: {  	[sflag:s22] =	ssyncadd.s32 s4;
	_ =	sdelay $0x1  }
0xa1: {  	s23 =	simm.s32 $0x1B8B  }
0xa2: {  	_ =	swait.ge [sflag:s23], $0x1  }
0xa3: {  	[sflag:s23] =	ssyncset.done $0x0  }
0xa4: {  	s25 =	simm.s32 $0x1B8E;
	s24 =	sld [smem:$0x3FFE];
	[sflag:s23] =	ssyncadd.s32 $0xFFFFFFFF  }
0xa5: {  	s26 =	simm.s32 $execute0_lowered;
	[smem:$0x3FD2] =	sst s25  }
0xa6: {  	s5 =	sshll.u32 s26, $0x1;
	_ =	strace $0x80000046;
	[dreg:$0x1] =	wrdreg $0xFFFFFFFF  }
0xa7: {  	s28 =	simm.s32 $_size_execute0_lowered;
	s3 =	sadd.s32 s3, s5;
	[dreg:$0x0] =	wrdreg $0x0  }
0xa8: {  	s5 =	sshll.u32 s28, $0x1;
	[dreg:$0x2] =	wrdreg s3  }
0xa9: {  	[dreg:$0x3] =	wrdreg s5  }
0xaa: {  	[dreg:$0x4] =	wrdreg $0xC0  }
0xab: {  	_ =	task [dreg:s7], $0x5FFFF  }
0xac: {  	[dreg:$0x1] =	wrdreg $0xFFFFFFFF  }
0xad: {  	[dreg:$0x0] =	wrdreg $0x60  }
0xae: {  	[dreg:$0x2] =	wrdreg s24  }
0xaf: {  	[dreg:$0x3] =	wrdreg s2  }
0xb0: {  	[dreg:$0x4] =	wrdreg $0x9  }
0xb1: {  	_ =	task.clear_ibuf [dreg:s7], $0x5FFFF;
	_ =	strace $0x90000046  }
0xb2: {  	s29 =	simm.s32 $0x9;
	_ =	strace $0x80000048  }
0xb3: {  	_ =	swait.ge [sflag:s29], $0x1  }
0xb4: {  	[sflag:s29] =	ssyncadd.s32 $0xFFFFFFFF  }
0xb5: {  	_ =	strace $0x90000048  }
0xb6: {  	_ =	sfence  }
0xb7: {  	s30 =	sld [smem:$0x0];
	_ =	sdelay $0x2  }
0xb8: {  	s31 =	sshll.u32 s1, $0xD;
	s1 =	sshrl.u32 s1, $0x2  }
0xb9: {  	s3 =	sand.u32 $0x4000, s31;
	s1 =	sadd.s32 s1, s30  }
0xba: {  	s0 =	sor.u32 s3, s0;
	s1 =	sshll.u32 s1, $0x11  }
0xbb: {  	s0 =	sor.u32 s1, s0  }
0xbc: {  	s0 =	sadd.s32 $0x8F2B, s0  }
0xbd: {  	[sflag:s0] =	ssyncadd.remote.s32 $0x1  }
0xbe: {  	_ =	sfence.sel $0xFFFF  }
0xbf: {  	[dreg:$0x0] =	wrdreg $0xFFFFFFFF;
	(pc) =	sbr.abs _section_cstart, $3  }
0xc0: {  	[dreg:$0x1] =	wrdreg $0xFFFFFFFF  }
0xc1: {  	_ =	task.clear_ibuf [dreg:s7], $0x2FFFF;
	_ =	strace $0x9FFFFFFF  }
0xc2: {  	(tm) =	ssettm $0x7FFFFFFF  }
0xc3: {  	_ =	shalt  }
tec
execute0_lowered:
.L_overlay_start_1:
0x0: {  	(tag) =	ssettag $0x1  }
0x1: {  	s0 =	rddreg [dreg:$0x0]  }
0x2: {  	s1 =	srdreg.scid;
	s2 =	stileid.u32;
	s3 =	simm.s32 $0x0  }
0x3: {  	s14 =	simm.s32 $0xFC00;
	s17 =	simm.s32 $0x5;
	s18 =	simm.s32 $0x10400  }
0x4: {  	s19 =	simm.s32 $0x10C40;
	s20 =	simm.s32 $0x12C40;
	s21 =	simm.s32 $0x14C40  }
0x5: {  	s22 =	simm.s32 $0x16C40;
	s23 =	simm.s32 $0x1;
	s24 =	simm.s32 $0x2  }
0x6: {  	s25 =	simm.s32 $0x3;
	s26 =	simm.s32 $0x4;
	s1 =	sand.u32 $0x1, s1  }
0x7: {  	s2 =	sshll.u32 s2, $0x6;
	[smem:$0x7FF] =	sst s3;
	s4 =	sshll.u32 s1, $0x5  }
0x8: {  	s5 =	sadd.s32 $0x23C00, s0;
	s6 =	sadd.s32 $0x4600, s0;
	s4 =	sor.u32 s4, s2  }
0x9: {  	_ =	strace $0x80000047;
	s1 =	ssub.s32 $0x2, s1;
	s2 =	sshrl.u32 s4, $0x3  }
0xa: {  	v0 =	vlaneseq.u32;
	s30 =	sshrl.u32 s1, $0x1;
	s2 =	sadd.s32 s2, s0;
	s0 =	sadd.s32 $0x2600, s0  }
0xb: {  	v0 =	vmul.u32 $0x20, v0;
	[dreg:$0x3] =	wrdreg s0;
	s0 =	ssub.s32 s1, s30;
	s31 =	sadd.s32 $0x600, s2  }
0xc: {  	s7 =	sxor.u32 $0x3E9, s4;
	[dreg:$0x4] =	wrdreg s31;
	s0 =	smax.u32 s0, $0x1  }
0xd: {  	v1 =	vor.u32 $0x200, v0;
	v2 =	vor.u32 $0x400, v0;
	v3 =	vor.u32 $0x600, v0;
	s9 =	smin.u32 s7, $0x20;
	s1 =	simm.s32 $0x0;
	[dreg:$0x5] =	wrdreg s0  }
.LBB2_1:
0xe: {  	[dreg:$0x6] =	wrdreg s1  }
0xf: {  	s0 =	rddreg [dreg:$0x3];
	s30 =	simm.s32 $0x6  }
0x10: {  	[tilespmem:s3], [sflag:$0x6] =	stream.linear.gather [hbm4b:s0+s3], $0xFC00, $0x38;
	[tilespmem:$0x18C40] =	vst v63  }
0x11: {  	_ =	swait.ge [sflag:s30], $0xFC00  }
0x12: {  	s2 =	simm.s32 $0x20;
	[sflag:s30] =	ssyncset.done $0x0  }
0x13: {  	s7 =	simm.s32 $0x400;
	s31 =	rddreg [dreg:$0x4];
	[sflag:s30] =	ssyncadd.s32 $0xFFFF0400  }
0x14: {  	[tilespmem:s14], [sflag:$0x6] =	stream.strided.gather [hbm4b:s31+s2], $0x800, s7, s2, $0x38;
	[tilespmem:$0x18C40] =	vst v63  }
0x15: {  	_ =	swait.ge [sflag:s30], $0x800  }
0x16: {  	[sflag:s30] =	ssyncset.done $0x0  }
0x17: {  	s29 =	simm.s32 $0x0;
	[sflag:s30] =	ssyncadd.s32 $0xFFFFF800  }
.LBB2_2:
0x18: {  	s0 =	sadd.s32 s4, s29  }
0x19: {  	s1 =	sshll.u32 s0, $0x7  }
0x1a: {  	s7 =	simm.s32 $0x10440;
	s2 =	sadd.s32 s5, s1  }
0x1b: {  	[tilespmem:s7], [sflag:$0x5] =	stream.linear.gather [hbm4b:s2+s3], $0x400, $0x38;
	[tilespmem:$0x18C40] =	vst v63  }
0x1c: {  	s28 =	simm.s32 $0x10840;
	s1 =	sadd.s32 s6, s1  }
0x1d: {  	[tilespmem:s28], [sflag:$0x5] =	stream.linear.gather [hbm4b:s1+s3], $0x400, $0x38;
	[tilespmem:$0x18C40] =	vst v63  }
0x1e: {  	_ =	swait.ge [sflag:s17], $0x400  }
0x1f: {  	[sflag:s17] =	ssyncset.done $0x0  }
0x20: {  	[sflag:s17] =	ssyncadd.s32 $0xFFFFFC00  }
0x21: {  	_ =	swait.ge [sflag:s17], $0x400  }
0x22: {  	[sflag:s17] =	ssyncset.done $0x0  }
0x23: {  	[sflag:s17] =	ssyncadd.s32 $0xFFFFFC00  }
0x24: {  	v4 =	vld [tilespmem:$0x10440];
	_ =	sdelay $0x4  }
0x25: {  	v4 =	vshra.s32 v4, $0x1F  }
0x26: {  	v4 =	vadd.s32 s29, v4  }
0x27: {  	v5 =	vadd.s32 v0, v4;
	_ =	sdelay $0x4  }
0x28: {  	v5 =	vld.idx.msk [tilespmem:v5+s14+$0x0], $0xffff  }
0x29: {  	v6 =	vadd.s32 v1, v4;
	_ =	sdelay $0x3  }
0x2a: {  	[tilespmem:$0x10400] =	vst v5  }
0x2b: {  	v5 =	vld.idx.msk [tilespmem:v6+s14+$0x0], $0xffff  }
0x2c: {  	v63 =	vadd.s32 v2, v4;
	_ =	sdelay $0x3  }
0x2d: {  	[tilespmem:$0x10410] =	vst v5  }
0x2e: {  	v5 =	vld.idx.msk [tilespmem:v63+s14+$0x0], $0xffff  }
0x2f: {  	v4 =	vadd.s32 v3, v4;
	_ =	sdelay $0x3  }
0x30: {  	[tilespmem:$0x10420] =	vst v5  }
0x31: {  	v4 =	vld.idx.msk [tilespmem:v4+s14+$0x0], $0xffff;
	_ =	sdelay $0x3  }
0x32: {  	p0 =	seq.s32 s29, $0x0  }
0x33: {  	s1 =	simm.s32 @!p0 $0x1;
	[tilespmem:$0x10430] =	vst v4  }
0x34: {  	_ =	swait.ge @!p0 [sflag:s1], $0x2000  }
0x35: {  	s30 =	simm.s32 $0x10C80;
	[sflag:s1] =	ssyncset.done @!p0 $0x0  }
0x36: {  	s31 =	simm.s32 $0x0;
	[sflag:s1] =	ssyncadd.s32 @!p0 $0xFFFFE000;
	s1 =	simm.s32 $0x0  }
.LBB2_3:
0x37: {  	s2 =	sshll.u32 s31, $0x7  }
0x38: {  	s2 =	sand.u32 $0x3FFFFF80, s2  }
0x39: {  	v11 =	vld [tilespmem:s2+$0x10440];
	_ =	sdelay $0x1  }
0x3a: {  	v4 =	vmov s1  }
0x3b: {  	v13 =	vmul.u32 $0x3F0, v4;
	_ =	sdelay $0x1  }
0x3c: {  	v5 =	vadd.s32 v11, v13;
	_ =	sdelay $0x2  }
0x3d: {  	v10 =	vld [tilespmem:s2+$0x10450]  }
0x3e: {  	v12 =	vld.idx.msk [tilespmem:v4+s18+$0x0], $0xffff  }
0x3f: {  	v4 =	vld.idx.msk [tilespmem:v5+s3+$0x0], $0xffff;
	_ =	sdelay $0x1  }
0x40: {  	v9 =	vld [tilespmem:s2+$0x10460]  }
0x41: {  	v8 =	vld [tilespmem:s2+$0x10470];
	v14 =	vadd.s32 v10, v13  }
0x42: {  	v7 =	vld [tilespmem:s2+$0x10480]  }
0x43: {  	v6 =	vld [tilespmem:s2+$0x10490];
	v15 =	vadd.f32 v4, v12  }
0x44: {  	v5 =	vld [tilespmem:s2+$0x104A0]  }
0x45: {  	v4 =	vld [tilespmem:s2+$0x104B0];
	[tilespmem:s30+$0xFFFFFFC0] =	vst v15  }
0x46: {  	v14 =	vld.idx.msk [tilespmem:v14+s3+$0x0], $0xffff;
	_ =	sdelay $0x2  }
0x47: {  	v15 =	vadd.s32 v9, v13;
	_ =	sdelay $0x1  }
0x48: {  	v14 =	vadd.f32 v14, v12;
	_ =	sdelay $0x1  }
0x49: {  	[tilespmem:s30+$0xFFFFFFD0] =	vst v14  }
0x4a: {  	v14 =	vld.idx.msk [tilespmem:v15+s3+$0x0], $0xffff;
	_ =	sdelay $0x2  }
0x4b: {  	v15 =	vadd.s32 v8, v13;
	_ =	sdelay $0x1  }
0x4c: {  	v14 =	vadd.f32 v14, v12;
	_ =	sdelay $0x1  }
0x4d: {  	[tilespmem:s30+$0xFFFFFFE0] =	vst v14  }
0x4e: {  	v14 =	vld.idx.msk [tilespmem:v15+s3+$0x0], $0xffff;
	_ =	sdelay $0x2  }
0x4f: {  	v15 =	vadd.s32 v7, v13;
	_ =	sdelay $0x1  }
0x50: {  	v14 =	vadd.f32 v14, v12;
	_ =	sdelay $0x1  }
0x51: {  	[tilespmem:s30+$0xFFFFFFF0] =	vst v14  }
0x52: {  	v14 =	vld.idx.msk [tilespmem:v15+s3+$0x0], $0xffff;
	_ =	sdelay $0x2  }
0x53: {  	v15 =	vadd.s32 v6, v13;
	_ =	sdelay $0x1  }
0x54: {  	v14 =	vadd.f32 v14, v12;
	_ =	sdelay $0x1  }
0x55: {  	[tilespmem:s30+$0x0] =	vst v14  }
0x56: {  	v14 =	vld.idx.msk [tilespmem:v15+s3+$0x0], $0xffff;
	_ =	sdelay $0x2  }
0x57: {  	v15 =	vadd.s32 v5, v13;
	_ =	sdelay $0x1  }
0x58: {  	v14 =	vadd.f32 v14, v12;
	_ =	sdelay $0x1  }
0x59: {  	[tilespmem:s30+$0x10] =	vst v14  }
0x5a: {  	v14 =	vld.idx.msk [tilespmem:v15+s3+$0x0], $0xffff;
	_ =	sdelay $0x2  }
0x5b: {  	v13 =	vadd.s32 v4, v13;
	_ =	sdelay $0x1  }
0x5c: {  	v14 =	vadd.f32 v14, v12;
	_ =	sdelay $0x1  }
0x5d: {  	[tilespmem:s30+$0x20] =	vst v14  }
0x5e: {  	s28 =	simm.s32 $0x1;
	v14 =	vld.idx.msk [tilespmem:v13+s3+$0x0], $0xffff  }
0x5f: {  	s7 =	simm.s32 $0x2;
	s2 =	smov.u32 s30;
	v13 =	vmov s28  }
.LBB2_4:
0x60: {  	p1 =	sne.s32 s7, $0x7;
	v15 =	vmul.u32 $0x3F0, v13;
	_ =	sdelay $0x1  }
0x61: {  	v16 =	vadd.s32 v11, v15  }
0x62: {  	v12 =	vadd.f32 v14, v12;
	_ =	sdelay $0x1  }
0x63: {  	[tilespmem:s2+$0x30] =	vst v12  }
0x64: {  	v12 =	vld.idx.msk [tilespmem:v13+s18+$0x0], $0xffff  }
0x65: {  	v13 =	vld.idx.msk [tilespmem:v16+s3+$0x0], $0xffff;
	_ =	sdelay $0x3  }
0x66: {  	v14 =	vadd.s32 v10, v15;
	_ =	sdelay $0x1  }
0x67: {  	v13 =	vadd.f32 v13, v12  }
0x68: {  	s2 =	sadd.s32 $0x80, s2  }
0x69: {  	[tilespmem:s2+$0xFFFFFFC0] =	vst v13  }
0x6a: {  	v13 =	vld.idx.msk [tilespmem:v14+s3+$0x0], $0xffff;
	_ =	sdelay $0x3  }
0x6b: {  	v14 =	vadd.s32 v9, v15;
	_ =	sdelay $0x1  }
0x6c: {  	v13 =	vadd.f32 v13, v12;
	_ =	sdelay $0x1  }
0x6d: {  	[tilespmem:s2+$0xFFFFFFD0] =	vst v13  }
0x6e: {  	v13 =	vld.idx.msk [tilespmem:v14+s3+$0x0], $0xffff;
	_ =	sdelay $0x3  }
0x6f: {  	v14 =	vadd.s32 v8, v15;
	_ =	sdelay $0x1  }
0x70: {  	v13 =	vadd.f32 v13, v12;
	_ =	sdelay $0x1  }
0x71: {  	[tilespmem:s2+$0xFFFFFFE0] =	vst v13  }
0x72: {  	v13 =	vld.idx.msk [tilespmem:v14+s3+$0x0], $0xffff;
	_ =	sdelay $0x3  }
0x73: {  	v14 =	vadd.s32 v7, v15;
	_ =	sdelay $0x1  }
0x74: {  	v13 =	vadd.f32 v13, v12;
	_ =	sdelay $0x1  }
0x75: {  	[tilespmem:s2+$0xFFFFFFF0] =	vst v13  }
0x76: {  	v13 =	vld.idx.msk [tilespmem:v14+s3+$0x0], $0xffff;
	_ =	sdelay $0x3  }
0x77: {  	v14 =	vadd.s32 v6, v15;
	_ =	sdelay $0x1  }
0x78: {  	v13 =	vadd.f32 v13, v12;
	_ =	sdelay $0x1  }
0x79: {  	[tilespmem:s2+$0x0] =	vst v13  }
0x7a: {  	v13 =	vld.idx.msk [tilespmem:v14+s3+$0x0], $0xffff;
	_ =	sdelay $0x3  }
0x7b: {  	v14 =	vadd.s32 v5, v15;
	_ =	sdelay $0x1  }
0x7c: {  	v13 =	vadd.f32 v13, v12;
	_ =	sdelay $0x1  }
0x7d: {  	[tilespmem:s2+$0x10] =	vst v13  }
0x7e: {  	v13 =	vld.idx.msk [tilespmem:v14+s3+$0x0], $0xffff;
	_ =	sdelay $0x3  }
0x7f: {  	v14 =	vadd.s32 v4, v15;
	_ =	sdelay $0x1  }
0x80: {  	v13 =	vadd.f32 v13, v12  }
.Ltmp0:
0x81: {  	(pc) =	sbr.rel @p1 .LBB2_4-.Ltmp0, $3  }
0x82: {  	[tilespmem:s2+$0x20] =	vst v13  }
0x83: {  	v14 =	vld.idx.msk [tilespmem:v14+s3+$0x0], $0xffff;
	_ =	sdelay $0x1  }
0x84: {  	v13 =	vmov s7;
	s7 =	sadd.s32 $0x1, s7  }
0x85: {  	v15 =	vmul.u32 $0x3F0, v13;
	_ =	sdelay $0x1  }
0x86: {  	v11 =	vadd.s32 v11, v15  }
0x87: {  	v12 =	vadd.f32 v14, v12;
	_ =	sdelay $0x1  }
0x88: {  	[tilespmem:s2+$0x30] =	vst v12  }
0x89: {  	v12 =	vld.idx.msk [tilespmem:v13+s18+$0x0], $0xffff  }
0x8a: {  	v11 =	vld.idx.msk [tilespmem:v11+s3+$0x0], $0xffff;
	_ =	sdelay $0x2  }
0x8b: {  	v10 =	vadd.s32 v10, v15;
	_ =	sdelay $0x1  }
0x8c: {  	v11 =	vadd.f32 v11, v12  }
0x8d: {  	s28 =	sadd.s32 $0x80, s2  }
0x8e: {  	[tilespmem:s28+$0xFFFFFFC0] =	vst v11  }
0x8f: {  	v10 =	vld.idx.msk [tilespmem:v10+s3+$0x0], $0xffff;
	_ =	sdelay $0x2  }
0x90: {  	v9 =	vadd.s32 v9, v15;
	_ =	sdelay $0x1  }
0x91: {  	v10 =	vadd.f32 v10, v12;
	_ =	sdelay $0x1  }
0x92: {  	[tilespmem:s28+$0xFFFFFFD0] =	vst v10  }
0x93: {  	v9 =	vld.idx.msk [tilespmem:v9+s3+$0x0], $0xffff;
	_ =	sdelay $0x2  }
0x94: {  	v8 =	vadd.s32 v8, v15;
	_ =	sdelay $0x1  }
0x95: {  	v9 =	vadd.f32 v9, v12;
	_ =	sdelay $0x1  }
0x96: {  	[tilespmem:s28+$0xFFFFFFE0] =	vst v9  }
0x97: {  	v8 =	vld.idx.msk [tilespmem:v8+s3+$0x0], $0xffff;
	_ =	sdelay $0x2  }
0x98: {  	v7 =	vadd.s32 v7, v15;
	_ =	sdelay $0x1  }
0x99: {  	v8 =	vadd.f32 v8, v12;
	_ =	sdelay $0x1  }
0x9a: {  	[tilespmem:s28+$0xFFFFFFF0] =	vst v8  }
0x9b: {  	v7 =	vld.idx.msk [tilespmem:v7+s3+$0x0], $0xffff;
	_ =	sdelay $0x2  }
0x9c: {  	v6 =	vadd.s32 v6, v15;
	_ =	sdelay $0x1  }
0x9d: {  	v7 =	vadd.f32 v7, v12;
	_ =	sdelay $0x1  }
0x9e: {  	[tilespmem:s28+$0x0] =	vst v7  }
0x9f: {  	v6 =	vld.idx.msk [tilespmem:v6+s3+$0x0], $0xffff;
	_ =	sdelay $0x2  }
0xa0: {  	v5 =	vadd.s32 v5, v15;
	_ =	sdelay $0x1  }
0xa1: {  	v6 =	vadd.f32 v6, v12;
	_ =	sdelay $0x1  }
0xa2: {  	[tilespmem:s28+$0x10] =	vst v6  }
0xa3: {  	v5 =	vld.idx.msk [tilespmem:v5+s3+$0x0], $0xffff;
	_ =	sdelay $0x2  }
0xa4: {  	v4 =	vadd.s32 v4, v15;
	_ =	sdelay $0x1  }
0xa5: {  	v5 =	vadd.f32 v5, v12;
	_ =	sdelay $0x1  }
0xa6: {  	[tilespmem:s28+$0x20] =	vst v5  }
0xa7: {  	v4 =	vld.idx.msk [tilespmem:v4+s3+$0x0], $0xffff  }
0xa8: {  	s31 =	sadd.s32 $0x1, s31  }
0xa9: {  	p1 =	sne.s32 s31, $0x8  }
.Ltmp1:
0xaa: {  	_ = 	snop;
	(pc) =	sbr.rel @p1 .LBB2_3-.Ltmp1, $3  }
0xab: {  	_ = 	snop  }
0xac: {  	v4 =	vadd.f32 v4, v12;
	_ =	sdelay $0x1  }
0xad: {  	s30 =	sadd.s32 $0x400, s30;
	[tilespmem:s28+$0x30] =	vst v4  }
0xae: {  	s0 =	sshll.u32 s0, $0xD;
	s1 =	rddreg [dreg:$0x1]  }
0xaf: {  	s30 =	sadd.s32 s1, s0;
	s0 =	simm.s32 @!p0 $0x2  }
0xb0: {  	[hbm4b:s30+s3] =	stream.linear.scatter [tilespmem:s19], [sflag:$0x1], $0x2000, $0x38;
	[tilespmem:$0x18C40] =	vst v63  }
0xb1: {  	_ =	swait.ge @!p0 [sflag:s0], $0x2000  }
0xb2: {  	[sflag:s0] =	ssyncset.done @!p0 $0x0  }
0xb3: {  	s1 =	simm.s32 $0x12C80;
	[sflag:s0] =	ssyncadd.s32 @!p0 $0xFFFFE000;
	s0 =	simm.s32 $0x0  }
.LBB2_7:
0xb4: {  	s2 =	sshll.u32 s0, $0x7  }
0xb5: {  	s2 =	sand.u32 $0x3FFFFF80, s2  }
0xb6: {  	v10 =	vld [tilespmem:s2+$0x10440]  }
0xb7: {  	s7 =	simm.s32 $0x8  }
0xb8: {  	v4 =	vmov s7  }
0xb9: {  	v13 =	vmul.u32 $0x3F0, v4;
	_ =	sdelay $0x1  }
0xba: {  	v5 =	vadd.s32 v10, v13;
	_ =	sdelay $0x2  }
0xbb: {  	v11 =	vld [tilespmem:s2+$0x10450]  }
0xbc: {  	v12 =	vld.idx.msk [tilespmem:v4+s18+$0x0], $0xffff  }
0xbd: {  	v4 =	vld.idx.msk [tilespmem:v5+s3+$0x0], $0xffff;
	_ =	sdelay $0x1  }
0xbe: {  	v9 =	vld [tilespmem:s2+$0x10460]  }
0xbf: {  	v8 =	vld [tilespmem:s2+$0x10470];
	v14 =	vadd.s32 v11, v13  }
0xc0: {  	v7 =	vld [tilespmem:s2+$0x10480]  }
0xc1: {  	v6 =	vld [tilespmem:s2+$0x10490];
	v15 =	vadd.f32 v4, v12  }
0xc2: {  	v5 =	vld [tilespmem:s2+$0x104A0]  }
0xc3: {  	v4 =	vld [tilespmem:s2+$0x104B0];
	[tilespmem:s1+$0xFFFFFFC0] =	vst v15  }
0xc4: {  	v14 =	vld.idx.msk [tilespmem:v14+s3+$0x0], $0xffff;
	_ =	sdelay $0x2  }
0xc5: {  	v15 =	vadd.s32 v9, v13;
	_ =	sdelay $0x1  }
0xc6: {  	v14 =	vadd.f32 v14, v12;
	_ =	sdelay $0x1  }
0xc7: {  	[tilespmem:s1+$0xFFFFFFD0] =	vst v14  }
0xc8: {  	v14 =	vld.idx.msk [tilespmem:v15+s3+$0x0], $0xffff;
	_ =	sdelay $0x2  }
0xc9: {  	v15 =	vadd.s32 v8, v13;
	_ =	sdelay $0x1  }
0xca: {  	v14 =	vadd.f32 v14, v12;
	_ =	sdelay $0x1  }
0xcb: {  	[tilespmem:s1+$0xFFFFFFE0] =	vst v14  }
0xcc: {  	v14 =	vld.idx.msk [tilespmem:v15+s3+$0x0], $0xffff;
	_ =	sdelay $0x2  }
0xcd: {  	v15 =	vadd.s32 v7, v13;
	_ =	sdelay $0x1  }
0xce: {  	v14 =	vadd.f32 v14, v12;
	_ =	sdelay $0x1  }
0xcf: {  	[tilespmem:s1+$0xFFFFFFF0] =	vst v14  }
0xd0: {  	v14 =	vld.idx.msk [tilespmem:v15+s3+$0x0], $0xffff;
	_ =	sdelay $0x2  }
0xd1: {  	v15 =	vadd.s32 v6, v13;
	_ =	sdelay $0x1  }
0xd2: {  	v14 =	vadd.f32 v14, v12;
	_ =	sdelay $0x1  }
0xd3: {  	[tilespmem:s1+$0x0] =	vst v14  }
0xd4: {  	v14 =	vld.idx.msk [tilespmem:v15+s3+$0x0], $0xffff;
	_ =	sdelay $0x2  }
0xd5: {  	v15 =	vadd.s32 v5, v13;
	_ =	sdelay $0x1  }
0xd6: {  	v14 =	vadd.f32 v14, v12;
	_ =	sdelay $0x1  }
0xd7: {  	[tilespmem:s1+$0x10] =	vst v14  }
0xd8: {  	v14 =	vld.idx.msk [tilespmem:v15+s3+$0x0], $0xffff;
	_ =	sdelay $0x2  }
0xd9: {  	v13 =	vadd.s32 v4, v13;
	_ =	sdelay $0x1  }
0xda: {  	v14 =	vadd.f32 v14, v12;
	_ =	sdelay $0x1  }
0xdb: {  	[tilespmem:s1+$0x20] =	vst v14  }
0xdc: {  	s31 =	simm.s32 $0x9;
	v14 =	vld.idx.msk [tilespmem:v13+s3+$0x0], $0xffff  }
0xdd: {  	s7 =	simm.s32 $0xA;
	s2 =	smov.u32 s1;
	v13 =	vmov s31  }
.LBB2_8:
0xde: {  	p1 =	sne.s32 s7, $0xF;
	v15 =	vmul.u32 $0x3F0, v13;
	_ =	sdelay $0x1  }
0xdf: {  	v16 =	vadd.s32 v10, v15  }
0xe0: {  	v12 =	vadd.f32 v14, v12;
	_ =	sdelay $0x1  }
0xe1: {  	[tilespmem:s2+$0x30] =	vst v12  }
0xe2: {  	v12 =	vld.idx.msk [tilespmem:v13+s18+$0x0], $0xffff  }
0xe3: {  	v13 =	vld.idx.msk [tilespmem:v16+s3+$0x0], $0xffff;
	_ =	sdelay $0x3  }
0xe4: {  	v14 =	vadd.s32 v11, v15;
	_ =	sdelay $0x1  }
0xe5: {  	v13 =	vadd.f32 v13, v12  }
0xe6: {  	s2 =	sadd.s32 $0x80, s2  }
0xe7: {  	[tilespmem:s2+$0xFFFFFFC0] =	vst v13  }
0xe8: {  	v13 =	vld.idx.msk [tilespmem:v14+s3+$0x0], $0xffff;
	_ =	sdelay $0x3  }
0xe9: {  	v14 =	vadd.s32 v9, v15;
	_ =	sdelay $0x1  }
0xea: {  	v13 =	vadd.f32 v13, v12;
	_ =	sdelay $0x1  }
0xeb: {  	[tilespmem:s2+$0xFFFFFFD0] =	vst v13  }
0xec: {  	v13 =	vld.idx.msk [tilespmem:v14+s3+$0x0], $0xffff;
	_ =	sdelay $0x3  }
0xed: {  	v14 =	vadd.s32 v8, v15;
	_ =	sdelay $0x1  }
0xee: {  	v13 =	vadd.f32 v13, v12;
	_ =	sdelay $0x1  }
0xef: {  	[tilespmem:s2+$0xFFFFFFE0] =	vst v13  }
0xf0: {  	v13 =	vld.idx.msk [tilespmem:v14+s3+$0x0], $0xffff;
	_ =	sdelay $0x3  }
0xf1: {  	v14 =	vadd.s32 v7, v15;
	_ =	sdelay $0x1  }
0xf2: {  	v13 =	vadd.f32 v13, v12;
	_ =	sdelay $0x1  }
0xf3: {  	[tilespmem:s2+$0xFFFFFFF0] =	vst v13  }
0xf4: {  	v13 =	vld.idx.msk [tilespmem:v14+s3+$0x0], $0xffff;
	_ =	sdelay $0x3  }
0xf5: {  	v14 =	vadd.s32 v6, v15;
	_ =	sdelay $0x1  }
0xf6: {  	v13 =	vadd.f32 v13, v12;
	_ =	sdelay $0x1  }
0xf7: {  	[tilespmem:s2+$0x0] =	vst v13  }
0xf8: {  	v13 =	vld.idx.msk [tilespmem:v14+s3+$0x0], $0xffff;
	_ =	sdelay $0x3  }
0xf9: {  	v14 =	vadd.s32 v5, v15;
	_ =	sdelay $0x1  }
0xfa: {  	v13 =	vadd.f32 v13, v12;
	_ =	sdelay $0x1  }
0xfb: {  	[tilespmem:s2+$0x10] =	vst v13  }
0xfc: {  	v13 =	vld.idx.msk [tilespmem:v14+s3+$0x0], $0xffff;
	_ =	sdelay $0x3  }
0xfd: {  	v14 =	vadd.s32 v4, v15;
	_ =	sdelay $0x1  }
0xfe: {  	v13 =	vadd.f32 v13, v12  }
.Ltmp2:
0xff: {  	(pc) =	sbr.rel @p1 .LBB2_8-.Ltmp2, $3  }
0x100: {  	[tilespmem:s2+$0x20] =	vst v13  }
0x101: {  	v14 =	vld.idx.msk [tilespmem:v14+s3+$0x0], $0xffff;
	_ =	sdelay $0x1  }
0x102: {  	v13 =	vmov s7;
	s7 =	sadd.s32 $0x1, s7  }
0x103: {  	v15 =	vmul.u32 $0x3F0, v13;
	_ =	sdelay $0x1  }
0x104: {  	v10 =	vadd.s32 v10, v15  }
0x105: {  	v12 =	vadd.f32 v14, v12;
	_ =	sdelay $0x1  }
0x106: {  	[tilespmem:s2+$0x30] =	vst v12  }
0x107: {  	v12 =	vld.idx.msk [tilespmem:v13+s18+$0x0], $0xffff  }
0x108: {  	v10 =	vld.idx.msk [tilespmem:v10+s3+$0x0], $0xffff;
	_ =	sdelay $0x2  }
0x109: {  	v11 =	vadd.s32 v11, v15;
	_ =	sdelay $0x1  }
0x10a: {  	v10 =	vadd.f32 v10, v12  }
0x10b: {  	s31 =	sadd.s32 $0x80, s2  }
0x10c: {  	[tilespmem:s31+$0xFFFFFFC0] =	vst v10  }
0x10d: {  	v10 =	vld.idx.msk [tilespmem:v11+s3+$0x0], $0xffff;
	_ =	sdelay $0x2  }
0x10e: {  	v9 =	vadd.s32 v9, v15;
	_ =	sdelay $0x1  }
0x10f: {  	v10 =	vadd.f32 v10, v12;
	_ =	sdelay $0x1  }
0x110: {  	[tilespmem:s31+$0xFFFFFFD0] =	vst v10  }
0x111: {  	v9 =	vld.idx.msk [tilespmem:v9+s3+$0x0], $0xffff;
	_ =	sdelay $0x2  }
0x112: {  	v8 =	vadd.s32 v8, v15;
	_ =	sdelay $0x1  }
0x113: {  	v9 =	vadd.f32 v9, v12;
	_ =	sdelay $0x1  }
0x114: {  	[tilespmem:s31+$0xFFFFFFE0] =	vst v9  }
0x115: {  	v8 =	vld.idx.msk [tilespmem:v8+s3+$0x0], $0xffff;
	_ =	sdelay $0x2  }
0x116: {  	v7 =	vadd.s32 v7, v15;
	_ =	sdelay $0x1  }
0x117: {  	v8 =	vadd.f32 v8, v12;
	_ =	sdelay $0x1  }
0x118: {  	[tilespmem:s31+$0xFFFFFFF0] =	vst v8  }
0x119: {  	v7 =	vld.idx.msk [tilespmem:v7+s3+$0x0], $0xffff;
	_ =	sdelay $0x2  }
0x11a: {  	v6 =	vadd.s32 v6, v15;
	_ =	sdelay $0x1  }
0x11b: {  	v7 =	vadd.f32 v7, v12;
	_ =	sdelay $0x1  }
0x11c: {  	[tilespmem:s31+$0x0] =	vst v7  }
0x11d: {  	v6 =	vld.idx.msk [tilespmem:v6+s3+$0x0], $0xffff;
	_ =	sdelay $0x2  }
0x11e: {  	v5 =	vadd.s32 v5, v15;
	_ =	sdelay $0x1  }
0x11f: {  	v6 =	vadd.f32 v6, v12;
	_ =	sdelay $0x1  }
0x120: {  	[tilespmem:s31+$0x10] =	vst v6  }
0x121: {  	v5 =	vld.idx.msk [tilespmem:v5+s3+$0x0], $0xffff;
	_ =	sdelay $0x2  }
0x122: {  	v4 =	vadd.s32 v4, v15;
	_ =	sdelay $0x1  }
0x123: {  	v5 =	vadd.f32 v5, v12;
	_ =	sdelay $0x1  }
0x124: {  	[tilespmem:s31+$0x20] =	vst v5  }
0x125: {  	v4 =	vld.idx.msk [tilespmem:v4+s3+$0x0], $0xffff  }
0x126: {  	s0 =	sadd.s32 $0x1, s0  }
0x127: {  	p1 =	sne.s32 s0, $0x8  }
.Ltmp3:
0x128: {  	_ = 	snop;
	(pc) =	sbr.rel @p1 .LBB2_7-.Ltmp3, $3  }
0x129: {  	_ = 	snop  }
0x12a: {  	v4 =	vadd.f32 v4, v12;
	_ =	sdelay $0x1  }
0x12b: {  	s1 =	sadd.s32 $0x400, s1;
	[tilespmem:s31+$0x30] =	vst v4  }
0x12c: {  	s0 =	sadd.s32 $0x400, s30  }
0x12d: {  	[hbm4b:s0+s3] =	stream.linear.scatter [tilespmem:s20], [sflag:$0x2], $0x2000, $0x38;
	[tilespmem:$0x18C40] =	vst v63  }
0x12e: {  	s0 =	simm.s32 @!p0 $0x3  }
0x12f: {  	_ =	swait.ge @!p0 [sflag:s0], $0x2000  }
0x130: {  	[sflag:s0] =	ssyncset.done @!p0 $0x0  }
0x131: {  	s1 =	simm.s32 $0x14C80;
	[sflag:s0] =	ssyncadd.s32 @!p0 $0xFFFFE000;
	s0 =	simm.s32 $0x0  }
.LBB2_11:
0x132: {  	s2 =	sshll.u32 s0, $0x7  }
0x133: {  	s2 =	sand.u32 $0x3FFFFF80, s2  }
0x134: {  	v10 =	vld [tilespmem:s2+$0x10440]  }
0x135: {  	s7 =	simm.s32 $0x10  }
0x136: {  	v4 =	vmov s7  }
0x137: {  	v13 =	vmul.u32 $0x3F0, v4;
	_ =	sdelay $0x1  }
0x138: {  	v5 =	vadd.s32 v10, v13;
	_ =	sdelay $0x2  }
0x139: {  	v11 =	vld [tilespmem:s2+$0x10450]  }
0x13a: {  	v12 =	vld.idx.msk [tilespmem:v4+s18+$0x0], $0xffff  }
0x13b: {  	v4 =	vld.idx.msk [tilespmem:v5+s3+$0x0], $0xffff;
	_ =	sdelay $0x1  }
0x13c: {  	v9 =	vld [tilespmem:s2+$0x10460]  }
0x13d: {  	v8 =	vld [tilespmem:s2+$0x10470];
	v14 =	vadd.s32 v11, v13  }
0x13e: {  	v7 =	vld [tilespmem:s2+$0x10480]  }
0x13f: {  	v6 =	vld [tilespmem:s2+$0x10490];
	v15 =	vadd.f32 v4, v12  }
0x140: {  	v5 =	vld [tilespmem:s2+$0x104A0]  }
0x141: {  	v4 =	vld [tilespmem:s2+$0x104B0];
	[tilespmem:s1+$0xFFFFFFC0] =	vst v15  }
0x142: {  	v14 =	vld.idx.msk [tilespmem:v14+s3+$0x0], $0xffff;
	_ =	sdelay $0x2  }
0x143: {  	v15 =	vadd.s32 v9, v13;
	_ =	sdelay $0x1  }
0x144: {  	v14 =	vadd.f32 v14, v12;
	_ =	sdelay $0x1  }
0x145: {  	[tilespmem:s1+$0xFFFFFFD0] =	vst v14  }
0x146: {  	v14 =	vld.idx.msk [tilespmem:v15+s3+$0x0], $0xffff;
	_ =	sdelay $0x2  }
0x147: {  	v15 =	vadd.s32 v8, v13;
	_ =	sdelay $0x1  }
0x148: {  	v14 =	vadd.f32 v14, v12;
	_ =	sdelay $0x1  }
0x149: {  	[tilespmem:s1+$0xFFFFFFE0] =	vst v14  }
0x14a: {  	v14 =	vld.idx.msk [tilespmem:v15+s3+$0x0], $0xffff;
	_ =	sdelay $0x2  }
0x14b: {  	v15 =	vadd.s32 v7, v13;
	_ =	sdelay $0x1  }
0x14c: {  	v14 =	vadd.f32 v14, v12;
	_ =	sdelay $0x1  }
0x14d: {  	[tilespmem:s1+$0xFFFFFFF0] =	vst v14  }
0x14e: {  	v14 =	vld.idx.msk [tilespmem:v15+s3+$0x0], $0xffff;
	_ =	sdelay $0x2  }
0x14f: {  	v15 =	vadd.s32 v6, v13;
	_ =	sdelay $0x1  }
0x150: {  	v14 =	vadd.f32 v14, v12;
	_ =	sdelay $0x1  }
0x151: {  	[tilespmem:s1+$0x0] =	vst v14  }
0x152: {  	v14 =	vld.idx.msk [tilespmem:v15+s3+$0x0], $0xffff;
	_ =	sdelay $0x2  }
0x153: {  	v15 =	vadd.s32 v5, v13;
	_ =	sdelay $0x1  }
0x154: {  	v14 =	vadd.f32 v14, v12;
	_ =	sdelay $0x1  }
0x155: {  	[tilespmem:s1+$0x10] =	vst v14  }
0x156: {  	v14 =	vld.idx.msk [tilespmem:v15+s3+$0x0], $0xffff;
	_ =	sdelay $0x2  }
0x157: {  	v13 =	vadd.s32 v4, v13;
	_ =	sdelay $0x1  }
0x158: {  	v14 =	vadd.f32 v14, v12;
	_ =	sdelay $0x1  }
0x159: {  	[tilespmem:s1+$0x20] =	vst v14  }
0x15a: {  	s31 =	simm.s32 $0x11;
	v14 =	vld.idx.msk [tilespmem:v13+s3+$0x0], $0xffff  }
0x15b: {  	s7 =	simm.s32 $0x12;
	s2 =	smov.u32 s1;
	v13 =	vmov s31  }
.LBB2_12:
0x15c: {  	p1 =	sne.s32 s7, $0x17;
	v15 =	vmul.u32 $0x3F0, v13;
	_ =	sdelay $0x1  }
0x15d: {  	v16 =	vadd.s32 v10, v15  }
0x15e: {  	v12 =	vadd.f32 v14, v12;
	_ =	sdelay $0x1  }
0x15f: {  	[tilespmem:s2+$0x30] =	vst v12  }
0x160: {  	v12 =	vld.idx.msk [tilespmem:v13+s18+$0x0], $0xffff  }
0x161: {  	v13 =	vld.idx.msk [tilespmem:v16+s3+$0x0], $0xffff;
	_ =	sdelay $0x3  }
0x162: {  	v14 =	vadd.s32 v11, v15;
	_ =	sdelay $0x1  }
0x163: {  	v13 =	vadd.f32 v13, v12  }
0x164: {  	s2 =	sadd.s32 $0x80, s2  }
0x165: {  	[tilespmem:s2+$0xFFFFFFC0] =	vst v13  }
0x166: {  	v13 =	vld.idx.msk [tilespmem:v14+s3+$0x0], $0xffff;
	_ =	sdelay $0x3  }
0x167: {  	v14 =	vadd.s32 v9, v15;
	_ =	sdelay $0x1  }
0x168: {  	v13 =	vadd.f32 v13, v12;
	_ =	sdelay $0x1  }
0x169: {  	[tilespmem:s2+$0xFFFFFFD0] =	vst v13  }
0x16a: {  	v13 =	vld.idx.msk [tilespmem:v14+s3+$0x0], $0xffff;
	_ =	sdelay $0x3  }
0x16b: {  	v14 =	vadd.s32 v8, v15;
	_ =	sdelay $0x1  }
0x16c: {  	v13 =	vadd.f32 v13, v12;
	_ =	sdelay $0x1  }
0x16d: {  	[tilespmem:s2+$0xFFFFFFE0] =	vst v13  }
0x16e: {  	v13 =	vld.idx.msk [tilespmem:v14+s3+$0x0], $0xffff;
	_ =	sdelay $0x3  }
0x16f: {  	v14 =	vadd.s32 v7, v15;
	_ =	sdelay $0x1  }
0x170: {  	v13 =	vadd.f32 v13, v12;
	_ =	sdelay $0x1  }
0x171: {  	[tilespmem:s2+$0xFFFFFFF0] =	vst v13  }
0x172: {  	v13 =	vld.idx.msk [tilespmem:v14+s3+$0x0], $0xffff;
	_ =	sdelay $0x3  }
0x173: {  	v14 =	vadd.s32 v6, v15;
	_ =	sdelay $0x1  }
0x174: {  	v13 =	vadd.f32 v13, v12;
	_ =	sdelay $0x1  }
0x175: {  	[tilespmem:s2+$0x0] =	vst v13  }
0x176: {  	v13 =	vld.idx.msk [tilespmem:v14+s3+$0x0], $0xffff;
	_ =	sdelay $0x3  }
0x177: {  	v14 =	vadd.s32 v5, v15;
	_ =	sdelay $0x1  }
0x178: {  	v13 =	vadd.f32 v13, v12;
	_ =	sdelay $0x1  }
0x179: {  	[tilespmem:s2+$0x10] =	vst v13  }
0x17a: {  	v13 =	vld.idx.msk [tilespmem:v14+s3+$0x0], $0xffff;
	_ =	sdelay $0x3  }
0x17b: {  	v14 =	vadd.s32 v4, v15;
	_ =	sdelay $0x1  }
0x17c: {  	v13 =	vadd.f32 v13, v12  }
.Ltmp4:
0x17d: {  	(pc) =	sbr.rel @p1 .LBB2_12-.Ltmp4, $3  }
0x17e: {  	[tilespmem:s2+$0x20] =	vst v13  }
0x17f: {  	v14 =	vld.idx.msk [tilespmem:v14+s3+$0x0], $0xffff;
	_ =	sdelay $0x1  }
0x180: {  	v13 =	vmov s7;
	s7 =	sadd.s32 $0x1, s7  }
0x181: {  	v15 =	vmul.u32 $0x3F0, v13;
	_ =	sdelay $0x1  }
0x182: {  	v10 =	vadd.s32 v10, v15  }
0x183: {  	v12 =	vadd.f32 v14, v12;
	_ =	sdelay $0x1  }
0x184: {  	[tilespmem:s2+$0x30] =	vst v12  }
0x185: {  	v12 =	vld.idx.msk [tilespmem:v13+s18+$0x0], $0xffff  }
0x186: {  	v10 =	vld.idx.msk [tilespmem:v10+s3+$0x0], $0xffff;
	_ =	sdelay $0x2  }
0x187: {  	v11 =	vadd.s32 v11, v15;
	_ =	sdelay $0x1  }
0x188: {  	v10 =	vadd.f32 v10, v12  }
0x189: {  	s31 =	sadd.s32 $0x80, s2  }
0x18a: {  	[tilespmem:s31+$0xFFFFFFC0] =	vst v10  }
0x18b: {  	v10 =	vld.idx.msk [tilespmem:v11+s3+$0x0], $0xffff;
	_ =	sdelay $0x2  }
0x18c: {  	v9 =	vadd.s32 v9, v15;
	_ =	sdelay $0x1  }
0x18d: {  	v10 =	vadd.f32 v10, v12;
	_ =	sdelay $0x1  }
0x18e: {  	[tilespmem:s31+$0xFFFFFFD0] =	vst v10  }
0x18f: {  	v9 =	vld.idx.msk [tilespmem:v9+s3+$0x0], $0xffff;
	_ =	sdelay $0x2  }
0x190: {  	v8 =	vadd.s32 v8, v15;
	_ =	sdelay $0x1  }
0x191: {  	v9 =	vadd.f32 v9, v12;
	_ =	sdelay $0x1  }
0x192: {  	[tilespmem:s31+$0xFFFFFFE0] =	vst v9  }
0x193: {  	v8 =	vld.idx.msk [tilespmem:v8+s3+$0x0], $0xffff;
	_ =	sdelay $0x2  }
0x194: {  	v7 =	vadd.s32 v7, v15;
	_ =	sdelay $0x1  }
0x195: {  	v8 =	vadd.f32 v8, v12;
	_ =	sdelay $0x1  }
0x196: {  	[tilespmem:s31+$0xFFFFFFF0] =	vst v8  }
0x197: {  	v7 =	vld.idx.msk [tilespmem:v7+s3+$0x0], $0xffff;
	_ =	sdelay $0x2  }
0x198: {  	v6 =	vadd.s32 v6, v15;
	_ =	sdelay $0x1  }
0x199: {  	v7 =	vadd.f32 v7, v12;
	_ =	sdelay $0x1  }
0x19a: {  	[tilespmem:s31+$0x0] =	vst v7  }
0x19b: {  	v6 =	vld.idx.msk [tilespmem:v6+s3+$0x0], $0xffff;
	_ =	sdelay $0x2  }
0x19c: {  	v5 =	vadd.s32 v5, v15;
	_ =	sdelay $0x1  }
0x19d: {  	v6 =	vadd.f32 v6, v12;
	_ =	sdelay $0x1  }
0x19e: {  	[tilespmem:s31+$0x10] =	vst v6  }
0x19f: {  	v5 =	vld.idx.msk [tilespmem:v5+s3+$0x0], $0xffff;
	_ =	sdelay $0x2  }
0x1a0: {  	v4 =	vadd.s32 v4, v15;
	_ =	sdelay $0x1  }
0x1a1: {  	v5 =	vadd.f32 v5, v12;
	_ =	sdelay $0x1  }
0x1a2: {  	[tilespmem:s31+$0x20] =	vst v5  }
0x1a3: {  	v4 =	vld.idx.msk [tilespmem:v4+s3+$0x0], $0xffff  }
0x1a4: {  	s0 =	sadd.s32 $0x1, s0  }
0x1a5: {  	p1 =	sne.s32 s0, $0x8  }
.Ltmp5:
0x1a6: {  	_ = 	snop;
	(pc) =	sbr.rel @p1 .LBB2_11-.Ltmp5, $3  }
0x1a7: {  	_ = 	snop  }
0x1a8: {  	v4 =	vadd.f32 v4, v12;
	_ =	sdelay $0x1  }
0x1a9: {  	s1 =	sadd.s32 $0x400, s1;
	[tilespmem:s31+$0x30] =	vst v4  }
0x1aa: {  	s0 =	sadd.s32 $0x800, s30  }
0x1ab: {  	[hbm4b:s0+s3] =	stream.linear.scatter [tilespmem:s21], [sflag:$0x3], $0x2000, $0x38;
	[tilespmem:$0x18C40] =	vst v63  }
0x1ac: {  	s0 =	simm.s32 @!p0 $0x4  }
0x1ad: {  	_ =	swait.ge @!p0 [sflag:s0], $0x2000  }
0x1ae: {  	[sflag:s0] =	ssyncset.done @!p0 $0x0  }
0x1af: {  	s1 =	simm.s32 $0x16C80;
	[sflag:s0] =	ssyncadd.s32 @!p0 $0xFFFFE000;
	s0 =	simm.s32 $0x0  }
.LBB2_15:
0x1b0: {  	s2 =	sshll.u32 s0, $0x7  }
0x1b1: {  	s2 =	sand.u32 $0x3FFFFF80, s2  }
0x1b2: {  	v10 =	vld [tilespmem:s2+$0x10440]  }
0x1b3: {  	s7 =	simm.s32 $0x18  }
0x1b4: {  	v4 =	vmov s7  }
0x1b5: {  	v13 =	vmul.u32 $0x3F0, v4;
	_ =	sdelay $0x1  }
0x1b6: {  	v5 =	vadd.s32 v10, v13;
	_ =	sdelay $0x2  }
0x1b7: {  	v11 =	vld [tilespmem:s2+$0x10450]  }
0x1b8: {  	v12 =	vld.idx.msk [tilespmem:v4+s18+$0x0], $0xffff  }
0x1b9: {  	v4 =	vld.idx.msk [tilespmem:v5+s3+$0x0], $0xffff;
	_ =	sdelay $0x1  }
0x1ba: {  	v9 =	vld [tilespmem:s2+$0x10460]  }
0x1bb: {  	v8 =	vld [tilespmem:s2+$0x10470];
	v14 =	vadd.s32 v11, v13  }
0x1bc: {  	v7 =	vld [tilespmem:s2+$0x10480]  }
0x1bd: {  	v6 =	vld [tilespmem:s2+$0x10490];
	v15 =	vadd.f32 v4, v12  }
0x1be: {  	v5 =	vld [tilespmem:s2+$0x104A0]  }
0x1bf: {  	v4 =	vld [tilespmem:s2+$0x104B0];
	[tilespmem:s1+$0xFFFFFFC0] =	vst v15  }
0x1c0: {  	v14 =	vld.idx.msk [tilespmem:v14+s3+$0x0], $0xffff;
	_ =	sdelay $0x2  }
0x1c1: {  	v15 =	vadd.s32 v9, v13;
	_ =	sdelay $0x1  }
0x1c2: {  	v14 =	vadd.f32 v14, v12;
	_ =	sdelay $0x1  }
0x1c3: {  	[tilespmem:s1+$0xFFFFFFD0] =	vst v14  }
0x1c4: {  	v14 =	vld.idx.msk [tilespmem:v15+s3+$0x0], $0xffff;
	_ =	sdelay $0x2  }
0x1c5: {  	v15 =	vadd.s32 v8, v13;
	_ =	sdelay $0x1  }
0x1c6: {  	v14 =	vadd.f32 v14, v12;
	_ =	sdelay $0x1  }
0x1c7: {  	[tilespmem:s1+$0xFFFFFFE0] =	vst v14  }
0x1c8: {  	v14 =	vld.idx.msk [tilespmem:v15+s3+$0x0], $0xffff;
	_ =	sdelay $0x2  }
0x1c9: {  	v15 =	vadd.s32 v7, v13;
	_ =	sdelay $0x1  }
0x1ca: {  	v14 =	vadd.f32 v14, v12;
	_ =	sdelay $0x1  }
0x1cb: {  	[tilespmem:s1+$0xFFFFFFF0] =	vst v14  }
0x1cc: {  	v14 =	vld.idx.msk [tilespmem:v15+s3+$0x0], $0xffff;
	_ =	sdelay $0x2  }
0x1cd: {  	v15 =	vadd.s32 v6, v13;
	_ =	sdelay $0x1  }
0x1ce: {  	v14 =	vadd.f32 v14, v12;
	_ =	sdelay $0x1  }
0x1cf: {  	[tilespmem:s1+$0x0] =	vst v14  }
0x1d0: {  	v14 =	vld.idx.msk [tilespmem:v15+s3+$0x0], $0xffff;
	_ =	sdelay $0x2  }
0x1d1: {  	v15 =	vadd.s32 v5, v13;
	_ =	sdelay $0x1  }
0x1d2: {  	v14 =	vadd.f32 v14, v12;
	_ =	sdelay $0x1  }
0x1d3: {  	[tilespmem:s1+$0x10] =	vst v14  }
0x1d4: {  	v14 =	vld.idx.msk [tilespmem:v15+s3+$0x0], $0xffff;
	_ =	sdelay $0x2  }
0x1d5: {  	v13 =	vadd.s32 v4, v13;
	_ =	sdelay $0x1  }
0x1d6: {  	v14 =	vadd.f32 v14, v12;
	_ =	sdelay $0x1  }
0x1d7: {  	[tilespmem:s1+$0x20] =	vst v14  }
0x1d8: {  	s31 =	simm.s32 $0x19;
	v14 =	vld.idx.msk [tilespmem:v13+s3+$0x0], $0xffff  }
0x1d9: {  	s7 =	simm.s32 $0x1A;
	s2 =	smov.u32 s1;
	v13 =	vmov s31  }
.LBB2_16:
0x1da: {  	p0 =	sne.s32 s7, $0x1F;
	v15 =	vmul.u32 $0x3F0, v13;
	_ =	sdelay $0x1  }
0x1db: {  	v16 =	vadd.s32 v10, v15  }
0x1dc: {  	v12 =	vadd.f32 v14, v12;
	_ =	sdelay $0x1  }
0x1dd: {  	[tilespmem:s2+$0x30] =	vst v12  }
0x1de: {  	v12 =	vld.idx.msk [tilespmem:v13+s18+$0x0], $0xffff  }
0x1df: {  	v13 =	vld.idx.msk [tilespmem:v16+s3+$0x0], $0xffff;
	_ =	sdelay $0x3  }
0x1e0: {  	v14 =	vadd.s32 v11, v15;
	_ =	sdelay $0x1  }
0x1e1: {  	v13 =	vadd.f32 v13, v12  }
0x1e2: {  	s2 =	sadd.s32 $0x80, s2  }
0x1e3: {  	[tilespmem:s2+$0xFFFFFFC0] =	vst v13  }
0x1e4: {  	v13 =	vld.idx.msk [tilespmem:v14+s3+$0x0], $0xffff;
	_ =	sdelay $0x3  }
0x1e5: {  	v14 =	vadd.s32 v9, v15;
	_ =	sdelay $0x1  }
0x1e6: {  	v13 =	vadd.f32 v13, v12;
	_ =	sdelay $0x1  }
0x1e7: {  	[tilespmem:s2+$0xFFFFFFD0] =	vst v13  }
0x1e8: {  	v13 =	vld.idx.msk [tilespmem:v14+s3+$0x0], $0xffff;
	_ =	sdelay $0x3  }
0x1e9: {  	v14 =	vadd.s32 v8, v15;
	_ =	sdelay $0x1  }
0x1ea: {  	v13 =	vadd.f32 v13, v12;
	_ =	sdelay $0x1  }
0x1eb: {  	[tilespmem:s2+$0xFFFFFFE0] =	vst v13  }
0x1ec: {  	v13 =	vld.idx.msk [tilespmem:v14+s3+$0x0], $0xffff;
	_ =	sdelay $0x3  }
0x1ed: {  	v14 =	vadd.s32 v7, v15;
	_ =	sdelay $0x1  }
0x1ee: {  	v13 =	vadd.f32 v13, v12;
	_ =	sdelay $0x1  }
0x1ef: {  	[tilespmem:s2+$0xFFFFFFF0] =	vst v13  }
0x1f0: {  	v13 =	vld.idx.msk [tilespmem:v14+s3+$0x0], $0xffff;
	_ =	sdelay $0x3  }
0x1f1: {  	v14 =	vadd.s32 v6, v15;
	_ =	sdelay $0x1  }
0x1f2: {  	v13 =	vadd.f32 v13, v12;
	_ =	sdelay $0x1  }
0x1f3: {  	[tilespmem:s2+$0x0] =	vst v13  }
0x1f4: {  	v13 =	vld.idx.msk [tilespmem:v14+s3+$0x0], $0xffff;
	_ =	sdelay $0x3  }
0x1f5: {  	v14 =	vadd.s32 v5, v15;
	_ =	sdelay $0x1  }
0x1f6: {  	v13 =	vadd.f32 v13, v12;
	_ =	sdelay $0x1  }
0x1f7: {  	[tilespmem:s2+$0x10] =	vst v13  }
0x1f8: {  	v13 =	vld.idx.msk [tilespmem:v14+s3+$0x0], $0xffff;
	_ =	sdelay $0x3  }
0x1f9: {  	v14 =	vadd.s32 v4, v15;
	_ =	sdelay $0x1  }
0x1fa: {  	v13 =	vadd.f32 v13, v12  }
.Ltmp6:
0x1fb: {  	(pc) =	sbr.rel @p0 .LBB2_16-.Ltmp6, $3  }
0x1fc: {  	[tilespmem:s2+$0x20] =	vst v13  }
0x1fd: {  	v14 =	vld.idx.msk [tilespmem:v14+s3+$0x0], $0xffff;
	_ =	sdelay $0x1  }
0x1fe: {  	v13 =	vmov s7;
	s7 =	sadd.s32 $0x1, s7  }
0x1ff: {  	v15 =	vmul.u32 $0x3F0, v13;
	_ =	sdelay $0x1  }
0x200: {  	v10 =	vadd.s32 v10, v15  }
0x201: {  	v12 =	vadd.f32 v14, v12;
	_ =	sdelay $0x1  }
0x202: {  	[tilespmem:s2+$0x30] =	vst v12  }
0x203: {  	v12 =	vld.idx.msk [tilespmem:v13+s18+$0x0], $0xffff  }
0x204: {  	v10 =	vld.idx.msk [tilespmem:v10+s3+$0x0], $0xffff;
	_ =	sdelay $0x2  }
0x205: {  	v11 =	vadd.s32 v11, v15;
	_ =	sdelay $0x1  }
0x206: {  	v10 =	vadd.f32 v10, v12  }
0x207: {  	s31 =	sadd.s32 $0x80, s2  }
0x208: {  	[tilespmem:s31+$0xFFFFFFC0] =	vst v10  }
0x209: {  	v10 =	vld.idx.msk [tilespmem:v11+s3+$0x0], $0xffff;
	_ =	sdelay $0x2  }
0x20a: {  	v9 =	vadd.s32 v9, v15;
	_ =	sdelay $0x1  }
0x20b: {  	v10 =	vadd.f32 v10, v12;
	_ =	sdelay $0x1  }
0x20c: {  	[tilespmem:s31+$0xFFFFFFD0] =	vst v10  }
0x20d: {  	v9 =	vld.idx.msk [tilespmem:v9+s3+$0x0], $0xffff;
	_ =	sdelay $0x2  }
0x20e: {  	v8 =	vadd.s32 v8, v15;
	_ =	sdelay $0x1  }
0x20f: {  	v9 =	vadd.f32 v9, v12;
	_ =	sdelay $0x1  }
0x210: {  	[tilespmem:s31+$0xFFFFFFE0] =	vst v9  }
0x211: {  	v8 =	vld.idx.msk [tilespmem:v8+s3+$0x0], $0xffff;
	_ =	sdelay $0x2  }
0x212: {  	v7 =	vadd.s32 v7, v15;
	_ =	sdelay $0x1  }
0x213: {  	v8 =	vadd.f32 v8, v12;
	_ =	sdelay $0x1  }
0x214: {  	[tilespmem:s31+$0xFFFFFFF0] =	vst v8  }
0x215: {  	v7 =	vld.idx.msk [tilespmem:v7+s3+$0x0], $0xffff;
	_ =	sdelay $0x2  }
0x216: {  	v6 =	vadd.s32 v6, v15;
	_ =	sdelay $0x1  }
0x217: {  	v7 =	vadd.f32 v7, v12;
	_ =	sdelay $0x1  }
0x218: {  	[tilespmem:s31+$0x0] =	vst v7  }
0x219: {  	v6 =	vld.idx.msk [tilespmem:v6+s3+$0x0], $0xffff;
	_ =	sdelay $0x2  }
0x21a: {  	v5 =	vadd.s32 v5, v15;
	_ =	sdelay $0x1  }
0x21b: {  	v6 =	vadd.f32 v6, v12;
	_ =	sdelay $0x1  }
0x21c: {  	[tilespmem:s31+$0x10] =	vst v6  }
0x21d: {  	v5 =	vld.idx.msk [tilespmem:v5+s3+$0x0], $0xffff;
	_ =	sdelay $0x2  }
0x21e: {  	v4 =	vadd.s32 v4, v15;
	_ =	sdelay $0x1  }
0x21f: {  	v5 =	vadd.f32 v5, v12;
	_ =	sdelay $0x1  }
0x220: {  	[tilespmem:s31+$0x20] =	vst v5  }
0x221: {  	v4 =	vld.idx.msk [tilespmem:v4+s3+$0x0], $0xffff  }
0x222: {  	s0 =	sadd.s32 $0x1, s0  }
0x223: {  	p0 =	sne.s32 s0, $0x8  }
.Ltmp7:
0x224: {  	_ = 	snop;
	(pc) =	sbr.rel @p0 .LBB2_15-.Ltmp7, $3  }
0x225: {  	_ = 	snop  }
0x226: {  	v4 =	vadd.f32 v4, v12;
	_ =	sdelay $0x1  }
0x227: {  	s1 =	sadd.s32 $0x400, s1;
	[tilespmem:s31+$0x30] =	vst v4  }
0x228: {  	s1 =	sadd.s32 $0xC00, s30;
	s0 =	simm.s32 $0x0  }
0x229: {  	[hbm4b:s1+s0] =	stream.linear.scatter [tilespmem:s22], [sflag:$0x4], $0x2000, $0x38;
	[tilespmem:$0x18C40] =	vst v63  }
0x22a: {  	_ =	swait.ge [sflag:s23], $0x2000  }
0x22b: {  	[sflag:s23] =	ssyncset.done $0x0  }
0x22c: {  	s1 =	simm.s32 $0x10C80;
	[sflag:s23] =	ssyncadd.s32 $0xFFFFE000  }
.LBB2_19:
0x22d: {  	s2 =	sshll.u32 s0, $0x7  }
0x22e: {  	s2 =	sand.u32 $0x3FFFFF80, s2  }
0x22f: {  	v10 =	vld [tilespmem:s2+$0x10440]  }
0x230: {  	s7 =	simm.s32 $0x20  }
0x231: {  	v4 =	vmov s7  }
0x232: {  	v13 =	vmul.u32 $0x3F0, v4;
	_ =	sdelay $0x1  }
0x233: {  	v5 =	vadd.s32 v10, v13;
	_ =	sdelay $0x2  }
0x234: {  	v11 =	vld [tilespmem:s2+$0x10450]  }
0x235: {  	v12 =	vld.idx.msk [tilespmem:v4+s18+$0x0], $0xffff  }
0x236: {  	v4 =	vld.idx.msk [tilespmem:v5+s3+$0x0], $0xffff;
	_ =	sdelay $0x1  }
0x237: {  	v9 =	vld [tilespmem:s2+$0x10460]  }
0x238: {  	v8 =	vld [tilespmem:s2+$0x10470];
	v14 =	vadd.s32 v11, v13  }
0x239: {  	v7 =	vld [tilespmem:s2+$0x10480]  }
0x23a: {  	v6 =	vld [tilespmem:s2+$0x10490];
	v15 =	vadd.f32 v4, v12  }
0x23b: {  	v5 =	vld [tilespmem:s2+$0x104A0]  }
0x23c: {  	v4 =	vld [tilespmem:s2+$0x104B0];
	[tilespmem:s1+$0xFFFFFFC0] =	vst v15  }
0x23d: {  	v14 =	vld.idx.msk [tilespmem:v14+s3+$0x0], $0xffff;
	_ =	sdelay $0x2  }
0x23e: {  	v15 =	vadd.s32 v9, v13;
	_ =	sdelay $0x1  }
0x23f: {  	v14 =	vadd.f32 v14, v12;
	_ =	sdelay $0x1  }
0x240: {  	[tilespmem:s1+$0xFFFFFFD0] =	vst v14  }
0x241: {  	v14 =	vld.idx.msk [tilespmem:v15+s3+$0x0], $0xffff;
	_ =	sdelay $0x2  }
0x242: {  	v15 =	vadd.s32 v8, v13;
	_ =	sdelay $0x1  }
0x243: {  	v14 =	vadd.f32 v14, v12;
	_ =	sdelay $0x1  }
0x244: {  	[tilespmem:s1+$0xFFFFFFE0] =	vst v14  }
0x245: {  	v14 =	vld.idx.msk [tilespmem:v15+s3+$0x0], $0xffff;
	_ =	sdelay $0x2  }
0x246: {  	v15 =	vadd.s32 v7, v13;
	_ =	sdelay $0x1  }
0x247: {  	v14 =	vadd.f32 v14, v12;
	_ =	sdelay $0x1  }
0x248: {  	[tilespmem:s1+$0xFFFFFFF0] =	vst v14  }
0x249: {  	v14 =	vld.idx.msk [tilespmem:v15+s3+$0x0], $0xffff;
	_ =	sdelay $0x2  }
0x24a: {  	v15 =	vadd.s32 v6, v13;
	_ =	sdelay $0x1  }
0x24b: {  	v14 =	vadd.f32 v14, v12;
	_ =	sdelay $0x1  }
0x24c: {  	[tilespmem:s1+$0x0] =	vst v14  }
0x24d: {  	v14 =	vld.idx.msk [tilespmem:v15+s3+$0x0], $0xffff;
	_ =	sdelay $0x2  }
0x24e: {  	v15 =	vadd.s32 v5, v13;
	_ =	sdelay $0x1  }
0x24f: {  	v14 =	vadd.f32 v14, v12;
	_ =	sdelay $0x1  }
0x250: {  	[tilespmem:s1+$0x10] =	vst v14  }
0x251: {  	v14 =	vld.idx.msk [tilespmem:v15+s3+$0x0], $0xffff;
	_ =	sdelay $0x2  }
0x252: {  	v13 =	vadd.s32 v4, v13;
	_ =	sdelay $0x1  }
0x253: {  	v14 =	vadd.f32 v14, v12;
	_ =	sdelay $0x1  }
0x254: {  	[tilespmem:s1+$0x20] =	vst v14  }
0x255: {  	s31 =	simm.s32 $0x21;
	v14 =	vld.idx.msk [tilespmem:v13+s3+$0x0], $0xffff  }
0x256: {  	s7 =	simm.s32 $0x22;
	s2 =	smov.u32 s1;
	v13 =	vmov s31  }
.LBB2_20:
0x257: {  	p0 =	sne.s32 s7, $0x27;
	v15 =	vmul.u32 $0x3F0, v13;
	_ =	sdelay $0x1  }
0x258: {  	v16 =	vadd.s32 v10, v15  }
0x259: {  	v12 =	vadd.f32 v14, v12;
	_ =	sdelay $0x1  }
0x25a: {  	[tilespmem:s2+$0x30] =	vst v12  }
0x25b: {  	v12 =	vld.idx.msk [tilespmem:v13+s18+$0x0], $0xffff  }
0x25c: {  	v13 =	vld.idx.msk [tilespmem:v16+s3+$0x0], $0xffff;
	_ =	sdelay $0x3  }
0x25d: {  	v14 =	vadd.s32 v11, v15;
	_ =	sdelay $0x1  }
0x25e: {  	v13 =	vadd.f32 v13, v12  }
0x25f: {  	s2 =	sadd.s32 $0x80, s2  }
0x260: {  	[tilespmem:s2+$0xFFFFFFC0] =	vst v13  }
0x261: {  	v13 =	vld.idx.msk [tilespmem:v14+s3+$0x0], $0xffff;
	_ =	sdelay $0x3  }
0x262: {  	v14 =	vadd.s32 v9, v15;
	_ =	sdelay $0x1  }
0x263: {  	v13 =	vadd.f32 v13, v12;
	_ =	sdelay $0x1  }
0x264: {  	[tilespmem:s2+$0xFFFFFFD0] =	vst v13  }
0x265: {  	v13 =	vld.idx.msk [tilespmem:v14+s3+$0x0], $0xffff;
	_ =	sdelay $0x3  }
0x266: {  	v14 =	vadd.s32 v8, v15;
	_ =	sdelay $0x1  }
0x267: {  	v13 =	vadd.f32 v13, v12;
	_ =	sdelay $0x1  }
0x268: {  	[tilespmem:s2+$0xFFFFFFE0] =	vst v13  }
0x269: {  	v13 =	vld.idx.msk [tilespmem:v14+s3+$0x0], $0xffff;
	_ =	sdelay $0x3  }
0x26a: {  	v14 =	vadd.s32 v7, v15;
	_ =	sdelay $0x1  }
0x26b: {  	v13 =	vadd.f32 v13, v12;
	_ =	sdelay $0x1  }
0x26c: {  	[tilespmem:s2+$0xFFFFFFF0] =	vst v13  }
0x26d: {  	v13 =	vld.idx.msk [tilespmem:v14+s3+$0x0], $0xffff;
	_ =	sdelay $0x3  }
0x26e: {  	v14 =	vadd.s32 v6, v15;
	_ =	sdelay $0x1  }
0x26f: {  	v13 =	vadd.f32 v13, v12;
	_ =	sdelay $0x1  }
0x270: {  	[tilespmem:s2+$0x0] =	vst v13  }
0x271: {  	v13 =	vld.idx.msk [tilespmem:v14+s3+$0x0], $0xffff;
	_ =	sdelay $0x3  }
0x272: {  	v14 =	vadd.s32 v5, v15;
	_ =	sdelay $0x1  }
0x273: {  	v13 =	vadd.f32 v13, v12;
	_ =	sdelay $0x1  }
0x274: {  	[tilespmem:s2+$0x10] =	vst v13  }
0x275: {  	v13 =	vld.idx.msk [tilespmem:v14+s3+$0x0], $0xffff;
	_ =	sdelay $0x3  }
0x276: {  	v14 =	vadd.s32 v4, v15;
	_ =	sdelay $0x1  }
0x277: {  	v13 =	vadd.f32 v13, v12  }
.Ltmp8:
0x278: {  	(pc) =	sbr.rel @p0 .LBB2_20-.Ltmp8, $3  }
0x279: {  	[tilespmem:s2+$0x20] =	vst v13  }
0x27a: {  	v14 =	vld.idx.msk [tilespmem:v14+s3+$0x0], $0xffff;
	_ =	sdelay $0x1  }
0x27b: {  	v13 =	vmov s7;
	s7 =	sadd.s32 $0x1, s7  }
0x27c: {  	v15 =	vmul.u32 $0x3F0, v13;
	_ =	sdelay $0x1  }
0x27d: {  	v10 =	vadd.s32 v10, v15  }
0x27e: {  	v12 =	vadd.f32 v14, v12;
	_ =	sdelay $0x1  }
0x27f: {  	[tilespmem:s2+$0x30] =	vst v12  }
0x280: {  	v12 =	vld.idx.msk [tilespmem:v13+s18+$0x0], $0xffff  }
0x281: {  	v10 =	vld.idx.msk [tilespmem:v10+s3+$0x0], $0xffff;
	_ =	sdelay $0x2  }
0x282: {  	v11 =	vadd.s32 v11, v15;
	_ =	sdelay $0x1  }
0x283: {  	v10 =	vadd.f32 v10, v12  }
0x284: {  	s31 =	sadd.s32 $0x80, s2  }
0x285: {  	[tilespmem:s31+$0xFFFFFFC0] =	vst v10  }
0x286: {  	v10 =	vld.idx.msk [tilespmem:v11+s3+$0x0], $0xffff;
	_ =	sdelay $0x2  }
0x287: {  	v9 =	vadd.s32 v9, v15;
	_ =	sdelay $0x1  }
0x288: {  	v10 =	vadd.f32 v10, v12;
	_ =	sdelay $0x1  }
0x289: {  	[tilespmem:s31+$0xFFFFFFD0] =	vst v10  }
0x28a: {  	v9 =	vld.idx.msk [tilespmem:v9+s3+$0x0], $0xffff;
	_ =	sdelay $0x2  }
0x28b: {  	v8 =	vadd.s32 v8, v15;
	_ =	sdelay $0x1  }
0x28c: {  	v9 =	vadd.f32 v9, v12;
	_ =	sdelay $0x1  }
0x28d: {  	[tilespmem:s31+$0xFFFFFFE0] =	vst v9  }
0x28e: {  	v8 =	vld.idx.msk [tilespmem:v8+s3+$0x0], $0xffff;
	_ =	sdelay $0x2  }
0x28f: {  	v7 =	vadd.s32 v7, v15;
	_ =	sdelay $0x1  }
0x290: {  	v8 =	vadd.f32 v8, v12;
	_ =	sdelay $0x1  }
0x291: {  	[tilespmem:s31+$0xFFFFFFF0] =	vst v8  }
0x292: {  	v7 =	vld.idx.msk [tilespmem:v7+s3+$0x0], $0xffff;
	_ =	sdelay $0x2  }
0x293: {  	v6 =	vadd.s32 v6, v15;
	_ =	sdelay $0x1  }
0x294: {  	v7 =	vadd.f32 v7, v12;
	_ =	sdelay $0x1  }
0x295: {  	[tilespmem:s31+$0x0] =	vst v7  }
0x296: {  	v6 =	vld.idx.msk [tilespmem:v6+s3+$0x0], $0xffff;
	_ =	sdelay $0x2  }
0x297: {  	v5 =	vadd.s32 v5, v15;
	_ =	sdelay $0x1  }
0x298: {  	v6 =	vadd.f32 v6, v12;
	_ =	sdelay $0x1  }
0x299: {  	[tilespmem:s31+$0x10] =	vst v6  }
0x29a: {  	v5 =	vld.idx.msk [tilespmem:v5+s3+$0x0], $0xffff;
	_ =	sdelay $0x2  }
0x29b: {  	v4 =	vadd.s32 v4, v15;
	_ =	sdelay $0x1  }
0x29c: {  	v5 =	vadd.f32 v5, v12;
	_ =	sdelay $0x1  }
0x29d: {  	[tilespmem:s31+$0x20] =	vst v5  }
0x29e: {  	v4 =	vld.idx.msk [tilespmem:v4+s3+$0x0], $0xffff  }
0x29f: {  	s0 =	sadd.s32 $0x1, s0  }
0x2a0: {  	p0 =	sne.s32 s0, $0x8  }
.Ltmp9:
0x2a1: {  	_ = 	snop;
	(pc) =	sbr.rel @p0 .LBB2_19-.Ltmp9, $3  }
0x2a2: {  	_ = 	snop  }
0x2a3: {  	v4 =	vadd.f32 v4, v12;
	_ =	sdelay $0x1  }
0x2a4: {  	s1 =	sadd.s32 $0x400, s1;
	[tilespmem:s31+$0x30] =	vst v4  }
0x2a5: {  	s1 =	sadd.s32 $0x1000, s30;
	s0 =	simm.s32 $0x0  }
0x2a6: {  	[hbm4b:s1+s0] =	stream.linear.scatter [tilespmem:s19], [sflag:$0x1], $0x2000, $0x38;
	[tilespmem:$0x18C40] =	vst v63  }
0x2a7: {  	_ =	swait.ge [sflag:s24], $0x2000  }
0x2a8: {  	[sflag:s24] =	ssyncset.done $0x0  }
0x2a9: {  	s1 =	simm.s32 $0x12C80;
	[sflag:s24] =	ssyncadd.s32 $0xFFFFE000  }
.LBB2_23:
0x2aa: {  	s2 =	sshll.u32 s0, $0x7  }
0x2ab: {  	s2 =	sand.u32 $0x3FFFFF80, s2  }
0x2ac: {  	v10 =	vld [tilespmem:s2+$0x10440]  }
0x2ad: {  	s7 =	simm.s32 $0x28  }
0x2ae: {  	v4 =	vmov s7  }
0x2af: {  	v13 =	vmul.u32 $0x3F0, v4;
	_ =	sdelay $0x1  }
0x2b0: {  	v5 =	vadd.s32 v10, v13;
	_ =	sdelay $0x2  }
0x2b1: {  	v11 =	vld [tilespmem:s2+$0x10450]  }
0x2b2: {  	v12 =	vld.idx.msk [tilespmem:v4+s18+$0x0], $0xffff  }
0x2b3: {  	v4 =	vld.idx.msk [tilespmem:v5+s3+$0x0], $0xffff;
	_ =	sdelay $0x1  }
0x2b4: {  	v9 =	vld [tilespmem:s2+$0x10460]  }
0x2b5: {  	v8 =	vld [tilespmem:s2+$0x10470];
	v14 =	vadd.s32 v11, v13  }
0x2b6: {  	v7 =	vld [tilespmem:s2+$0x10480]  }
0x2b7: {  	v6 =	vld [tilespmem:s2+$0x10490];
	v15 =	vadd.f32 v4, v12  }
0x2b8: {  	v5 =	vld [tilespmem:s2+$0x104A0]  }
0x2b9: {  	v4 =	vld [tilespmem:s2+$0x104B0];
	[tilespmem:s1+$0xFFFFFFC0] =	vst v15  }
0x2ba: {  	v14 =	vld.idx.msk [tilespmem:v14+s3+$0x0], $0xffff;
	_ =	sdelay $0x2  }
0x2bb: {  	v15 =	vadd.s32 v9, v13;
	_ =	sdelay $0x1  }
0x2bc: {  	v14 =	vadd.f32 v14, v12;
	_ =	sdelay $0x1  }
0x2bd: {  	[tilespmem:s1+$0xFFFFFFD0] =	vst v14  }
0x2be: {  	v14 =	vld.idx.msk [tilespmem:v15+s3+$0x0], $0xffff;
	_ =	sdelay $0x2  }
0x2bf: {  	v15 =	vadd.s32 v8, v13;
	_ =	sdelay $0x1  }
0x2c0: {  	v14 =	vadd.f32 v14, v12;
	_ =	sdelay $0x1  }
0x2c1: {  	[tilespmem:s1+$0xFFFFFFE0] =	vst v14  }
0x2c2: {  	v14 =	vld.idx.msk [tilespmem:v15+s3+$0x0], $0xffff;
	_ =	sdelay $0x2  }
0x2c3: {  	v15 =	vadd.s32 v7, v13;
	_ =	sdelay $0x1  }
0x2c4: {  	v14 =	vadd.f32 v14, v12;
	_ =	sdelay $0x1  }
0x2c5: {  	[tilespmem:s1+$0xFFFFFFF0] =	vst v14  }
0x2c6: {  	v14 =	vld.idx.msk [tilespmem:v15+s3+$0x0], $0xffff;
	_ =	sdelay $0x2  }
0x2c7: {  	v15 =	vadd.s32 v6, v13;
	_ =	sdelay $0x1  }
0x2c8: {  	v14 =	vadd.f32 v14, v12;
	_ =	sdelay $0x1  }
0x2c9: {  	[tilespmem:s1+$0x0] =	vst v14  }
0x2ca: {  	v14 =	vld.idx.msk [tilespmem:v15+s3+$0x0], $0xffff;
	_ =	sdelay $0x2  }
0x2cb: {  	v15 =	vadd.s32 v5, v13;
	_ =	sdelay $0x1  }
0x2cc: {  	v14 =	vadd.f32 v14, v12;
	_ =	sdelay $0x1  }
0x2cd: {  	[tilespmem:s1+$0x10] =	vst v14  }
0x2ce: {  	v14 =	vld.idx.msk [tilespmem:v15+s3+$0x0], $0xffff;
	_ =	sdelay $0x2  }
0x2cf: {  	v13 =	vadd.s32 v4, v13;
	_ =	sdelay $0x1  }
0x2d0: {  	v14 =	vadd.f32 v14, v12;
	_ =	sdelay $0x1  }
0x2d1: {  	[tilespmem:s1+$0x20] =	vst v14  }
0x2d2: {  	s31 =	simm.s32 $0x29;
	v14 =	vld.idx.msk [tilespmem:v13+s3+$0x0], $0xffff  }
0x2d3: {  	s7 =	simm.s32 $0x2A;
	s2 =	smov.u32 s1;
	v13 =	vmov s31  }
.LBB2_24:
0x2d4: {  	p0 =	sne.s32 s7, $0x2F;
	v15 =	vmul.u32 $0x3F0, v13;
	_ =	sdelay $0x1  }
0x2d5: {  	v16 =	vadd.s32 v10, v15  }
0x2d6: {  	v12 =	vadd.f32 v14, v12;
	_ =	sdelay $0x1  }
0x2d7: {  	[tilespmem:s2+$0x30] =	vst v12  }
0x2d8: {  	v12 =	vld.idx.msk [tilespmem:v13+s18+$0x0], $0xffff  }
0x2d9: {  	v13 =	vld.idx.msk [tilespmem:v16+s3+$0x0], $0xffff;
	_ =	sdelay $0x3  }
0x2da: {  	v14 =	vadd.s32 v11, v15;
	_ =	sdelay $0x1  }
0x2db: {  	v13 =	vadd.f32 v13, v12  }
0x2dc: {  	s2 =	sadd.s32 $0x80, s2  }
0x2dd: {  	[tilespmem:s2+$0xFFFFFFC0] =	vst v13  }
0x2de: {  	v13 =	vld.idx.msk [tilespmem:v14+s3+$0x0], $0xffff;
	_ =	sdelay $0x3  }
0x2df: {  	v14 =	vadd.s32 v9, v15;
	_ =	sdelay $0x1  }
0x2e0: {  	v13 =	vadd.f32 v13, v12;
	_ =	sdelay $0x1  }
0x2e1: {  	[tilespmem:s2+$0xFFFFFFD0] =	vst v13  }
0x2e2: {  	v13 =	vld.idx.msk [tilespmem:v14+s3+$0x0], $0xffff;
	_ =	sdelay $0x3  }
0x2e3: {  	v14 =	vadd.s32 v8, v15;
	_ =	sdelay $0x1  }
0x2e4: {  	v13 =	vadd.f32 v13, v12;
	_ =	sdelay $0x1  }
0x2e5: {  	[tilespmem:s2+$0xFFFFFFE0] =	vst v13  }
0x2e6: {  	v13 =	vld.idx.msk [tilespmem:v14+s3+$0x0], $0xffff;
	_ =	sdelay $0x3  }
0x2e7: {  	v14 =	vadd.s32 v7, v15;
	_ =	sdelay $0x1  }
0x2e8: {  	v13 =	vadd.f32 v13, v12;
	_ =	sdelay $0x1  }
0x2e9: {  	[tilespmem:s2+$0xFFFFFFF0] =	vst v13  }
0x2ea: {  	v13 =	vld.idx.msk [tilespmem:v14+s3+$0x0], $0xffff;
	_ =	sdelay $0x3  }
0x2eb: {  	v14 =	vadd.s32 v6, v15;
	_ =	sdelay $0x1  }
0x2ec: {  	v13 =	vadd.f32 v13, v12;
	_ =	sdelay $0x1  }
0x2ed: {  	[tilespmem:s2+$0x0] =	vst v13  }
0x2ee: {  	v13 =	vld.idx.msk [tilespmem:v14+s3+$0x0], $0xffff;
	_ =	sdelay $0x3  }
0x2ef: {  	v14 =	vadd.s32 v5, v15;
	_ =	sdelay $0x1  }
0x2f0: {  	v13 =	vadd.f32 v13, v12;
	_ =	sdelay $0x1  }
0x2f1: {  	[tilespmem:s2+$0x10] =	vst v13  }
0x2f2: {  	v13 =	vld.idx.msk [tilespmem:v14+s3+$0x0], $0xffff;
	_ =	sdelay $0x3  }
0x2f3: {  	v14 =	vadd.s32 v4, v15;
	_ =	sdelay $0x1  }
0x2f4: {  	v13 =	vadd.f32 v13, v12  }
.Ltmp10:
0x2f5: {  	(pc) =	sbr.rel @p0 .LBB2_24-.Ltmp10, $3  }
0x2f6: {  	[tilespmem:s2+$0x20] =	vst v13  }
0x2f7: {  	v14 =	vld.idx.msk [tilespmem:v14+s3+$0x0], $0xffff;
	_ =	sdelay $0x1  }
0x2f8: {  	v13 =	vmov s7;
	s7 =	sadd.s32 $0x1, s7  }
0x2f9: {  	v15 =	vmul.u32 $0x3F0, v13;
	_ =	sdelay $0x1  }
0x2fa: {  	v10 =	vadd.s32 v10, v15  }
0x2fb: {  	v12 =	vadd.f32 v14, v12;
	_ =	sdelay $0x1  }
0x2fc: {  	[tilespmem:s2+$0x30] =	vst v12  }
0x2fd: {  	v12 =	vld.idx.msk [tilespmem:v13+s18+$0x0], $0xffff  }
0x2fe: {  	v10 =	vld.idx.msk [tilespmem:v10+s3+$0x0], $0xffff;
	_ =	sdelay $0x2  }
0x2ff: {  	v11 =	vadd.s32 v11, v15;
	_ =	sdelay $0x1  }
0x300: {  	v10 =	vadd.f32 v10, v12  }
0x301: {  	s31 =	sadd.s32 $0x80, s2  }
0x302: {  	[tilespmem:s31+$0xFFFFFFC0] =	vst v10  }
0x303: {  	v10 =	vld.idx.msk [tilespmem:v11+s3+$0x0], $0xffff;
	_ =	sdelay $0x2  }
0x304: {  	v9 =	vadd.s32 v9, v15;
	_ =	sdelay $0x1  }
0x305: {  	v10 =	vadd.f32 v10, v12;
	_ =	sdelay $0x1  }
0x306: {  	[tilespmem:s31+$0xFFFFFFD0] =	vst v10  }
0x307: {  	v9 =	vld.idx.msk [tilespmem:v9+s3+$0x0], $0xffff;
	_ =	sdelay $0x2  }
0x308: {  	v8 =	vadd.s32 v8, v15;
	_ =	sdelay $0x1  }
0x309: {  	v9 =	vadd.f32 v9, v12;
	_ =	sdelay $0x1  }
0x30a: {  	[tilespmem:s31+$0xFFFFFFE0] =	vst v9  }
0x30b: {  	v8 =	vld.idx.msk [tilespmem:v8+s3+$0x0], $0xffff;
	_ =	sdelay $0x2  }
0x30c: {  	v7 =	vadd.s32 v7, v15;
	_ =	sdelay $0x1  }
0x30d: {  	v8 =	vadd.f32 v8, v12;
	_ =	sdelay $0x1  }
0x30e: {  	[tilespmem:s31+$0xFFFFFFF0] =	vst v8  }
0x30f: {  	v7 =	vld.idx.msk [tilespmem:v7+s3+$0x0], $0xffff;
	_ =	sdelay $0x2  }
0x310: {  	v6 =	vadd.s32 v6, v15;
	_ =	sdelay $0x1  }
0x311: {  	v7 =	vadd.f32 v7, v12;
	_ =	sdelay $0x1  }
0x312: {  	[tilespmem:s31+$0x0] =	vst v7  }
0x313: {  	v6 =	vld.idx.msk [tilespmem:v6+s3+$0x0], $0xffff;
	_ =	sdelay $0x2  }
0x314: {  	v5 =	vadd.s32 v5, v15;
	_ =	sdelay $0x1  }
0x315: {  	v6 =	vadd.f32 v6, v12;
	_ =	sdelay $0x1  }
0x316: {  	[tilespmem:s31+$0x10] =	vst v6  }
0x317: {  	v5 =	vld.idx.msk [tilespmem:v5+s3+$0x0], $0xffff;
	_ =	sdelay $0x2  }
0x318: {  	v4 =	vadd.s32 v4, v15;
	_ =	sdelay $0x1  }
0x319: {  	v5 =	vadd.f32 v5, v12;
	_ =	sdelay $0x1  }
0x31a: {  	[tilespmem:s31+$0x20] =	vst v5  }
0x31b: {  	v4 =	vld.idx.msk [tilespmem:v4+s3+$0x0], $0xffff  }
0x31c: {  	s0 =	sadd.s32 $0x1, s0  }
0x31d: {  	p0 =	sne.s32 s0, $0x8  }
.Ltmp11:
0x31e: {  	_ = 	snop;
	(pc) =	sbr.rel @p0 .LBB2_23-.Ltmp11, $3  }
0x31f: {  	_ = 	snop  }
0x320: {  	v4 =	vadd.f32 v4, v12;
	_ =	sdelay $0x1  }
0x321: {  	s1 =	sadd.s32 $0x400, s1;
	[tilespmem:s31+$0x30] =	vst v4  }
0x322: {  	s1 =	sadd.s32 $0x1400, s30;
	s0 =	simm.s32 $0x0  }
0x323: {  	[hbm4b:s1+s0] =	stream.linear.scatter [tilespmem:s20], [sflag:$0x2], $0x2000, $0x38;
	[tilespmem:$0x18C40] =	vst v63  }
0x324: {  	_ =	swait.ge [sflag:s25], $0x2000  }
0x325: {  	[sflag:s25] =	ssyncset.done $0x0  }
0x326: {  	s1 =	simm.s32 $0x14C80;
	[sflag:s25] =	ssyncadd.s32 $0xFFFFE000  }
.LBB2_27:
0x327: {  	s2 =	sshll.u32 s0, $0x7  }
0x328: {  	s2 =	sand.u32 $0x3FFFFF80, s2  }
0x329: {  	v10 =	vld [tilespmem:s2+$0x10440]  }
0x32a: {  	s7 =	simm.s32 $0x30  }
0x32b: {  	v4 =	vmov s7  }
0x32c: {  	v13 =	vmul.u32 $0x3F0, v4;
	_ =	sdelay $0x1  }
0x32d: {  	v5 =	vadd.s32 v10, v13;
	_ =	sdelay $0x2  }
0x32e: {  	v11 =	vld [tilespmem:s2+$0x10450]  }
0x32f: {  	v12 =	vld.idx.msk [tilespmem:v4+s18+$0x0], $0xffff  }
0x330: {  	v4 =	vld.idx.msk [tilespmem:v5+s3+$0x0], $0xffff;
	_ =	sdelay $0x1  }
0x331: {  	v9 =	vld [tilespmem:s2+$0x10460]  }
0x332: {  	v8 =	vld [tilespmem:s2+$0x10470];
	v14 =	vadd.s32 v11, v13  }
0x333: {  	v7 =	vld [tilespmem:s2+$0x10480]  }
0x334: {  	v6 =	vld [tilespmem:s2+$0x10490];
	v15 =	vadd.f32 v4, v12  }
0x335: {  	v5 =	vld [tilespmem:s2+$0x104A0]  }
0x336: {  	v4 =	vld [tilespmem:s2+$0x104B0];
	[tilespmem:s1+$0xFFFFFFC0] =	vst v15  }
0x337: {  	v14 =	vld.idx.msk [tilespmem:v14+s3+$0x0], $0xffff;
	_ =	sdelay $0x2  }
0x338: {  	v15 =	vadd.s32 v9, v13;
	_ =	sdelay $0x1  }
0x339: {  	v14 =	vadd.f32 v14, v12;
	_ =	sdelay $0x1  }
0x33a: {  	[tilespmem:s1+$0xFFFFFFD0] =	vst v14  }
0x33b: {  	v14 =	vld.idx.msk [tilespmem:v15+s3+$0x0], $0xffff;
	_ =	sdelay $0x2  }
0x33c: {  	v15 =	vadd.s32 v8, v13;
	_ =	sdelay $0x1  }
0x33d: {  	v14 =	vadd.f32 v14, v12;
	_ =	sdelay $0x1  }
0x33e: {  	[tilespmem:s1+$0xFFFFFFE0] =	vst v14  }
0x33f: {  	v14 =	vld.idx.msk [tilespmem:v15+s3+$0x0], $0xffff;
	_ =	sdelay $0x2  }
0x340: {  	v15 =	vadd.s32 v7, v13;
	_ =	sdelay $0x1  }
0x341: {  	v14 =	vadd.f32 v14, v12;
	_ =	sdelay $0x1  }
0x342: {  	[tilespmem:s1+$0xFFFFFFF0] =	vst v14  }
0x343: {  	v14 =	vld.idx.msk [tilespmem:v15+s3+$0x0], $0xffff;
	_ =	sdelay $0x2  }
0x344: {  	v15 =	vadd.s32 v6, v13;
	_ =	sdelay $0x1  }
0x345: {  	v14 =	vadd.f32 v14, v12;
	_ =	sdelay $0x1  }
0x346: {  	[tilespmem:s1+$0x0] =	vst v14  }
0x347: {  	v14 =	vld.idx.msk [tilespmem:v15+s3+$0x0], $0xffff;
	_ =	sdelay $0x2  }
0x348: {  	v15 =	vadd.s32 v5, v13;
	_ =	sdelay $0x1  }
0x349: {  	v14 =	vadd.f32 v14, v12;
	_ =	sdelay $0x1  }
0x34a: {  	[tilespmem:s1+$0x10] =	vst v14  }
0x34b: {  	v14 =	vld.idx.msk [tilespmem:v15+s3+$0x0], $0xffff;
	_ =	sdelay $0x2  }
0x34c: {  	v13 =	vadd.s32 v4, v13;
	_ =	sdelay $0x1  }
0x34d: {  	v14 =	vadd.f32 v14, v12;
	_ =	sdelay $0x1  }
0x34e: {  	[tilespmem:s1+$0x20] =	vst v14  }
0x34f: {  	s31 =	simm.s32 $0x31;
	v14 =	vld.idx.msk [tilespmem:v13+s3+$0x0], $0xffff  }
0x350: {  	s7 =	simm.s32 $0x32;
	s2 =	smov.u32 s1;
	v13 =	vmov s31  }
.LBB2_28:
0x351: {  	p0 =	sne.s32 s7, $0x37;
	v15 =	vmul.u32 $0x3F0, v13;
	_ =	sdelay $0x1  }
0x352: {  	v16 =	vadd.s32 v10, v15  }
0x353: {  	v12 =	vadd.f32 v14, v12;
	_ =	sdelay $0x1  }
0x354: {  	[tilespmem:s2+$0x30] =	vst v12  }
0x355: {  	v12 =	vld.idx.msk [tilespmem:v13+s18+$0x0], $0xffff  }
0x356: {  	v13 =	vld.idx.msk [tilespmem:v16+s3+$0x0], $0xffff;
	_ =	sdelay $0x3  }
0x357: {  	v14 =	vadd.s32 v11, v15;
	_ =	sdelay $0x1  }
0x358: {  	v13 =	vadd.f32 v13, v12  }
0x359: {  	s2 =	sadd.s32 $0x80, s2  }
0x35a: {  	[tilespmem:s2+$0xFFFFFFC0] =	vst v13  }
0x35b: {  	v13 =	vld.idx.msk [tilespmem:v14+s3+$0x0], $0xffff;
	_ =	sdelay $0x3  }
0x35c: {  	v14 =	vadd.s32 v9, v15;
	_ =	sdelay $0x1  }
0x35d: {  	v13 =	vadd.f32 v13, v12;
	_ =	sdelay $0x1  }
0x35e: {  	[tilespmem:s2+$0xFFFFFFD0] =	vst v13  }
0x35f: {  	v13 =	vld.idx.msk [tilespmem:v14+s3+$0x0], $0xffff;
	_ =	sdelay $0x3  }
0x360: {  	v14 =	vadd.s32 v8, v15;
	_ =	sdelay $0x1  }
0x361: {  	v13 =	vadd.f32 v13, v12;
	_ =	sdelay $0x1  }
0x362: {  	[tilespmem:s2+$0xFFFFFFE0] =	vst v13  }
0x363: {  	v13 =	vld.idx.msk [tilespmem:v14+s3+$0x0], $0xffff;
	_ =	sdelay $0x3  }
0x364: {  	v14 =	vadd.s32 v7, v15;
	_ =	sdelay $0x1  }
0x365: {  	v13 =	vadd.f32 v13, v12;
	_ =	sdelay $0x1  }
0x366: {  	[tilespmem:s2+$0xFFFFFFF0] =	vst v13  }
0x367: {  	v13 =	vld.idx.msk [tilespmem:v14+s3+$0x0], $0xffff;
	_ =	sdelay $0x3  }
0x368: {  	v14 =	vadd.s32 v6, v15;
	_ =	sdelay $0x1  }
0x369: {  	v13 =	vadd.f32 v13, v12;
	_ =	sdelay $0x1  }
0x36a: {  	[tilespmem:s2+$0x0] =	vst v13  }
0x36b: {  	v13 =	vld.idx.msk [tilespmem:v14+s3+$0x0], $0xffff;
	_ =	sdelay $0x3  }
0x36c: {  	v14 =	vadd.s32 v5, v15;
	_ =	sdelay $0x1  }
0x36d: {  	v13 =	vadd.f32 v13, v12;
	_ =	sdelay $0x1  }
0x36e: {  	[tilespmem:s2+$0x10] =	vst v13  }
0x36f: {  	v13 =	vld.idx.msk [tilespmem:v14+s3+$0x0], $0xffff;
	_ =	sdelay $0x3  }
0x370: {  	v14 =	vadd.s32 v4, v15;
	_ =	sdelay $0x1  }
0x371: {  	v13 =	vadd.f32 v13, v12  }
.Ltmp12:
0x372: {  	(pc) =	sbr.rel @p0 .LBB2_28-.Ltmp12, $3  }
0x373: {  	[tilespmem:s2+$0x20] =	vst v13  }
0x374: {  	v14 =	vld.idx.msk [tilespmem:v14+s3+$0x0], $0xffff;
	_ =	sdelay $0x1  }
0x375: {  	v13 =	vmov s7;
	s7 =	sadd.s32 $0x1, s7  }
0x376: {  	v15 =	vmul.u32 $0x3F0, v13;
	_ =	sdelay $0x1  }
0x377: {  	v10 =	vadd.s32 v10, v15  }
0x378: {  	v12 =	vadd.f32 v14, v12;
	_ =	sdelay $0x1  }
0x379: {  	[tilespmem:s2+$0x30] =	vst v12  }
0x37a: {  	v12 =	vld.idx.msk [tilespmem:v13+s18+$0x0], $0xffff  }
0x37b: {  	v10 =	vld.idx.msk [tilespmem:v10+s3+$0x0], $0xffff;
	_ =	sdelay $0x2  }
0x37c: {  	v11 =	vadd.s32 v11, v15;
	_ =	sdelay $0x1  }
0x37d: {  	v10 =	vadd.f32 v10, v12  }
0x37e: {  	s31 =	sadd.s32 $0x80, s2  }
0x37f: {  	[tilespmem:s31+$0xFFFFFFC0] =	vst v10  }
0x380: {  	v10 =	vld.idx.msk [tilespmem:v11+s3+$0x0], $0xffff;
	_ =	sdelay $0x2  }
0x381: {  	v9 =	vadd.s32 v9, v15;
	_ =	sdelay $0x1  }
0x382: {  	v10 =	vadd.f32 v10, v12;
	_ =	sdelay $0x1  }
0x383: {  	[tilespmem:s31+$0xFFFFFFD0] =	vst v10  }
0x384: {  	v9 =	vld.idx.msk [tilespmem:v9+s3+$0x0], $0xffff;
	_ =	sdelay $0x2  }
0x385: {  	v8 =	vadd.s32 v8, v15;
	_ =	sdelay $0x1  }
0x386: {  	v9 =	vadd.f32 v9, v12;
	_ =	sdelay $0x1  }
0x387: {  	[tilespmem:s31+$0xFFFFFFE0] =	vst v9  }
0x388: {  	v8 =	vld.idx.msk [tilespmem:v8+s3+$0x0], $0xffff;
	_ =	sdelay $0x2  }
0x389: {  	v7 =	vadd.s32 v7, v15;
	_ =	sdelay $0x1  }
0x38a: {  	v8 =	vadd.f32 v8, v12;
	_ =	sdelay $0x1  }
0x38b: {  	[tilespmem:s31+$0xFFFFFFF0] =	vst v8  }
0x38c: {  	v7 =	vld.idx.msk [tilespmem:v7+s3+$0x0], $0xffff;
	_ =	sdelay $0x2  }
0x38d: {  	v6 =	vadd.s32 v6, v15;
	_ =	sdelay $0x1  }
0x38e: {  	v7 =	vadd.f32 v7, v12;
	_ =	sdelay $0x1  }
0x38f: {  	[tilespmem:s31+$0x0] =	vst v7  }
0x390: {  	v6 =	vld.idx.msk [tilespmem:v6+s3+$0x0], $0xffff;
	_ =	sdelay $0x2  }
0x391: {  	v5 =	vadd.s32 v5, v15;
	_ =	sdelay $0x1  }
0x392: {  	v6 =	vadd.f32 v6, v12;
	_ =	sdelay $0x1  }
0x393: {  	[tilespmem:s31+$0x10] =	vst v6  }
0x394: {  	v5 =	vld.idx.msk [tilespmem:v5+s3+$0x0], $0xffff;
	_ =	sdelay $0x2  }
0x395: {  	v4 =	vadd.s32 v4, v15;
	_ =	sdelay $0x1  }
0x396: {  	v5 =	vadd.f32 v5, v12;
	_ =	sdelay $0x1  }
0x397: {  	[tilespmem:s31+$0x20] =	vst v5  }
0x398: {  	v4 =	vld.idx.msk [tilespmem:v4+s3+$0x0], $0xffff  }
0x399: {  	s0 =	sadd.s32 $0x1, s0  }
0x39a: {  	p0 =	sne.s32 s0, $0x8  }
.Ltmp13:
0x39b: {  	_ = 	snop;
	(pc) =	sbr.rel @p0 .LBB2_27-.Ltmp13, $3  }
0x39c: {  	_ = 	snop  }
0x39d: {  	v4 =	vadd.f32 v4, v12;
	_ =	sdelay $0x1  }
0x39e: {  	s1 =	sadd.s32 $0x400, s1;
	[tilespmem:s31+$0x30] =	vst v4  }
0x39f: {  	s0 =	sadd.s32 $0x1800, s30;
	s31 =	simm.s32 $0x0  }
0x3a0: {  	[hbm4b:s0+s31] =	stream.linear.scatter [tilespmem:s21], [sflag:$0x3], $0x2000, $0x38;
	[tilespmem:$0x18C40] =	vst v63  }
0x3a1: {  	_ =	swait.ge [sflag:s26], $0x2000  }
0x3a2: {  	[sflag:s26] =	ssyncset.done $0x0  }
0x3a3: {  	s15 =	simm.s32 $0x16C80;
	[sflag:s26] =	ssyncadd.s32 $0xFFFFE000  }
.LBB2_31:
0x3a4: {  	s1 =	sshll.u32 s31, $0x7  }
0x3a5: {  	v10 =	vld [tilespmem:s1+$0x10440]  }
0x3a6: {  	s0 =	simm.s32 $0x38  }
0x3a7: {  	v4 =	vmov s0  }
0x3a8: {  	v13 =	vmul.u32 $0x3F0, v4;
	_ =	sdelay $0x1  }
0x3a9: {  	v5 =	vadd.s32 v10, v13;
	_ =	sdelay $0x2  }
0x3aa: {  	v11 =	vld [tilespmem:s1+$0x10450]  }
0x3ab: {  	v12 =	vld.idx.msk [tilespmem:v4+s18+$0x0], $0xffff  }
0x3ac: {  	v4 =	vld.idx.msk [tilespmem:v5+s3+$0x0], $0xffff;
	_ =	sdelay $0x1  }
0x3ad: {  	v9 =	vld [tilespmem:s1+$0x10460]  }
0x3ae: {  	v8 =	vld [tilespmem:s1+$0x10470];
	v14 =	vadd.s32 v11, v13  }
0x3af: {  	v7 =	vld [tilespmem:s1+$0x10480]  }
0x3b0: {  	v6 =	vld [tilespmem:s1+$0x10490];
	v15 =	vadd.f32 v4, v12  }
0x3b1: {  	v5 =	vld [tilespmem:s1+$0x104A0]  }
0x3b2: {  	v4 =	vld [tilespmem:s1+$0x104B0];
	[tilespmem:s15+$0xFFFFFFC0] =	vst v15  }
0x3b3: {  	v14 =	vld.idx.msk [tilespmem:v14+s3+$0x0], $0xffff;
	_ =	sdelay $0x2  }
0x3b4: {  	v15 =	vadd.s32 v9, v13;
	_ =	sdelay $0x1  }
0x3b5: {  	v14 =	vadd.f32 v14, v12;
	_ =	sdelay $0x1  }
0x3b6: {  	[tilespmem:s15+$0xFFFFFFD0] =	vst v14  }
0x3b7: {  	v14 =	vld.idx.msk [tilespmem:v15+s3+$0x0], $0xffff;
	_ =	sdelay $0x2  }
0x3b8: {  	v15 =	vadd.s32 v8, v13;
	_ =	sdelay $0x1  }
0x3b9: {  	v14 =	vadd.f32 v14, v12;
	_ =	sdelay $0x1  }
0x3ba: {  	[tilespmem:s15+$0xFFFFFFE0] =	vst v14  }
0x3bb: {  	v14 =	vld.idx.msk [tilespmem:v15+s3+$0x0], $0xffff;
	_ =	sdelay $0x2  }
0x3bc: {  	v15 =	vadd.s32 v7, v13;
	_ =	sdelay $0x1  }
0x3bd: {  	v14 =	vadd.f32 v14, v12;
	_ =	sdelay $0x1  }
0x3be: {  	[tilespmem:s15+$0xFFFFFFF0] =	vst v14  }
0x3bf: {  	v14 =	vld.idx.msk [tilespmem:v15+s3+$0x0], $0xffff;
	_ =	sdelay $0x2  }
0x3c0: {  	v15 =	vadd.s32 v6, v13;
	_ =	sdelay $0x1  }
0x3c1: {  	v14 =	vadd.f32 v14, v12;
	_ =	sdelay $0x1  }
0x3c2: {  	[tilespmem:s15+$0x0] =	vst v14  }
0x3c3: {  	v14 =	vld.idx.msk [tilespmem:v15+s3+$0x0], $0xffff;
	_ =	sdelay $0x2  }
0x3c4: {  	v15 =	vadd.s32 v5, v13;
	_ =	sdelay $0x1  }
0x3c5: {  	v14 =	vadd.f32 v14, v12;
	_ =	sdelay $0x1  }
0x3c6: {  	[tilespmem:s15+$0x10] =	vst v14  }
0x3c7: {  	v14 =	vld.idx.msk [tilespmem:v15+s3+$0x0], $0xffff;
	_ =	sdelay $0x2  }
0x3c8: {  	v13 =	vadd.s32 v4, v13;
	_ =	sdelay $0x1  }
0x3c9: {  	v14 =	vadd.f32 v14, v12  }
0x3ca: {  	s12 =	sshll.u32 s31, $0xA;
	s16 =	simm.s32 $0x39;
	s2 =	sor.u32 $0x10, s1  }
0x3cb: {  	s28 =	sor.u32 $0x20, s1;
	s11 =	sor.u32 $0x30, s1;
	s10 =	sor.u32 $0x40, s1;
	[tilespmem:s15+$0x20] =	vst v14  }
0x3cc: {  	s8 =	sor.u32 $0x50, s1;
	s13 =	sor.u32 $0x60, s1;
	s7 =	sor.u32 $0x70, s1;
	v14 =	vld.idx.msk [tilespmem:v13+s3+$0x0], $0xffff  }
0x3cd: {  	s12 =	sand.u32 $0x3FFFFC00, s12;
	s0 =	smov.u32 s15;
	v13 =	vmov s16;
	s16 =	simm.s32 $0x3A  }
.LBB2_32:
0x3ce: {  	p0 =	sne.s32 s16, $0x3F;
	v15 =	vmul.u32 $0x3F0, v13;
	_ =	sdelay $0x1  }
0x3cf: {  	v16 =	vadd.s32 v10, v15  }
0x3d0: {  	v12 =	vadd.f32 v14, v12;
	_ =	sdelay $0x1  }
0x3d1: {  	[tilespmem:s0+$0x30] =	vst v12  }
0x3d2: {  	v12 =	vld.idx.msk [tilespmem:v13+s18+$0x0], $0xffff  }
0x3d3: {  	v13 =	vld.idx.msk [tilespmem:v16+s3+$0x0], $0xffff;
	_ =	sdelay $0x3  }
0x3d4: {  	v14 =	vadd.s32 v11, v15;
	_ =	sdelay $0x1  }
0x3d5: {  	v13 =	vadd.f32 v13, v12  }
0x3d6: {  	s0 =	sadd.s32 $0x80, s0  }
0x3d7: {  	[tilespmem:s0+$0xFFFFFFC0] =	vst v13  }
0x3d8: {  	v13 =	vld.idx.msk [tilespmem:v14+s3+$0x0], $0xffff;
	_ =	sdelay $0x3  }
0x3d9: {  	v14 =	vadd.s32 v9, v15;
	_ =	sdelay $0x1  }
0x3da: {  	v13 =	vadd.f32 v13, v12;
	_ =	sdelay $0x1  }
0x3db: {  	[tilespmem:s0+$0xFFFFFFD0] =	vst v13  }
0x3dc: {  	v13 =	vld.idx.msk [tilespmem:v14+s3+$0x0], $0xffff;
	_ =	sdelay $0x3  }
0x3dd: {  	v14 =	vadd.s32 v8, v15;
	_ =	sdelay $0x1  }
0x3de: {  	v13 =	vadd.f32 v13, v12;
	_ =	sdelay $0x1  }
0x3df: {  	[tilespmem:s0+$0xFFFFFFE0] =	vst v13  }
0x3e0: {  	v13 =	vld.idx.msk [tilespmem:v14+s3+$0x0], $0xffff;
	_ =	sdelay $0x3  }
0x3e1: {  	v14 =	vadd.s32 v7, v15;
	_ =	sdelay $0x1  }
0x3e2: {  	v13 =	vadd.f32 v13, v12;
	_ =	sdelay $0x1  }
0x3e3: {  	[tilespmem:s0+$0xFFFFFFF0] =	vst v13  }
0x3e4: {  	v13 =	vld.idx.msk [tilespmem:v14+s3+$0x0], $0xffff;
	_ =	sdelay $0x3  }
0x3e5: {  	v14 =	vadd.s32 v6, v15;
	_ =	sdelay $0x1  }
0x3e6: {  	v13 =	vadd.f32 v13, v12;
	_ =	sdelay $0x1  }
0x3e7: {  	[tilespmem:s0+$0x0] =	vst v13  }
0x3e8: {  	v13 =	vld.idx.msk [tilespmem:v14+s3+$0x0], $0xffff;
	_ =	sdelay $0x3  }
0x3e9: {  	v14 =	vadd.s32 v5, v15;
	_ =	sdelay $0x1  }
0x3ea: {  	v13 =	vadd.f32 v13, v12;
	_ =	sdelay $0x1  }
0x3eb: {  	[tilespmem:s0+$0x10] =	vst v13  }
0x3ec: {  	v13 =	vld.idx.msk [tilespmem:v14+s3+$0x0], $0xffff;
	_ =	sdelay $0x3  }
0x3ed: {  	v14 =	vadd.s32 v4, v15;
	_ =	sdelay $0x1  }
0x3ee: {  	v13 =	vadd.f32 v13, v12  }
.Ltmp14:
0x3ef: {  	(pc) =	sbr.rel @p0 .LBB2_32-.Ltmp14, $3  }
0x3f0: {  	[tilespmem:s0+$0x20] =	vst v13  }
0x3f1: {  	v14 =	vld.idx.msk [tilespmem:v14+s3+$0x0], $0xffff;
	_ =	sdelay $0x1  }
0x3f2: {  	v13 =	vmov s16;
	s16 =	sadd.s32 $0x1, s16  }
0x3f3: {  	v15 =	vmul.u32 $0x3F0, v13;
	_ =	sdelay $0x1  }
0x3f4: {  	v10 =	vadd.s32 v10, v15  }
0x3f5: {  	v12 =	vadd.f32 v14, v12;
	_ =	sdelay $0x1  }
0x3f6: {  	[tilespmem:s0+$0x30] =	vst v12  }
0x3f7: {  	v12 =	vld.idx.msk [tilespmem:v13+s18+$0x0], $0xffff  }
0x3f8: {  	v10 =	vld.idx.msk [tilespmem:v10+s3+$0x0], $0xffff;
	_ =	sdelay $0x2  }
0x3f9: {  	v11 =	vadd.s32 v11, v15;
	_ =	sdelay $0x1  }
0x3fa: {  	v10 =	vadd.f32 v10, v12  }
0x3fb: {  	s16 =	sadd.s32 $0x80, s0  }
0x3fc: {  	[tilespmem:s16+$0xFFFFFFC0] =	vst v10  }
0x3fd: {  	v10 =	vld.idx.msk [tilespmem:v11+s3+$0x0], $0xffff;
	_ =	sdelay $0x2  }
0x3fe: {  	v9 =	vadd.s32 v9, v15;
	_ =	sdelay $0x1  }
0x3ff: {  	v10 =	vadd.f32 v10, v12;
	_ =	sdelay $0x1  }
0x400: {  	[tilespmem:s16+$0xFFFFFFD0] =	vst v10  }
0x401: {  	v9 =	vld.idx.msk [tilespmem:v9+s3+$0x0], $0xffff;
	_ =	sdelay $0x2  }
0x402: {  	v8 =	vadd.s32 v8, v15;
	_ =	sdelay $0x1  }
0x403: {  	v9 =	vadd.f32 v9, v12;
	_ =	sdelay $0x1  }
0x404: {  	[tilespmem:s16+$0xFFFFFFE0] =	vst v9  }
0x405: {  	v8 =	vld.idx.msk [tilespmem:v8+s3+$0x0], $0xffff;
	_ =	sdelay $0x2  }
0x406: {  	v7 =	vadd.s32 v7, v15;
	_ =	sdelay $0x1  }
0x407: {  	v8 =	vadd.f32 v8, v12;
	_ =	sdelay $0x1  }
0x408: {  	[tilespmem:s16+$0xFFFFFFF0] =	vst v8  }
0x409: {  	v7 =	vld.idx.msk [tilespmem:v7+s3+$0x0], $0xffff;
	_ =	sdelay $0x2  }
0x40a: {  	v6 =	vadd.s32 v6, v15;
	_ =	sdelay $0x1  }
0x40b: {  	v7 =	vadd.f32 v7, v12;
	_ =	sdelay $0x1  }
0x40c: {  	[tilespmem:s16+$0x0] =	vst v7  }
0x40d: {  	v6 =	vld.idx.msk [tilespmem:v6+s3+$0x0], $0xffff;
	_ =	sdelay $0x2  }
0x40e: {  	v5 =	vadd.s32 v5, v15;
	_ =	sdelay $0x1  }
0x40f: {  	v6 =	vadd.f32 v6, v12;
	_ =	sdelay $0x1  }
0x410: {  	[tilespmem:s16+$0x10] =	vst v6  }
0x411: {  	v5 =	vld.idx.msk [tilespmem:v5+s3+$0x0], $0xffff;
	_ =	sdelay $0x2  }
0x412: {  	v4 =	vadd.s32 v4, v15;
	_ =	sdelay $0x1  }
0x413: {  	v5 =	vadd.f32 v5, v12;
	_ =	sdelay $0x1  }
0x414: {  	[tilespmem:s16+$0x20] =	vst v5  }
0x415: {  	v4 =	vld.idx.msk [tilespmem:v4+s3+$0x0], $0xffff;
	_ =	sdelay $0x4  }
0x416: {  	v4 =	vadd.f32 v4, v12;
	_ =	sdelay $0x1  }
0x417: {  	[tilespmem:s16+$0x30] =	vst v4  }
0x418: {  	v4 =	vld [tilespmem:s1+$0x10840]  }
0x419: {  	v5 =	vld [tilespmem:s12+$0x16FC0];
	_ =	sdelay $0x4  }
0x41a: {  	v4 =	vadd.f32 v5, v4;
	_ =	sdelay $0x1  }
0x41b: {  	v5 =	vld [tilespmem:s12+$0x16FD0];
	[tilespmem:s12+$0x16FC0] =	vst v4  }
0x41c: {  	v4 =	vld [tilespmem:s2+$0x10840];
	_ =	sdelay $0x4  }
0x41d: {  	v4 =	vadd.f32 v5, v4;
	_ =	sdelay $0x1  }
0x41e: {  	v5 =	vld [tilespmem:s12+$0x16FE0];
	[tilespmem:s12+$0x16FD0] =	vst v4  }
0x41f: {  	v4 =	vld [tilespmem:s28+$0x10840];
	_ =	sdelay $0x4  }
0x420: {  	v4 =	vadd.f32 v5, v4;
	_ =	sdelay $0x1  }
0x421: {  	v5 =	vld [tilespmem:s12+$0x16FF0];
	[tilespmem:s12+$0x16FE0] =	vst v4  }
0x422: {  	v4 =	vld [tilespmem:s11+$0x10840];
	_ =	sdelay $0x4  }
0x423: {  	v4 =	vadd.f32 v5, v4;
	_ =	sdelay $0x1  }
0x424: {  	v5 =	vld [tilespmem:s12+$0x17000];
	[tilespmem:s12+$0x16FF0] =	vst v4  }
0x425: {  	v4 =	vld [tilespmem:s10+$0x10840];
	_ =	sdelay $0x4  }
0x426: {  	v4 =	vadd.f32 v5, v4;
	_ =	sdelay $0x1  }
0x427: {  	v5 =	vld [tilespmem:s12+$0x17010];
	[tilespmem:s12+$0x17000] =	vst v4  }
0x428: {  	v4 =	vld [tilespmem:s8+$0x10840];
	_ =	sdelay $0x4  }
0x429: {  	v4 =	vadd.f32 v5, v4;
	_ =	sdelay $0x1  }
0x42a: {  	v5 =	vld [tilespmem:s12+$0x17020];
	[tilespmem:s12+$0x17010] =	vst v4  }
0x42b: {  	v4 =	vld [tilespmem:s13+$0x10840];
	_ =	sdelay $0x4  }
0x42c: {  	v4 =	vadd.f32 v5, v4;
	_ =	sdelay $0x1  }
0x42d: {  	v5 =	vld [tilespmem:s12+$0x17030];
	[tilespmem:s12+$0x17020] =	vst v4  }
0x42e: {  	v4 =	vld [tilespmem:s7+$0x10840]  }
0x42f: {  	s31 =	sadd.s32 $0x1, s31  }
0x430: {  	p0 =	sne.s32 s31, $0x8  }
.Ltmp15:
0x431: {  	_ = 	snop;
	(pc) =	sbr.rel @p0 .LBB2_31-.Ltmp15, $3  }
0x432: {  	_ = 	snop  }
0x433: {  	v4 =	vadd.f32 v5, v4;
	_ =	sdelay $0x1  }
0x434: {  	s15 =	sadd.s32 $0x400, s15;
	[tilespmem:s12+$0x17030] =	vst v4  }
0x435: {  	s29 =	sadd.s32 $0x1, s29  }
0x436: {  	p0 =	sne.s32 s29, s9  }
.Ltmp16:
0x437: {  	_ = 	snop;
	(pc) =	sbr.rel @p0 .LBB2_2-.Ltmp16, $3  }
0x438: {  	_ =	sdelay $0x1  }
0x439: {  	s0 =	sadd.s32 $0x1C00, s30  }
0x43a: {  	[hbm4b:s0+s3] =	stream.linear.scatter [tilespmem:s22], [sflag:$0x4], $0x2000, $0x38;
	[tilespmem:$0x18C40] =	vst v63  }
0x43b: {  	_ =	swait.ge [sflag:s23], $0x2000  }
0x43c: {  	[sflag:s23] =	ssyncset.done $0x0  }
0x43d: {  	[sflag:s23] =	ssyncadd.s32 $0xFFFFE000  }
0x43e: {  	_ =	swait.ge [sflag:s24], $0x2000  }
0x43f: {  	[sflag:s24] =	ssyncset.done $0x0  }
0x440: {  	[sflag:s24] =	ssyncadd.s32 $0xFFFFE000  }
0x441: {  	_ =	swait.ge [sflag:s25], $0x2000  }
0x442: {  	[sflag:s25] =	ssyncset.done $0x0  }
0x443: {  	[sflag:s25] =	ssyncadd.s32 $0xFFFFE000  }
0x444: {  	_ =	swait.ge [sflag:s26], $0x2000  }
0x445: {  	s1 =	rddreg [dreg:$0x6]  }
0x446: {  	s0 =	rddreg [dreg:$0x5];
	s1 =	sadd.s32 $0x1, s1  }
0x447: {  	p0 =	sne.s32 s1, s0  }
.Ltmp17:
0x448: {  	_ = 	snop;
	(pc) =	sbr.rel @p0 .LBB2_1-.Ltmp17, $3  }
0x449: {  	_ =	sdelay $0x1  }
0x44a: {  	[sflag:s26] =	ssyncset.done $0x0  }
0x44b: {  	[sflag:s26] =	ssyncadd.s32 $0xFFFFE000  }
0x44c: {  	_ =	sfence.sel $0x180000  }
0x44d: {  	[bflag:$0x0] =	sbarrier.arrive $0xFFFF  }
0x44e: {  	_ =	strace $0x90000047  }
0x44f: {  	s0 =	stileid.u32;
	[bflag:$0x2] =	sbarrier.arrive $0xFFFF  }
0x450: {  	p0 =	sne.s32 s0, $0x0;
	s0 =	rddreg [dreg:$0x2]  }
0x451: {  	s0 =	sadd.s32 @!p0 $0x100000, s0  }
0x452: {  	[sflag:s0] =	ssyncadd.tile.s32 @!p0 $0x1;
	_ =	shalt  }
.Lfunc_end2:
_tile_overlayer_lowered:
.L_overlay_start_2:
0x453: {  	(tag) =	ssettag $0x2  }
0x454: {  	s0 =	rddreg [dreg:$0x0];
	s2 =	stileid.u32  }
0x455: {  	s1 =	rddreg [dreg:$0x1];
	p0 =	sne.s32 s2, $0x0  }
0x456: {  	s3 =	rddreg [dreg:$0x2];
	[bflag:$0x3] =	sbarrier.arrive $0xFFFF;
	s2 =	simm.s32 @!p0 $0x1C06  }
0x457: {  	[timem:s3], [sflag:s2] =	dma.local @!p0 [hbm:s0], s1  }
0x458: {  	s0 =	simm.s32 @!p0 $0x6  }
0x459: {  	_ =	swait.ge @!p0 [sflag:s0], s1  }
0x45a: {  	s1 =	ssub.s32 @!p0 $0x0, s1;
	[sflag:s0] =	ssyncset.done @!p0 $0x0  }
0x45b: {  	[sflag:s0] =	ssyncadd.s32 @!p0 s1  }
0x45c: {  	[bflag:$0x3] =	sbarrier.arrive $0xFFFF  }
0x45d: {  	_ =	shalt  }

</sc_bundles>
